<compile_context>
chip_gen: v7x
topology: tpu7x:2x2x1
jax: 0.10.2.dev20260603
libtpu: 0.0.44.dev20260713+nightly
codegen_flags: <defaults>
</compile_context>

<pallas_src>
import jax
import jax.numpy as jnp
from jax import lax
from jax.experimental import pallas as pl
from jax.experimental.pallas import tpu as pltpu
from jax.experimental.pallas import tpu_sc as plsc

N_CLASSES = 19
N_BINS = 15
L = 16
NW = 32
H = 512
W = 512
N_IMG = 4
N_PIX = N_IMG * H * W
BR = 8
BC = 256
CH = BR * BC
BLOCKS_PER_IMG = (H * W) // CH
BLOCKS_PER_W = BLOCKS_PER_IMG // NW
CBS = W // BC
GROUPS = CH // L
NE = N_CLASSES * N_BINS
NEP = 288


def _issue(logits_hbm, labels_hbm, buf, lab, sem, img, blk):
    r8 = (blk // CBS) * BR
    cb = (blk % CBS) * BC
    for i in range(N_CLASSES):
        pltpu.async_copy(
            logits_hbm.at[img, i, pl.ds(r8, BR), pl.ds(cb, BC)],
            buf.at[i], sem)
    pltpu.async_copy(
        labels_hbm.at[img, pl.ds(r8, BR), pl.ds(cb, BC)], lab, sem)


def _drain(logits_hbm, labels_hbm, buf, lab, sem):
    pltpu.make_async_copy(
        logits_hbm.at[0, pl.ds(0, N_CLASSES), pl.ds(0, BR), pl.ds(0, BC)],
        buf, sem).wait()
    pltpu.make_async_copy(
        labels_hbm.at[0, pl.ds(0, BR), pl.ds(0, BC)], lab, sem).wait()


def _body(logits_hbm, labels_hbm, out_hbm, buf_a, lab_a, buf_b, lab_b,
          scale_buf, h_cw, h_conf, outbuf, sem_a, sem_b):
    wid = lax.axis_index("s") * 2 + lax.axis_index("c")
    iota = lax.iota(jnp.int32, L)
    zeros = jnp.zeros((L,), jnp.float32)

    @plsc.parallel_loop(0, NEP, unroll=4)
    def _zero(j):
        h_cw[pl.ds(j * L, L)] = zeros
        h_conf[pl.ds(j * L, L)] = zeros

    magic = jnp.float32(12582912.0)
    wrap = (0x4B400000 << 4) & 0xFFFFFFFF
    wrap_i32 = wrap - (1 << 32) if wrap >= (1 << 31) else wrap

    def compute(buf, lab_buf):
        @plsc.parallel_loop(0, GROUPS)
        def _den(g):
            r = g // (BC // L)
            c = (g % (BC // L)) * L
            ss = [jnp.exp(buf[i, r, pl.ds(c, L)])
                  for i in range(N_CLASSES)]
            while len(ss) > 1:
                ss = [a + b for a, b in zip(ss[0::2], ss[1::2])] + (
                    [ss[-1]] if len(ss) % 2 else [])
            scale_buf[r, pl.ds(c, L)] = 1.0 / ss[0]

        @plsc.parallel_loop(0, GROUPS)
        def _grp(g):
            r = g // (BC // L)
            c = (g % (BC // L)) * L
            lab = lab_buf[r, pl.ds(c, L)]
            scale = scale_buf[r, pl.ds(c, L)]
            es = [jnp.exp(buf[i, r, pl.ds(c, L)])
                  for i in range(N_CLASSES)]
            confs = [e * scale for e in es]
            for i in range(N_CLASSES):
                conf = confs[i]
                t = conf * jnp.float32(N_BINS) - jnp.float32(0.5)
                v = plsc.bitcast(t + magic, jnp.int32)
                ci = jnp.int32(i * (N_BINS * L) - wrap_i32)
                idx = (v << 4) + (iota + ci)
                w = jnp.where(lab == i, jnp.float32(4097.0),
                              jnp.float32(1.0))
                plsc.addupdate_scatter(h_cw, [idx], w)
                plsc.addupdate_scatter(h_conf, [idx], conf)

    nblk = N_IMG * BLOCKS_PER_W

    def blk_of(c):
        img = c // BLOCKS_PER_W
        k = c % BLOCKS_PER_W
        return img, wid * BLOCKS_PER_W + k

    img0, blk0 = blk_of(jnp.int32(0))
    _issue(logits_hbm, labels_hbm, buf_a, lab_a, sem_a, img0, blk0)

    def outer(it, _):
        c = it * 2
        img, blk = blk_of(c + 1)
        _issue(logits_hbm, labels_hbm, buf_b, lab_b, sem_b, img, blk)
        _drain(logits_hbm, labels_hbm, buf_a, lab_a, sem_a)
        compute(buf_a, lab_a)

        @pl.when(it < nblk // 2 - 1)
        def _():
            img2, blk2 = blk_of(c + 2)
            _issue(logits_hbm, labels_hbm, buf_a, lab_a, sem_a, img2, blk2)

        _drain(logits_hbm, labels_hbm, buf_b, lab_b, sem_b)
        compute(buf_b, lab_b)
        return 0

    lax.fori_loop(0, nblk // 2, outer, 0)

    @plsc.parallel_loop(0, NEP // L)
    def _red(eg):
        base = eg * L
        acc_cnt = jnp.zeros((L,), jnp.int32)
        acc_hit = jnp.zeros((L,), jnp.int32)
        acc_conf = jnp.zeros((L,), jnp.float32)
        for k in range(L):
            gi = (base + iota) * L + k
            xi = plsc.load_gather(h_cw, [gi]).astype(jnp.int32)
            acc_cnt = acc_cnt + (xi & 4095)
            acc_hit = acc_hit + (xi >> 12)
            acc_conf = acc_conf + plsc.load_gather(h_conf, [gi])
        for si, acc in ((0, acc_cnt.astype(jnp.float32)),
                        (1, acc_conf),
                        (2, acc_hit.astype(jnp.float32))):
            p = si * NEP + base
            outbuf[p // 128, pl.ds(p % 128, L)] = acc

    pltpu.sync_copy(outbuf, out_hbm.at[wid])


@jax.jit
def _ece_hist(logits, labels):
    mesh = plsc.VectorSubcoreMesh(core_axis_name="c", subcore_axis_name="s")
    kern = pl.kernel(
        _body,
        out_type=jax.ShapeDtypeStruct((NW, 8, 128), jnp.float32),
        mesh=mesh,
        scratch_types=[
            pltpu.VMEM((N_CLASSES, BR, BC), jnp.float32),
            pltpu.VMEM((BR, BC), jnp.int32),
            pltpu.VMEM((N_CLASSES, BR, BC), jnp.float32),
            pltpu.VMEM((BR, BC), jnp.int32),
            pltpu.VMEM((BR, BC), jnp.float32),
            pltpu.VMEM((NEP * L,), jnp.float32),
            pltpu.VMEM((NEP * L,), jnp.float32),
            pltpu.VMEM((8, 128), jnp.float32),
            pltpu.SemaphoreType.DMA,
            pltpu.SemaphoreType.DMA,
        ],
        compiler_params=pltpu.CompilerParams(
            needs_layout_passes=False, use_tc_tiling_on_sc=True),
    )
    return kern(logits, labels)


def kernel(logits, labels):
    partials = _ece_hist(logits, labels.astype(jnp.int32))
    sums = partials.reshape(NW, 8 * 128).sum(axis=0)
    count = sums[0:NE].reshape(N_CLASSES, N_BINS)
    confsum = sums[NEP:NEP + NE].reshape(N_CLASSES, N_BINS)
    hitsum = sums[2 * NEP:2 * NEP + NE].reshape(N_CLASSES, N_BINS)
    prop = count / float(N_PIX)
    safe = jnp.maximum(count, 1.0)
    acc = hitsum / safe
    avgconf = confsum / safe
    contrib = jnp.where(count > 0, jnp.abs(avgconf - acc) * prop, 0.0)
    sce = contrib.sum(axis=1).mean()
    return (sce, acc, avgconf, prop)

# --- scband reference (transcript-rebuilt; emitter-appended) ---
"""Pipeline reference for scband-classwise-eceloss-seg-2396591751307 (READ-ONLY COPY).

The authoritative reference and input builder live on the scoring server;
editing this copy changes nothing except your own understanding.
"""

import jax, jax.numpy as jnp
import numpy as np

N_BINS = 15


def setup_inputs(seed: int = 0) -> dict:
    key = jax.random.key(seed)
    k1, k2 = jax.random.split(key)
    logits = jax.random.normal(k1, (4, 19, 512, 512), dtype=jnp.float32)
    labels = jax.random.randint(k2, (4, 512, 512), 0, 19)
    return {"logits": logits, "labels": labels}


def reference(logits, labels):
    num_classes = logits.shape[1]
    softmaxes = jax.nn.softmax(logits, axis=1)
    bin_boundaries = jnp.linspace(0.0, 1.0, N_BINS + 1)
    bin_lowers = bin_boundaries[:-1]
    bin_uppers = bin_boundaries[1:]
    n_pix = softmaxes.shape[0] * softmaxes.shape[2] * softmaxes.shape[3]
    labels_flat = labels.reshape(-1)
    per_class = []
    acc_list = []
    conf_list = []
    prop_list = []
    for i in range(num_classes):
        conf = softmaxes[:, i, :, :].reshape(-1)
        lab = (labels_flat == i).astype(jnp.float32)
        in_bin = (conf[None, :] > bin_lowers[:, None]) & (conf[None, :] <= bin_uppers[:, None])
        in_bin_f = in_bin.astype(jnp.float32)
        count = in_bin_f.sum(axis=1)
        prop_in_bin = count / float(n_pix)
        safe = jnp.maximum(count, 1.0)
        accuracy_in_bin = (in_bin_f * lab[None, :]).sum(axis=1) / safe
        avg_confidence_in_bin = (in_bin_f * conf[None, :]).sum(axis=1) / safe
        contrib = jnp.where(count > 0, jnp.abs(avg_confidence_in_bin - accuracy_in_bin) * prop_in_bin, 0.0)
        per_class.append(contrib.sum())
        acc_list.append(accuracy_in_bin)
        conf_list.append(avg_confidence_in_bin)
        prop_list.append(prop_in_bin)
    per_class_sce = jnp.stack(per_class)
    sce = jnp.mean(per_class_sce)
    # class_sce_lst (python list of (acc, conf) tuples) represented as dense arrays
    # [num_classes, n_bins]; prop_in_bin > 0 mask tells which entries were appended.
    accs = jnp.stack(acc_list)
    confs = jnp.stack(conf_list)
    props = jnp.stack(prop_list)
    return (sce, accs, confs, props)

if __name__ == "__main__":
    import jax
    _d = setup_inputs()
    print(jax.jit(kernel)(*tuple(_d.values())))

</pallas_src>

<mosaic_0001>
#map = affine_map<(d0, d1) -> (0, 0, 0, 0)>
#map1 = affine_map<(d0, d1) -> (0, 0, 0)>
module attributes {stable_mosaic.version = 14 : i64} {
  func.func @_body(%arg0: i32, %arg1: i32, %arg2: memref<4x19x512x512xf32, #tpu.memory_space<hbm>>, %arg3: memref<4x512x512xi32, #tpu.memory_space<hbm>>, %arg4: memref<32x8x128xf32, #tpu.memory_space<hbm>>, %arg5: memref<19x8x256xf32, #tpu.memory_space<vmem>>, %arg6: memref<8x256xi32, #tpu.memory_space<vmem>>, %arg7: memref<19x8x256xf32, #tpu.memory_space<vmem>>, %arg8: memref<8x256xi32, #tpu.memory_space<vmem>>, %arg9: memref<8x256xf32, #tpu.memory_space<vmem>>, %arg10: memref<4608xf32, #tpu.memory_space<vmem>>, %arg11: memref<4608xf32, #tpu.memory_space<vmem>>, %arg12: memref<8x128xf32, #tpu.memory_space<vmem>>, %arg13: memref<!tpu.dma_semaphore, #tpu.memory_space<semaphore_mem>>, %arg14: memref<!tpu.dma_semaphore, #tpu.memory_space<semaphore_mem>>) attributes {dimension_semantics = [#tpu.dimension_semantics<core_parallel>, #tpu.dimension_semantics<subcore_parallel>], iteration_bounds = array<i64: 2, 16>, scalar_prefetch = 0 : i64, scratch_operands = 10 : i64, tpu.core_type = #tpu.core_type<sc_vector_subcore>, window_params = [{transform_indices = #map}, {transform_indices = #map1}, {transform_indices = #map1}]} {
    %mul3A = arith.constant 2 : i32
    %mul3A_0 = arith.muli %arg1, %mul3A : i32
    %add3A = arith.addi %mul3A_0, %arg0 : i32
    %iota3A = tpu.iota {dimensions = array<i32: 0>} : vector<16xi32>
    %broadcast_in_dim3A = arith.constant 0.000000e+00 : f32
    %broadcast_in_dim3A_1 = vector.broadcast %broadcast_in_dim3A : f32 to vector<16xf32>
    %parallel_loop3A = arith.constant 0 : i32
    %parallel_loop3A_2 = arith.constant 288 : i32
    %parallel_loop3A_3 = arith.constant 1 : i32
    scf.for %parallel_loop3A_362 = %parallel_loop3A to %parallel_loop3A_2 step %parallel_loop3A_3  : i32 {
      %parallel_loop3A_363 = arith.constant 16 : i32
      %parallel_loop3A_364 = arith.muli %parallel_loop3A_362, %parallel_loop3A_363 : i32
      %parallel_loop3A_365 = arith.index_cast %parallel_loop3A_364 : i32 to index
      %parallel_loop3A_366 = tpu.vector_load %arg10[%parallel_loop3A_365] {strides = array<i32>} : memref<4608xf32, #tpu.memory_space<vmem>>, vector<16xf32>,
      tpu.vector_store %arg10[%parallel_loop3A_365], %broadcast_in_dim3A_1 {strides = array<i32>} : memref<4608xf32, #tpu.memory_space<vmem>>, vector<16xf32>,
      %parallel_loop3A_367 = arith.constant 16 : i32
      %parallel_loop3A_368 = arith.muli %parallel_loop3A_362, %parallel_loop3A_367 : i32
      %parallel_loop3A_369 = arith.index_cast %parallel_loop3A_368 : i32 to index
      %parallel_loop3A_370 = tpu.vector_load %arg11[%parallel_loop3A_369] {strides = array<i32>} : memref<4608xf32, #tpu.memory_space<vmem>>, vector<16xf32>,
      tpu.vector_store %arg11[%parallel_loop3A_369], %broadcast_in_dim3A_1 {strides = array<i32>} : memref<4608xf32, #tpu.memory_space<vmem>>, vector<16xf32>,
    } {sc.loop_unroll_factor = 4 : i64, sc.parallel_access}
    %jit3A = arith.constant 0 : i32
    %jit3A_4 = arith.constant 4 : i32
    %div3A = arith.divsi %jit3A, %jit3A_4 : i32
    %sign3A = arith.constant 0 : i32
    %sign3A_5 = arith.cmpi sgt, %jit3A, %sign3A : i32
    %sign3A_6 = arith.extui %sign3A_5 : i1 to i32
    %sign3A_7 = arith.constant 0 : i32
    %sign3A_8 = arith.cmpi slt, %jit3A, %sign3A_7 : i32
    %sign3A_9 = arith.extui %sign3A_8 : i1 to i32
    %sign3A_10 = arith.subi %sign3A_6, %sign3A_9 : i32
    %sign3A_11 = arith.constant 0 : i32
    %sign3A_12 = arith.cmpi sgt, %jit3A_4, %sign3A_11 : i32
    %sign3A_13 = arith.extui %sign3A_12 : i1 to i32
    %sign3A_14 = arith.constant 0 : i32
    %sign3A_15 = arith.cmpi slt, %jit3A_4, %sign3A_14 : i32
    %sign3A_16 = arith.extui %sign3A_15 : i1 to i32
    %sign3A_17 = arith.subi %sign3A_13, %sign3A_16 : i32
    %ne3A = arith.cmpi ne, %sign3A_10, %sign3A_17 : i32
    %rem3A = arith.remsi %jit3A, %jit3A_4 : i32
    %ne3A_18 = arith.constant 0 : i32
    %ne3A_19 = arith.cmpi ne, %rem3A, %ne3A_18 : i32
    %and3A = arith.andi %ne3A, %ne3A_19 : i1
    %sub3A = arith.constant 1 : i32
    %sub3A_20 = arith.subi %div3A, %sub3A : i32
    %select_n3A = arith.select %and3A, %sub3A_20, %div3A : i32
    %jit3A_21 = arith.constant 0 : i32
    %jit3A_22 = arith.constant 4 : i32
    %eq3A = arith.constant 0 : i32
    %eq3A_23 = arith.cmpi eq, %jit3A_22, %eq3A : i32
    %jit3A_24 = arith.constant 1 : i32
    %select_n3A_25 = arith.select %eq3A_23, %jit3A_24, %jit3A_22 : i32
    %rem3A_26 = arith.remsi %jit3A_21, %select_n3A_25 : i32
    %ne3A_27 = arith.constant 0 : i32
    %ne3A_28 = arith.cmpi ne, %rem3A_26, %ne3A_27 : i32
    %lt3A = arith.constant 0 : i32
    %lt3A_29 = arith.cmpi slt, %rem3A_26, %lt3A : i32
    %lt3A_30 = arith.constant 0 : i32
    %lt3A_31 = arith.cmpi slt, %select_n3A_25, %lt3A_30 : i32
    %ne3A_32 = arith.xori %lt3A_29, %lt3A_31 : i1
    %and3A_33 = arith.andi %ne3A_32, %ne3A_28 : i1
    %add3A_34 = arith.addi %rem3A_26, %select_n3A_25 : i32
    %select_n3A_35 = arith.select %and3A_33, %add3A_34, %rem3A_26 : i32
    %mul3A_36 = arith.constant 4 : i32
    %mul3A_37 = arith.muli %add3A, %mul3A_36 : i32
    %add3A_38 = arith.addi %mul3A_37, %select_n3A_35 : i32
    %jit3A_39 = arith.constant 2 : i32
    %div3A_40 = arith.divsi %add3A_38, %jit3A_39 : i32
    %sign3A_41 = arith.constant 0 : i32
    %sign3A_42 = arith.cmpi sgt, %add3A_38, %sign3A_41 : i32
    %sign3A_43 = arith.extui %sign3A_42 : i1 to i32
    %sign3A_44 = arith.constant 0 : i32
    %sign3A_45 = arith.cmpi slt, %add3A_38, %sign3A_44 : i32
    %sign3A_46 = arith.extui %sign3A_45 : i1 to i32
    %sign3A_47 = arith.subi %sign3A_43, %sign3A_46 : i32
    %sign3A_48 = arith.constant 0 : i32
    %sign3A_49 = arith.cmpi sgt, %jit3A_39, %sign3A_48 : i32
    %sign3A_50 = arith.extui %sign3A_49 : i1 to i32
    %sign3A_51 = arith.constant 0 : i32
    %sign3A_52 = arith.cmpi slt, %jit3A_39, %sign3A_51 : i32
    %sign3A_53 = arith.extui %sign3A_52 : i1 to i32
    %sign3A_54 = arith.subi %sign3A_50, %sign3A_53 : i32
    %ne3A_55 = arith.cmpi ne, %sign3A_47, %sign3A_54 : i32
    %rem3A_56 = arith.remsi %add3A_38, %jit3A_39 : i32
    %ne3A_57 = arith.constant 0 : i32
    %ne3A_58 = arith.cmpi ne, %rem3A_56, %ne3A_57 : i32
    %and3A_59 = arith.andi %ne3A_55, %ne3A_58 : i1
    %sub3A_60 = arith.constant 1 : i32
    %sub3A_61 = arith.subi %div3A_40, %sub3A_60 : i32
    %select_n3A_62 = arith.select %and3A_59, %sub3A_61, %div3A_40 : i32
    %mul3A_63 = arith.constant 8 : i32
    %mul3A_64 = arith.muli %select_n3A_62, %mul3A_63 : i32
    %jit3A_65 = arith.constant 2 : i32
    %eq3A_66 = arith.constant 0 : i32
    %eq3A_67 = arith.cmpi eq, %jit3A_65, %eq3A_66 : i32
    %jit3A_68 = arith.constant 1 : i32
    %select_n3A_69 = arith.select %eq3A_67, %jit3A_68, %jit3A_65 : i32
    %rem3A_70 = arith.remsi %add3A_38, %select_n3A_69 : i32
    %ne3A_71 = arith.constant 0 : i32
    %ne3A_72 = arith.cmpi ne, %rem3A_70, %ne3A_71 : i32
    %lt3A_73 = arith.constant 0 : i32
    %lt3A_74 = arith.cmpi slt, %rem3A_70, %lt3A_73 : i32
    %lt3A_75 = arith.constant 0 : i32
    %lt3A_76 = arith.cmpi slt, %select_n3A_69, %lt3A_75 : i32
    %ne3A_77 = arith.xori %lt3A_74, %lt3A_76 : i1
    %and3A_78 = arith.andi %ne3A_77, %ne3A_72 : i1
    %add3A_79 = arith.addi %rem3A_70, %select_n3A_69 : i32
    %select_n3A_80 = arith.select %and3A_78, %add3A_79, %rem3A_70 : i32
    %mul3A_81 = arith.constant 256 : i32
    %mul3A_82 = arith.muli %select_n3A_80, %mul3A_81 : i32
    %dma_start3A = arith.constant 0 : i32
    %dma_start3A_83 = arith.constant 0 : i32
    %dma_start3A_84 = arith.constant 0 : i32
    %dma_start3A_85 = arith.constant 0 : i32
    %dma_start3A_86 = tpu.memref_slice %arg5[%dma_start3A_83, %dma_start3A_84, %dma_start3A_85] : memref<19x8x256xf32, #tpu.memory_space<vmem>> -> memref<1x8x256xf32, #tpu.memory_space<vmem>>
    %dma_start3A_87 = tpu.memref_squeeze %dma_start3A_86 : memref<1x8x256xf32, #tpu.memory_space<vmem>> -> memref<8x256xf32, #tpu.memory_space<vmem>>
    %dma_start3A_88 = tpu.memref_slice %arg2[%select_n3A, %dma_start3A, %mul3A_64, %mul3A_82] : memref<4x19x512x512xf32, #tpu.memory_space<hbm>> -> memref<1x1x8x256xf32, #tpu.memory_space<hbm>>
    %dma_start3A_89 = tpu.memref_squeeze %dma_start3A_88 : memref<1x1x8x256xf32, #tpu.memory_space<hbm>> -> memref<8x256xf32, #tpu.memory_space<hbm>>
    %dma_start3A_90 = arith.constant 0 : i32
    %dma_start3A_91 = arith.constant 0 : i32
    %dma_start3A_92 = tpu.memref_slice %arg5[%dma_start3A_83, %dma_start3A_90, %dma_start3A_91] : memref<19x8x256xf32, #tpu.memory_space<vmem>> -> memref<1x8x256xf32, #tpu.memory_space<vmem>>
    %dma_start3A_93 = tpu.memref_squeeze %dma_start3A_92 : memref<1x8x256xf32, #tpu.memory_space<vmem>> -> memref<8x256xf32, #tpu.memory_space<vmem>>
    %dma_start3A_94 = tpu.memref_slice %arg2[%select_n3A, %dma_start3A, %mul3A_64, %mul3A_82] : memref<4x19x512x512xf32, #tpu.memory_space<hbm>> -> memref<1x1x8x256xf32, #tpu.memory_space<hbm>>
    %dma_start3A_95 = tpu.memref_squeeze %dma_start3A_94 : memref<1x1x8x256xf32, #tpu.memory_space<hbm>> -> memref<8x256xf32, #tpu.memory_space<hbm>>
    tpu.enqueue_dma source(%dma_start3A_95 : memref<8x256xf32, #tpu.memory_space<hbm>>) target(%dma_start3A_93 : memref<8x256xf32, #tpu.memory_space<vmem>>) target_semaphore(%arg13 : memref<!tpu.dma_semaphore, #tpu.memory_space<semaphore_mem>>)
    %dma_start3A_96 = arith.constant 1 : i32
    %dma_start3A_97 = arith.constant 1 : i32
    %dma_start3A_98 = arith.constant 0 : i32
    %dma_start3A_99 = arith.constant 0 : i32
    %dma_start3A_100 = tpu.memref_slice %arg5[%dma_start3A_97, %dma_start3A_98, %dma_start3A_99] : memref<19x8x256xf32, #tpu.memory_space<vmem>> -> memref<1x8x256xf32, #tpu.memory_space<vmem>>
    %dma_start3A_101 = tpu.memref_squeeze %dma_start3A_100 : memref<1x8x256xf32, #tpu.memory_space<vmem>> -> memref<8x256xf32, #tpu.memory_space<vmem>>
    %dma_start3A_102 = tpu.memref_slice %arg2[%select_n3A, %dma_start3A_96, %mul3A_64, %mul3A_82] : memref<4x19x512x512xf32, #tpu.memory_space<hbm>> -> memref<1x1x8x256xf32, #tpu.memory_space<hbm>>
    %dma_start3A_103 = tpu.memref_squeeze %dma_start3A_102 : memref<1x1x8x256xf32, #tpu.memory_space<hbm>> -> memref<8x256xf32, #tpu.memory_space<hbm>>
    %dma_start3A_104 = arith.constant 0 : i32
    %dma_start3A_105 = arith.constant 0 : i32
    %dma_start3A_106 = tpu.memref_slice %arg5[%dma_start3A_97, %dma_start3A_104, %dma_start3A_105] : memref<19x8x256xf32, #tpu.memory_space<vmem>> -> memref<1x8x256xf32, #tpu.memory_space<vmem>>
    %dma_start3A_107 = tpu.memref_squeeze %dma_start3A_106 : memref<1x8x256xf32, #tpu.memory_space<vmem>> -> memref<8x256xf32, #tpu.memory_space<vmem>>
    %dma_start3A_108 = tpu.memref_slice %arg2[%select_n3A, %dma_start3A_96, %mul3A_64, %mul3A_82] : memref<4x19x512x512xf32, #tpu.memory_space<hbm>> -> memref<1x1x8x256xf32, #tpu.memory_space<hbm>>
    %dma_start3A_109 = tpu.memref_squeeze %dma_start3A_108 : memref<1x1x8x256xf32, #tpu.memory_space<hbm>> -> memref<8x256xf32, #tpu.memory_space<hbm>>
    tpu.enqueue_dma source(%dma_start3A_109 : memref<8x256xf32, #tpu.memory_space<hbm>>) target(%dma_start3A_107 : memref<8x256xf32, #tpu.memory_space<vmem>>) target_semaphore(%arg13 : memref<!tpu.dma_semaphore, #tpu.memory_space<semaphore_mem>>)
    %dma_start3A_110 = arith.constant 2 : i32
    %dma_start3A_111 = arith.constant 2 : i32
    %dma_start3A_112 = arith.constant 0 : i32
    %dma_start3A_113 = arith.constant 0 : i32
    %dma_start3A_114 = tpu.memref_slice %arg5[%dma_start3A_111, %dma_start3A_112, %dma_start3A_113] : memref<19x8x256xf32, #tpu.memory_space<vmem>> -> memref<1x8x256xf32, #tpu.memory_space<vmem>>
    %dma_start3A_115 = tpu.memref_squeeze %dma_start3A_114 : memref<1x8x256xf32, #tpu.memory_space<vmem>> -> memref<8x256xf32, #tpu.memory_space<vmem>>
    %dma_start3A_116 = tpu.memref_slice %arg2[%select_n3A, %dma_start3A_110, %mul3A_64, %mul3A_82] : memref<4x19x512x512xf32, #tpu.memory_space<hbm>> -> memref<1x1x8x256xf32, #tpu.memory_space<hbm>>
    %dma_start3A_117 = tpu.memref_squeeze %dma_start3A_116 : memref<1x1x8x256xf32, #tpu.memory_space<hbm>> -> memref<8x256xf32, #tpu.memory_space<hbm>>
    %dma_start3A_118 = arith.constant 0 : i32
    %dma_start3A_119 = arith.constant 0 : i32
    %dma_start3A_120 = tpu.memref_slice %arg5[%dma_start3A_111, %dma_start3A_118, %dma_start3A_119] : memref<19x8x256xf32, #tpu.memory_space<vmem>> -> memref<1x8x256xf32, #tpu.memory_space<vmem>>
    %dma_start3A_121 = tpu.memref_squeeze %dma_start3A_120 : memref<1x8x256xf32, #tpu.memory_space<vmem>> -> memref<8x256xf32, #tpu.memory_space<vmem>>
    %dma_start3A_122 = tpu.memref_slice %arg2[%select_n3A, %dma_start3A_110, %mul3A_64, %mul3A_82] : memref<4x19x512x512xf32, #tpu.memory_space<hbm>> -> memref<1x1x8x256xf32, #tpu.memory_space<hbm>>
    %dma_start3A_123 = tpu.memref_squeeze %dma_start3A_122 : memref<1x1x8x256xf32, #tpu.memory_space<hbm>> -> memref<8x256xf32, #tpu.memory_space<hbm>>
    tpu.enqueue_dma source(%dma_start3A_123 : memref<8x256xf32, #tpu.memory_space<hbm>>) target(%dma_start3A_121 : memref<8x256xf32, #tpu.memory_space<vmem>>) target_semaphore(%arg13 : memref<!tpu.dma_semaphore, #tpu.memory_space<semaphore_mem>>)
    %dma_start3A_124 = arith.constant 3 : i32
    %dma_start3A_125 = arith.constant 3 : i32
    %dma_start3A_126 = arith.constant 0 : i32
    %dma_start3A_127 = arith.constant 0 : i32
    %dma_start3A_128 = tpu.memref_slice %arg5[%dma_start3A_125, %dma_start3A_126, %dma_start3A_127] : memref<19x8x256xf32, #tpu.memory_space<vmem>> -> memref<1x8x256xf32, #tpu.memory_space<vmem>>
    %dma_start3A_129 = tpu.memref_squeeze %dma_start3A_128 : memref<1x8x256xf32, #tpu.memory_space<vmem>> -> memref<8x256xf32, #tpu.memory_space<vmem>>
    %dma_start3A_130 = tpu.memref_slice %arg2[%select_n3A, %dma_start3A_124, %mul3A_64, %mul3A_82] : memref<4x19x512x512xf32, #tpu.memory_space<hbm>> -> memref<1x1x8x256xf32, #tpu.memory_space<hbm>>
    %dma_start3A_131 = tpu.memref_squeeze %dma_start3A_130 : memref<1x1x8x256xf32, #tpu.memory_space<hbm>> -> memref<8x256xf32, #tpu.memory_space<hbm>>
    %dma_start3A_132 = arith.constant 0 : i32
    %dma_start3A_133 = arith.constant 0 : i32
    %dma_start3A_134 = tpu.memref_slice %arg5[%dma_start3A_125, %dma_start3A_132, %dma_start3A_133] : memref<19x8x256xf32, #tpu.memory_space<vmem>> -> memref<1x8x256xf32, #tpu.memory_space<vmem>>
    %dma_start3A_135 = tpu.memref_squeeze %dma_start3A_134 : memref<1x8x256xf32, #tpu.memory_space<vmem>> -> memref<8x256xf32, #tpu.memory_space<vmem>>
    %dma_start3A_136 = tpu.memref_slice %arg2[%select_n3A, %dma_start3A_124, %mul3A_64, %mul3A_82] : memref<4x19x512x512xf32, #tpu.memory_space<hbm>> -> memref<1x1x8x256xf32, #tpu.memory_space<hbm>>
    %dma_start3A_137 = tpu.memref_squeeze %dma_start3A_136 : memref<1x1x8x256xf32, #tpu.memory_space<hbm>> -> memref<8x256xf32, #tpu.memory_space<hbm>>
    tpu.enqueue_dma source(%dma_start3A_137 : memref<8x256xf32, #tpu.memory_space<hbm>>) target(%dma_start3A_135 : memref<8x256xf32, #tpu.memory_space<vmem>>) target_semaphore(%arg13 : memref<!tpu.dma_semaphore, #tpu.memory_space<semaphore_mem>>)
    %dma_start3A_138 = arith.constant 4 : i32
    %dma_start3A_139 = arith.constant 4 : i32
    %dma_start3A_140 = arith.constant 0 : i32
    %dma_start3A_141 = arith.constant 0 : i32
    %dma_start3A_142 = tpu.memref_slice %arg5[%dma_start3A_139, %dma_start3A_140, %dma_start3A_141] : memref<19x8x256xf32, #tpu.memory_space<vmem>> -> memref<1x8x256xf32, #tpu.memory_space<vmem>>
    %dma_start3A_143 = tpu.memref_squeeze %dma_start3A_142 : memref<1x8x256xf32, #tpu.memory_space<vmem>> -> memref<8x256xf32, #tpu.memory_space<vmem>>
    %dma_start3A_144 = tpu.memref_slice %arg2[%select_n3A, %dma_start3A_138, %mul3A_64, %mul3A_82] : memref<4x19x512x512xf32, #tpu.memory_space<hbm>> -> memref<1x1x8x256xf32, #tpu.memory_space<hbm>>
    %dma_start3A_145 = tpu.memref_squeeze %dma_start3A_144 : memref<1x1x8x256xf32, #tpu.memory_space<hbm>> -> memref<8x256xf32, #tpu.memory_space<hbm>>
    %dma_start3A_146 = arith.constant 0 : i32
    %dma_start3A_147 = arith.constant 0 : i32
    %dma_start3A_148 = tpu.memref_slice %arg5[%dma_start3A_139, %dma_start3A_146, %dma_start3A_147] : memref<19x8x256xf32, #tpu.memory_space<vmem>> -> memref<1x8x256xf32, #tpu.memory_space<vmem>>
    %dma_start3A_149 = tpu.memref_squeeze %dma_start3A_148 : memref<1x8x256xf32, #tpu.memory_space<vmem>> -> memref<8x256xf32, #tpu.memory_space<vmem>>
    %dma_start3A_150 = tpu.memref_slice %arg2[%select_n3A, %dma_start3A_138, %mul3A_64, %mul3A_82] : memref<4x19x512x512xf32, #tpu.memory_space<hbm>> -> memref<1x1x8x256xf32, #tpu.memory_space<hbm>>
    %dma_start3A_151 = tpu.memref_squeeze %dma_start3A_150 : memref<1x1x8x256xf32, #tpu.memory_space<hbm>> -> memref<8x256xf32, #tpu.memory_space<hbm>>
    tpu.enqueue_dma source(%dma_start3A_151 : memref<8x256xf32, #tpu.memory_space<hbm>>) target(%dma_start3A_149 : memref<8x256xf32, #tpu.memory_space<vmem>>) target_semaphore(%arg13 : memref<!tpu.dma_semaphore, #tpu.memory_space<semaphore_mem>>)
    %dma_start3A_152 = arith.constant 5 : i32
    %dma_start3A_153 = arith.constant 5 : i32
    %dma_start3A_154 = arith.constant 0 : i32
    %dma_start3A_155 = arith.constant 0 : i32
    %dma_start3A_156 = tpu.memref_slice %arg5[%dma_start3A_153, %dma_start3A_154, %dma_start3A_155] : memref<19x8x256xf32, #tpu.memory_space<vmem>> -> memref<1x8x256xf32, #tpu.memory_space<vmem>>
    %dma_start3A_157 = tpu.memref_squeeze %dma_start3A_156 : memref<1x8x256xf32, #tpu.memory_space<vmem>> -> memref<8x256xf32, #tpu.memory_space<vmem>>
    %dma_start3A_158 = tpu.memref_slice %arg2[%select_n3A, %dma_start3A_152, %mul3A_64, %mul3A_82] : memref<4x19x512x512xf32, #tpu.memory_space<hbm>> -> memref<1x1x8x256xf32, #tpu.memory_space<hbm>>
    %dma_start3A_159 = tpu.memref_squeeze %dma_start3A_158 : memref<1x1x8x256xf32, #tpu.memory_space<hbm>> -> memref<8x256xf32, #tpu.memory_space<hbm>>
    %dma_start3A_160 = arith.constant 0 : i32
    %dma_start3A_161 = arith.constant 0 : i32
    %dma_start3A_162 = tpu.memref_slice %arg5[%dma_start3A_153, %dma_start3A_160, %dma_start3A_161] : memref<19x8x256xf32, #tpu.memory_space<vmem>> -> memref<1x8x256xf32, #tpu.memory_space<vmem>>
    %dma_start3A_163 = tpu.memref_squeeze %dma_start3A_162 : memref<1x8x256xf32, #tpu.memory_space<vmem>> -> memref<8x256xf32, #tpu.memory_space<vmem>>
    %dma_start3A_164 = tpu.memref_slice %arg2[%select_n3A, %dma_start3A_152, %mul3A_64, %mul3A_82] : memref<4x19x512x512xf32, #tpu.memory_space<hbm>> -> memref<1x1x8x256xf32, #tpu.memory_space<hbm>>
    %dma_start3A_165 = tpu.memref_squeeze %dma_start3A_164 : memref<1x1x8x256xf32, #tpu.memory_space<hbm>> -> memref<8x256xf32, #tpu.memory_space<hbm>>
    tpu.enqueue_dma source(%dma_start3A_165 : memref<8x256xf32, #tpu.memory_space<hbm>>) target(%dma_start3A_163 : memref<8x256xf32, #tpu.memory_space<vmem>>) target_semaphore(%arg13 : memref<!tpu.dma_semaphore, #tpu.memory_space<semaphore_mem>>)
    %dma_start3A_166 = arith.constant 6 : i32
    %dma_start3A_167 = arith.constant 6 : i32
    %dma_start3A_168 = arith.constant 0 : i32
    %dma_start3A_169 = arith.constant 0 : i32
    %dma_start3A_170 = tpu.memref_slice %arg5[%dma_start3A_167, %dma_start3A_168, %dma_start3A_169] : memref<19x8x256xf32, #tpu.memory_space<vmem>> -> memref<1x8x256xf32, #tpu.memory_space<vmem>>
    %dma_start3A_171 = tpu.memref_squeeze %dma_start3A_170 : memref<1x8x256xf32, #tpu.memory_space<vmem>> -> memref<8x256xf32, #tpu.memory_space<vmem>>
    %dma_start3A_172 = tpu.memref_slice %arg2[%select_n3A, %dma_start3A_166, %mul3A_64, %mul3A_82] : memref<4x19x512x512xf32, #tpu.memory_space<hbm>> -> memref<1x1x8x256xf32, #tpu.memory_space<hbm>>
    %dma_start3A_173 = tpu.memref_squeeze %dma_start3A_172 : memref<1x1x8x256xf32, #tpu.memory_space<hbm>> -> memref<8x256xf32, #tpu.memory_space<hbm>>
    %dma_start3A_174 = arith.constant 0 : i32
    %dma_start3A_175 = arith.constant 0 : i32
    %dma_start3A_176 = tpu.memref_slice %arg5[%dma_start3A_167, %dma_start3A_174, %dma_start3A_175] : memref<19x8x256xf32, #tpu.memory_space<vmem>> -> memref<1x8x256xf32, #tpu.memory_space<vmem>>
    %dma_start3A_177 = tpu.memref_squeeze %dma_start3A_176 : memref<1x8x256xf32, #tpu.memory_space<vmem>> -> memref<8x256xf32, #tpu.memory_space<vmem>>
    %dma_start3A_178 = tpu.memref_slice %arg2[%select_n3A, %dma_start3A_166, %mul3A_64, %mul3A_82] : memref<4x19x512x512xf32, #tpu.memory_space<hbm>> -> memref<1x1x8x256xf32, #tpu.memory_space<hbm>>
    %dma_start3A_179 = tpu.memref_squeeze %dma_start3A_178 : memref<1x1x8x256xf32, #tpu.memory_space<hbm>> -> memref<8x256xf32, #tpu.memory_space<hbm>>
    tpu.enqueue_dma source(%dma_start3A_179 : memref<8x256xf32, #tpu.memory_space<hbm>>) target(%dma_start3A_177 : memref<8x256xf32, #tpu.memory_space<vmem>>) target_semaphore(%arg13 : memref<!tpu.dma_semaphore, #tpu.memory_space<semaphore_mem>>)
    %dma_start3A_180 = arith.constant 7 : i32
    %dma_start3A_181 = arith.constant 7 : i32
    %dma_start3A_182 = arith.constant 0 : i32
    %dma_start3A_183 = arith.constant 0 : i32
    %dma_start3A_184 = tpu.memref_slice %arg5[%dma_start3A_181, %dma_start3A_182, %dma_start3A_183] : memref<19x8x256xf32, #tpu.memory_space<vmem>> -> memref<1x8x256xf32, #tpu.memory_space<vmem>>
    %dma_start3A_185 = tpu.memref_squeeze %dma_start3A_184 : memref<1x8x256xf32, #tpu.memory_space<vmem>> -> memref<8x256xf32, #tpu.memory_space<vmem>>
    %dma_start3A_186 = tpu.memref_slice %arg2[%select_n3A, %dma_start3A_180, %mul3A_64, %mul3A_82] : memref<4x19x512x512xf32, #tpu.memory_space<hbm>> -> memref<1x1x8x256xf32, #tpu.memory_space<hbm>>
    %dma_start3A_187 = tpu.memref_squeeze %dma_start3A_186 : memref<1x1x8x256xf32, #tpu.memory_space<hbm>> -> memref<8x256xf32, #tpu.memory_space<hbm>>
    %dma_start3A_188 = arith.constant 0 : i32
    %dma_start3A_189 = arith.constant 0 : i32
    %dma_start3A_190 = tpu.memref_slice %arg5[%dma_start3A_181, %dma_start3A_188, %dma_start3A_189] : memref<19x8x256xf32, #tpu.memory_space<vmem>> -> memref<1x8x256xf32, #tpu.memory_space<vmem>>
    %dma_start3A_191 = tpu.memref_squeeze %dma_start3A_190 : memref<1x8x256xf32, #tpu.memory_space<vmem>> -> memref<8x256xf32, #tpu.memory_space<vmem>>
    %dma_start3A_192 = tpu.memref_slice %arg2[%select_n3A, %dma_start3A_180, %mul3A_64, %mul3A_82] : memref<4x19x512x512xf32, #tpu.memory_space<hbm>> -> memref<1x1x8x256xf32, #tpu.memory_space<hbm>>
    %dma_start3A_193 = tpu.memref_squeeze %dma_start3A_192 : memref<1x1x8x256xf32, #tpu.memory_space<hbm>> -> memref<8x256xf32, #tpu.memory_space<hbm>>
    tpu.enqueue_dma source(%dma_start3A_193 : memref<8x256xf32, #tpu.memory_space<hbm>>) target(%dma_start3A_191 : memref<8x256xf32, #tpu.memory_space<vmem>>) target_semaphore(%arg13 : memref<!tpu.dma_semaphore, #tpu.memory_space<semaphore_mem>>)
    %dma_start3A_194 = arith.constant 8 : i32
    %dma_start3A_195 = arith.constant 8 : i32
    %dma_start3A_196 = arith.constant 0 : i32
    %dma_start3A_197 = arith.constant 0 : i32
    %dma_start3A_198 = tpu.memref_slice %arg5[%dma_start3A_195, %dma_start3A_196, %dma_start3A_197] : memref<19x8x256xf32, #tpu.memory_space<vmem>> -> memref<1x8x256xf32, #tpu.memory_space<vmem>>
    %dma_start3A_199 = tpu.memref_squeeze %dma_start3A_198 : memref<1x8x256xf32, #tpu.memory_space<vmem>> -> memref<8x256xf32, #tpu.memory_space<vmem>>
    %dma_start3A_200 = tpu.memref_slice %arg2[%select_n3A, %dma_start3A_194, %mul3A_64, %mul3A_82] : memref<4x19x512x512xf32, #tpu.memory_space<hbm>> -> memref<1x1x8x256xf32, #tpu.memory_space<hbm>>
    %dma_start3A_201 = tpu.memref_squeeze %dma_start3A_200 : memref<1x1x8x256xf32, #tpu.memory_space<hbm>> -> memref<8x256xf32, #tpu.memory_space<hbm>>
    %dma_start3A_202 = arith.constant 0 : i32
    %dma_start3A_203 = arith.constant 0 : i32
    %dma_start3A_204 = tpu.memref_slice %arg5[%dma_start3A_195, %dma_start3A_202, %dma_start3A_203] : memref<19x8x256xf32, #tpu.memory_space<vmem>> -> memref<1x8x256xf32, #tpu.memory_space<vmem>>
    %dma_start3A_205 = tpu.memref_squeeze %dma_start3A_204 : memref<1x8x256xf32, #tpu.memory_space<vmem>> -> memref<8x256xf32, #tpu.memory_space<vmem>>
    %dma_start3A_206 = tpu.memref_slice %arg2[%select_n3A, %dma_start3A_194, %mul3A_64, %mul3A_82] : memref<4x19x512x512xf32, #tpu.memory_space<hbm>> -> memref<1x1x8x256xf32, #tpu.memory_space<hbm>>
    %dma_start3A_207 = tpu.memref_squeeze %dma_start3A_206 : memref<1x1x8x256xf32, #tpu.memory_space<hbm>> -> memref<8x256xf32, #tpu.memory_space<hbm>>
    tpu.enqueue_dma source(%dma_start3A_207 : memref<8x256xf32, #tpu.memory_space<hbm>>) target(%dma_start3A_205 : memref<8x256xf32, #tpu.memory_space<vmem>>) target_semaphore(%arg13 : memref<!tpu.dma_semaphore, #tpu.memory_space<semaphore_mem>>)
    %dma_start3A_208 = arith.constant 9 : i32
    %dma_start3A_209 = arith.constant 9 : i32
    %dma_start3A_210 = arith.constant 0 : i32
    %dma_start3A_211 = arith.constant 0 : i32
    %dma_start3A_212 = tpu.memref_slice %arg5[%dma_start3A_209, %dma_start3A_210, %dma_start3A_211] : memref<19x8x256xf32, #tpu.memory_space<vmem>> -> memref<1x8x256xf32, #tpu.memory_space<vmem>>
    %dma_start3A_213 = tpu.memref_squeeze %dma_start3A_212 : memref<1x8x256xf32, #tpu.memory_space<vmem>> -> memref<8x256xf32, #tpu.memory_space<vmem>>
    %dma_start3A_214 = tpu.memref_slice %arg2[%select_n3A, %dma_start3A_208, %mul3A_64, %mul3A_82] : memref<4x19x512x512xf32, #tpu.memory_space<hbm>> -> memref<1x1x8x256xf32, #tpu.memory_space<hbm>>
    %dma_start3A_215 = tpu.memref_squeeze %dma_start3A_214 : memref<1x1x8x256xf32, #tpu.memory_space<hbm>> -> memref<8x256xf32, #tpu.memory_space<hbm>>
    %dma_start3A_216 = arith.constant 0 : i32
    %dma_start3A_217 = arith.constant 0 : i32
    %dma_start3A_218 = tpu.memref_slice %arg5[%dma_start3A_209, %dma_start3A_216, %dma_start3A_217] : memref<19x8x256xf32, #tpu.memory_space<vmem>> -> memref<1x8x256xf32, #tpu.memory_space<vmem>>
    %dma_start3A_219 = tpu.memref_squeeze %dma_start3A_218 : memref<1x8x256xf32, #tpu.memory_space<vmem>> -> memref<8x256xf32, #tpu.memory_space<vmem>>
    %dma_start3A_220 = tpu.memref_slice %arg2[%select_n3A, %dma_start3A_208, %mul3A_64, %mul3A_82] : memref<4x19x512x512xf32, #tpu.memory_space<hbm>> -> memref<1x1x8x256xf32, #tpu.memory_space<hbm>>
    %dma_start3A_221 = tpu.memref_squeeze %dma_start3A_220 : memref<1x1x8x256xf32, #tpu.memory_space<hbm>> -> memref<8x256xf32, #tpu.memory_space<hbm>>
    tpu.enqueue_dma source(%dma_start3A_221 : memref<8x256xf32, #tpu.memory_space<hbm>>) target(%dma_start3A_219 : memref<8x256xf32, #tpu.memory_space<vmem>>) target_semaphore(%arg13 : memref<!tpu.dma_semaphore, #tpu.memory_space<semaphore_mem>>)
    %dma_start3A_222 = arith.constant 10 : i32
    %dma_start3A_223 = arith.constant 10 : i32
    %dma_start3A_224 = arith.constant 0 : i32
    %dma_start3A_225 = arith.constant 0 : i32
    %dma_start3A_226 = tpu.memref_slice %arg5[%dma_start3A_223, %dma_start3A_224, %dma_start3A_225] : memref<19x8x256xf32, #tpu.memory_space<vmem>> -> memref<1x8x256xf32, #tpu.memory_space<vmem>>
    %dma_start3A_227 = tpu.memref_squeeze %dma_start3A_226 : memref<1x8x256xf32, #tpu.memory_space<vmem>> -> memref<8x256xf32, #tpu.memory_space<vmem>>
    %dma_start3A_228 = tpu.memref_slice %arg2[%select_n3A, %dma_start3A_222, %mul3A_64, %mul3A_82] : memref<4x19x512x512xf32, #tpu.memory_space<hbm>> -> memref<1x1x8x256xf32, #tpu.memory_space<hbm>>
    %dma_start3A_229 = tpu.memref_squeeze %dma_start3A_228 : memref<1x1x8x256xf32, #tpu.memory_space<hbm>> -> memref<8x256xf32, #tpu.memory_space<hbm>>
    %dma_start3A_230 = arith.constant 0 : i32
    %dma_start3A_231 = arith.constant 0 : i32
    %dma_start3A_232 = tpu.memref_slice %arg5[%dma_start3A_223, %dma_start3A_230, %dma_start3A_231] : memref<19x8x256xf32, #tpu.memory_space<vmem>> -> memref<1x8x256xf32, #tpu.memory_space<vmem>>
    %dma_start3A_233 = tpu.memref_squeeze %dma_start3A_232 : memref<1x8x256xf32, #tpu.memory_space<vmem>> -> memref<8x256xf32, #tpu.memory_space<vmem>>
    %dma_start3A_234 = tpu.memref_slice %arg2[%select_n3A, %dma_start3A_222, %mul3A_64, %mul3A_82] : memref<4x19x512x512xf32, #tpu.memory_space<hbm>> -> memref<1x1x8x256xf32, #tpu.memory_space<hbm>>
    %dma_start3A_235 = tpu.memref_squeeze %dma_start3A_234 : memref<1x1x8x256xf32, #tpu.memory_space<hbm>> -> memref<8x256xf32, #tpu.memory_space<hbm>>
    tpu.enqueue_dma source(%dma_start3A_235 : memref<8x256xf32, #tpu.memory_space<hbm>>) target(%dma_start3A_233 : memref<8x256xf32, #tpu.memory_space<vmem>>) target_semaphore(%arg13 : memref<!tpu.dma_semaphore, #tpu.memory_space<semaphore_mem>>)
    %dma_start3A_236 = arith.constant 11 : i32
    %dma_start3A_237 = arith.constant 11 : i32
    %dma_start3A_238 = arith.constant 0 : i32
    %dma_start3A_239 = arith.constant 0 : i32
    %dma_start3A_240 = tpu.memref_slice %arg5[%dma_start3A_237, %dma_start3A_238, %dma_start3A_239] : memref<19x8x256xf32, #tpu.memory_space<vmem>> -> memref<1x8x256xf32, #tpu.memory_space<vmem>>
    %dma_start3A_241 = tpu.memref_squeeze %dma_start3A_240 : memref<1x8x256xf32, #tpu.memory_space<vmem>> -> memref<8x256xf32, #tpu.memory_space<vmem>>
    %dma_start3A_242 = tpu.memref_slice %arg2[%select_n3A, %dma_start3A_236, %mul3A_64, %mul3A_82] : memref<4x19x512x512xf32, #tpu.memory_space<hbm>> -> memref<1x1x8x256xf32, #tpu.memory_space<hbm>>
    %dma_start3A_243 = tpu.memref_squeeze %dma_start3A_242 : memref<1x1x8x256xf32, #tpu.memory_space<hbm>> -> memref<8x256xf32, #tpu.memory_space<hbm>>
    %dma_start3A_244 = arith.constant 0 : i32
    %dma_start3A_245 = arith.constant 0 : i32
    %dma_start3A_246 = tpu.memref_slice %arg5[%dma_start3A_237, %dma_start3A_244, %dma_start3A_245] : memref<19x8x256xf32, #tpu.memory_space<vmem>> -> memref<1x8x256xf32, #tpu.memory_space<vmem>>
    %dma_start3A_247 = tpu.memref_squeeze %dma_start3A_246 : memref<1x8x256xf32, #tpu.memory_space<vmem>> -> memref<8x256xf32, #tpu.memory_space<vmem>>
    %dma_start3A_248 = tpu.memref_slice %arg2[%select_n3A, %dma_start3A_236, %mul3A_64, %mul3A_82] : memref<4x19x512x512xf32, #tpu.memory_space<hbm>> -> memref<1x1x8x256xf32, #tpu.memory_space<hbm>>
    %dma_start3A_249 = tpu.memref_squeeze %dma_start3A_248 : memref<1x1x8x256xf32, #tpu.memory_space<hbm>> -> memref<8x256xf32, #tpu.memory_space<hbm>>
    tpu.enqueue_dma source(%dma_start3A_249 : memref<8x256xf32, #tpu.memory_space<hbm>>) target(%dma_start3A_247 : memref<8x256xf32, #tpu.memory_space<vmem>>) target_semaphore(%arg13 : memref<!tpu.dma_semaphore, #tpu.memory_space<semaphore_mem>>)
    %dma_start3A_250 = arith.constant 12 : i32
    %dma_start3A_251 = arith.constant 12 : i32
    %dma_start3A_252 = arith.constant 0 : i32
    %dma_start3A_253 = arith.constant 0 : i32
    %dma_start3A_254 = tpu.memref_slice %arg5[%dma_start3A_251, %dma_start3A_252, %dma_start3A_253] : memref<19x8x256xf32, #tpu.memory_space<vmem>> -> memref<1x8x256xf32, #tpu.memory_space<vmem>>
    %dma_start3A_255 = tpu.memref_squeeze %dma_start3A_254 : memref<1x8x256xf32, #tpu.memory_space<vmem>> -> memref<8x256xf32, #tpu.memory_space<vmem>>
    %dma_start3A_256 = tpu.memref_slice %arg2[%select_n3A, %dma_start3A_250, %mul3A_64, %mul3A_82] : memref<4x19x512x512xf32, #tpu.memory_space<hbm>> -> memref<1x1x8x256xf32, #tpu.memory_space<hbm>>
    %dma_start3A_257 = tpu.memref_squeeze %dma_start3A_256 : memref<1x1x8x256xf32, #tpu.memory_space<hbm>> -> memref<8x256xf32, #tpu.memory_space<hbm>>
    %dma_start3A_258 = arith.constant 0 : i32
    %dma_start3A_259 = arith.constant 0 : i32
    %dma_start3A_260 = tpu.memref_slice %arg5[%dma_start3A_251, %dma_start3A_258, %dma_start3A_259] : memref<19x8x256xf32, #tpu.memory_space<vmem>> -> memref<1x8x256xf32, #tpu.memory_space<vmem>>
    %dma_start3A_261 = tpu.memref_squeeze %dma_start3A_260 : memref<1x8x256xf32, #tpu.memory_space<vmem>> -> memref<8x256xf32, #tpu.memory_space<vmem>>
    %dma_start3A_262 = tpu.memref_slice %arg2[%select_n3A, %dma_start3A_250, %mul3A_64, %mul3A_82] : memref<4x19x512x512xf32, #tpu.memory_space<hbm>> -> memref<1x1x8x256xf32, #tpu.memory_space<hbm>>
    %dma_start3A_263 = tpu.memref_squeeze %dma_start3A_262 : memref<1x1x8x256xf32, #tpu.memory_space<hbm>> -> memref<8x256xf32, #tpu.memory_space<hbm>>
    tpu.enqueue_dma source(%dma_start3A_263 : memref<8x256xf32, #tpu.memory_space<hbm>>) target(%dma_start3A_261 : memref<8x256xf32, #tpu.memory_space<vmem>>) target_semaphore(%arg13 : memref<!tpu.dma_semaphore, #tpu.memory_space<semaphore_mem>>)
    %dma_start3A_264 = arith.constant 13 : i32
    %dma_start3A_265 = arith.constant 13 : i32
    %dma_start3A_266 = arith.constant 0 : i32
    %dma_start3A_267 = arith.constant 0 : i32
    %dma_start3A_268 = tpu.memref_slice %arg5[%dma_start3A_265, %dma_start3A_266, %dma_start3A_267] : memref<19x8x256xf32, #tpu.memory_space<vmem>> -> memref<1x8x256xf32, #tpu.memory_space<vmem>>
    %dma_start3A_269 = tpu.memref_squeeze %dma_start3A_268 : memref<1x8x256xf32, #tpu.memory_space<vmem>> -> memref<8x256xf32, #tpu.memory_space<vmem>>
    %dma_start3A_270 = tpu.memref_slice %arg2[%select_n3A, %dma_start3A_264, %mul3A_64, %mul3A_82] : memref<4x19x512x512xf32, #tpu.memory_space<hbm>> -> memref<1x1x8x256xf32, #tpu.memory_space<hbm>>
    %dma_start3A_271 = tpu.memref_squeeze %dma_start3A_270 : memref<1x1x8x256xf32, #tpu.memory_space<hbm>> -> memref<8x256xf32, #tpu.memory_space<hbm>>
    %dma_start3A_272 = arith.constant 0 : i32
    %dma_start3A_273 = arith.constant 0 : i32
    %dma_start3A_274 = tpu.memref_slice %arg5[%dma_start3A_265, %dma_start3A_272, %dma_start3A_273] : memref<19x8x256xf32, #tpu.memory_space<vmem>> -> memref<1x8x256xf32, #tpu.memory_space<vmem>>
    %dma_start3A_275 = tpu.memref_squeeze %dma_start3A_274 : memref<1x8x256xf32, #tpu.memory_space<vmem>> -> memref<8x256xf32, #tpu.memory_space<vmem>>
    %dma_start3A_276 = tpu.memref_slice %arg2[%select_n3A, %dma_start3A_264, %mul3A_64, %mul3A_82] : memref<4x19x512x512xf32, #tpu.memory_space<hbm>> -> memref<1x1x8x256xf32, #tpu.memory_space<hbm>>
    %dma_start3A_277 = tpu.memref_squeeze %dma_start3A_276 : memref<1x1x8x256xf32, #tpu.memory_space<hbm>> -> memref<8x256xf32, #tpu.memory_space<hbm>>
    tpu.enqueue_dma source(%dma_start3A_277 : memref<8x256xf32, #tpu.memory_space<hbm>>) target(%dma_start3A_275 : memref<8x256xf32, #tpu.memory_space<vmem>>) target_semaphore(%arg13 : memref<!tpu.dma_semaphore, #tpu.memory_space<semaphore_mem>>)
    %dma_start3A_278 = arith.constant 14 : i32
    %dma_start3A_279 = arith.constant 14 : i32
    %dma_start3A_280 = arith.constant 0 : i32
    %dma_start3A_281 = arith.constant 0 : i32
    %dma_start3A_282 = tpu.memref_slice %arg5[%dma_start3A_279, %dma_start3A_280, %dma_start3A_281] : memref<19x8x256xf32, #tpu.memory_space<vmem>> -> memref<1x8x256xf32, #tpu.memory_space<vmem>>
    %dma_start3A_283 = tpu.memref_squeeze %dma_start3A_282 : memref<1x8x256xf32, #tpu.memory_space<vmem>> -> memref<8x256xf32, #tpu.memory_space<vmem>>
    %dma_start3A_284 = tpu.memref_slice %arg2[%select_n3A, %dma_start3A_278, %mul3A_64, %mul3A_82] : memref<4x19x512x512xf32, #tpu.memory_space<hbm>> -> memref<1x1x8x256xf32, #tpu.memory_space<hbm>>
    %dma_start3A_285 = tpu.memref_squeeze %dma_start3A_284 : memref<1x1x8x256xf32, #tpu.memory_space<hbm>> -> memref<8x256xf32, #tpu.memory_space<hbm>>
    %dma_start3A_286 = arith.constant 0 : i32
    %dma_start3A_287 = arith.constant 0 : i32
    %dma_start3A_288 = tpu.memref_slice %arg5[%dma_start3A_279, %dma_start3A_286, %dma_start3A_287] : memref<19x8x256xf32, #tpu.memory_space<vmem>> -> memref<1x8x256xf32, #tpu.memory_space<vmem>>
    %dma_start3A_289 = tpu.memref_squeeze %dma_start3A_288 : memref<1x8x256xf32, #tpu.memory_space<vmem>> -> memref<8x256xf32, #tpu.memory_space<vmem>>
    %dma_start3A_290 = tpu.memref_slice %arg2[%select_n3A, %dma_start3A_278, %mul3A_64, %mul3A_82] : memref<4x19x512x512xf32, #tpu.memory_space<hbm>> -> memref<1x1x8x256xf32, #tpu.memory_space<hbm>>
    %dma_start3A_291 = tpu.memref_squeeze %dma_start3A_290 : memref<1x1x8x256xf32, #tpu.memory_space<hbm>> -> memref<8x256xf32, #tpu.memory_space<hbm>>
    tpu.enqueue_dma source(%dma_start3A_291 : memref<8x256xf32, #tpu.memory_space<hbm>>) target(%dma_start3A_289 : memref<8x256xf32, #tpu.memory_space<vmem>>) target_semaphore(%arg13 : memref<!tpu.dma_semaphore, #tpu.memory_space<semaphore_mem>>)
    %dma_start3A_292 = arith.constant 15 : i32
    %dma_start3A_293 = arith.constant 15 : i32
    %dma_start3A_294 = arith.constant 0 : i32
    %dma_start3A_295 = arith.constant 0 : i32
    %dma_start3A_296 = tpu.memref_slice %arg5[%dma_start3A_293, %dma_start3A_294, %dma_start3A_295] : memref<19x8x256xf32, #tpu.memory_space<vmem>> -> memref<1x8x256xf32, #tpu.memory_space<vmem>>
    %dma_start3A_297 = tpu.memref_squeeze %dma_start3A_296 : memref<1x8x256xf32, #tpu.memory_space<vmem>> -> memref<8x256xf32, #tpu.memory_space<vmem>>
    %dma_start3A_298 = tpu.memref_slice %arg2[%select_n3A, %dma_start3A_292, %mul3A_64, %mul3A_82] : memref<4x19x512x512xf32, #tpu.memory_space<hbm>> -> memref<1x1x8x256xf32, #tpu.memory_space<hbm>>
    %dma_start3A_299 = tpu.memref_squeeze %dma_start3A_298 : memref<1x1x8x256xf32, #tpu.memory_space<hbm>> -> memref<8x256xf32, #tpu.memory_space<hbm>>
    %dma_start3A_300 = arith.constant 0 : i32
    %dma_start3A_301 = arith.constant 0 : i32
    %dma_start3A_302 = tpu.memref_slice %arg5[%dma_start3A_293, %dma_start3A_300, %dma_start3A_301] : memref<19x8x256xf32, #tpu.memory_space<vmem>> -> memref<1x8x256xf32, #tpu.memory_space<vmem>>
    %dma_start3A_303 = tpu.memref_squeeze %dma_start3A_302 : memref<1x8x256xf32, #tpu.memory_space<vmem>> -> memref<8x256xf32, #tpu.memory_space<vmem>>
    %dma_start3A_304 = tpu.memref_slice %arg2[%select_n3A, %dma_start3A_292, %mul3A_64, %mul3A_82] : memref<4x19x512x512xf32, #tpu.memory_space<hbm>> -> memref<1x1x8x256xf32, #tpu.memory_space<hbm>>
    %dma_start3A_305 = tpu.memref_squeeze %dma_start3A_304 : memref<1x1x8x256xf32, #tpu.memory_space<hbm>> -> memref<8x256xf32, #tpu.memory_space<hbm>>
    tpu.enqueue_dma source(%dma_start3A_305 : memref<8x256xf32, #tpu.memory_space<hbm>>) target(%dma_start3A_303 : memref<8x256xf32, #tpu.memory_space<vmem>>) target_semaphore(%arg13 : memref<!tpu.dma_semaphore, #tpu.memory_space<semaphore_mem>>)
    %dma_start3A_306 = arith.constant 16 : i32
    %dma_start3A_307 = arith.constant 16 : i32
    %dma_start3A_308 = arith.constant 0 : i32
    %dma_start3A_309 = arith.constant 0 : i32
    %dma_start3A_310 = tpu.memref_slice %arg5[%dma_start3A_307, %dma_start3A_308, %dma_start3A_309] : memref<19x8x256xf32, #tpu.memory_space<vmem>> -> memref<1x8x256xf32, #tpu.memory_space<vmem>>
    %dma_start3A_311 = tpu.memref_squeeze %dma_start3A_310 : memref<1x8x256xf32, #tpu.memory_space<vmem>> -> memref<8x256xf32, #tpu.memory_space<vmem>>
    %dma_start3A_312 = tpu.memref_slice %arg2[%select_n3A, %dma_start3A_306, %mul3A_64, %mul3A_82] : memref<4x19x512x512xf32, #tpu.memory_space<hbm>> -> memref<1x1x8x256xf32, #tpu.memory_space<hbm>>
    %dma_start3A_313 = tpu.memref_squeeze %dma_start3A_312 : memref<1x1x8x256xf32, #tpu.memory_space<hbm>> -> memref<8x256xf32, #tpu.memory_space<hbm>>
    %dma_start3A_314 = arith.constant 0 : i32
    %dma_start3A_315 = arith.constant 0 : i32
    %dma_start3A_316 = tpu.memref_slice %arg5[%dma_start3A_307, %dma_start3A_314, %dma_start3A_315] : memref<19x8x256xf32, #tpu.memory_space<vmem>> -> memref<1x8x256xf32, #tpu.memory_space<vmem>>
    %dma_start3A_317 = tpu.memref_squeeze %dma_start3A_316 : memref<1x8x256xf32, #tpu.memory_space<vmem>> -> memref<8x256xf32, #tpu.memory_space<vmem>>
    %dma_start3A_318 = tpu.memref_slice %arg2[%select_n3A, %dma_start3A_306, %mul3A_64, %mul3A_82] : memref<4x19x512x512xf32, #tpu.memory_space<hbm>> -> memref<1x1x8x256xf32, #tpu.memory_space<hbm>>
    %dma_start3A_319 = tpu.memref_squeeze %dma_start3A_318 : memref<1x1x8x256xf32, #tpu.memory_space<hbm>> -> memref<8x256xf32, #tpu.memory_space<hbm>>
    tpu.enqueue_dma source(%dma_start3A_319 : memref<8x256xf32, #tpu.memory_space<hbm>>) target(%dma_start3A_317 : memref<8x256xf32, #tpu.memory_space<vmem>>) target_semaphore(%arg13 : memref<!tpu.dma_semaphore, #tpu.memory_space<semaphore_mem>>)
    %dma_start3A_320 = arith.constant 17 : i32
    %dma_start3A_321 = arith.constant 17 : i32
    %dma_start3A_322 = arith.constant 0 : i32
    %dma_start3A_323 = arith.constant 0 : i32
    %dma_start3A_324 = tpu.memref_slice %arg5[%dma_start3A_321, %dma_start3A_322, %dma_start3A_323] : memref<19x8x256xf32, #tpu.memory_space<vmem>> -> memref<1x8x256xf32, #tpu.memory_space<vmem>>
    %dma_start3A_325 = tpu.memref_squeeze %dma_start3A_324 : memref<1x8x256xf32, #tpu.memory_space<vmem>> -> memref<8x256xf32, #tpu.memory_space<vmem>>
    %dma_start3A_326 = tpu.memref_slice %arg2[%select_n3A, %dma_start3A_320, %mul3A_64, %mul3A_82] : memref<4x19x512x512xf32, #tpu.memory_space<hbm>> -> memref<1x1x8x256xf32, #tpu.memory_space<hbm>>
    %dma_start3A_327 = tpu.memref_squeeze %dma_start3A_326 : memref<1x1x8x256xf32, #tpu.memory_space<hbm>> -> memref<8x256xf32, #tpu.memory_space<hbm>>
    %dma_start3A_328 = arith.constant 0 : i32
    %dma_start3A_329 = arith.constant 0 : i32
    %dma_start3A_330 = tpu.memref_slice %arg5[%dma_start3A_321, %dma_start3A_328, %dma_start3A_329] : memref<19x8x256xf32, #tpu.memory_space<vmem>> -> memref<1x8x256xf32, #tpu.memory_space<vmem>>
    %dma_start3A_331 = tpu.memref_squeeze %dma_start3A_330 : memref<1x8x256xf32, #tpu.memory_space<vmem>> -> memref<8x256xf32, #tpu.memory_space<vmem>>
    %dma_start3A_332 = tpu.memref_slice %arg2[%select_n3A, %dma_start3A_320, %mul3A_64, %mul3A_82] : memref<4x19x512x512xf32, #tpu.memory_space<hbm>> -> memref<1x1x8x256xf32, #tpu.memory_space<hbm>>
    %dma_start3A_333 = tpu.memref_squeeze %dma_start3A_332 : memref<1x1x8x256xf32, #tpu.memory_space<hbm>> -> memref<8x256xf32, #tpu.memory_space<hbm>>
    tpu.enqueue_dma source(%dma_start3A_333 : memref<8x256xf32, #tpu.memory_space<hbm>>) target(%dma_start3A_331 : memref<8x256xf32, #tpu.memory_space<vmem>>) target_semaphore(%arg13 : memref<!tpu.dma_semaphore, #tpu.memory_space<semaphore_mem>>)
    %dma_start3A_334 = arith.constant 18 : i32
    %dma_start3A_335 = arith.constant 18 : i32
    %dma_start3A_336 = arith.constant 0 : i32
    %dma_start3A_337 = arith.constant 0 : i32
    %dma_start3A_338 = tpu.memref_slice %arg5[%dma_start3A_335, %dma_start3A_336, %dma_start3A_337] : memref<19x8x256xf32, #tpu.memory_space<vmem>> -> memref<1x8x256xf32, #tpu.memory_space<vmem>>
    %dma_start3A_339 = tpu.memref_squeeze %dma_start3A_338 : memref<1x8x256xf32, #tpu.memory_space<vmem>> -> memref<8x256xf32, #tpu.memory_space<vmem>>
    %dma_start3A_340 = tpu.memref_slice %arg2[%select_n3A, %dma_start3A_334, %mul3A_64, %mul3A_82] : memref<4x19x512x512xf32, #tpu.memory_space<hbm>> -> memref<1x1x8x256xf32, #tpu.memory_space<hbm>>
    %dma_start3A_341 = tpu.memref_squeeze %dma_start3A_340 : memref<1x1x8x256xf32, #tpu.memory_space<hbm>> -> memref<8x256xf32, #tpu.memory_space<hbm>>
    %dma_start3A_342 = arith.constant 0 : i32
    %dma_start3A_343 = arith.constant 0 : i32
    %dma_start3A_344 = tpu.memref_slice %arg5[%dma_start3A_335, %dma_start3A_342, %dma_start3A_343] : memref<19x8x256xf32, #tpu.memory_space<vmem>> -> memref<1x8x256xf32, #tpu.memory_space<vmem>>
    %dma_start3A_345 = tpu.memref_squeeze %dma_start3A_344 : memref<1x8x256xf32, #tpu.memory_space<vmem>> -> memref<8x256xf32, #tpu.memory_space<vmem>>
    %dma_start3A_346 = tpu.memref_slice %arg2[%select_n3A, %dma_start3A_334, %mul3A_64, %mul3A_82] : memref<4x19x512x512xf32, #tpu.memory_space<hbm>> -> memref<1x1x8x256xf32, #tpu.memory_space<hbm>>
    %dma_start3A_347 = tpu.memref_squeeze %dma_start3A_346 : memref<1x1x8x256xf32, #tpu.memory_space<hbm>> -> memref<8x256xf32, #tpu.memory_space<hbm>>
    tpu.enqueue_dma source(%dma_start3A_347 : memref<8x256xf32, #tpu.memory_space<hbm>>) target(%dma_start3A_345 : memref<8x256xf32, #tpu.memory_space<vmem>>) target_semaphore(%arg13 : memref<!tpu.dma_semaphore, #tpu.memory_space<semaphore_mem>>)
    %dma_start3A_348 = tpu.memref_slice %arg3[%select_n3A, %mul3A_64, %mul3A_82] : memref<4x512x512xi32, #tpu.memory_space<hbm>> -> memref<1x8x256xi32, #tpu.memory_space<hbm>>
    %dma_start3A_349 = tpu.memref_squeeze %dma_start3A_348 : memref<1x8x256xi32, #tpu.memory_space<hbm>> -> memref<8x256xi32, #tpu.memory_space<hbm>>
    %dma_start3A_350 = tpu.memref_slice %arg3[%select_n3A, %mul3A_64, %mul3A_82] : memref<4x512x512xi32, #tpu.memory_space<hbm>> -> memref<1x8x256xi32, #tpu.memory_space<hbm>>
    %dma_start3A_351 = tpu.memref_squeeze %dma_start3A_350 : memref<1x8x256xi32, #tpu.memory_space<hbm>> -> memref<8x256xi32, #tpu.memory_space<hbm>>
    tpu.enqueue_dma source(%dma_start3A_351 : memref<8x256xi32, #tpu.memory_space<hbm>>) target(%arg6 : memref<8x256xi32, #tpu.memory_space<vmem>>) target_semaphore(%arg13 : memref<!tpu.dma_semaphore, #tpu.memory_space<semaphore_mem>>)
    %scan3A = arith.constant 0x4B400000 : f32
    %scan3A_352 = arith.constant 0 : i32
    %scan3A_353 = arith.constant 0 : i32
    %scan3A_354 = arith.constant 8 : i32
    %scan3A_355 = arith.addi %scan3A_353, %scan3A_354 : i32
    %scan3A_356 = arith.constant 1 : i32
    %scan3A_357 = scf.for %scan3A_362 = %scan3A_353 to %scan3A_355 step %scan3A_356 iter_args(%scan3A_363 = %scan3A_352) -> (i32)  : i32 {
      %mul3A_364 = arith.constant 2 : i32
      %mul3A_365 = arith.muli %scan3A_362, %mul3A_364 : i32
      %add3A_366 = arith.constant 1 : i32
      %add3A_367 = arith.addi %mul3A_365, %add3A_366 : i32
      %jit3A_368 = arith.constant 4 : i32
      %div3A_369 = arith.divsi %add3A_367, %jit3A_368 : i32
      %sign3A_370 = arith.constant 0 : i32
      %sign3A_371 = arith.cmpi sgt, %add3A_367, %sign3A_370 : i32
      %sign3A_372 = arith.extui %sign3A_371 : i1 to i32
      %sign3A_373 = arith.constant 0 : i32
      %sign3A_374 = arith.cmpi slt, %add3A_367, %sign3A_373 : i32
      %sign3A_375 = arith.extui %sign3A_374 : i1 to i32
      %sign3A_376 = arith.subi %sign3A_372, %sign3A_375 : i32
      %sign3A_377 = arith.constant 0 : i32
      %sign3A_378 = arith.cmpi sgt, %jit3A_368, %sign3A_377 : i32
      %sign3A_379 = arith.extui %sign3A_378 : i1 to i32
      %sign3A_380 = arith.constant 0 : i32
      %sign3A_381 = arith.cmpi slt, %jit3A_368, %sign3A_380 : i32
      %sign3A_382 = arith.extui %sign3A_381 : i1 to i32
      %sign3A_383 = arith.subi %sign3A_379, %sign3A_382 : i32
      %ne3A_384 = arith.cmpi ne, %sign3A_376, %sign3A_383 : i32
      %rem3A_385 = arith.remsi %add3A_367, %jit3A_368 : i32
      %ne3A_386 = arith.constant 0 : i32
      %ne3A_387 = arith.cmpi ne, %rem3A_385, %ne3A_386 : i32
      %and3A_388 = arith.andi %ne3A_384, %ne3A_387 : i1
      %sub3A_389 = arith.constant 1 : i32
      %sub3A_390 = arith.subi %div3A_369, %sub3A_389 : i32
      %select_n3A_391 = arith.select %and3A_388, %sub3A_390, %div3A_369 : i32
      %jit3A_392 = arith.constant 4 : i32
      %eq3A_393 = arith.constant 0 : i32
      %eq3A_394 = arith.cmpi eq, %jit3A_392, %eq3A_393 : i32
      %jit3A_395 = arith.constant 1 : i32
      %select_n3A_396 = arith.select %eq3A_394, %jit3A_395, %jit3A_392 : i32
      %rem3A_397 = arith.remsi %add3A_367, %select_n3A_396 : i32
      %ne3A_398 = arith.constant 0 : i32
      %ne3A_399 = arith.cmpi ne, %rem3A_397, %ne3A_398 : i32
      %lt3A_400 = arith.constant 0 : i32
      %lt3A_401 = arith.cmpi slt, %rem3A_397, %lt3A_400 : i32
      %lt3A_402 = arith.constant 0 : i32
      %lt3A_403 = arith.cmpi slt, %select_n3A_396, %lt3A_402 : i32
      %ne3A_404 = arith.xori %lt3A_401, %lt3A_403 : i1
      %and3A_405 = arith.andi %ne3A_404, %ne3A_399 : i1
      %add3A_406 = arith.addi %rem3A_397, %select_n3A_396 : i32
      %select_n3A_407 = arith.select %and3A_405, %add3A_406, %rem3A_397 : i32
      %mul3A_408 = arith.constant 4 : i32
      %mul3A_409 = arith.muli %add3A, %mul3A_408 : i32
      %add3A_410 = arith.addi %mul3A_409, %select_n3A_407 : i32
      %jit3A_411 = arith.constant 2 : i32
      %div3A_412 = arith.divsi %add3A_410, %jit3A_411 : i32
      %sign3A_413 = arith.constant 0 : i32
      %sign3A_414 = arith.cmpi sgt, %add3A_410, %sign3A_413 : i32
      %sign3A_415 = arith.extui %sign3A_414 : i1 to i32
      %sign3A_416 = arith.constant 0 : i32
      %sign3A_417 = arith.cmpi slt, %add3A_410, %sign3A_416 : i32
      %sign3A_418 = arith.extui %sign3A_417 : i1 to i32
      %sign3A_419 = arith.subi %sign3A_415, %sign3A_418 : i32
      %sign3A_420 = arith.constant 0 : i32
      %sign3A_421 = arith.cmpi sgt, %jit3A_411, %sign3A_420 : i32
      %sign3A_422 = arith.extui %sign3A_421 : i1 to i32
      %sign3A_423 = arith.constant 0 : i32
      %sign3A_424 = arith.cmpi slt, %jit3A_411, %sign3A_423 : i32
      %sign3A_425 = arith.extui %sign3A_424 : i1 to i32
      %sign3A_426 = arith.subi %sign3A_422, %sign3A_425 : i32
      %ne3A_427 = arith.cmpi ne, %sign3A_419, %sign3A_426 : i32
      %rem3A_428 = arith.remsi %add3A_410, %jit3A_411 : i32
      %ne3A_429 = arith.constant 0 : i32
      %ne3A_430 = arith.cmpi ne, %rem3A_428, %ne3A_429 : i32
      %and3A_431 = arith.andi %ne3A_427, %ne3A_430 : i1
      %sub3A_432 = arith.constant 1 : i32
      %sub3A_433 = arith.subi %div3A_412, %sub3A_432 : i32
      %select_n3A_434 = arith.select %and3A_431, %sub3A_433, %div3A_412 : i32
      %mul3A_435 = arith.constant 8 : i32
      %mul3A_436 = arith.muli %select_n3A_434, %mul3A_435 : i32
      %jit3A_437 = arith.constant 2 : i32
      %eq3A_438 = arith.constant 0 : i32
      %eq3A_439 = arith.cmpi eq, %jit3A_437, %eq3A_438 : i32
      %jit3A_440 = arith.constant 1 : i32
      %select_n3A_441 = arith.select %eq3A_439, %jit3A_440, %jit3A_437 : i32
      %rem3A_442 = arith.remsi %add3A_410, %select_n3A_441 : i32
      %ne3A_443 = arith.constant 0 : i32
      %ne3A_444 = arith.cmpi ne, %rem3A_442, %ne3A_443 : i32
      %lt3A_445 = arith.constant 0 : i32
      %lt3A_446 = arith.cmpi slt, %rem3A_442, %lt3A_445 : i32
      %lt3A_447 = arith.constant 0 : i32
      %lt3A_448 = arith.cmpi slt, %select_n3A_441, %lt3A_447 : i32
      %ne3A_449 = arith.xori %lt3A_446, %lt3A_448 : i1
      %and3A_450 = arith.andi %ne3A_449, %ne3A_444 : i1
      %add3A_451 = arith.addi %rem3A_442, %select_n3A_441 : i32
      %select_n3A_452 = arith.select %and3A_450, %add3A_451, %rem3A_442 : i32
      %mul3A_453 = arith.constant 256 : i32
      %mul3A_454 = arith.muli %select_n3A_452, %mul3A_453 : i32
      %dma_start3A_455 = arith.constant 0 : i32
      %dma_start3A_456 = arith.constant 0 : i32
      %dma_start3A_457 = arith.constant 0 : i32
      %dma_start3A_458 = arith.constant 0 : i32
      %dma_start3A_459 = tpu.memref_slice %arg7[%dma_start3A_456, %dma_start3A_457, %dma_start3A_458] : memref<19x8x256xf32, #tpu.memory_space<vmem>> -> memref<1x8x256xf32, #tpu.memory_space<vmem>>
      %dma_start3A_460 = tpu.memref_squeeze %dma_start3A_459 : memref<1x8x256xf32, #tpu.memory_space<vmem>> -> memref<8x256xf32, #tpu.memory_space<vmem>>
      %dma_start3A_461 = tpu.memref_slice %arg2[%select_n3A_391, %dma_start3A_455, %mul3A_436, %mul3A_454] : memref<4x19x512x512xf32, #tpu.memory_space<hbm>> -> memref<1x1x8x256xf32, #tpu.memory_space<hbm>>
      %dma_start3A_462 = tpu.memref_squeeze %dma_start3A_461 : memref<1x1x8x256xf32, #tpu.memory_space<hbm>> -> memref<8x256xf32, #tpu.memory_space<hbm>>
      %dma_start3A_463 = arith.constant 0 : i32
      %dma_start3A_464 = arith.constant 0 : i32
      %dma_start3A_465 = tpu.memref_slice %arg7[%dma_start3A_456, %dma_start3A_463, %dma_start3A_464] : memref<19x8x256xf32, #tpu.memory_space<vmem>> -> memref<1x8x256xf32, #tpu.memory_space<vmem>>
      %dma_start3A_466 = tpu.memref_squeeze %dma_start3A_465 : memref<1x8x256xf32, #tpu.memory_space<vmem>> -> memref<8x256xf32, #tpu.memory_space<vmem>>
      %dma_start3A_467 = tpu.memref_slice %arg2[%select_n3A_391, %dma_start3A_455, %mul3A_436, %mul3A_454] : memref<4x19x512x512xf32, #tpu.memory_space<hbm>> -> memref<1x1x8x256xf32, #tpu.memory_space<hbm>>
      %dma_start3A_468 = tpu.memref_squeeze %dma_start3A_467 : memref<1x1x8x256xf32, #tpu.memory_space<hbm>> -> memref<8x256xf32, #tpu.memory_space<hbm>>
      tpu.enqueue_dma source(%dma_start3A_468 : memref<8x256xf32, #tpu.memory_space<hbm>>) target(%dma_start3A_466 : memref<8x256xf32, #tpu.memory_space<vmem>>) target_semaphore(%arg14 : memref<!tpu.dma_semaphore, #tpu.memory_space<semaphore_mem>>)
      %dma_start3A_469 = arith.constant 1 : i32
      %dma_start3A_470 = arith.constant 1 : i32
      %dma_start3A_471 = arith.constant 0 : i32
      %dma_start3A_472 = arith.constant 0 : i32
      %dma_start3A_473 = tpu.memref_slice %arg7[%dma_start3A_470, %dma_start3A_471, %dma_start3A_472] : memref<19x8x256xf32, #tpu.memory_space<vmem>> -> memref<1x8x256xf32, #tpu.memory_space<vmem>>
      %dma_start3A_474 = tpu.memref_squeeze %dma_start3A_473 : memref<1x8x256xf32, #tpu.memory_space<vmem>> -> memref<8x256xf32, #tpu.memory_space<vmem>>
      %dma_start3A_475 = tpu.memref_slice %arg2[%select_n3A_391, %dma_start3A_469, %mul3A_436, %mul3A_454] : memref<4x19x512x512xf32, #tpu.memory_space<hbm>> -> memref<1x1x8x256xf32, #tpu.memory_space<hbm>>
      %dma_start3A_476 = tpu.memref_squeeze %dma_start3A_475 : memref<1x1x8x256xf32, #tpu.memory_space<hbm>> -> memref<8x256xf32, #tpu.memory_space<hbm>>
      %dma_start3A_477 = arith.constant 0 : i32
      %dma_start3A_478 = arith.constant 0 : i32
      %dma_start3A_479 = tpu.memref_slice %arg7[%dma_start3A_470, %dma_start3A_477, %dma_start3A_478] : memref<19x8x256xf32, #tpu.memory_space<vmem>> -> memref<1x8x256xf32, #tpu.memory_space<vmem>>
      %dma_start3A_480 = tpu.memref_squeeze %dma_start3A_479 : memref<1x8x256xf32, #tpu.memory_space<vmem>> -> memref<8x256xf32, #tpu.memory_space<vmem>>
      %dma_start3A_481 = tpu.memref_slice %arg2[%select_n3A_391, %dma_start3A_469, %mul3A_436, %mul3A_454] : memref<4x19x512x512xf32, #tpu.memory_space<hbm>> -> memref<1x1x8x256xf32, #tpu.memory_space<hbm>>
      %dma_start3A_482 = tpu.memref_squeeze %dma_start3A_481 : memref<1x1x8x256xf32, #tpu.memory_space<hbm>> -> memref<8x256xf32, #tpu.memory_space<hbm>>
      tpu.enqueue_dma source(%dma_start3A_482 : memref<8x256xf32, #tpu.memory_space<hbm>>) target(%dma_start3A_480 : memref<8x256xf32, #tpu.memory_space<vmem>>) target_semaphore(%arg14 : memref<!tpu.dma_semaphore, #tpu.memory_space<semaphore_mem>>)
      %dma_start3A_483 = arith.constant 2 : i32
      %dma_start3A_484 = arith.constant 2 : i32
      %dma_start3A_485 = arith.constant 0 : i32
      %dma_start3A_486 = arith.constant 0 : i32
      %dma_start3A_487 = tpu.memref_slice %arg7[%dma_start3A_484, %dma_start3A_485, %dma_start3A_486] : memref<19x8x256xf32, #tpu.memory_space<vmem>> -> memref<1x8x256xf32, #tpu.memory_space<vmem>>
      %dma_start3A_488 = tpu.memref_squeeze %dma_start3A_487 : memref<1x8x256xf32, #tpu.memory_space<vmem>> -> memref<8x256xf32, #tpu.memory_space<vmem>>
      %dma_start3A_489 = tpu.memref_slice %arg2[%select_n3A_391, %dma_start3A_483, %mul3A_436, %mul3A_454] : memref<4x19x512x512xf32, #tpu.memory_space<hbm>> -> memref<1x1x8x256xf32, #tpu.memory_space<hbm>>
      %dma_start3A_490 = tpu.memref_squeeze %dma_start3A_489 : memref<1x1x8x256xf32, #tpu.memory_space<hbm>> -> memref<8x256xf32, #tpu.memory_space<hbm>>
      %dma_start3A_491 = arith.constant 0 : i32
      %dma_start3A_492 = arith.constant 0 : i32
      %dma_start3A_493 = tpu.memref_slice %arg7[%dma_start3A_484, %dma_start3A_491, %dma_start3A_492] : memref<19x8x256xf32, #tpu.memory_space<vmem>> -> memref<1x8x256xf32, #tpu.memory_space<vmem>>
      %dma_start3A_494 = tpu.memref_squeeze %dma_start3A_493 : memref<1x8x256xf32, #tpu.memory_space<vmem>> -> memref<8x256xf32, #tpu.memory_space<vmem>>
      %dma_start3A_495 = tpu.memref_slice %arg2[%select_n3A_391, %dma_start3A_483, %mul3A_436, %mul3A_454] : memref<4x19x512x512xf32, #tpu.memory_space<hbm>> -> memref<1x1x8x256xf32, #tpu.memory_space<hbm>>
      %dma_start3A_496 = tpu.memref_squeeze %dma_start3A_495 : memref<1x1x8x256xf32, #tpu.memory_space<hbm>> -> memref<8x256xf32, #tpu.memory_space<hbm>>
      tpu.enqueue_dma source(%dma_start3A_496 : memref<8x256xf32, #tpu.memory_space<hbm>>) target(%dma_start3A_494 : memref<8x256xf32, #tpu.memory_space<vmem>>) target_semaphore(%arg14 : memref<!tpu.dma_semaphore, #tpu.memory_space<semaphore_mem>>)
      %dma_start3A_497 = arith.constant 3 : i32
      %dma_start3A_498 = arith.constant 3 : i32
      %dma_start3A_499 = arith.constant 0 : i32
      %dma_start3A_500 = arith.constant 0 : i32
      %dma_start3A_501 = tpu.memref_slice %arg7[%dma_start3A_498, %dma_start3A_499, %dma_start3A_500] : memref<19x8x256xf32, #tpu.memory_space<vmem>> -> memref<1x8x256xf32, #tpu.memory_space<vmem>>
      %dma_start3A_502 = tpu.memref_squeeze %dma_start3A_501 : memref<1x8x256xf32, #tpu.memory_space<vmem>> -> memref<8x256xf32, #tpu.memory_space<vmem>>
      %dma_start3A_503 = tpu.memref_slice %arg2[%select_n3A_391, %dma_start3A_497, %mul3A_436, %mul3A_454] : memref<4x19x512x512xf32, #tpu.memory_space<hbm>> -> memref<1x1x8x256xf32, #tpu.memory_space<hbm>>
      %dma_start3A_504 = tpu.memref_squeeze %dma_start3A_503 : memref<1x1x8x256xf32, #tpu.memory_space<hbm>> -> memref<8x256xf32, #tpu.memory_space<hbm>>
      %dma_start3A_505 = arith.constant 0 : i32
      %dma_start3A_506 = arith.constant 0 : i32
      %dma_start3A_507 = tpu.memref_slice %arg7[%dma_start3A_498, %dma_start3A_505, %dma_start3A_506] : memref<19x8x256xf32, #tpu.memory_space<vmem>> -> memref<1x8x256xf32, #tpu.memory_space<vmem>>
      %dma_start3A_508 = tpu.memref_squeeze %dma_start3A_507 : memref<1x8x256xf32, #tpu.memory_space<vmem>> -> memref<8x256xf32, #tpu.memory_space<vmem>>
      %dma_start3A_509 = tpu.memref_slice %arg2[%select_n3A_391, %dma_start3A_497, %mul3A_436, %mul3A_454] : memref<4x19x512x512xf32, #tpu.memory_space<hbm>> -> memref<1x1x8x256xf32, #tpu.memory_space<hbm>>
      %dma_start3A_510 = tpu.memref_squeeze %dma_start3A_509 : memref<1x1x8x256xf32, #tpu.memory_space<hbm>> -> memref<8x256xf32, #tpu.memory_space<hbm>>
      tpu.enqueue_dma source(%dma_start3A_510 : memref<8x256xf32, #tpu.memory_space<hbm>>) target(%dma_start3A_508 : memref<8x256xf32, #tpu.memory_space<vmem>>) target_semaphore(%arg14 : memref<!tpu.dma_semaphore, #tpu.memory_space<semaphore_mem>>)
      %dma_start3A_511 = arith.constant 4 : i32
      %dma_start3A_512 = arith.constant 4 : i32
      %dma_start3A_513 = arith.constant 0 : i32
      %dma_start3A_514 = arith.constant 0 : i32
      %dma_start3A_515 = tpu.memref_slice %arg7[%dma_start3A_512, %dma_start3A_513, %dma_start3A_514] : memref<19x8x256xf32, #tpu.memory_space<vmem>> -> memref<1x8x256xf32, #tpu.memory_space<vmem>>
      %dma_start3A_516 = tpu.memref_squeeze %dma_start3A_515 : memref<1x8x256xf32, #tpu.memory_space<vmem>> -> memref<8x256xf32, #tpu.memory_space<vmem>>
      %dma_start3A_517 = tpu.memref_slice %arg2[%select_n3A_391, %dma_start3A_511, %mul3A_436, %mul3A_454] : memref<4x19x512x512xf32, #tpu.memory_space<hbm>> -> memref<1x1x8x256xf32, #tpu.memory_space<hbm>>
      %dma_start3A_518 = tpu.memref_squeeze %dma_start3A_517 : memref<1x1x8x256xf32, #tpu.memory_space<hbm>> -> memref<8x256xf32, #tpu.memory_space<hbm>>
      %dma_start3A_519 = arith.constant 0 : i32
      %dma_start3A_520 = arith.constant 0 : i32
      %dma_start3A_521 = tpu.memref_slice %arg7[%dma_start3A_512, %dma_start3A_519, %dma_start3A_520] : memref<19x8x256xf32, #tpu.memory_space<vmem>> -> memref<1x8x256xf32, #tpu.memory_space<vmem>>
      %dma_start3A_522 = tpu.memref_squeeze %dma_start3A_521 : memref<1x8x256xf32, #tpu.memory_space<vmem>> -> memref<8x256xf32, #tpu.memory_space<vmem>>
      %dma_start3A_523 = tpu.memref_slice %arg2[%select_n3A_391, %dma_start3A_511, %mul3A_436, %mul3A_454] : memref<4x19x512x512xf32, #tpu.memory_space<hbm>> -> memref<1x1x8x256xf32, #tpu.memory_space<hbm>>
      %dma_start3A_524 = tpu.memref_squeeze %dma_start3A_523 : memref<1x1x8x256xf32, #tpu.memory_space<hbm>> -> memref<8x256xf32, #tpu.memory_space<hbm>>
      tpu.enqueue_dma source(%dma_start3A_524 : memref<8x256xf32, #tpu.memory_space<hbm>>) target(%dma_start3A_522 : memref<8x256xf32, #tpu.memory_space<vmem>>) target_semaphore(%arg14 : memref<!tpu.dma_semaphore, #tpu.memory_space<semaphore_mem>>)
      %dma_start3A_525 = arith.constant 5 : i32
      %dma_start3A_526 = arith.constant 5 : i32
      %dma_start3A_527 = arith.constant 0 : i32
      %dma_start3A_528 = arith.constant 0 : i32
      %dma_start3A_529 = tpu.memref_slice %arg7[%dma_start3A_526, %dma_start3A_527, %dma_start3A_528] : memref<19x8x256xf32, #tpu.memory_space<vmem>> -> memref<1x8x256xf32, #tpu.memory_space<vmem>>
      %dma_start3A_530 = tpu.memref_squeeze %dma_start3A_529 : memref<1x8x256xf32, #tpu.memory_space<vmem>> -> memref<8x256xf32, #tpu.memory_space<vmem>>
      %dma_start3A_531 = tpu.memref_slice %arg2[%select_n3A_391, %dma_start3A_525, %mul3A_436, %mul3A_454] : memref<4x19x512x512xf32, #tpu.memory_space<hbm>> -> memref<1x1x8x256xf32, #tpu.memory_space<hbm>>
      %dma_start3A_532 = tpu.memref_squeeze %dma_start3A_531 : memref<1x1x8x256xf32, #tpu.memory_space<hbm>> -> memref<8x256xf32, #tpu.memory_space<hbm>>
      %dma_start3A_533 = arith.constant 0 : i32
      %dma_start3A_534 = arith.constant 0 : i32
      %dma_start3A_535 = tpu.memref_slice %arg7[%dma_start3A_526, %dma_start3A_533, %dma_start3A_534] : memref<19x8x256xf32, #tpu.memory_space<vmem>> -> memref<1x8x256xf32, #tpu.memory_space<vmem>>
      %dma_start3A_536 = tpu.memref_squeeze %dma_start3A_535 : memref<1x8x256xf32, #tpu.memory_space<vmem>> -> memref<8x256xf32, #tpu.memory_space<vmem>>
      %dma_start3A_537 = tpu.memref_slice %arg2[%select_n3A_391, %dma_start3A_525, %mul3A_436, %mul3A_454] : memref<4x19x512x512xf32, #tpu.memory_space<hbm>> -> memref<1x1x8x256xf32, #tpu.memory_space<hbm>>
      %dma_start3A_538 = tpu.memref_squeeze %dma_start3A_537 : memref<1x1x8x256xf32, #tpu.memory_space<hbm>> -> memref<8x256xf32, #tpu.memory_space<hbm>>
      tpu.enqueue_dma source(%dma_start3A_538 : memref<8x256xf32, #tpu.memory_space<hbm>>) target(%dma_start3A_536 : memref<8x256xf32, #tpu.memory_space<vmem>>) target_semaphore(%arg14 : memref<!tpu.dma_semaphore, #tpu.memory_space<semaphore_mem>>)
      %dma_start3A_539 = arith.constant 6 : i32
      %dma_start3A_540 = arith.constant 6 : i32
      %dma_start3A_541 = arith.constant 0 : i32
      %dma_start3A_542 = arith.constant 0 : i32
      %dma_start3A_543 = tpu.memref_slice %arg7[%dma_start3A_540, %dma_start3A_541, %dma_start3A_542] : memref<19x8x256xf32, #tpu.memory_space<vmem>> -> memref<1x8x256xf32, #tpu.memory_space<vmem>>
      %dma_start3A_544 = tpu.memref_squeeze %dma_start3A_543 : memref<1x8x256xf32, #tpu.memory_space<vmem>> -> memref<8x256xf32, #tpu.memory_space<vmem>>
      %dma_start3A_545 = tpu.memref_slice %arg2[%select_n3A_391, %dma_start3A_539, %mul3A_436, %mul3A_454] : memref<4x19x512x512xf32, #tpu.memory_space<hbm>> -> memref<1x1x8x256xf32, #tpu.memory_space<hbm>>
      %dma_start3A_546 = tpu.memref_squeeze %dma_start3A_545 : memref<1x1x8x256xf32, #tpu.memory_space<hbm>> -> memref<8x256xf32, #tpu.memory_space<hbm>>
      %dma_start3A_547 = arith.constant 0 : i32
      %dma_start3A_548 = arith.constant 0 : i32
      %dma_start3A_549 = tpu.memref_slice %arg7[%dma_start3A_540, %dma_start3A_547, %dma_start3A_548] : memref<19x8x256xf32, #tpu.memory_space<vmem>> -> memref<1x8x256xf32, #tpu.memory_space<vmem>>
      %dma_start3A_550 = tpu.memref_squeeze %dma_start3A_549 : memref<1x8x256xf32, #tpu.memory_space<vmem>> -> memref<8x256xf32, #tpu.memory_space<vmem>>
      %dma_start3A_551 = tpu.memref_slice %arg2[%select_n3A_391, %dma_start3A_539, %mul3A_436, %mul3A_454] : memref<4x19x512x512xf32, #tpu.memory_space<hbm>> -> memref<1x1x8x256xf32, #tpu.memory_space<hbm>>
      %dma_start3A_552 = tpu.memref_squeeze %dma_start3A_551 : memref<1x1x8x256xf32, #tpu.memory_space<hbm>> -> memref<8x256xf32, #tpu.memory_space<hbm>>
      tpu.enqueue_dma source(%dma_start3A_552 : memref<8x256xf32, #tpu.memory_space<hbm>>) target(%dma_start3A_550 : memref<8x256xf32, #tpu.memory_space<vmem>>) target_semaphore(%arg14 : memref<!tpu.dma_semaphore, #tpu.memory_space<semaphore_mem>>)
      %dma_start3A_553 = arith.constant 7 : i32
      %dma_start3A_554 = arith.constant 7 : i32
      %dma_start3A_555 = arith.constant 0 : i32
      %dma_start3A_556 = arith.constant 0 : i32
      %dma_start3A_557 = tpu.memref_slice %arg7[%dma_start3A_554, %dma_start3A_555, %dma_start3A_556] : memref<19x8x256xf32, #tpu.memory_space<vmem>> -> memref<1x8x256xf32, #tpu.memory_space<vmem>>
      %dma_start3A_558 = tpu.memref_squeeze %dma_start3A_557 : memref<1x8x256xf32, #tpu.memory_space<vmem>> -> memref<8x256xf32, #tpu.memory_space<vmem>>
      %dma_start3A_559 = tpu.memref_slice %arg2[%select_n3A_391, %dma_start3A_553, %mul3A_436, %mul3A_454] : memref<4x19x512x512xf32, #tpu.memory_space<hbm>> -> memref<1x1x8x256xf32, #tpu.memory_space<hbm>>
      %dma_start3A_560 = tpu.memref_squeeze %dma_start3A_559 : memref<1x1x8x256xf32, #tpu.memory_space<hbm>> -> memref<8x256xf32, #tpu.memory_space<hbm>>
      %dma_start3A_561 = arith.constant 0 : i32
      %dma_start3A_562 = arith.constant 0 : i32
      %dma_start3A_563 = tpu.memref_slice %arg7[%dma_start3A_554, %dma_start3A_561, %dma_start3A_562] : memref<19x8x256xf32, #tpu.memory_space<vmem>> -> memref<1x8x256xf32, #tpu.memory_space<vmem>>
      %dma_start3A_564 = tpu.memref_squeeze %dma_start3A_563 : memref<1x8x256xf32, #tpu.memory_space<vmem>> -> memref<8x256xf32, #tpu.memory_space<vmem>>
      %dma_start3A_565 = tpu.memref_slice %arg2[%select_n3A_391, %dma_start3A_553, %mul3A_436, %mul3A_454] : memref<4x19x512x512xf32, #tpu.memory_space<hbm>> -> memref<1x1x8x256xf32, #tpu.memory_space<hbm>>
      %dma_start3A_566 = tpu.memref_squeeze %dma_start3A_565 : memref<1x1x8x256xf32, #tpu.memory_space<hbm>> -> memref<8x256xf32, #tpu.memory_space<hbm>>
      tpu.enqueue_dma source(%dma_start3A_566 : memref<8x256xf32, #tpu.memory_space<hbm>>) target(%dma_start3A_564 : memref<8x256xf32, #tpu.memory_space<vmem>>) target_semaphore(%arg14 : memref<!tpu.dma_semaphore, #tpu.memory_space<semaphore_mem>>)
      %dma_start3A_567 = arith.constant 8 : i32
      %dma_start3A_568 = arith.constant 8 : i32
      %dma_start3A_569 = arith.constant 0 : i32
      %dma_start3A_570 = arith.constant 0 : i32
      %dma_start3A_571 = tpu.memref_slice %arg7[%dma_start3A_568, %dma_start3A_569, %dma_start3A_570] : memref<19x8x256xf32, #tpu.memory_space<vmem>> -> memref<1x8x256xf32, #tpu.memory_space<vmem>>
      %dma_start3A_572 = tpu.memref_squeeze %dma_start3A_571 : memref<1x8x256xf32, #tpu.memory_space<vmem>> -> memref<8x256xf32, #tpu.memory_space<vmem>>
      %dma_start3A_573 = tpu.memref_slice %arg2[%select_n3A_391, %dma_start3A_567, %mul3A_436, %mul3A_454] : memref<4x19x512x512xf32, #tpu.memory_space<hbm>> -> memref<1x1x8x256xf32, #tpu.memory_space<hbm>>
      %dma_start3A_574 = tpu.memref_squeeze %dma_start3A_573 : memref<1x1x8x256xf32, #tpu.memory_space<hbm>> -> memref<8x256xf32, #tpu.memory_space<hbm>>
      %dma_start3A_575 = arith.constant 0 : i32
      %dma_start3A_576 = arith.constant 0 : i32
      %dma_start3A_577 = tpu.memref_slice %arg7[%dma_start3A_568, %dma_start3A_575, %dma_start3A_576] : memref<19x8x256xf32, #tpu.memory_space<vmem>> -> memref<1x8x256xf32, #tpu.memory_space<vmem>>
      %dma_start3A_578 = tpu.memref_squeeze %dma_start3A_577 : memref<1x8x256xf32, #tpu.memory_space<vmem>> -> memref<8x256xf32, #tpu.memory_space<vmem>>
      %dma_start3A_579 = tpu.memref_slice %arg2[%select_n3A_391, %dma_start3A_567, %mul3A_436, %mul3A_454] : memref<4x19x512x512xf32, #tpu.memory_space<hbm>> -> memref<1x1x8x256xf32, #tpu.memory_space<hbm>>
      %dma_start3A_580 = tpu.memref_squeeze %dma_start3A_579 : memref<1x1x8x256xf32, #tpu.memory_space<hbm>> -> memref<8x256xf32, #tpu.memory_space<hbm>>
      tpu.enqueue_dma source(%dma_start3A_580 : memref<8x256xf32, #tpu.memory_space<hbm>>) target(%dma_start3A_578 : memref<8x256xf32, #tpu.memory_space<vmem>>) target_semaphore(%arg14 : memref<!tpu.dma_semaphore, #tpu.memory_space<semaphore_mem>>)
      %dma_start3A_581 = arith.constant 9 : i32
      %dma_start3A_582 = arith.constant 9 : i32
      %dma_start3A_583 = arith.constant 0 : i32
      %dma_start3A_584 = arith.constant 0 : i32
      %dma_start3A_585 = tpu.memref_slice %arg7[%dma_start3A_582, %dma_start3A_583, %dma_start3A_584] : memref<19x8x256xf32, #tpu.memory_space<vmem>> -> memref<1x8x256xf32, #tpu.memory_space<vmem>>
      %dma_start3A_586 = tpu.memref_squeeze %dma_start3A_585 : memref<1x8x256xf32, #tpu.memory_space<vmem>> -> memref<8x256xf32, #tpu.memory_space<vmem>>
      %dma_start3A_587 = tpu.memref_slice %arg2[%select_n3A_391, %dma_start3A_581, %mul3A_436, %mul3A_454] : memref<4x19x512x512xf32, #tpu.memory_space<hbm>> -> memref<1x1x8x256xf32, #tpu.memory_space<hbm>>
      %dma_start3A_588 = tpu.memref_squeeze %dma_start3A_587 : memref<1x1x8x256xf32, #tpu.memory_space<hbm>> -> memref<8x256xf32, #tpu.memory_space<hbm>>
      %dma_start3A_589 = arith.constant 0 : i32
      %dma_start3A_590 = arith.constant 0 : i32
      %dma_start3A_591 = tpu.memref_slice %arg7[%dma_start3A_582, %dma_start3A_589, %dma_start3A_590] : memref<19x8x256xf32, #tpu.memory_space<vmem>> -> memref<1x8x256xf32, #tpu.memory_space<vmem>>
      %dma_start3A_592 = tpu.memref_squeeze %dma_start3A_591 : memref<1x8x256xf32, #tpu.memory_space<vmem>> -> memref<8x256xf32, #tpu.memory_space<vmem>>
      %dma_start3A_593 = tpu.memref_slice %arg2[%select_n3A_391, %dma_start3A_581, %mul3A_436, %mul3A_454] : memref<4x19x512x512xf32, #tpu.memory_space<hbm>> -> memref<1x1x8x256xf32, #tpu.memory_space<hbm>>
      %dma_start3A_594 = tpu.memref_squeeze %dma_start3A_593 : memref<1x1x8x256xf32, #tpu.memory_space<hbm>> -> memref<8x256xf32, #tpu.memory_space<hbm>>
      tpu.enqueue_dma source(%dma_start3A_594 : memref<8x256xf32, #tpu.memory_space<hbm>>) target(%dma_start3A_592 : memref<8x256xf32, #tpu.memory_space<vmem>>) target_semaphore(%arg14 : memref<!tpu.dma_semaphore, #tpu.memory_space<semaphore_mem>>)
      %dma_start3A_595 = arith.constant 10 : i32
      %dma_start3A_596 = arith.constant 10 : i32
      %dma_start3A_597 = arith.constant 0 : i32
      %dma_start3A_598 = arith.constant 0 : i32
      %dma_start3A_599 = tpu.memref_slice %arg7[%dma_start3A_596, %dma_start3A_597, %dma_start3A_598] : memref<19x8x256xf32, #tpu.memory_space<vmem>> -> memref<1x8x256xf32, #tpu.memory_space<vmem>>
      %dma_start3A_600 = tpu.memref_squeeze %dma_start3A_599 : memref<1x8x256xf32, #tpu.memory_space<vmem>> -> memref<8x256xf32, #tpu.memory_space<vmem>>
      %dma_start3A_601 = tpu.memref_slice %arg2[%select_n3A_391, %dma_start3A_595, %mul3A_436, %mul3A_454] : memref<4x19x512x512xf32, #tpu.memory_space<hbm>> -> memref<1x1x8x256xf32, #tpu.memory_space<hbm>>
      %dma_start3A_602 = tpu.memref_squeeze %dma_start3A_601 : memref<1x1x8x256xf32, #tpu.memory_space<hbm>> -> memref<8x256xf32, #tpu.memory_space<hbm>>
      %dma_start3A_603 = arith.constant 0 : i32
      %dma_start3A_604 = arith.constant 0 : i32
      %dma_start3A_605 = tpu.memref_slice %arg7[%dma_start3A_596, %dma_start3A_603, %dma_start3A_604] : memref<19x8x256xf32, #tpu.memory_space<vmem>> -> memref<1x8x256xf32, #tpu.memory_space<vmem>>
      %dma_start3A_606 = tpu.memref_squeeze %dma_start3A_605 : memref<1x8x256xf32, #tpu.memory_space<vmem>> -> memref<8x256xf32, #tpu.memory_space<vmem>>
      %dma_start3A_607 = tpu.memref_slice %arg2[%select_n3A_391, %dma_start3A_595, %mul3A_436, %mul3A_454] : memref<4x19x512x512xf32, #tpu.memory_space<hbm>> -> memref<1x1x8x256xf32, #tpu.memory_space<hbm>>
      %dma_start3A_608 = tpu.memref_squeeze %dma_start3A_607 : memref<1x1x8x256xf32, #tpu.memory_space<hbm>> -> memref<8x256xf32, #tpu.memory_space<hbm>>
      tpu.enqueue_dma source(%dma_start3A_608 : memref<8x256xf32, #tpu.memory_space<hbm>>) target(%dma_start3A_606 : memref<8x256xf32, #tpu.memory_space<vmem>>) target_semaphore(%arg14 : memref<!tpu.dma_semaphore, #tpu.memory_space<semaphore_mem>>)
      %dma_start3A_609 = arith.constant 11 : i32
      %dma_start3A_610 = arith.constant 11 : i32
      %dma_start3A_611 = arith.constant 0 : i32
      %dma_start3A_612 = arith.constant 0 : i32
      %dma_start3A_613 = tpu.memref_slice %arg7[%dma_start3A_610, %dma_start3A_611, %dma_start3A_612] : memref<19x8x256xf32, #tpu.memory_space<vmem>> -> memref<1x8x256xf32, #tpu.memory_space<vmem>>
      %dma_start3A_614 = tpu.memref_squeeze %dma_start3A_613 : memref<1x8x256xf32, #tpu.memory_space<vmem>> -> memref<8x256xf32, #tpu.memory_space<vmem>>
      %dma_start3A_615 = tpu.memref_slice %arg2[%select_n3A_391, %dma_start3A_609, %mul3A_436, %mul3A_454] : memref<4x19x512x512xf32, #tpu.memory_space<hbm>> -> memref<1x1x8x256xf32, #tpu.memory_space<hbm>>
      %dma_start3A_616 = tpu.memref_squeeze %dma_start3A_615 : memref<1x1x8x256xf32, #tpu.memory_space<hbm>> -> memref<8x256xf32, #tpu.memory_space<hbm>>
      %dma_start3A_617 = arith.constant 0 : i32
      %dma_start3A_618 = arith.constant 0 : i32
      %dma_start3A_619 = tpu.memref_slice %arg7[%dma_start3A_610, %dma_start3A_617, %dma_start3A_618] : memref<19x8x256xf32, #tpu.memory_space<vmem>> -> memref<1x8x256xf32, #tpu.memory_space<vmem>>
      %dma_start3A_620 = tpu.memref_squeeze %dma_start3A_619 : memref<1x8x256xf32, #tpu.memory_space<vmem>> -> memref<8x256xf32, #tpu.memory_space<vmem>>
      %dma_start3A_621 = tpu.memref_slice %arg2[%select_n3A_391, %dma_start3A_609, %mul3A_436, %mul3A_454] : memref<4x19x512x512xf32, #tpu.memory_space<hbm>> -> memref<1x1x8x256xf32, #tpu.memory_space<hbm>>
      %dma_start3A_622 = tpu.memref_squeeze %dma_start3A_621 : memref<1x1x8x256xf32, #tpu.memory_space<hbm>> -> memref<8x256xf32, #tpu.memory_space<hbm>>
      tpu.enqueue_dma source(%dma_start3A_622 : memref<8x256xf32, #tpu.memory_space<hbm>>) target(%dma_start3A_620 : memref<8x256xf32, #tpu.memory_space<vmem>>) target_semaphore(%arg14 : memref<!tpu.dma_semaphore, #tpu.memory_space<semaphore_mem>>)
      %dma_start3A_623 = arith.constant 12 : i32
      %dma_start3A_624 = arith.constant 12 : i32
      %dma_start3A_625 = arith.constant 0 : i32
      %dma_start3A_626 = arith.constant 0 : i32
      %dma_start3A_627 = tpu.memref_slice %arg7[%dma_start3A_624, %dma_start3A_625, %dma_start3A_626] : memref<19x8x256xf32, #tpu.memory_space<vmem>> -> memref<1x8x256xf32, #tpu.memory_space<vmem>>
      %dma_start3A_628 = tpu.memref_squeeze %dma_start3A_627 : memref<1x8x256xf32, #tpu.memory_space<vmem>> -> memref<8x256xf32, #tpu.memory_space<vmem>>
      %dma_start3A_629 = tpu.memref_slice %arg2[%select_n3A_391, %dma_start3A_623, %mul3A_436, %mul3A_454] : memref<4x19x512x512xf32, #tpu.memory_space<hbm>> -> memref<1x1x8x256xf32, #tpu.memory_space<hbm>>
      %dma_start3A_630 = tpu.memref_squeeze %dma_start3A_629 : memref<1x1x8x256xf32, #tpu.memory_space<hbm>> -> memref<8x256xf32, #tpu.memory_space<hbm>>
      %dma_start3A_631 = arith.constant 0 : i32
      %dma_start3A_632 = arith.constant 0 : i32
      %dma_start3A_633 = tpu.memref_slice %arg7[%dma_start3A_624, %dma_start3A_631, %dma_start3A_632] : memref<19x8x256xf32, #tpu.memory_space<vmem>> -> memref<1x8x256xf32, #tpu.memory_space<vmem>>
      %dma_start3A_634 = tpu.memref_squeeze %dma_start3A_633 : memref<1x8x256xf32, #tpu.memory_space<vmem>> -> memref<8x256xf32, #tpu.memory_space<vmem>>
      %dma_start3A_635 = tpu.memref_slice %arg2[%select_n3A_391, %dma_start3A_623, %mul3A_436, %mul3A_454] : memref<4x19x512x512xf32, #tpu.memory_space<hbm>> -> memref<1x1x8x256xf32, #tpu.memory_space<hbm>>
      %dma_start3A_636 = tpu.memref_squeeze %dma_start3A_635 : memref<1x1x8x256xf32, #tpu.memory_space<hbm>> -> memref<8x256xf32, #tpu.memory_space<hbm>>
      tpu.enqueue_dma source(%dma_start3A_636 : memref<8x256xf32, #tpu.memory_space<hbm>>) target(%dma_start3A_634 : memref<8x256xf32, #tpu.memory_space<vmem>>) target_semaphore(%arg14 : memref<!tpu.dma_semaphore, #tpu.memory_space<semaphore_mem>>)
      %dma_start3A_637 = arith.constant 13 : i32
      %dma_start3A_638 = arith.constant 13 : i32
      %dma_start3A_639 = arith.constant 0 : i32
      %dma_start3A_640 = arith.constant 0 : i32
      %dma_start3A_641 = tpu.memref_slice %arg7[%dma_start3A_638, %dma_start3A_639, %dma_start3A_640] : memref<19x8x256xf32, #tpu.memory_space<vmem>> -> memref<1x8x256xf32, #tpu.memory_space<vmem>>
      %dma_start3A_642 = tpu.memref_squeeze %dma_start3A_641 : memref<1x8x256xf32, #tpu.memory_space<vmem>> -> memref<8x256xf32, #tpu.memory_space<vmem>>
      %dma_start3A_643 = tpu.memref_slice %arg2[%select_n3A_391, %dma_start3A_637, %mul3A_436, %mul3A_454] : memref<4x19x512x512xf32, #tpu.memory_space<hbm>> -> memref<1x1x8x256xf32, #tpu.memory_space<hbm>>
      %dma_start3A_644 = tpu.memref_squeeze %dma_start3A_643 : memref<1x1x8x256xf32, #tpu.memory_space<hbm>> -> memref<8x256xf32, #tpu.memory_space<hbm>>
      %dma_start3A_645 = arith.constant 0 : i32
      %dma_start3A_646 = arith.constant 0 : i32
      %dma_start3A_647 = tpu.memref_slice %arg7[%dma_start3A_638, %dma_start3A_645, %dma_start3A_646] : memref<19x8x256xf32, #tpu.memory_space<vmem>> -> memref<1x8x256xf32, #tpu.memory_space<vmem>>
      %dma_start3A_648 = tpu.memref_squeeze %dma_start3A_647 : memref<1x8x256xf32, #tpu.memory_space<vmem>> -> memref<8x256xf32, #tpu.memory_space<vmem>>
      %dma_start3A_649 = tpu.memref_slice %arg2[%select_n3A_391, %dma_start3A_637, %mul3A_436, %mul3A_454] : memref<4x19x512x512xf32, #tpu.memory_space<hbm>> -> memref<1x1x8x256xf32, #tpu.memory_space<hbm>>
      %dma_start3A_650 = tpu.memref_squeeze %dma_start3A_649 : memref<1x1x8x256xf32, #tpu.memory_space<hbm>> -> memref<8x256xf32, #tpu.memory_space<hbm>>
      tpu.enqueue_dma source(%dma_start3A_650 : memref<8x256xf32, #tpu.memory_space<hbm>>) target(%dma_start3A_648 : memref<8x256xf32, #tpu.memory_space<vmem>>) target_semaphore(%arg14 : memref<!tpu.dma_semaphore, #tpu.memory_space<semaphore_mem>>)
      %dma_start3A_651 = arith.constant 14 : i32
      %dma_start3A_652 = arith.constant 14 : i32
      %dma_start3A_653 = arith.constant 0 : i32
      %dma_start3A_654 = arith.constant 0 : i32
      %dma_start3A_655 = tpu.memref_slice %arg7[%dma_start3A_652, %dma_start3A_653, %dma_start3A_654] : memref<19x8x256xf32, #tpu.memory_space<vmem>> -> memref<1x8x256xf32, #tpu.memory_space<vmem>>
      %dma_start3A_656 = tpu.memref_squeeze %dma_start3A_655 : memref<1x8x256xf32, #tpu.memory_space<vmem>> -> memref<8x256xf32, #tpu.memory_space<vmem>>
      %dma_start3A_657 = tpu.memref_slice %arg2[%select_n3A_391, %dma_start3A_651, %mul3A_436, %mul3A_454] : memref<4x19x512x512xf32, #tpu.memory_space<hbm>> -> memref<1x1x8x256xf32, #tpu.memory_space<hbm>>
      %dma_start3A_658 = tpu.memref_squeeze %dma_start3A_657 : memref<1x1x8x256xf32, #tpu.memory_space<hbm>> -> memref<8x256xf32, #tpu.memory_space<hbm>>
      %dma_start3A_659 = arith.constant 0 : i32
      %dma_start3A_660 = arith.constant 0 : i32
      %dma_start3A_661 = tpu.memref_slice %arg7[%dma_start3A_652, %dma_start3A_659, %dma_start3A_660] : memref<19x8x256xf32, #tpu.memory_space<vmem>> -> memref<1x8x256xf32, #tpu.memory_space<vmem>>
      %dma_start3A_662 = tpu.memref_squeeze %dma_start3A_661 : memref<1x8x256xf32, #tpu.memory_space<vmem>> -> memref<8x256xf32, #tpu.memory_space<vmem>>
      %dma_start3A_663 = tpu.memref_slice %arg2[%select_n3A_391, %dma_start3A_651, %mul3A_436, %mul3A_454] : memref<4x19x512x512xf32, #tpu.memory_space<hbm>> -> memref<1x1x8x256xf32, #tpu.memory_space<hbm>>
      %dma_start3A_664 = tpu.memref_squeeze %dma_start3A_663 : memref<1x1x8x256xf32, #tpu.memory_space<hbm>> -> memref<8x256xf32, #tpu.memory_space<hbm>>
      tpu.enqueue_dma source(%dma_start3A_664 : memref<8x256xf32, #tpu.memory_space<hbm>>) target(%dma_start3A_662 : memref<8x256xf32, #tpu.memory_space<vmem>>) target_semaphore(%arg14 : memref<!tpu.dma_semaphore, #tpu.memory_space<semaphore_mem>>)
      %dma_start3A_665 = arith.constant 15 : i32
      %dma_start3A_666 = arith.constant 15 : i32
      %dma_start3A_667 = arith.constant 0 : i32
      %dma_start3A_668 = arith.constant 0 : i32
      %dma_start3A_669 = tpu.memref_slice %arg7[%dma_start3A_666, %dma_start3A_667, %dma_start3A_668] : memref<19x8x256xf32, #tpu.memory_space<vmem>> -> memref<1x8x256xf32, #tpu.memory_space<vmem>>
      %dma_start3A_670 = tpu.memref_squeeze %dma_start3A_669 : memref<1x8x256xf32, #tpu.memory_space<vmem>> -> memref<8x256xf32, #tpu.memory_space<vmem>>
      %dma_start3A_671 = tpu.memref_slice %arg2[%select_n3A_391, %dma_start3A_665, %mul3A_436, %mul3A_454] : memref<4x19x512x512xf32, #tpu.memory_space<hbm>> -> memref<1x1x8x256xf32, #tpu.memory_space<hbm>>
      %dma_start3A_672 = tpu.memref_squeeze %dma_start3A_671 : memref<1x1x8x256xf32, #tpu.memory_space<hbm>> -> memref<8x256xf32, #tpu.memory_space<hbm>>
      %dma_start3A_673 = arith.constant 0 : i32
      %dma_start3A_674 = arith.constant 0 : i32
      %dma_start3A_675 = tpu.memref_slice %arg7[%dma_start3A_666, %dma_start3A_673, %dma_start3A_674] : memref<19x8x256xf32, #tpu.memory_space<vmem>> -> memref<1x8x256xf32, #tpu.memory_space<vmem>>
      %dma_start3A_676 = tpu.memref_squeeze %dma_start3A_675 : memref<1x8x256xf32, #tpu.memory_space<vmem>> -> memref<8x256xf32, #tpu.memory_space<vmem>>
      %dma_start3A_677 = tpu.memref_slice %arg2[%select_n3A_391, %dma_start3A_665, %mul3A_436, %mul3A_454] : memref<4x19x512x512xf32, #tpu.memory_space<hbm>> -> memref<1x1x8x256xf32, #tpu.memory_space<hbm>>
      %dma_start3A_678 = tpu.memref_squeeze %dma_start3A_677 : memref<1x1x8x256xf32, #tpu.memory_space<hbm>> -> memref<8x256xf32, #tpu.memory_space<hbm>>
      tpu.enqueue_dma source(%dma_start3A_678 : memref<8x256xf32, #tpu.memory_space<hbm>>) target(%dma_start3A_676 : memref<8x256xf32, #tpu.memory_space<vmem>>) target_semaphore(%arg14 : memref<!tpu.dma_semaphore, #tpu.memory_space<semaphore_mem>>)
      %dma_start3A_679 = arith.constant 16 : i32
      %dma_start3A_680 = arith.constant 16 : i32
      %dma_start3A_681 = arith.constant 0 : i32
      %dma_start3A_682 = arith.constant 0 : i32
      %dma_start3A_683 = tpu.memref_slice %arg7[%dma_start3A_680, %dma_start3A_681, %dma_start3A_682] : memref<19x8x256xf32, #tpu.memory_space<vmem>> -> memref<1x8x256xf32, #tpu.memory_space<vmem>>
      %dma_start3A_684 = tpu.memref_squeeze %dma_start3A_683 : memref<1x8x256xf32, #tpu.memory_space<vmem>> -> memref<8x256xf32, #tpu.memory_space<vmem>>
      %dma_start3A_685 = tpu.memref_slice %arg2[%select_n3A_391, %dma_start3A_679, %mul3A_436, %mul3A_454] : memref<4x19x512x512xf32, #tpu.memory_space<hbm>> -> memref<1x1x8x256xf32, #tpu.memory_space<hbm>>
      %dma_start3A_686 = tpu.memref_squeeze %dma_start3A_685 : memref<1x1x8x256xf32, #tpu.memory_space<hbm>> -> memref<8x256xf32, #tpu.memory_space<hbm>>
      %dma_start3A_687 = arith.constant 0 : i32
      %dma_start3A_688 = arith.constant 0 : i32
      %dma_start3A_689 = tpu.memref_slice %arg7[%dma_start3A_680, %dma_start3A_687, %dma_start3A_688] : memref<19x8x256xf32, #tpu.memory_space<vmem>> -> memref<1x8x256xf32, #tpu.memory_space<vmem>>
      %dma_start3A_690 = tpu.memref_squeeze %dma_start3A_689 : memref<1x8x256xf32, #tpu.memory_space<vmem>> -> memref<8x256xf32, #tpu.memory_space<vmem>>
      %dma_start3A_691 = tpu.memref_slice %arg2[%select_n3A_391, %dma_start3A_679, %mul3A_436, %mul3A_454] : memref<4x19x512x512xf32, #tpu.memory_space<hbm>> -> memref<1x1x8x256xf32, #tpu.memory_space<hbm>>
      %dma_start3A_692 = tpu.memref_squeeze %dma_start3A_691 : memref<1x1x8x256xf32, #tpu.memory_space<hbm>> -> memref<8x256xf32, #tpu.memory_space<hbm>>
      tpu.enqueue_dma source(%dma_start3A_692 : memref<8x256xf32, #tpu.memory_space<hbm>>) target(%dma_start3A_690 : memref<8x256xf32, #tpu.memory_space<vmem>>) target_semaphore(%arg14 : memref<!tpu.dma_semaphore, #tpu.memory_space<semaphore_mem>>)
      %dma_start3A_693 = arith.constant 17 : i32
      %dma_start3A_694 = arith.constant 17 : i32
      %dma_start3A_695 = arith.constant 0 : i32
      %dma_start3A_696 = arith.constant 0 : i32
      %dma_start3A_697 = tpu.memref_slice %arg7[%dma_start3A_694, %dma_start3A_695, %dma_start3A_696] : memref<19x8x256xf32, #tpu.memory_space<vmem>> -> memref<1x8x256xf32, #tpu.memory_space<vmem>>
      %dma_start3A_698 = tpu.memref_squeeze %dma_start3A_697 : memref<1x8x256xf32, #tpu.memory_space<vmem>> -> memref<8x256xf32, #tpu.memory_space<vmem>>
      %dma_start3A_699 = tpu.memref_slice %arg2[%select_n3A_391, %dma_start3A_693, %mul3A_436, %mul3A_454] : memref<4x19x512x512xf32, #tpu.memory_space<hbm>> -> memref<1x1x8x256xf32, #tpu.memory_space<hbm>>
      %dma_start3A_700 = tpu.memref_squeeze %dma_start3A_699 : memref<1x1x8x256xf32, #tpu.memory_space<hbm>> -> memref<8x256xf32, #tpu.memory_space<hbm>>
      %dma_start3A_701 = arith.constant 0 : i32
      %dma_start3A_702 = arith.constant 0 : i32
      %dma_start3A_703 = tpu.memref_slice %arg7[%dma_start3A_694, %dma_start3A_701, %dma_start3A_702] : memref<19x8x256xf32, #tpu.memory_space<vmem>> -> memref<1x8x256xf32, #tpu.memory_space<vmem>>
      %dma_start3A_704 = tpu.memref_squeeze %dma_start3A_703 : memref<1x8x256xf32, #tpu.memory_space<vmem>> -> memref<8x256xf32, #tpu.memory_space<vmem>>
      %dma_start3A_705 = tpu.memref_slice %arg2[%select_n3A_391, %dma_start3A_693, %mul3A_436, %mul3A_454] : memref<4x19x512x512xf32, #tpu.memory_space<hbm>> -> memref<1x1x8x256xf32, #tpu.memory_space<hbm>>
      %dma_start3A_706 = tpu.memref_squeeze %dma_start3A_705 : memref<1x1x8x256xf32, #tpu.memory_space<hbm>> -> memref<8x256xf32, #tpu.memory_space<hbm>>
      tpu.enqueue_dma source(%dma_start3A_706 : memref<8x256xf32, #tpu.memory_space<hbm>>) target(%dma_start3A_704 : memref<8x256xf32, #tpu.memory_space<vmem>>) target_semaphore(%arg14 : memref<!tpu.dma_semaphore, #tpu.memory_space<semaphore_mem>>)
      %dma_start3A_707 = arith.constant 18 : i32
      %dma_start3A_708 = arith.constant 18 : i32
      %dma_start3A_709 = arith.constant 0 : i32
      %dma_start3A_710 = arith.constant 0 : i32
      %dma_start3A_711 = tpu.memref_slice %arg7[%dma_start3A_708, %dma_start3A_709, %dma_start3A_710] : memref<19x8x256xf32, #tpu.memory_space<vmem>> -> memref<1x8x256xf32, #tpu.memory_space<vmem>>
      %dma_start3A_712 = tpu.memref_squeeze %dma_start3A_711 : memref<1x8x256xf32, #tpu.memory_space<vmem>> -> memref<8x256xf32, #tpu.memory_space<vmem>>
      %dma_start3A_713 = tpu.memref_slice %arg2[%select_n3A_391, %dma_start3A_707, %mul3A_436, %mul3A_454] : memref<4x19x512x512xf32, #tpu.memory_space<hbm>> -> memref<1x1x8x256xf32, #tpu.memory_space<hbm>>
      %dma_start3A_714 = tpu.memref_squeeze %dma_start3A_713 : memref<1x1x8x256xf32, #tpu.memory_space<hbm>> -> memref<8x256xf32, #tpu.memory_space<hbm>>
      %dma_start3A_715 = arith.constant 0 : i32
      %dma_start3A_716 = arith.constant 0 : i32
      %dma_start3A_717 = tpu.memref_slice %arg7[%dma_start3A_708, %dma_start3A_715, %dma_start3A_716] : memref<19x8x256xf32, #tpu.memory_space<vmem>> -> memref<1x8x256xf32, #tpu.memory_space<vmem>>
      %dma_start3A_718 = tpu.memref_squeeze %dma_start3A_717 : memref<1x8x256xf32, #tpu.memory_space<vmem>> -> memref<8x256xf32, #tpu.memory_space<vmem>>
      %dma_start3A_719 = tpu.memref_slice %arg2[%select_n3A_391, %dma_start3A_707, %mul3A_436, %mul3A_454] : memref<4x19x512x512xf32, #tpu.memory_space<hbm>> -> memref<1x1x8x256xf32, #tpu.memory_space<hbm>>
      %dma_start3A_720 = tpu.memref_squeeze %dma_start3A_719 : memref<1x1x8x256xf32, #tpu.memory_space<hbm>> -> memref<8x256xf32, #tpu.memory_space<hbm>>
      tpu.enqueue_dma source(%dma_start3A_720 : memref<8x256xf32, #tpu.memory_space<hbm>>) target(%dma_start3A_718 : memref<8x256xf32, #tpu.memory_space<vmem>>) target_semaphore(%arg14 : memref<!tpu.dma_semaphore, #tpu.memory_space<semaphore_mem>>)
      %dma_start3A_721 = tpu.memref_slice %arg3[%select_n3A_391, %mul3A_436, %mul3A_454] : memref<4x512x512xi32, #tpu.memory_space<hbm>> -> memref<1x8x256xi32, #tpu.memory_space<hbm>>
      %dma_start3A_722 = tpu.memref_squeeze %dma_start3A_721 : memref<1x8x256xi32, #tpu.memory_space<hbm>> -> memref<8x256xi32, #tpu.memory_space<hbm>>
      %dma_start3A_723 = tpu.memref_slice %arg3[%select_n3A_391, %mul3A_436, %mul3A_454] : memref<4x512x512xi32, #tpu.memory_space<hbm>> -> memref<1x8x256xi32, #tpu.memory_space<hbm>>
      %dma_start3A_724 = tpu.memref_squeeze %dma_start3A_723 : memref<1x8x256xi32, #tpu.memory_space<hbm>> -> memref<8x256xi32, #tpu.memory_space<hbm>>
      tpu.enqueue_dma source(%dma_start3A_724 : memref<8x256xi32, #tpu.memory_space<hbm>>) target(%arg8 : memref<8x256xi32, #tpu.memory_space<vmem>>) target_semaphore(%arg14 : memref<!tpu.dma_semaphore, #tpu.memory_space<semaphore_mem>>)
      %dma_wait3A = arith.constant 0 : i32
      %dma_wait3A_725 = arith.constant 0 : i32
      %dma_wait3A_726 = arith.constant 0 : i32
      %dma_wait3A_727 = arith.constant 0 : i32
      %dma_wait3A_728 = tpu.memref_slice %arg2[%dma_wait3A, %dma_wait3A_725, %dma_wait3A_726, %dma_wait3A_727] : memref<4x19x512x512xf32, #tpu.memory_space<hbm>> -> memref<1x19x8x256xf32, #tpu.memory_space<hbm>>
      %dma_wait3A_729 = tpu.memref_squeeze %dma_wait3A_728 : memref<1x19x8x256xf32, #tpu.memory_space<hbm>> -> memref<19x8x256xf32, #tpu.memory_space<hbm>>
      %dma_wait3A_730 = arith.constant 0 : i32
      %dma_wait3A_731 = arith.constant 0 : i32
      %dma_wait3A_732 = arith.constant 0 : i32
      %dma_wait3A_733 = tpu.memref_slice %arg2[%dma_wait3A, %dma_wait3A_730, %dma_wait3A_731, %dma_wait3A_732] : memref<4x19x512x512xf32, #tpu.memory_space<hbm>> -> memref<1x19x8x256xf32, #tpu.memory_space<hbm>>
      %dma_wait3A_734 = tpu.memref_squeeze %dma_wait3A_733 : memref<1x19x8x256xf32, #tpu.memory_space<hbm>> -> memref<19x8x256xf32, #tpu.memory_space<hbm>>
      tpu.wait_dma2 semaphore(%arg13 : memref<!tpu.dma_semaphore, #tpu.memory_space<semaphore_mem>>) src(%dma_wait3A_734 : memref<19x8x256xf32, #tpu.memory_space<hbm>>) dst(%arg5 : memref<19x8x256xf32, #tpu.memory_space<vmem>>)
      %dma_wait3A_735 = arith.constant 0 : i32
      %dma_wait3A_736 = arith.constant 0 : i32
      %dma_wait3A_737 = arith.constant 0 : i32
      %dma_wait3A_738 = tpu.memref_slice %arg3[%dma_wait3A_735, %dma_wait3A_736, %dma_wait3A_737] : memref<4x512x512xi32, #tpu.memory_space<hbm>> -> memref<1x8x256xi32, #tpu.memory_space<hbm>>
      %dma_wait3A_739 = tpu.memref_squeeze %dma_wait3A_738 : memref<1x8x256xi32, #tpu.memory_space<hbm>> -> memref<8x256xi32, #tpu.memory_space<hbm>>
      %dma_wait3A_740 = arith.constant 0 : i32
      %dma_wait3A_741 = arith.constant 0 : i32
      %dma_wait3A_742 = tpu.memref_slice %arg3[%dma_wait3A_735, %dma_wait3A_740, %dma_wait3A_741] : memref<4x512x512xi32, #tpu.memory_space<hbm>> -> memref<1x8x256xi32, #tpu.memory_space<hbm>>
      %dma_wait3A_743 = tpu.memref_squeeze %dma_wait3A_742 : memref<1x8x256xi32, #tpu.memory_space<hbm>> -> memref<8x256xi32, #tpu.memory_space<hbm>>
      tpu.wait_dma2 semaphore(%arg13 : memref<!tpu.dma_semaphore, #tpu.memory_space<semaphore_mem>>) src(%dma_wait3A_743 : memref<8x256xi32, #tpu.memory_space<hbm>>) dst(%arg6 : memref<8x256xi32, #tpu.memory_space<vmem>>)
      %parallel_loop3A_744 = arith.constant 0 : i32
      %parallel_loop3A_745 = arith.constant 128 : i32
      %parallel_loop3A_746 = arith.constant 1 : i32
      scf.for %parallel_loop3A_780 = %parallel_loop3A_744 to %parallel_loop3A_745 step %parallel_loop3A_746  : i32 {
        %parallel_loop3A_781 = arith.constant 16 : i32
        %parallel_loop3A_782 = arith.divsi %parallel_loop3A_780, %parallel_loop3A_781 : i32
        %parallel_loop3A_783 = arith.constant 0 : i32
        %parallel_loop3A_784 = arith.cmpi sgt, %parallel_loop3A_780, %parallel_loop3A_783 : i32
        %parallel_loop3A_785 = arith.extui %parallel_loop3A_784 : i1 to i32
        %parallel_loop3A_786 = arith.constant 0 : i32
        %parallel_loop3A_787 = arith.cmpi slt, %parallel_loop3A_780, %parallel_loop3A_786 : i32
        %parallel_loop3A_788 = arith.extui %parallel_loop3A_787 : i1 to i32
        %parallel_loop3A_789 = arith.subi %parallel_loop3A_785, %parallel_loop3A_788 : i32
        %parallel_loop3A_790 = arith.constant 0 : i32
        %parallel_loop3A_791 = arith.cmpi sgt, %parallel_loop3A_781, %parallel_loop3A_790 : i32
        %parallel_loop3A_792 = arith.extui %parallel_loop3A_791 : i1 to i32
        %parallel_loop3A_793 = arith.constant 0 : i32
        %parallel_loop3A_794 = arith.cmpi slt, %parallel_loop3A_781, %parallel_loop3A_793 : i32
        %parallel_loop3A_795 = arith.extui %parallel_loop3A_794 : i1 to i32
        %parallel_loop3A_796 = arith.subi %parallel_loop3A_792, %parallel_loop3A_795 : i32
        %parallel_loop3A_797 = arith.cmpi ne, %parallel_loop3A_789, %parallel_loop3A_796 : i32
        %parallel_loop3A_798 = arith.remsi %parallel_loop3A_780, %parallel_loop3A_781 : i32
        %parallel_loop3A_799 = arith.constant 0 : i32
        %parallel_loop3A_800 = arith.cmpi ne, %parallel_loop3A_798, %parallel_loop3A_799 : i32
        %parallel_loop3A_801 = arith.andi %parallel_loop3A_797, %parallel_loop3A_800 : i1
        %parallel_loop3A_802 = arith.constant 1 : i32
        %parallel_loop3A_803 = arith.subi %parallel_loop3A_782, %parallel_loop3A_802 : i32
        %parallel_loop3A_804 = arith.select %parallel_loop3A_801, %parallel_loop3A_803, %parallel_loop3A_782 : i32
        %parallel_loop3A_805 = arith.constant 16 : i32
        %parallel_loop3A_806 = arith.constant 0 : i32
        %parallel_loop3A_807 = arith.cmpi eq, %parallel_loop3A_805, %parallel_loop3A_806 : i32
        %parallel_loop3A_808 = arith.constant 1 : i32
        %parallel_loop3A_809 = arith.select %parallel_loop3A_807, %parallel_loop3A_808, %parallel_loop3A_805 : i32
        %parallel_loop3A_810 = arith.remsi %parallel_loop3A_780, %parallel_loop3A_809 : i32
        %parallel_loop3A_811 = arith.constant 0 : i32
        %parallel_loop3A_812 = arith.cmpi ne, %parallel_loop3A_810, %parallel_loop3A_811 : i32
        %parallel_loop3A_813 = arith.constant 0 : i32
        %parallel_loop3A_814 = arith.cmpi slt, %parallel_loop3A_810, %parallel_loop3A_813 : i32
        %parallel_loop3A_815 = arith.constant 0 : i32
        %parallel_loop3A_816 = arith.cmpi slt, %parallel_loop3A_809, %parallel_loop3A_815 : i32
        %parallel_loop3A_817 = arith.xori %parallel_loop3A_814, %parallel_loop3A_816 : i1
        %parallel_loop3A_818 = arith.andi %parallel_loop3A_817, %parallel_loop3A_812 : i1
        %parallel_loop3A_819 = arith.addi %parallel_loop3A_810, %parallel_loop3A_809 : i32
        %parallel_loop3A_820 = arith.select %parallel_loop3A_818, %parallel_loop3A_819, %parallel_loop3A_810 : i32
        %parallel_loop3A_821 = arith.constant 16 : i32
        %parallel_loop3A_822 = arith.muli %parallel_loop3A_820, %parallel_loop3A_821 : i32
        %parallel_loop3A_823 = arith.constant 0 : i32
        %parallel_loop3A_824 = arith.index_cast %parallel_loop3A_823 : i32 to index
        %parallel_loop3A_825 = arith.index_cast %parallel_loop3A_804 : i32 to index
        %parallel_loop3A_826 = arith.index_cast %parallel_loop3A_822 : i32 to index
        %parallel_loop3A_827 = tpu.vector_load %arg5[%parallel_loop3A_824, %parallel_loop3A_825, %parallel_loop3A_826] {strides = array<i32>} : memref<19x8x256xf32, #tpu.memory_space<vmem>>, vector<16xf32>,
        %parallel_loop3A_828 = math.exp %parallel_loop3A_827 : vector<16xf32>
        %parallel_loop3A_829 = arith.constant 1 : i32
        %parallel_loop3A_830 = arith.index_cast %parallel_loop3A_829 : i32 to index
        %parallel_loop3A_831 = arith.index_cast %parallel_loop3A_804 : i32 to index
        %parallel_loop3A_832 = arith.index_cast %parallel_loop3A_822 : i32 to index
        %parallel_loop3A_833 = tpu.vector_load %arg5[%parallel_loop3A_830, %parallel_loop3A_831, %parallel_loop3A_832] {strides = array<i32>} : memref<19x8x256xf32, #tpu.memory_space<vmem>>, vector<16xf32>,
        %parallel_loop3A_834 = math.exp %parallel_loop3A_833 : vector<16xf32>
        %parallel_loop3A_835 = arith.constant 2 : i32
        %parallel_loop3A_836 = arith.index_cast %parallel_loop3A_835 : i32 to index
        %parallel_loop3A_837 = arith.index_cast %parallel_loop3A_804 : i32 to index
        %parallel_loop3A_838 = arith.index_cast %parallel_loop3A_822 : i32 to index
        %parallel_loop3A_839 = tpu.vector_load %arg5[%parallel_loop3A_836, %parallel_loop3A_837, %parallel_loop3A_838] {strides = array<i32>} : memref<19x8x256xf32, #tpu.memory_space<vmem>>, vector<16xf32>,
        %parallel_loop3A_840 = math.exp %parallel_loop3A_839 : vector<16xf32>
        %parallel_loop3A_841 = arith.constant 3 : i32
        %parallel_loop3A_842 = arith.index_cast %parallel_loop3A_841 : i32 to index
        %parallel_loop3A_843 = arith.index_cast %parallel_loop3A_804 : i32 to index
        %parallel_loop3A_844 = arith.index_cast %parallel_loop3A_822 : i32 to index
        %parallel_loop3A_845 = tpu.vector_load %arg5[%parallel_loop3A_842, %parallel_loop3A_843, %parallel_loop3A_844] {strides = array<i32>} : memref<19x8x256xf32, #tpu.memory_space<vmem>>, vector<16xf32>,
        %parallel_loop3A_846 = math.exp %parallel_loop3A_845 : vector<16xf32>
        %parallel_loop3A_847 = arith.constant 4 : i32
        %parallel_loop3A_848 = arith.index_cast %parallel_loop3A_847 : i32 to index
        %parallel_loop3A_849 = arith.index_cast %parallel_loop3A_804 : i32 to index
        %parallel_loop3A_850 = arith.index_cast %parallel_loop3A_822 : i32 to index
        %parallel_loop3A_851 = tpu.vector_load %arg5[%parallel_loop3A_848, %parallel_loop3A_849, %parallel_loop3A_850] {strides = array<i32>} : memref<19x8x256xf32, #tpu.memory_space<vmem>>, vector<16xf32>,
        %parallel_loop3A_852 = math.exp %parallel_loop3A_851 : vector<16xf32>
        %parallel_loop3A_853 = arith.constant 5 : i32
        %parallel_loop3A_854 = arith.index_cast %parallel_loop3A_853 : i32 to index
        %parallel_loop3A_855 = arith.index_cast %parallel_loop3A_804 : i32 to index
        %parallel_loop3A_856 = arith.index_cast %parallel_loop3A_822 : i32 to index
        %parallel_loop3A_857 = tpu.vector_load %arg5[%parallel_loop3A_854, %parallel_loop3A_855, %parallel_loop3A_856] {strides = array<i32>} : memref<19x8x256xf32, #tpu.memory_space<vmem>>, vector<16xf32>,
        %parallel_loop3A_858 = math.exp %parallel_loop3A_857 : vector<16xf32>
        %parallel_loop3A_859 = arith.constant 6 : i32
        %parallel_loop3A_860 = arith.index_cast %parallel_loop3A_859 : i32 to index
        %parallel_loop3A_861 = arith.index_cast %parallel_loop3A_804 : i32 to index
        %parallel_loop3A_862 = arith.index_cast %parallel_loop3A_822 : i32 to index
        %parallel_loop3A_863 = tpu.vector_load %arg5[%parallel_loop3A_860, %parallel_loop3A_861, %parallel_loop3A_862] {strides = array<i32>} : memref<19x8x256xf32, #tpu.memory_space<vmem>>, vector<16xf32>,
        %parallel_loop3A_864 = math.exp %parallel_loop3A_863 : vector<16xf32>
        %parallel_loop3A_865 = arith.constant 7 : i32
        %parallel_loop3A_866 = arith.index_cast %parallel_loop3A_865 : i32 to index
        %parallel_loop3A_867 = arith.index_cast %parallel_loop3A_804 : i32 to index
        %parallel_loop3A_868 = arith.index_cast %parallel_loop3A_822 : i32 to index
        %parallel_loop3A_869 = tpu.vector_load %arg5[%parallel_loop3A_866, %parallel_loop3A_867, %parallel_loop3A_868] {strides = array<i32>} : memref<19x8x256xf32, #tpu.memory_space<vmem>>, vector<16xf32>,
        %parallel_loop3A_870 = math.exp %parallel_loop3A_869 : vector<16xf32>
        %parallel_loop3A_871 = arith.constant 8 : i32
        %parallel_loop3A_872 = arith.index_cast %parallel_loop3A_871 : i32 to index
        %parallel_loop3A_873 = arith.index_cast %parallel_loop3A_804 : i32 to index
        %parallel_loop3A_874 = arith.index_cast %parallel_loop3A_822 : i32 to index
        %parallel_loop3A_875 = tpu.vector_load %arg5[%parallel_loop3A_872, %parallel_loop3A_873, %parallel_loop3A_874] {strides = array<i32>} : memref<19x8x256xf32, #tpu.memory_space<vmem>>, vector<16xf32>,
        %parallel_loop3A_876 = math.exp %parallel_loop3A_875 : vector<16xf32>
        %parallel_loop3A_877 = arith.constant 9 : i32
        %parallel_loop3A_878 = arith.index_cast %parallel_loop3A_877 : i32 to index
        %parallel_loop3A_879 = arith.index_cast %parallel_loop3A_804 : i32 to index
        %parallel_loop3A_880 = arith.index_cast %parallel_loop3A_822 : i32 to index
        %parallel_loop3A_881 = tpu.vector_load %arg5[%parallel_loop3A_878, %parallel_loop3A_879, %parallel_loop3A_880] {strides = array<i32>} : memref<19x8x256xf32, #tpu.memory_space<vmem>>, vector<16xf32>,
        %parallel_loop3A_882 = math.exp %parallel_loop3A_881 : vector<16xf32>
        %parallel_loop3A_883 = arith.constant 10 : i32
        %parallel_loop3A_884 = arith.index_cast %parallel_loop3A_883 : i32 to index
        %parallel_loop3A_885 = arith.index_cast %parallel_loop3A_804 : i32 to index
        %parallel_loop3A_886 = arith.index_cast %parallel_loop3A_822 : i32 to index
        %parallel_loop3A_887 = tpu.vector_load %arg5[%parallel_loop3A_884, %parallel_loop3A_885, %parallel_loop3A_886] {strides = array<i32>} : memref<19x8x256xf32, #tpu.memory_space<vmem>>, vector<16xf32>,
        %parallel_loop3A_888 = math.exp %parallel_loop3A_887 : vector<16xf32>
        %parallel_loop3A_889 = arith.constant 11 : i32
        %parallel_loop3A_890 = arith.index_cast %parallel_loop3A_889 : i32 to index
        %parallel_loop3A_891 = arith.index_cast %parallel_loop3A_804 : i32 to index
        %parallel_loop3A_892 = arith.index_cast %parallel_loop3A_822 : i32 to index
        %parallel_loop3A_893 = tpu.vector_load %arg5[%parallel_loop3A_890, %parallel_loop3A_891, %parallel_loop3A_892] {strides = array<i32>} : memref<19x8x256xf32, #tpu.memory_space<vmem>>, vector<16xf32>,
        %parallel_loop3A_894 = math.exp %parallel_loop3A_893 : vector<16xf32>
        %parallel_loop3A_895 = arith.constant 12 : i32
        %parallel_loop3A_896 = arith.index_cast %parallel_loop3A_895 : i32 to index
        %parallel_loop3A_897 = arith.index_cast %parallel_loop3A_804 : i32 to index
        %parallel_loop3A_898 = arith.index_cast %parallel_loop3A_822 : i32 to index
        %parallel_loop3A_899 = tpu.vector_load %arg5[%parallel_loop3A_896, %parallel_loop3A_897, %parallel_loop3A_898] {strides = array<i32>} : memref<19x8x256xf32, #tpu.memory_space<vmem>>, vector<16xf32>,
        %parallel_loop3A_900 = math.exp %parallel_loop3A_899 : vector<16xf32>
        %parallel_loop3A_901 = arith.constant 13 : i32
        %parallel_loop3A_902 = arith.index_cast %parallel_loop3A_901 : i32 to index
        %parallel_loop3A_903 = arith.index_cast %parallel_loop3A_804 : i32 to index
        %parallel_loop3A_904 = arith.index_cast %parallel_loop3A_822 : i32 to index
        %parallel_loop3A_905 = tpu.vector_load %arg5[%parallel_loop3A_902, %parallel_loop3A_903, %parallel_loop3A_904] {strides = array<i32>} : memref<19x8x256xf32, #tpu.memory_space<vmem>>, vector<16xf32>,
        %parallel_loop3A_906 = math.exp %parallel_loop3A_905 : vector<16xf32>
        %parallel_loop3A_907 = arith.constant 14 : i32
        %parallel_loop3A_908 = arith.index_cast %parallel_loop3A_907 : i32 to index
        %parallel_loop3A_909 = arith.index_cast %parallel_loop3A_804 : i32 to index
        %parallel_loop3A_910 = arith.index_cast %parallel_loop3A_822 : i32 to index
        %parallel_loop3A_911 = tpu.vector_load %arg5[%parallel_loop3A_908, %parallel_loop3A_909, %parallel_loop3A_910] {strides = array<i32>} : memref<19x8x256xf32, #tpu.memory_space<vmem>>, vector<16xf32>,
        %parallel_loop3A_912 = math.exp %parallel_loop3A_911 : vector<16xf32>
        %parallel_loop3A_913 = arith.constant 15 : i32
        %parallel_loop3A_914 = arith.index_cast %parallel_loop3A_913 : i32 to index
        %parallel_loop3A_915 = arith.index_cast %parallel_loop3A_804 : i32 to index
        %parallel_loop3A_916 = arith.index_cast %parallel_loop3A_822 : i32 to index
        %parallel_loop3A_917 = tpu.vector_load %arg5[%parallel_loop3A_914, %parallel_loop3A_915, %parallel_loop3A_916] {strides = array<i32>} : memref<19x8x256xf32, #tpu.memory_space<vmem>>, vector<16xf32>,
        %parallel_loop3A_918 = math.exp %parallel_loop3A_917 : vector<16xf32>
        %parallel_loop3A_919 = arith.constant 16 : i32
        %parallel_loop3A_920 = arith.index_cast %parallel_loop3A_919 : i32 to index
        %parallel_loop3A_921 = arith.index_cast %parallel_loop3A_804 : i32 to index
        %parallel_loop3A_922 = arith.index_cast %parallel_loop3A_822 : i32 to index
        %parallel_loop3A_923 = tpu.vector_load %arg5[%parallel_loop3A_920, %parallel_loop3A_921, %parallel_loop3A_922] {strides = array<i32>} : memref<19x8x256xf32, #tpu.memory_space<vmem>>, vector<16xf32>,
        %parallel_loop3A_924 = math.exp %parallel_loop3A_923 : vector<16xf32>
        %parallel_loop3A_925 = arith.constant 17 : i32
        %parallel_loop3A_926 = arith.index_cast %parallel_loop3A_925 : i32 to index
        %parallel_loop3A_927 = arith.index_cast %parallel_loop3A_804 : i32 to index
        %parallel_loop3A_928 = arith.index_cast %parallel_loop3A_822 : i32 to index
        %parallel_loop3A_929 = tpu.vector_load %arg5[%parallel_loop3A_926, %parallel_loop3A_927, %parallel_loop3A_928] {strides = array<i32>} : memref<19x8x256xf32, #tpu.memory_space<vmem>>, vector<16xf32>,
        %parallel_loop3A_930 = math.exp %parallel_loop3A_929 : vector<16xf32>
        %parallel_loop3A_931 = arith.constant 18 : i32
        %parallel_loop3A_932 = arith.index_cast %parallel_loop3A_931 : i32 to index
        %parallel_loop3A_933 = arith.index_cast %parallel_loop3A_804 : i32 to index
        %parallel_loop3A_934 = arith.index_cast %parallel_loop3A_822 : i32 to index
        %parallel_loop3A_935 = tpu.vector_load %arg5[%parallel_loop3A_932, %parallel_loop3A_933, %parallel_loop3A_934] {strides = array<i32>} : memref<19x8x256xf32, #tpu.memory_space<vmem>>, vector<16xf32>,
        %parallel_loop3A_936 = math.exp %parallel_loop3A_935 : vector<16xf32>
        %parallel_loop3A_937 = arith.addf %parallel_loop3A_828, %parallel_loop3A_834 : vector<16xf32>
        %parallel_loop3A_938 = arith.addf %parallel_loop3A_840, %parallel_loop3A_846 : vector<16xf32>
        %parallel_loop3A_939 = arith.addf %parallel_loop3A_852, %parallel_loop3A_858 : vector<16xf32>
        %parallel_loop3A_940 = arith.addf %parallel_loop3A_864, %parallel_loop3A_870 : vector<16xf32>
        %parallel_loop3A_941 = arith.addf %parallel_loop3A_876, %parallel_loop3A_882 : vector<16xf32>
        %parallel_loop3A_942 = arith.addf %parallel_loop3A_888, %parallel_loop3A_894 : vector<16xf32>
        %parallel_loop3A_943 = arith.addf %parallel_loop3A_900, %parallel_loop3A_906 : vector<16xf32>
        %parallel_loop3A_944 = arith.addf %parallel_loop3A_912, %parallel_loop3A_918 : vector<16xf32>
        %parallel_loop3A_945 = arith.addf %parallel_loop3A_924, %parallel_loop3A_930 : vector<16xf32>
        %parallel_loop3A_946 = arith.addf %parallel_loop3A_937, %parallel_loop3A_938 : vector<16xf32>
        %parallel_loop3A_947 = arith.addf %parallel_loop3A_939, %parallel_loop3A_940 : vector<16xf32>
        %parallel_loop3A_948 = arith.addf %parallel_loop3A_941, %parallel_loop3A_942 : vector<16xf32>
        %parallel_loop3A_949 = arith.addf %parallel_loop3A_943, %parallel_loop3A_944 : vector<16xf32>
        %parallel_loop3A_950 = arith.addf %parallel_loop3A_945, %parallel_loop3A_936 : vector<16xf32>
        %parallel_loop3A_951 = arith.addf %parallel_loop3A_946, %parallel_loop3A_947 : vector<16xf32>
        %parallel_loop3A_952 = arith.addf %parallel_loop3A_948, %parallel_loop3A_949 : vector<16xf32>
        %parallel_loop3A_953 = arith.addf %parallel_loop3A_951, %parallel_loop3A_952 : vector<16xf32>
        %parallel_loop3A_954 = arith.addf %parallel_loop3A_953, %parallel_loop3A_950 : vector<16xf32>
        %parallel_loop3A_955 = arith.constant 1.000000e+00 : f32
        %parallel_loop3A_956 = vector.broadcast %parallel_loop3A_955 : f32 to vector<16xf32>
        %parallel_loop3A_957 = arith.divf %parallel_loop3A_956, %parallel_loop3A_954 : vector<16xf32>
        %parallel_loop3A_958 = arith.index_cast %parallel_loop3A_804 : i32 to index
        %parallel_loop3A_959 = arith.index_cast %parallel_loop3A_822 : i32 to index
        %parallel_loop3A_960 = tpu.vector_load %arg9[%parallel_loop3A_958, %parallel_loop3A_959] {strides = array<i32>} : memref<8x256xf32, #tpu.memory_space<vmem>>, vector<16xf32>,
        tpu.vector_store %arg9[%parallel_loop3A_958, %parallel_loop3A_959], %parallel_loop3A_957 {strides = array<i32>} : memref<8x256xf32, #tpu.memory_space<vmem>>, vector<16xf32>,
      } {sc.loop_unroll_factor = 1 : i64, sc.parallel_access}
      %parallel_loop3A_747 = arith.constant 0 : i32
      %parallel_loop3A_748 = arith.constant 128 : i32
      %parallel_loop3A_749 = arith.constant 1 : i32
      scf.for %parallel_loop3A_780 = %parallel_loop3A_747 to %parallel_loop3A_748 step %parallel_loop3A_749  : i32 {
        %parallel_loop3A_781 = arith.constant 16 : i32
        %parallel_loop3A_782 = arith.divsi %parallel_loop3A_780, %parallel_loop3A_781 : i32
        %parallel_loop3A_783 = arith.constant 0 : i32
        %parallel_loop3A_784 = arith.cmpi sgt, %parallel_loop3A_780, %parallel_loop3A_783 : i32
        %parallel_loop3A_785 = arith.extui %parallel_loop3A_784 : i1 to i32
        %parallel_loop3A_786 = arith.constant 0 : i32
        %parallel_loop3A_787 = arith.cmpi slt, %parallel_loop3A_780, %parallel_loop3A_786 : i32
        %parallel_loop3A_788 = arith.extui %parallel_loop3A_787 : i1 to i32
        %parallel_loop3A_789 = arith.subi %parallel_loop3A_785, %parallel_loop3A_788 : i32
        %parallel_loop3A_790 = arith.constant 0 : i32
        %parallel_loop3A_791 = arith.cmpi sgt, %parallel_loop3A_781, %parallel_loop3A_790 : i32
        %parallel_loop3A_792 = arith.extui %parallel_loop3A_791 : i1 to i32
        %parallel_loop3A_793 = arith.constant 0 : i32
        %parallel_loop3A_794 = arith.cmpi slt, %parallel_loop3A_781, %parallel_loop3A_793 : i32
        %parallel_loop3A_795 = arith.extui %parallel_loop3A_794 : i1 to i32
        %parallel_loop3A_796 = arith.subi %parallel_loop3A_792, %parallel_loop3A_795 : i32
        %parallel_loop3A_797 = arith.cmpi ne, %parallel_loop3A_789, %parallel_loop3A_796 : i32
        %parallel_loop3A_798 = arith.remsi %parallel_loop3A_780, %parallel_loop3A_781 : i32
        %parallel_loop3A_799 = arith.constant 0 : i32
        %parallel_loop3A_800 = arith.cmpi ne, %parallel_loop3A_798, %parallel_loop3A_799 : i32
        %parallel_loop3A_801 = arith.andi %parallel_loop3A_797, %parallel_loop3A_800 : i1
        %parallel_loop3A_802 = arith.constant 1 : i32
        %parallel_loop3A_803 = arith.subi %parallel_loop3A_782, %parallel_loop3A_802 : i32
        %parallel_loop3A_804 = arith.select %parallel_loop3A_801, %parallel_loop3A_803, %parallel_loop3A_782 : i32
        %parallel_loop3A_805 = arith.constant 16 : i32
        %parallel_loop3A_806 = arith.constant 0 : i32
        %parallel_loop3A_807 = arith.cmpi eq, %parallel_loop3A_805, %parallel_loop3A_806 : i32
        %parallel_loop3A_808 = arith.constant 1 : i32
        %parallel_loop3A_809 = arith.select %parallel_loop3A_807, %parallel_loop3A_808, %parallel_loop3A_805 : i32
        %parallel_loop3A_810 = arith.remsi %parallel_loop3A_780, %parallel_loop3A_809 : i32
        %parallel_loop3A_811 = arith.constant 0 : i32
        %parallel_loop3A_812 = arith.cmpi ne, %parallel_loop3A_810, %parallel_loop3A_811 : i32
        %parallel_loop3A_813 = arith.constant 0 : i32
        %parallel_loop3A_814 = arith.cmpi slt, %parallel_loop3A_810, %parallel_loop3A_813 : i32
        %parallel_loop3A_815 = arith.constant 0 : i32
        %parallel_loop3A_816 = arith.cmpi slt, %parallel_loop3A_809, %parallel_loop3A_815 : i32
        %parallel_loop3A_817 = arith.xori %parallel_loop3A_814, %parallel_loop3A_816 : i1
        %parallel_loop3A_818 = arith.andi %parallel_loop3A_817, %parallel_loop3A_812 : i1
        %parallel_loop3A_819 = arith.addi %parallel_loop3A_810, %parallel_loop3A_809 : i32
        %parallel_loop3A_820 = arith.select %parallel_loop3A_818, %parallel_loop3A_819, %parallel_loop3A_810 : i32
        %parallel_loop3A_821 = arith.constant 16 : i32
        %parallel_loop3A_822 = arith.muli %parallel_loop3A_820, %parallel_loop3A_821 : i32
        %parallel_loop3A_823 = arith.index_cast %parallel_loop3A_804 : i32 to index
        %parallel_loop3A_824 = arith.index_cast %parallel_loop3A_822 : i32 to index
        %parallel_loop3A_825 = tpu.vector_load %arg6[%parallel_loop3A_823, %parallel_loop3A_824] {strides = array<i32>} : memref<8x256xi32, #tpu.memory_space<vmem>>, vector<16xi32>,
        %parallel_loop3A_826 = arith.index_cast %parallel_loop3A_804 : i32 to index
        %parallel_loop3A_827 = arith.index_cast %parallel_loop3A_822 : i32 to index
        %parallel_loop3A_828 = tpu.vector_load %arg9[%parallel_loop3A_826, %parallel_loop3A_827] {strides = array<i32>} : memref<8x256xf32, #tpu.memory_space<vmem>>, vector<16xf32>,
        %parallel_loop3A_829 = arith.constant 0 : i32
        %parallel_loop3A_830 = arith.index_cast %parallel_loop3A_829 : i32 to index
        %parallel_loop3A_831 = arith.index_cast %parallel_loop3A_804 : i32 to index
        %parallel_loop3A_832 = arith.index_cast %parallel_loop3A_822 : i32 to index
        %parallel_loop3A_833 = tpu.vector_load %arg5[%parallel_loop3A_830, %parallel_loop3A_831, %parallel_loop3A_832] {strides = array<i32>} : memref<19x8x256xf32, #tpu.memory_space<vmem>>, vector<16xf32>,
        %parallel_loop3A_834 = math.exp %parallel_loop3A_833 : vector<16xf32>
        %parallel_loop3A_835 = arith.constant 1 : i32
        %parallel_loop3A_836 = arith.index_cast %parallel_loop3A_835 : i32 to index
        %parallel_loop3A_837 = arith.index_cast %parallel_loop3A_804 : i32 to index
        %parallel_loop3A_838 = arith.index_cast %parallel_loop3A_822 : i32 to index
        %parallel_loop3A_839 = tpu.vector_load %arg5[%parallel_loop3A_836, %parallel_loop3A_837, %parallel_loop3A_838] {strides = array<i32>} : memref<19x8x256xf32, #tpu.memory_space<vmem>>, vector<16xf32>,
        %parallel_loop3A_840 = math.exp %parallel_loop3A_839 : vector<16xf32>
        %parallel_loop3A_841 = arith.constant 2 : i32
        %parallel_loop3A_842 = arith.index_cast %parallel_loop3A_841 : i32 to index
        %parallel_loop3A_843 = arith.index_cast %parallel_loop3A_804 : i32 to index
        %parallel_loop3A_844 = arith.index_cast %parallel_loop3A_822 : i32 to index
        %parallel_loop3A_845 = tpu.vector_load %arg5[%parallel_loop3A_842, %parallel_loop3A_843, %parallel_loop3A_844] {strides = array<i32>} : memref<19x8x256xf32, #tpu.memory_space<vmem>>, vector<16xf32>,
        %parallel_loop3A_846 = math.exp %parallel_loop3A_845 : vector<16xf32>
        %parallel_loop3A_847 = arith.constant 3 : i32
        %parallel_loop3A_848 = arith.index_cast %parallel_loop3A_847 : i32 to index
        %parallel_loop3A_849 = arith.index_cast %parallel_loop3A_804 : i32 to index
        %parallel_loop3A_850 = arith.index_cast %parallel_loop3A_822 : i32 to index
        %parallel_loop3A_851 = tpu.vector_load %arg5[%parallel_loop3A_848, %parallel_loop3A_849, %parallel_loop3A_850] {strides = array<i32>} : memref<19x8x256xf32, #tpu.memory_space<vmem>>, vector<16xf32>,
        %parallel_loop3A_852 = math.exp %parallel_loop3A_851 : vector<16xf32>
        %parallel_loop3A_853 = arith.constant 4 : i32
        %parallel_loop3A_854 = arith.index_cast %parallel_loop3A_853 : i32 to index
        %parallel_loop3A_855 = arith.index_cast %parallel_loop3A_804 : i32 to index
        %parallel_loop3A_856 = arith.index_cast %parallel_loop3A_822 : i32 to index
        %parallel_loop3A_857 = tpu.vector_load %arg5[%parallel_loop3A_854, %parallel_loop3A_855, %parallel_loop3A_856] {strides = array<i32>} : memref<19x8x256xf32, #tpu.memory_space<vmem>>, vector<16xf32>,
        %parallel_loop3A_858 = math.exp %parallel_loop3A_857 : vector<16xf32>
        %parallel_loop3A_859 = arith.constant 5 : i32
        %parallel_loop3A_860 = arith.index_cast %parallel_loop3A_859 : i32 to index
        %parallel_loop3A_861 = arith.index_cast %parallel_loop3A_804 : i32 to index
        %parallel_loop3A_862 = arith.index_cast %parallel_loop3A_822 : i32 to index
        %parallel_loop3A_863 = tpu.vector_load %arg5[%parallel_loop3A_860, %parallel_loop3A_861, %parallel_loop3A_862] {strides = array<i32>} : memref<19x8x256xf32, #tpu.memory_space<vmem>>, vector<16xf32>,
        %parallel_loop3A_864 = math.exp %parallel_loop3A_863 : vector<16xf32>
        %parallel_loop3A_865 = arith.constant 6 : i32
        %parallel_loop3A_866 = arith.index_cast %parallel_loop3A_865 : i32 to index
        %parallel_loop3A_867 = arith.index_cast %parallel_loop3A_804 : i32 to index
        %parallel_loop3A_868 = arith.index_cast %parallel_loop3A_822 : i32 to index
        %parallel_loop3A_869 = tpu.vector_load %arg5[%parallel_loop3A_866, %parallel_loop3A_867, %parallel_loop3A_868] {strides = array<i32>} : memref<19x8x256xf32, #tpu.memory_space<vmem>>, vector<16xf32>,
        %parallel_loop3A_870 = math.exp %parallel_loop3A_869 : vector<16xf32>
        %parallel_loop3A_871 = arith.constant 7 : i32
        %parallel_loop3A_872 = arith.index_cast %parallel_loop3A_871 : i32 to index
        %parallel_loop3A_873 = arith.index_cast %parallel_loop3A_804 : i32 to index
        %parallel_loop3A_874 = arith.index_cast %parallel_loop3A_822 : i32 to index
        %parallel_loop3A_875 = tpu.vector_load %arg5[%parallel_loop3A_872, %parallel_loop3A_873, %parallel_loop3A_874] {strides = array<i32>} : memref<19x8x256xf32, #tpu.memory_space<vmem>>, vector<16xf32>,
        %parallel_loop3A_876 = math.exp %parallel_loop3A_875 : vector<16xf32>
        %parallel_loop3A_877 = arith.constant 8 : i32
        %parallel_loop3A_878 = arith.index_cast %parallel_loop3A_877 : i32 to index
        %parallel_loop3A_879 = arith.index_cast %parallel_loop3A_804 : i32 to index
        %parallel_loop3A_880 = arith.index_cast %parallel_loop3A_822 : i32 to index
        %parallel_loop3A_881 = tpu.vector_load %arg5[%parallel_loop3A_878, %parallel_loop3A_879, %parallel_loop3A_880] {strides = array<i32>} : memref<19x8x256xf32, #tpu.memory_space<vmem>>, vector<16xf32>,
        %parallel_loop3A_882 = math.exp %parallel_loop3A_881 : vector<16xf32>
        %parallel_loop3A_883 = arith.constant 9 : i32
        %parallel_loop3A_884 = arith.index_cast %parallel_loop3A_883 : i32 to index
        %parallel_loop3A_885 = arith.index_cast %parallel_loop3A_804 : i32 to index
        %parallel_loop3A_886 = arith.index_cast %parallel_loop3A_822 : i32 to index
        %parallel_loop3A_887 = tpu.vector_load %arg5[%parallel_loop3A_884, %parallel_loop3A_885, %parallel_loop3A_886] {strides = array<i32>} : memref<19x8x256xf32, #tpu.memory_space<vmem>>, vector<16xf32>,
        %parallel_loop3A_888 = math.exp %parallel_loop3A_887 : vector<16xf32>
        %parallel_loop3A_889 = arith.constant 10 : i32
        %parallel_loop3A_890 = arith.index_cast %parallel_loop3A_889 : i32 to index
        %parallel_loop3A_891 = arith.index_cast %parallel_loop3A_804 : i32 to index
        %parallel_loop3A_892 = arith.index_cast %parallel_loop3A_822 : i32 to index
        %parallel_loop3A_893 = tpu.vector_load %arg5[%parallel_loop3A_890, %parallel_loop3A_891, %parallel_loop3A_892] {strides = array<i32>} : memref<19x8x256xf32, #tpu.memory_space<vmem>>, vector<16xf32>,
        %parallel_loop3A_894 = math.exp %parallel_loop3A_893 : vector<16xf32>
        %parallel_loop3A_895 = arith.constant 11 : i32
        %parallel_loop3A_896 = arith.index_cast %parallel_loop3A_895 : i32 to index
        %parallel_loop3A_897 = arith.index_cast %parallel_loop3A_804 : i32 to index
        %parallel_loop3A_898 = arith.index_cast %parallel_loop3A_822 : i32 to index
        %parallel_loop3A_899 = tpu.vector_load %arg5[%parallel_loop3A_896, %parallel_loop3A_897, %parallel_loop3A_898] {strides = array<i32>} : memref<19x8x256xf32, #tpu.memory_space<vmem>>, vector<16xf32>,
        %parallel_loop3A_900 = math.exp %parallel_loop3A_899 : vector<16xf32>
        %parallel_loop3A_901 = arith.constant 12 : i32
        %parallel_loop3A_902 = arith.index_cast %parallel_loop3A_901 : i32 to index
        %parallel_loop3A_903 = arith.index_cast %parallel_loop3A_804 : i32 to index
        %parallel_loop3A_904 = arith.index_cast %parallel_loop3A_822 : i32 to index
        %parallel_loop3A_905 = tpu.vector_load %arg5[%parallel_loop3A_902, %parallel_loop3A_903, %parallel_loop3A_904] {strides = array<i32>} : memref<19x8x256xf32, #tpu.memory_space<vmem>>, vector<16xf32>,
        %parallel_loop3A_906 = math.exp %parallel_loop3A_905 : vector<16xf32>
        %parallel_loop3A_907 = arith.constant 13 : i32
        %parallel_loop3A_908 = arith.index_cast %parallel_loop3A_907 : i32 to index
        %parallel_loop3A_909 = arith.index_cast %parallel_loop3A_804 : i32 to index
        %parallel_loop3A_910 = arith.index_cast %parallel_loop3A_822 : i32 to index
        %parallel_loop3A_911 = tpu.vector_load %arg5[%parallel_loop3A_908, %parallel_loop3A_909, %parallel_loop3A_910] {strides = array<i32>} : memref<19x8x256xf32, #tpu.memory_space<vmem>>, vector<16xf32>,
        %parallel_loop3A_912 = math.exp %parallel_loop3A_911 : vector<16xf32>
        %parallel_loop3A_913 = arith.constant 14 : i32
        %parallel_loop3A_914 = arith.index_cast %parallel_loop3A_913 : i32 to index
        %parallel_loop3A_915 = arith.index_cast %parallel_loop3A_804 : i32 to index
        %parallel_loop3A_916 = arith.index_cast %parallel_loop3A_822 : i32 to index
        %parallel_loop3A_917 = tpu.vector_load %arg5[%parallel_loop3A_914, %parallel_loop3A_915, %parallel_loop3A_916] {strides = array<i32>} : memref<19x8x256xf32, #tpu.memory_space<vmem>>, vector<16xf32>,
        %parallel_loop3A_918 = math.exp %parallel_loop3A_917 : vector<16xf32>
        %parallel_loop3A_919 = arith.constant 15 : i32
        %parallel_loop3A_920 = arith.index_cast %parallel_loop3A_919 : i32 to index
        %parallel_loop3A_921 = arith.index_cast %parallel_loop3A_804 : i32 to index
        %parallel_loop3A_922 = arith.index_cast %parallel_loop3A_822 : i32 to index
        %parallel_loop3A_923 = tpu.vector_load %arg5[%parallel_loop3A_920, %parallel_loop3A_921, %parallel_loop3A_922] {strides = array<i32>} : memref<19x8x256xf32, #tpu.memory_space<vmem>>, vector<16xf32>,
        %parallel_loop3A_924 = math.exp %parallel_loop3A_923 : vector<16xf32>
        %parallel_loop3A_925 = arith.constant 16 : i32
        %parallel_loop3A_926 = arith.index_cast %parallel_loop3A_925 : i32 to index
        %parallel_loop3A_927 = arith.index_cast %parallel_loop3A_804 : i32 to index
        %parallel_loop3A_928 = arith.index_cast %parallel_loop3A_822 : i32 to index
        %parallel_loop3A_929 = tpu.vector_load %arg5[%parallel_loop3A_926, %parallel_loop3A_927, %parallel_loop3A_928] {strides = array<i32>} : memref<19x8x256xf32, #tpu.memory_space<vmem>>, vector<16xf32>,
        %parallel_loop3A_930 = math.exp %parallel_loop3A_929 : vector<16xf32>
        %parallel_loop3A_931 = arith.constant 17 : i32
        %parallel_loop3A_932 = arith.index_cast %parallel_loop3A_931 : i32 to index
        %parallel_loop3A_933 = arith.index_cast %parallel_loop3A_804 : i32 to index
        %parallel_loop3A_934 = arith.index_cast %parallel_loop3A_822 : i32 to index
        %parallel_loop3A_935 = tpu.vector_load %arg5[%parallel_loop3A_932, %parallel_loop3A_933, %parallel_loop3A_934] {strides = array<i32>} : memref<19x8x256xf32, #tpu.memory_space<vmem>>, vector<16xf32>,
        %parallel_loop3A_936 = math.exp %parallel_loop3A_935 : vector<16xf32>
        %parallel_loop3A_937 = arith.constant 18 : i32
        %parallel_loop3A_938 = arith.index_cast %parallel_loop3A_937 : i32 to index
        %parallel_loop3A_939 = arith.index_cast %parallel_loop3A_804 : i32 to index
        %parallel_loop3A_940 = arith.index_cast %parallel_loop3A_822 : i32 to index
        %parallel_loop3A_941 = tpu.vector_load %arg5[%parallel_loop3A_938, %parallel_loop3A_939, %parallel_loop3A_940] {strides = array<i32>} : memref<19x8x256xf32, #tpu.memory_space<vmem>>, vector<16xf32>,
        %parallel_loop3A_942 = math.exp %parallel_loop3A_941 : vector<16xf32>
        %parallel_loop3A_943 = arith.mulf %parallel_loop3A_834, %parallel_loop3A_828 : vector<16xf32>
        %parallel_loop3A_944 = arith.mulf %parallel_loop3A_840, %parallel_loop3A_828 : vector<16xf32>
        %parallel_loop3A_945 = arith.mulf %parallel_loop3A_846, %parallel_loop3A_828 : vector<16xf32>
        %parallel_loop3A_946 = arith.mulf %parallel_loop3A_852, %parallel_loop3A_828 : vector<16xf32>
        %parallel_loop3A_947 = arith.mulf %parallel_loop3A_858, %parallel_loop3A_828 : vector<16xf32>
        %parallel_loop3A_948 = arith.mulf %parallel_loop3A_864, %parallel_loop3A_828 : vector<16xf32>
        %parallel_loop3A_949 = arith.mulf %parallel_loop3A_870, %parallel_loop3A_828 : vector<16xf32>
        %parallel_loop3A_950 = arith.mulf %parallel_loop3A_876, %parallel_loop3A_828 : vector<16xf32>
        %parallel_loop3A_951 = arith.mulf %parallel_loop3A_882, %parallel_loop3A_828 : vector<16xf32>
        %parallel_loop3A_952 = arith.mulf %parallel_loop3A_888, %parallel_loop3A_828 : vector<16xf32>
        %parallel_loop3A_953 = arith.mulf %parallel_loop3A_894, %parallel_loop3A_828 : vector<16xf32>
        %parallel_loop3A_954 = arith.mulf %parallel_loop3A_900, %parallel_loop3A_828 : vector<16xf32>
        %parallel_loop3A_955 = arith.mulf %parallel_loop3A_906, %parallel_loop3A_828 : vector<16xf32>
        %parallel_loop3A_956 = arith.mulf %parallel_loop3A_912, %parallel_loop3A_828 : vector<16xf32>
        %parallel_loop3A_957 = arith.mulf %parallel_loop3A_918, %parallel_loop3A_828 : vector<16xf32>
        %parallel_loop3A_958 = arith.mulf %parallel_loop3A_924, %parallel_loop3A_828 : vector<16xf32>
        %parallel_loop3A_959 = arith.mulf %parallel_loop3A_930, %parallel_loop3A_828 : vector<16xf32>
        %parallel_loop3A_960 = arith.mulf %parallel_loop3A_936, %parallel_loop3A_828 : vector<16xf32>
        %parallel_loop3A_961 = arith.mulf %parallel_loop3A_942, %parallel_loop3A_828 : vector<16xf32>
        %parallel_loop3A_962 = arith.constant 1.500000e+01 : f32
        %parallel_loop3A_963 = vector.broadcast %parallel_loop3A_962 : f32 to vector<16xf32>
        %parallel_loop3A_964 = arith.mulf %parallel_loop3A_943, %parallel_loop3A_963 : vector<16xf32>
        %parallel_loop3A_965 = arith.constant 5.000000e-01 : f32
        %parallel_loop3A_966 = vector.broadcast %parallel_loop3A_965 : f32 to vector<16xf32>
        %parallel_loop3A_967 = arith.subf %parallel_loop3A_964, %parallel_loop3A_966 : vector<16xf32>
        %parallel_loop3A_968 = vector.broadcast %scan3A : f32 to vector<16xf32>
        %parallel_loop3A_969 = arith.addf %parallel_loop3A_967, %parallel_loop3A_968 : vector<16xf32>
        %parallel_loop3A_970 = vector.bitcast %parallel_loop3A_969 : vector<16xf32> to vector<16xi32>
        %parallel_loop3A_971 = arith.constant 4 : i32
        %parallel_loop3A_972 = vector.broadcast %parallel_loop3A_971 : i32 to vector<16xi32>
        %parallel_loop3A_973 = arith.shli %parallel_loop3A_970, %parallel_loop3A_972 : vector<16xi32>
        %parallel_loop3A_974 = arith.constant 1275068416 : i32
        %parallel_loop3A_975 = vector.broadcast %parallel_loop3A_974 : i32 to vector<16xi32>
        %parallel_loop3A_976 = arith.addi %iota3A, %parallel_loop3A_975 : vector<16xi32>
        %parallel_loop3A_977 = arith.addi %parallel_loop3A_973, %parallel_loop3A_976 : vector<16xi32>
        %parallel_loop3A_978 = arith.constant 0 : i32
        %parallel_loop3A_979 = vector.broadcast %parallel_loop3A_978 : i32 to vector<16xi32>
        %parallel_loop3A_980 = arith.cmpi eq, %parallel_loop3A_825, %parallel_loop3A_979 : vector<16xi32>
        %parallel_loop3A_981 = arith.constant 4.097000e+03 : f32
        %parallel_loop3A_982 = arith.constant 1.000000e+00 : f32
        %parallel_loop3A_983 = vector.broadcast %parallel_loop3A_981 : f32 to vector<16xf32>
        %parallel_loop3A_984 = vector.broadcast %parallel_loop3A_982 : f32 to vector<16xf32>
        %parallel_loop3A_985 = arith.select %parallel_loop3A_980, %parallel_loop3A_983, %parallel_loop3A_984 : vector<16xi1>, vector<16xf32>
        tpu.vector_store_idx %arg10[%parallel_loop3A_977], %parallel_loop3A_985 {add = true} : memref<4608xf32, #tpu.memory_space<vmem>>[vector<16xi32>], vector<16xf32>,
        tpu.vector_store_idx %arg11[%parallel_loop3A_977], %parallel_loop3A_943 {add = true} : memref<4608xf32, #tpu.memory_space<vmem>>[vector<16xi32>], vector<16xf32>,
        %parallel_loop3A_986 = arith.constant 1.500000e+01 : f32
        %parallel_loop3A_987 = vector.broadcast %parallel_loop3A_986 : f32 to vector<16xf32>
        %parallel_loop3A_988 = arith.mulf %parallel_loop3A_944, %parallel_loop3A_987 : vector<16xf32>
        %parallel_loop3A_989 = arith.constant 5.000000e-01 : f32
        %parallel_loop3A_990 = vector.broadcast %parallel_loop3A_989 : f32 to vector<16xf32>
        %parallel_loop3A_991 = arith.subf %parallel_loop3A_988, %parallel_loop3A_990 : vector<16xf32>
        %parallel_loop3A_992 = vector.broadcast %scan3A : f32 to vector<16xf32>
        %parallel_loop3A_993 = arith.addf %parallel_loop3A_991, %parallel_loop3A_992 : vector<16xf32>
        %parallel_loop3A_994 = vector.bitcast %parallel_loop3A_993 : vector<16xf32> to vector<16xi32>
        %parallel_loop3A_995 = arith.constant 4 : i32
        %parallel_loop3A_996 = vector.broadcast %parallel_loop3A_995 : i32 to vector<16xi32>
        %parallel_loop3A_997 = arith.shli %parallel_loop3A_994, %parallel_loop3A_996 : vector<16xi32>
        %parallel_loop3A_998 = arith.constant 1275068656 : i32
        %parallel_loop3A_999 = vector.broadcast %parallel_loop3A_998 : i32 to vector<16xi32>
        %parallel_loop3A_1000 = arith.addi %iota3A, %parallel_loop3A_999 : vector<16xi32>
        %parallel_loop3A_1001 = arith.addi %parallel_loop3A_997, %parallel_loop3A_1000 : vector<16xi32>
        %parallel_loop3A_1002 = arith.constant 1 : i32
        %parallel_loop3A_1003 = vector.broadcast %parallel_loop3A_1002 : i32 to vector<16xi32>
        %parallel_loop3A_1004 = arith.cmpi eq, %parallel_loop3A_825, %parallel_loop3A_1003 : vector<16xi32>
        %parallel_loop3A_1005 = arith.constant 4.097000e+03 : f32
        %parallel_loop3A_1006 = arith.constant 1.000000e+00 : f32
        %parallel_loop3A_1007 = vector.broadcast %parallel_loop3A_1005 : f32 to vector<16xf32>
        %parallel_loop3A_1008 = vector.broadcast %parallel_loop3A_1006 : f32 to vector<16xf32>
        %parallel_loop3A_1009 = arith.select %parallel_loop3A_1004, %parallel_loop3A_1007, %parallel_loop3A_1008 : vector<16xi1>, vector<16xf32>
        tpu.vector_store_idx %arg10[%parallel_loop3A_1001], %parallel_loop3A_1009 {add = true} : memref<4608xf32, #tpu.memory_space<vmem>>[vector<16xi32>], vector<16xf32>,
        tpu.vector_store_idx %arg11[%parallel_loop3A_1001], %parallel_loop3A_944 {add = true} : memref<4608xf32, #tpu.memory_space<vmem>>[vector<16xi32>], vector<16xf32>,
        %parallel_loop3A_1010 = arith.constant 1.500000e+01 : f32
        %parallel_loop3A_1011 = vector.broadcast %parallel_loop3A_1010 : f32 to vector<16xf32>
        %parallel_loop3A_1012 = arith.mulf %parallel_loop3A_945, %parallel_loop3A_1011 : vector<16xf32>
        %parallel_loop3A_1013 = arith.constant 5.000000e-01 : f32
        %parallel_loop3A_1014 = vector.broadcast %parallel_loop3A_1013 : f32 to vector<16xf32>
        %parallel_loop3A_1015 = arith.subf %parallel_loop3A_1012, %parallel_loop3A_1014 : vector<16xf32>
        %parallel_loop3A_1016 = vector.broadcast %scan3A : f32 to vector<16xf32>
        %parallel_loop3A_1017 = arith.addf %parallel_loop3A_1015, %parallel_loop3A_1016 : vector<16xf32>
        %parallel_loop3A_1018 = vector.bitcast %parallel_loop3A_1017 : vector<16xf32> to vector<16xi32>
        %parallel_loop3A_1019 = arith.constant 4 : i32
        %parallel_loop3A_1020 = vector.broadcast %parallel_loop3A_1019 : i32 to vector<16xi32>
        %parallel_loop3A_1021 = arith.shli %parallel_loop3A_1018, %parallel_loop3A_1020 : vector<16xi32>
        %parallel_loop3A_1022 = arith.constant 1275068896 : i32
        %parallel_loop3A_1023 = vector.broadcast %parallel_loop3A_1022 : i32 to vector<16xi32>
        %parallel_loop3A_1024 = arith.addi %iota3A, %parallel_loop3A_1023 : vector<16xi32>
        %parallel_loop3A_1025 = arith.addi %parallel_loop3A_1021, %parallel_loop3A_1024 : vector<16xi32>
        %parallel_loop3A_1026 = arith.constant 2 : i32
        %parallel_loop3A_1027 = vector.broadcast %parallel_loop3A_1026 : i32 to vector<16xi32>
        %parallel_loop3A_1028 = arith.cmpi eq, %parallel_loop3A_825, %parallel_loop3A_1027 : vector<16xi32>
        %parallel_loop3A_1029 = arith.constant 4.097000e+03 : f32
        %parallel_loop3A_1030 = arith.constant 1.000000e+00 : f32
        %parallel_loop3A_1031 = vector.broadcast %parallel_loop3A_1029 : f32 to vector<16xf32>
        %parallel_loop3A_1032 = vector.broadcast %parallel_loop3A_1030 : f32 to vector<16xf32>
        %parallel_loop3A_1033 = arith.select %parallel_loop3A_1028, %parallel_loop3A_1031, %parallel_loop3A_1032 : vector<16xi1>, vector<16xf32>
        tpu.vector_store_idx %arg10[%parallel_loop3A_1025], %parallel_loop3A_1033 {add = true} : memref<4608xf32, #tpu.memory_space<vmem>>[vector<16xi32>], vector<16xf32>,
        tpu.vector_store_idx %arg11[%parallel_loop3A_1025], %parallel_loop3A_945 {add = true} : memref<4608xf32, #tpu.memory_space<vmem>>[vector<16xi32>], vector<16xf32>,
        %parallel_loop3A_1034 = arith.constant 1.500000e+01 : f32
        %parallel_loop3A_1035 = vector.broadcast %parallel_loop3A_1034 : f32 to vector<16xf32>
        %parallel_loop3A_1036 = arith.mulf %parallel_loop3A_946, %parallel_loop3A_1035 : vector<16xf32>
        %parallel_loop3A_1037 = arith.constant 5.000000e-01 : f32
        %parallel_loop3A_1038 = vector.broadcast %parallel_loop3A_1037 : f32 to vector<16xf32>
        %parallel_loop3A_1039 = arith.subf %parallel_loop3A_1036, %parallel_loop3A_1038 : vector<16xf32>
        %parallel_loop3A_1040 = vector.broadcast %scan3A : f32 to vector<16xf32>
        %parallel_loop3A_1041 = arith.addf %parallel_loop3A_1039, %parallel_loop3A_1040 : vector<16xf32>
        %parallel_loop3A_1042 = vector.bitcast %parallel_loop3A_1041 : vector<16xf32> to vector<16xi32>
        %parallel_loop3A_1043 = arith.constant 4 : i32
        %parallel_loop3A_1044 = vector.broadcast %parallel_loop3A_1043 : i32 to vector<16xi32>
        %parallel_loop3A_1045 = arith.shli %parallel_loop3A_1042, %parallel_loop3A_1044 : vector<16xi32>
        %parallel_loop3A_1046 = arith.constant 1275069136 : i32
        %parallel_loop3A_1047 = vector.broadcast %parallel_loop3A_1046 : i32 to vector<16xi32>
        %parallel_loop3A_1048 = arith.addi %iota3A, %parallel_loop3A_1047 : vector<16xi32>
        %parallel_loop3A_1049 = arith.addi %parallel_loop3A_1045, %parallel_loop3A_1048 : vector<16xi32>
        %parallel_loop3A_1050 = arith.constant 3 : i32
        %parallel_loop3A_1051 = vector.broadcast %parallel_loop3A_1050 : i32 to vector<16xi32>
        %parallel_loop3A_1052 = arith.cmpi eq, %parallel_loop3A_825, %parallel_loop3A_1051 : vector<16xi32>
        %parallel_loop3A_1053 = arith.constant 4.097000e+03 : f32
        %parallel_loop3A_1054 = arith.constant 1.000000e+00 : f32
        %parallel_loop3A_1055 = vector.broadcast %parallel_loop3A_1053 : f32 to vector<16xf32>
        %parallel_loop3A_1056 = vector.broadcast %parallel_loop3A_1054 : f32 to vector<16xf32>
        %parallel_loop3A_1057 = arith.select %parallel_loop3A_1052, %parallel_loop3A_1055, %parallel_loop3A_1056 : vector<16xi1>, vector<16xf32>
        tpu.vector_store_idx %arg10[%parallel_loop3A_1049], %parallel_loop3A_1057 {add = true} : memref<4608xf32, #tpu.memory_space<vmem>>[vector<16xi32>], vector<16xf32>,
        tpu.vector_store_idx %arg11[%parallel_loop3A_1049], %parallel_loop3A_946 {add = true} : memref<4608xf32, #tpu.memory_space<vmem>>[vector<16xi32>], vector<16xf32>,
        %parallel_loop3A_1058 = arith.constant 1.500000e+01 : f32
        %parallel_loop3A_1059 = vector.broadcast %parallel_loop3A_1058 : f32 to vector<16xf32>
        %parallel_loop3A_1060 = arith.mulf %parallel_loop3A_947, %parallel_loop3A_1059 : vector<16xf32>
        %parallel_loop3A_1061 = arith.constant 5.000000e-01 : f32
        %parallel_loop3A_1062 = vector.broadcast %parallel_loop3A_1061 : f32 to vector<16xf32>
        %parallel_loop3A_1063 = arith.subf %parallel_loop3A_1060, %parallel_loop3A_1062 : vector<16xf32>
        %parallel_loop3A_1064 = vector.broadcast %scan3A : f32 to vector<16xf32>
        %parallel_loop3A_1065 = arith.addf %parallel_loop3A_1063, %parallel_loop3A_1064 : vector<16xf32>
        %parallel_loop3A_1066 = vector.bitcast %parallel_loop3A_1065 : vector<16xf32> to vector<16xi32>
        %parallel_loop3A_1067 = arith.constant 4 : i32
        %parallel_loop3A_1068 = vector.broadcast %parallel_loop3A_1067 : i32 to vector<16xi32>
        %parallel_loop3A_1069 = arith.shli %parallel_loop3A_1066, %parallel_loop3A_1068 : vector<16xi32>
        %parallel_loop3A_1070 = arith.constant 1275069376 : i32
        %parallel_loop3A_1071 = vector.broadcast %parallel_loop3A_1070 : i32 to vector<16xi32>
        %parallel_loop3A_1072 = arith.addi %iota3A, %parallel_loop3A_1071 : vector<16xi32>
        %parallel_loop3A_1073 = arith.addi %parallel_loop3A_1069, %parallel_loop3A_1072 : vector<16xi32>
        %parallel_loop3A_1074 = arith.constant 4 : i32
        %parallel_loop3A_1075 = vector.broadcast %parallel_loop3A_1074 : i32 to vector<16xi32>
        %parallel_loop3A_1076 = arith.cmpi eq, %parallel_loop3A_825, %parallel_loop3A_1075 : vector<16xi32>
        %parallel_loop3A_1077 = arith.constant 4.097000e+03 : f32
        %parallel_loop3A_1078 = arith.constant 1.000000e+00 : f32
        %parallel_loop3A_1079 = vector.broadcast %parallel_loop3A_1077 : f32 to vector<16xf32>
        %parallel_loop3A_1080 = vector.broadcast %parallel_loop3A_1078 : f32 to vector<16xf32>
        %parallel_loop3A_1081 = arith.select %parallel_loop3A_1076, %parallel_loop3A_1079, %parallel_loop3A_1080 : vector<16xi1>, vector<16xf32>
        tpu.vector_store_idx %arg10[%parallel_loop3A_1073], %parallel_loop3A_1081 {add = true} : memref<4608xf32, #tpu.memory_space<vmem>>[vector<16xi32>], vector<16xf32>,
        tpu.vector_store_idx %arg11[%parallel_loop3A_1073], %parallel_loop3A_947 {add = true} : memref<4608xf32, #tpu.memory_space<vmem>>[vector<16xi32>], vector<16xf32>,
        %parallel_loop3A_1082 = arith.constant 1.500000e+01 : f32
        %parallel_loop3A_1083 = vector.broadcast %parallel_loop3A_1082 : f32 to vector<16xf32>
        %parallel_loop3A_1084 = arith.mulf %parallel_loop3A_948, %parallel_loop3A_1083 : vector<16xf32>
        %parallel_loop3A_1085 = arith.constant 5.000000e-01 : f32
        %parallel_loop3A_1086 = vector.broadcast %parallel_loop3A_1085 : f32 to vector<16xf32>
        %parallel_loop3A_1087 = arith.subf %parallel_loop3A_1084, %parallel_loop3A_1086 : vector<16xf32>
        %parallel_loop3A_1088 = vector.broadcast %scan3A : f32 to vector<16xf32>
        %parallel_loop3A_1089 = arith.addf %parallel_loop3A_1087, %parallel_loop3A_1088 : vector<16xf32>
        %parallel_loop3A_1090 = vector.bitcast %parallel_loop3A_1089 : vector<16xf32> to vector<16xi32>
        %parallel_loop3A_1091 = arith.constant 4 : i32
        %parallel_loop3A_1092 = vector.broadcast %parallel_loop3A_1091 : i32 to vector<16xi32>
        %parallel_loop3A_1093 = arith.shli %parallel_loop3A_1090, %parallel_loop3A_1092 : vector<16xi32>
        %parallel_loop3A_1094 = arith.constant 1275069616 : i32
        %parallel_loop3A_1095 = vector.broadcast %parallel_loop3A_1094 : i32 to vector<16xi32>
        %parallel_loop3A_1096 = arith.addi %iota3A, %parallel_loop3A_1095 : vector<16xi32>
        %parallel_loop3A_1097 = arith.addi %parallel_loop3A_1093, %parallel_loop3A_1096 : vector<16xi32>
        %parallel_loop3A_1098 = arith.constant 5 : i32
        %parallel_loop3A_1099 = vector.broadcast %parallel_loop3A_1098 : i32 to vector<16xi32>
        %parallel_loop3A_1100 = arith.cmpi eq, %parallel_loop3A_825, %parallel_loop3A_1099 : vector<16xi32>
        %parallel_loop3A_1101 = arith.constant 4.097000e+03 : f32
        %parallel_loop3A_1102 = arith.constant 1.000000e+00 : f32
        %parallel_loop3A_1103 = vector.broadcast %parallel_loop3A_1101 : f32 to vector<16xf32>
        %parallel_loop3A_1104 = vector.broadcast %parallel_loop3A_1102 : f32 to vector<16xf32>
        %parallel_loop3A_1105 = arith.select %parallel_loop3A_1100, %parallel_loop3A_1103, %parallel_loop3A_1104 : vector<16xi1>, vector<16xf32>
        tpu.vector_store_idx %arg10[%parallel_loop3A_1097], %parallel_loop3A_1105 {add = true} : memref<4608xf32, #tpu.memory_space<vmem>>[vector<16xi32>], vector<16xf32>,
        tpu.vector_store_idx %arg11[%parallel_loop3A_1097], %parallel_loop3A_948 {add = true} : memref<4608xf32, #tpu.memory_space<vmem>>[vector<16xi32>], vector<16xf32>,
        %parallel_loop3A_1106 = arith.constant 1.500000e+01 : f32
        %parallel_loop3A_1107 = vector.broadcast %parallel_loop3A_1106 : f32 to vector<16xf32>
        %parallel_loop3A_1108 = arith.mulf %parallel_loop3A_949, %parallel_loop3A_1107 : vector<16xf32>
        %parallel_loop3A_1109 = arith.constant 5.000000e-01 : f32
        %parallel_loop3A_1110 = vector.broadcast %parallel_loop3A_1109 : f32 to vector<16xf32>
        %parallel_loop3A_1111 = arith.subf %parallel_loop3A_1108, %parallel_loop3A_1110 : vector<16xf32>
        %parallel_loop3A_1112 = vector.broadcast %scan3A : f32 to vector<16xf32>
        %parallel_loop3A_1113 = arith.addf %parallel_loop3A_1111, %parallel_loop3A_1112 : vector<16xf32>
        %parallel_loop3A_1114 = vector.bitcast %parallel_loop3A_1113 : vector<16xf32> to vector<16xi32>
        %parallel_loop3A_1115 = arith.constant 4 : i32
        %parallel_loop3A_1116 = vector.broadcast %parallel_loop3A_1115 : i32 to vector<16xi32>
        %parallel_loop3A_1117 = arith.shli %parallel_loop3A_1114, %parallel_loop3A_1116 : vector<16xi32>
        %parallel_loop3A_1118 = arith.constant 1275069856 : i32
        %parallel_loop3A_1119 = vector.broadcast %parallel_loop3A_1118 : i32 to vector<16xi32>
        %parallel_loop3A_1120 = arith.addi %iota3A, %parallel_loop3A_1119 : vector<16xi32>
        %parallel_loop3A_1121 = arith.addi %parallel_loop3A_1117, %parallel_loop3A_1120 : vector<16xi32>
        %parallel_loop3A_1122 = arith.constant 6 : i32
        %parallel_loop3A_1123 = vector.broadcast %parallel_loop3A_1122 : i32 to vector<16xi32>
        %parallel_loop3A_1124 = arith.cmpi eq, %parallel_loop3A_825, %parallel_loop3A_1123 : vector<16xi32>
        %parallel_loop3A_1125 = arith.constant 4.097000e+03 : f32
        %parallel_loop3A_1126 = arith.constant 1.000000e+00 : f32
        %parallel_loop3A_1127 = vector.broadcast %parallel_loop3A_1125 : f32 to vector<16xf32>
        %parallel_loop3A_1128 = vector.broadcast %parallel_loop3A_1126 : f32 to vector<16xf32>
        %parallel_loop3A_1129 = arith.select %parallel_loop3A_1124, %parallel_loop3A_1127, %parallel_loop3A_1128 : vector<16xi1>, vector<16xf32>
        tpu.vector_store_idx %arg10[%parallel_loop3A_1121], %parallel_loop3A_1129 {add = true} : memref<4608xf32, #tpu.memory_space<vmem>>[vector<16xi32>], vector<16xf32>,
        tpu.vector_store_idx %arg11[%parallel_loop3A_1121], %parallel_loop3A_949 {add = true} : memref<4608xf32, #tpu.memory_space<vmem>>[vector<16xi32>], vector<16xf32>,
        %parallel_loop3A_1130 = arith.constant 1.500000e+01 : f32
        %parallel_loop3A_1131 = vector.broadcast %parallel_loop3A_1130 : f32 to vector<16xf32>
        %parallel_loop3A_1132 = arith.mulf %parallel_loop3A_950, %parallel_loop3A_1131 : vector<16xf32>
        %parallel_loop3A_1133 = arith.constant 5.000000e-01 : f32
        %parallel_loop3A_1134 = vector.broadcast %parallel_loop3A_1133 : f32 to vector<16xf32>
        %parallel_loop3A_1135 = arith.subf %parallel_loop3A_1132, %parallel_loop3A_1134 : vector<16xf32>
        %parallel_loop3A_1136 = vector.broadcast %scan3A : f32 to vector<16xf32>
        %parallel_loop3A_1137 = arith.addf %parallel_loop3A_1135, %parallel_loop3A_1136 : vector<16xf32>
        %parallel_loop3A_1138 = vector.bitcast %parallel_loop3A_1137 : vector<16xf32> to vector<16xi32>
        %parallel_loop3A_1139 = arith.constant 4 : i32
        %parallel_loop3A_1140 = vector.broadcast %parallel_loop3A_1139 : i32 to vector<16xi32>
        %parallel_loop3A_1141 = arith.shli %parallel_loop3A_1138, %parallel_loop3A_1140 : vector<16xi32>
        %parallel_loop3A_1142 = arith.constant 1275070096 : i32
        %parallel_loop3A_1143 = vector.broadcast %parallel_loop3A_1142 : i32 to vector<16xi32>
        %parallel_loop3A_1144 = arith.addi %iota3A, %parallel_loop3A_1143 : vector<16xi32>
        %parallel_loop3A_1145 = arith.addi %parallel_loop3A_1141, %parallel_loop3A_1144 : vector<16xi32>
        %parallel_loop3A_1146 = arith.constant 7 : i32
        %parallel_loop3A_1147 = vector.broadcast %parallel_loop3A_1146 : i32 to vector<16xi32>
        %parallel_loop3A_1148 = arith.cmpi eq, %parallel_loop3A_825, %parallel_loop3A_1147 : vector<16xi32>
        %parallel_loop3A_1149 = arith.constant 4.097000e+03 : f32
        %parallel_loop3A_1150 = arith.constant 1.000000e+00 : f32
        %parallel_loop3A_1151 = vector.broadcast %parallel_loop3A_1149 : f32 to vector<16xf32>
        %parallel_loop3A_1152 = vector.broadcast %parallel_loop3A_1150 : f32 to vector<16xf32>
        %parallel_loop3A_1153 = arith.select %parallel_loop3A_1148, %parallel_loop3A_1151, %parallel_loop3A_1152 : vector<16xi1>, vector<16xf32>
        tpu.vector_store_idx %arg10[%parallel_loop3A_1145], %parallel_loop3A_1153 {add = true} : memref<4608xf32, #tpu.memory_space<vmem>>[vector<16xi32>], vector<16xf32>,
        tpu.vector_store_idx %arg11[%parallel_loop3A_1145], %parallel_loop3A_950 {add = true} : memref<4608xf32, #tpu.memory_space<vmem>>[vector<16xi32>], vector<16xf32>,
        %parallel_loop3A_1154 = arith.constant 1.500000e+01 : f32
        %parallel_loop3A_1155 = vector.broadcast %parallel_loop3A_1154 : f32 to vector<16xf32>
        %parallel_loop3A_1156 = arith.mulf %parallel_loop3A_951, %parallel_loop3A_1155 : vector<16xf32>
        %parallel_loop3A_1157 = arith.constant 5.000000e-01 : f32
        %parallel_loop3A_1158 = vector.broadcast %parallel_loop3A_1157 : f32 to vector<16xf32>
        %parallel_loop3A_1159 = arith.subf %parallel_loop3A_1156, %parallel_loop3A_1158 : vector<16xf32>
        %parallel_loop3A_1160 = vector.broadcast %scan3A : f32 to vector<16xf32>
        %parallel_loop3A_1161 = arith.addf %parallel_loop3A_1159, %parallel_loop3A_1160 : vector<16xf32>
        %parallel_loop3A_1162 = vector.bitcast %parallel_loop3A_1161 : vector<16xf32> to vector<16xi32>
        %parallel_loop3A_1163 = arith.constant 4 : i32
        %parallel_loop3A_1164 = vector.broadcast %parallel_loop3A_1163 : i32 to vector<16xi32>
        %parallel_loop3A_1165 = arith.shli %parallel_loop3A_1162, %parallel_loop3A_1164 : vector<16xi32>
        %parallel_loop3A_1166 = arith.constant 1275070336 : i32
        %parallel_loop3A_1167 = vector.broadcast %parallel_loop3A_1166 : i32 to vector<16xi32>
        %parallel_loop3A_1168 = arith.addi %iota3A, %parallel_loop3A_1167 : vector<16xi32>
        %parallel_loop3A_1169 = arith.addi %parallel_loop3A_1165, %parallel_loop3A_1168 : vector<16xi32>
        %parallel_loop3A_1170 = arith.constant 8 : i32
        %parallel_loop3A_1171 = vector.broadcast %parallel_loop3A_1170 : i32 to vector<16xi32>
        %parallel_loop3A_1172 = arith.cmpi eq, %parallel_loop3A_825, %parallel_loop3A_1171 : vector<16xi32>
        %parallel_loop3A_1173 = arith.constant 4.097000e+03 : f32
        %parallel_loop3A_1174 = arith.constant 1.000000e+00 : f32
        %parallel_loop3A_1175 = vector.broadcast %parallel_loop3A_1173 : f32 to vector<16xf32>
        %parallel_loop3A_1176 = vector.broadcast %parallel_loop3A_1174 : f32 to vector<16xf32>
        %parallel_loop3A_1177 = arith.select %parallel_loop3A_1172, %parallel_loop3A_1175, %parallel_loop3A_1176 : vector<16xi1>, vector<16xf32>
        tpu.vector_store_idx %arg10[%parallel_loop3A_1169], %parallel_loop3A_1177 {add = true} : memref<4608xf32, #tpu.memory_space<vmem>>[vector<16xi32>], vector<16xf32>,
        tpu.vector_store_idx %arg11[%parallel_loop3A_1169], %parallel_loop3A_951 {add = true} : memref<4608xf32, #tpu.memory_space<vmem>>[vector<16xi32>], vector<16xf32>,
        %parallel_loop3A_1178 = arith.constant 1.500000e+01 : f32
        %parallel_loop3A_1179 = vector.broadcast %parallel_loop3A_1178 : f32 to vector<16xf32>
        %parallel_loop3A_1180 = arith.mulf %parallel_loop3A_952, %parallel_loop3A_1179 : vector<16xf32>
        %parallel_loop3A_1181 = arith.constant 5.000000e-01 : f32
        %parallel_loop3A_1182 = vector.broadcast %parallel_loop3A_1181 : f32 to vector<16xf32>
        %parallel_loop3A_1183 = arith.subf %parallel_loop3A_1180, %parallel_loop3A_1182 : vector<16xf32>
        %parallel_loop3A_1184 = vector.broadcast %scan3A : f32 to vector<16xf32>
        %parallel_loop3A_1185 = arith.addf %parallel_loop3A_1183, %parallel_loop3A_1184 : vector<16xf32>
        %parallel_loop3A_1186 = vector.bitcast %parallel_loop3A_1185 : vector<16xf32> to vector<16xi32>
        %parallel_loop3A_1187 = arith.constant 4 : i32
        %parallel_loop3A_1188 = vector.broadcast %parallel_loop3A_1187 : i32 to vector<16xi32>
        %parallel_loop3A_1189 = arith.shli %parallel_loop3A_1186, %parallel_loop3A_1188 : vector<16xi32>
        %parallel_loop3A_1190 = arith.constant 1275070576 : i32
        %parallel_loop3A_1191 = vector.broadcast %parallel_loop3A_1190 : i32 to vector<16xi32>
        %parallel_loop3A_1192 = arith.addi %iota3A, %parallel_loop3A_1191 : vector<16xi32>
        %parallel_loop3A_1193 = arith.addi %parallel_loop3A_1189, %parallel_loop3A_1192 : vector<16xi32>
        %parallel_loop3A_1194 = arith.constant 9 : i32
        %parallel_loop3A_1195 = vector.broadcast %parallel_loop3A_1194 : i32 to vector<16xi32>
        %parallel_loop3A_1196 = arith.cmpi eq, %parallel_loop3A_825, %parallel_loop3A_1195 : vector<16xi32>
        %parallel_loop3A_1197 = arith.constant 4.097000e+03 : f32
        %parallel_loop3A_1198 = arith.constant 1.000000e+00 : f32
        %parallel_loop3A_1199 = vector.broadcast %parallel_loop3A_1197 : f32 to vector<16xf32>
        %parallel_loop3A_1200 = vector.broadcast %parallel_loop3A_1198 : f32 to vector<16xf32>
        %parallel_loop3A_1201 = arith.select %parallel_loop3A_1196, %parallel_loop3A_1199, %parallel_loop3A_1200 : vector<16xi1>, vector<16xf32>
        tpu.vector_store_idx %arg10[%parallel_loop3A_1193], %parallel_loop3A_1201 {add = true} : memref<4608xf32, #tpu.memory_space<vmem>>[vector<16xi32>], vector<16xf32>,
        tpu.vector_store_idx %arg11[%parallel_loop3A_1193], %parallel_loop3A_952 {add = true} : memref<4608xf32, #tpu.memory_space<vmem>>[vector<16xi32>], vector<16xf32>,
        %parallel_loop3A_1202 = arith.constant 1.500000e+01 : f32
        %parallel_loop3A_1203 = vector.broadcast %parallel_loop3A_1202 : f32 to vector<16xf32>
        %parallel_loop3A_1204 = arith.mulf %parallel_loop3A_953, %parallel_loop3A_1203 : vector<16xf32>
        %parallel_loop3A_1205 = arith.constant 5.000000e-01 : f32
        %parallel_loop3A_1206 = vector.broadcast %parallel_loop3A_1205 : f32 to vector<16xf32>
        %parallel_loop3A_1207 = arith.subf %parallel_loop3A_1204, %parallel_loop3A_1206 : vector<16xf32>
        %parallel_loop3A_1208 = vector.broadcast %scan3A : f32 to vector<16xf32>
        %parallel_loop3A_1209 = arith.addf %parallel_loop3A_1207, %parallel_loop3A_1208 : vector<16xf32>
        %parallel_loop3A_1210 = vector.bitcast %parallel_loop3A_1209 : vector<16xf32> to vector<16xi32>
        %parallel_loop3A_1211 = arith.constant 4 : i32
        %parallel_loop3A_1212 = vector.broadcast %parallel_loop3A_1211 : i32 to vector<16xi32>
        %parallel_loop3A_1213 = arith.shli %parallel_loop3A_1210, %parallel_loop3A_1212 : vector<16xi32>
        %parallel_loop3A_1214 = arith.constant 1275070816 : i32
        %parallel_loop3A_1215 = vector.broadcast %parallel_loop3A_1214 : i32 to vector<16xi32>
        %parallel_loop3A_1216 = arith.addi %iota3A, %parallel_loop3A_1215 : vector<16xi32>
        %parallel_loop3A_1217 = arith.addi %parallel_loop3A_1213, %parallel_loop3A_1216 : vector<16xi32>
        %parallel_loop3A_1218 = arith.constant 10 : i32
        %parallel_loop3A_1219 = vector.broadcast %parallel_loop3A_1218 : i32 to vector<16xi32>
        %parallel_loop3A_1220 = arith.cmpi eq, %parallel_loop3A_825, %parallel_loop3A_1219 : vector<16xi32>
        %parallel_loop3A_1221 = arith.constant 4.097000e+03 : f32
        %parallel_loop3A_1222 = arith.constant 1.000000e+00 : f32
        %parallel_loop3A_1223 = vector.broadcast %parallel_loop3A_1221 : f32 to vector<16xf32>
        %parallel_loop3A_1224 = vector.broadcast %parallel_loop3A_1222 : f32 to vector<16xf32>
        %parallel_loop3A_1225 = arith.select %parallel_loop3A_1220, %parallel_loop3A_1223, %parallel_loop3A_1224 : vector<16xi1>, vector<16xf32>
        tpu.vector_store_idx %arg10[%parallel_loop3A_1217], %parallel_loop3A_1225 {add = true} : memref<4608xf32, #tpu.memory_space<vmem>>[vector<16xi32>], vector<16xf32>,
        tpu.vector_store_idx %arg11[%parallel_loop3A_1217], %parallel_loop3A_953 {add = true} : memref<4608xf32, #tpu.memory_space<vmem>>[vector<16xi32>], vector<16xf32>,
        %parallel_loop3A_1226 = arith.constant 1.500000e+01 : f32
        %parallel_loop3A_1227 = vector.broadcast %parallel_loop3A_1226 : f32 to vector<16xf32>
        %parallel_loop3A_1228 = arith.mulf %parallel_loop3A_954, %parallel_loop3A_1227 : vector<16xf32>
        %parallel_loop3A_1229 = arith.constant 5.000000e-01 : f32
        %parallel_loop3A_1230 = vector.broadcast %parallel_loop3A_1229 : f32 to vector<16xf32>
        %parallel_loop3A_1231 = arith.subf %parallel_loop3A_1228, %parallel_loop3A_1230 : vector<16xf32>
        %parallel_loop3A_1232 = vector.broadcast %scan3A : f32 to vector<16xf32>
        %parallel_loop3A_1233 = arith.addf %parallel_loop3A_1231, %parallel_loop3A_1232 : vector<16xf32>
        %parallel_loop3A_1234 = vector.bitcast %parallel_loop3A_1233 : vector<16xf32> to vector<16xi32>
        %parallel_loop3A_1235 = arith.constant 4 : i32
        %parallel_loop3A_1236 = vector.broadcast %parallel_loop3A_1235 : i32 to vector<16xi32>
        %parallel_loop3A_1237 = arith.shli %parallel_loop3A_1234, %parallel_loop3A_1236 : vector<16xi32>
        %parallel_loop3A_1238 = arith.constant 1275071056 : i32
        %parallel_loop3A_1239 = vector.broadcast %parallel_loop3A_1238 : i32 to vector<16xi32>
        %parallel_loop3A_1240 = arith.addi %iota3A, %parallel_loop3A_1239 : vector<16xi32>
        %parallel_loop3A_1241 = arith.addi %parallel_loop3A_1237, %parallel_loop3A_1240 : vector<16xi32>
        %parallel_loop3A_1242 = arith.constant 11 : i32
        %parallel_loop3A_1243 = vector.broadcast %parallel_loop3A_1242 : i32 to vector<16xi32>
        %parallel_loop3A_1244 = arith.cmpi eq, %parallel_loop3A_825, %parallel_loop3A_1243 : vector<16xi32>
        %parallel_loop3A_1245 = arith.constant 4.097000e+03 : f32
        %parallel_loop3A_1246 = arith.constant 1.000000e+00 : f32
        %parallel_loop3A_1247 = vector.broadcast %parallel_loop3A_1245 : f32 to vector<16xf32>
        %parallel_loop3A_1248 = vector.broadcast %parallel_loop3A_1246 : f32 to vector<16xf32>
        %parallel_loop3A_1249 = arith.select %parallel_loop3A_1244, %parallel_loop3A_1247, %parallel_loop3A_1248 : vector<16xi1>, vector<16xf32>
        tpu.vector_store_idx %arg10[%parallel_loop3A_1241], %parallel_loop3A_1249 {add = true} : memref<4608xf32, #tpu.memory_space<vmem>>[vector<16xi32>], vector<16xf32>,
        tpu.vector_store_idx %arg11[%parallel_loop3A_1241], %parallel_loop3A_954 {add = true} : memref<4608xf32, #tpu.memory_space<vmem>>[vector<16xi32>], vector<16xf32>,
        %parallel_loop3A_1250 = arith.constant 1.500000e+01 : f32
        %parallel_loop3A_1251 = vector.broadcast %parallel_loop3A_1250 : f32 to vector<16xf32>
        %parallel_loop3A_1252 = arith.mulf %parallel_loop3A_955, %parallel_loop3A_1251 : vector<16xf32>
        %parallel_loop3A_1253 = arith.constant 5.000000e-01 : f32
        %parallel_loop3A_1254 = vector.broadcast %parallel_loop3A_1253 : f32 to vector<16xf32>
        %parallel_loop3A_1255 = arith.subf %parallel_loop3A_1252, %parallel_loop3A_1254 : vector<16xf32>
        %parallel_loop3A_1256 = vector.broadcast %scan3A : f32 to vector<16xf32>
        %parallel_loop3A_1257 = arith.addf %parallel_loop3A_1255, %parallel_loop3A_1256 : vector<16xf32>
        %parallel_loop3A_1258 = vector.bitcast %parallel_loop3A_1257 : vector<16xf32> to vector<16xi32>
        %parallel_loop3A_1259 = arith.constant 4 : i32
        %parallel_loop3A_1260 = vector.broadcast %parallel_loop3A_1259 : i32 to vector<16xi32>
        %parallel_loop3A_1261 = arith.shli %parallel_loop3A_1258, %parallel_loop3A_1260 : vector<16xi32>
        %parallel_loop3A_1262 = arith.constant 1275071296 : i32
        %parallel_loop3A_1263 = vector.broadcast %parallel_loop3A_1262 : i32 to vector<16xi32>
        %parallel_loop3A_1264 = arith.addi %iota3A, %parallel_loop3A_1263 : vector<16xi32>
        %parallel_loop3A_1265 = arith.addi %parallel_loop3A_1261, %parallel_loop3A_1264 : vector<16xi32>
        %parallel_loop3A_1266 = arith.constant 12 : i32
        %parallel_loop3A_1267 = vector.broadcast %parallel_loop3A_1266 : i32 to vector<16xi32>
        %parallel_loop3A_1268 = arith.cmpi eq, %parallel_loop3A_825, %parallel_loop3A_1267 : vector<16xi32>
        %parallel_loop3A_1269 = arith.constant 4.097000e+03 : f32
        %parallel_loop3A_1270 = arith.constant 1.000000e+00 : f32
        %parallel_loop3A_1271 = vector.broadcast %parallel_loop3A_1269 : f32 to vector<16xf32>
        %parallel_loop3A_1272 = vector.broadcast %parallel_loop3A_1270 : f32 to vector<16xf32>
        %parallel_loop3A_1273 = arith.select %parallel_loop3A_1268, %parallel_loop3A_1271, %parallel_loop3A_1272 : vector<16xi1>, vector<16xf32>
        tpu.vector_store_idx %arg10[%parallel_loop3A_1265], %parallel_loop3A_1273 {add = true} : memref<4608xf32, #tpu.memory_space<vmem>>[vector<16xi32>], vector<16xf32>,
        tpu.vector_store_idx %arg11[%parallel_loop3A_1265], %parallel_loop3A_955 {add = true} : memref<4608xf32, #tpu.memory_space<vmem>>[vector<16xi32>], vector<16xf32>,
        %parallel_loop3A_1274 = arith.constant 1.500000e+01 : f32
        %parallel_loop3A_1275 = vector.broadcast %parallel_loop3A_1274 : f32 to vector<16xf32>
        %parallel_loop3A_1276 = arith.mulf %parallel_loop3A_956, %parallel_loop3A_1275 : vector<16xf32>
        %parallel_loop3A_1277 = arith.constant 5.000000e-01 : f32
        %parallel_loop3A_1278 = vector.broadcast %parallel_loop3A_1277 : f32 to vector<16xf32>
        %parallel_loop3A_1279 = arith.subf %parallel_loop3A_1276, %parallel_loop3A_1278 : vector<16xf32>
        %parallel_loop3A_1280 = vector.broadcast %scan3A : f32 to vector<16xf32>
        %parallel_loop3A_1281 = arith.addf %parallel_loop3A_1279, %parallel_loop3A_1280 : vector<16xf32>
        %parallel_loop3A_1282 = vector.bitcast %parallel_loop3A_1281 : vector<16xf32> to vector<16xi32>
        %parallel_loop3A_1283 = arith.constant 4 : i32
        %parallel_loop3A_1284 = vector.broadcast %parallel_loop3A_1283 : i32 to vector<16xi32>
        %parallel_loop3A_1285 = arith.shli %parallel_loop3A_1282, %parallel_loop3A_1284 : vector<16xi32>
        %parallel_loop3A_1286 = arith.constant 1275071536 : i32
        %parallel_loop3A_1287 = vector.broadcast %parallel_loop3A_1286 : i32 to vector<16xi32>
        %parallel_loop3A_1288 = arith.addi %iota3A, %parallel_loop3A_1287 : vector<16xi32>
        %parallel_loop3A_1289 = arith.addi %parallel_loop3A_1285, %parallel_loop3A_1288 : vector<16xi32>
        %parallel_loop3A_1290 = arith.constant 13 : i32
        %parallel_loop3A_1291 = vector.broadcast %parallel_loop3A_1290 : i32 to vector<16xi32>
        %parallel_loop3A_1292 = arith.cmpi eq, %parallel_loop3A_825, %parallel_loop3A_1291 : vector<16xi32>
        %parallel_loop3A_1293 = arith.constant 4.097000e+03 : f32
        %parallel_loop3A_1294 = arith.constant 1.000000e+00 : f32
        %parallel_loop3A_1295 = vector.broadcast %parallel_loop3A_1293 : f32 to vector<16xf32>
        %parallel_loop3A_1296 = vector.broadcast %parallel_loop3A_1294 : f32 to vector<16xf32>
        %parallel_loop3A_1297 = arith.select %parallel_loop3A_1292, %parallel_loop3A_1295, %parallel_loop3A_1296 : vector<16xi1>, vector<16xf32>
        tpu.vector_store_idx %arg10[%parallel_loop3A_1289], %parallel_loop3A_1297 {add = true} : memref<4608xf32, #tpu.memory_space<vmem>>[vector<16xi32>], vector<16xf32>,
        tpu.vector_store_idx %arg11[%parallel_loop3A_1289], %parallel_loop3A_956 {add = true} : memref<4608xf32, #tpu.memory_space<vmem>>[vector<16xi32>], vector<16xf32>,
        %parallel_loop3A_1298 = arith.constant 1.500000e+01 : f32
        %parallel_loop3A_1299 = vector.broadcast %parallel_loop3A_1298 : f32 to vector<16xf32>
        %parallel_loop3A_1300 = arith.mulf %parallel_loop3A_957, %parallel_loop3A_1299 : vector<16xf32>
        %parallel_loop3A_1301 = arith.constant 5.000000e-01 : f32
        %parallel_loop3A_1302 = vector.broadcast %parallel_loop3A_1301 : f32 to vector<16xf32>
        %parallel_loop3A_1303 = arith.subf %parallel_loop3A_1300, %parallel_loop3A_1302 : vector<16xf32>
        %parallel_loop3A_1304 = vector.broadcast %scan3A : f32 to vector<16xf32>
        %parallel_loop3A_1305 = arith.addf %parallel_loop3A_1303, %parallel_loop3A_1304 : vector<16xf32>
        %parallel_loop3A_1306 = vector.bitcast %parallel_loop3A_1305 : vector<16xf32> to vector<16xi32>
        %parallel_loop3A_1307 = arith.constant 4 : i32
        %parallel_loop3A_1308 = vector.broadcast %parallel_loop3A_1307 : i32 to vector<16xi32>
        %parallel_loop3A_1309 = arith.shli %parallel_loop3A_1306, %parallel_loop3A_1308 : vector<16xi32>
        %parallel_loop3A_1310 = arith.constant 1275071776 : i32
        %parallel_loop3A_1311 = vector.broadcast %parallel_loop3A_1310 : i32 to vector<16xi32>
        %parallel_loop3A_1312 = arith.addi %iota3A, %parallel_loop3A_1311 : vector<16xi32>
        %parallel_loop3A_1313 = arith.addi %parallel_loop3A_1309, %parallel_loop3A_1312 : vector<16xi32>
        %parallel_loop3A_1314 = arith.constant 14 : i32
        %parallel_loop3A_1315 = vector.broadcast %parallel_loop3A_1314 : i32 to vector<16xi32>
        %parallel_loop3A_1316 = arith.cmpi eq, %parallel_loop3A_825, %parallel_loop3A_1315 : vector<16xi32>
        %parallel_loop3A_1317 = arith.constant 4.097000e+03 : f32
        %parallel_loop3A_1318 = arith.constant 1.000000e+00 : f32
        %parallel_loop3A_1319 = vector.broadcast %parallel_loop3A_1317 : f32 to vector<16xf32>
        %parallel_loop3A_1320 = vector.broadcast %parallel_loop3A_1318 : f32 to vector<16xf32>
        %parallel_loop3A_1321 = arith.select %parallel_loop3A_1316, %parallel_loop3A_1319, %parallel_loop3A_1320 : vector<16xi1>, vector<16xf32>
        tpu.vector_store_idx %arg10[%parallel_loop3A_1313], %parallel_loop3A_1321 {add = true} : memref<4608xf32, #tpu.memory_space<vmem>>[vector<16xi32>], vector<16xf32>,
        tpu.vector_store_idx %arg11[%parallel_loop3A_1313], %parallel_loop3A_957 {add = true} : memref<4608xf32, #tpu.memory_space<vmem>>[vector<16xi32>], vector<16xf32>,
        %parallel_loop3A_1322 = arith.constant 1.500000e+01 : f32
        %parallel_loop3A_1323 = vector.broadcast %parallel_loop3A_1322 : f32 to vector<16xf32>
        %parallel_loop3A_1324 = arith.mulf %parallel_loop3A_958, %parallel_loop3A_1323 : vector<16xf32>
        %parallel_loop3A_1325 = arith.constant 5.000000e-01 : f32
        %parallel_loop3A_1326 = vector.broadcast %parallel_loop3A_1325 : f32 to vector<16xf32>
        %parallel_loop3A_1327 = arith.subf %parallel_loop3A_1324, %parallel_loop3A_1326 : vector<16xf32>
        %parallel_loop3A_1328 = vector.broadcast %scan3A : f32 to vector<16xf32>
        %parallel_loop3A_1329 = arith.addf %parallel_loop3A_1327, %parallel_loop3A_1328 : vector<16xf32>
        %parallel_loop3A_1330 = vector.bitcast %parallel_loop3A_1329 : vector<16xf32> to vector<16xi32>
        %parallel_loop3A_1331 = arith.constant 4 : i32
        %parallel_loop3A_1332 = vector.broadcast %parallel_loop3A_1331 : i32 to vector<16xi32>
        %parallel_loop3A_1333 = arith.shli %parallel_loop3A_1330, %parallel_loop3A_1332 : vector<16xi32>
        %parallel_loop3A_1334 = arith.constant 1275072016 : i32
        %parallel_loop3A_1335 = vector.broadcast %parallel_loop3A_1334 : i32 to vector<16xi32>
        %parallel_loop3A_1336 = arith.addi %iota3A, %parallel_loop3A_1335 : vector<16xi32>
        %parallel_loop3A_1337 = arith.addi %parallel_loop3A_1333, %parallel_loop3A_1336 : vector<16xi32>
        %parallel_loop3A_1338 = arith.constant 15 : i32
        %parallel_loop3A_1339 = vector.broadcast %parallel_loop3A_1338 : i32 to vector<16xi32>
        %parallel_loop3A_1340 = arith.cmpi eq, %parallel_loop3A_825, %parallel_loop3A_1339 : vector<16xi32>
        %parallel_loop3A_1341 = arith.constant 4.097000e+03 : f32
        %parallel_loop3A_1342 = arith.constant 1.000000e+00 : f32
        %parallel_loop3A_1343 = vector.broadcast %parallel_loop3A_1341 : f32 to vector<16xf32>
        %parallel_loop3A_1344 = vector.broadcast %parallel_loop3A_1342 : f32 to vector<16xf32>
        %parallel_loop3A_1345 = arith.select %parallel_loop3A_1340, %parallel_loop3A_1343, %parallel_loop3A_1344 : vector<16xi1>, vector<16xf32>
        tpu.vector_store_idx %arg10[%parallel_loop3A_1337], %parallel_loop3A_1345 {add = true} : memref<4608xf32, #tpu.memory_space<vmem>>[vector<16xi32>], vector<16xf32>,
        tpu.vector_store_idx %arg11[%parallel_loop3A_1337], %parallel_loop3A_958 {add = true} : memref<4608xf32, #tpu.memory_space<vmem>>[vector<16xi32>], vector<16xf32>,
        %parallel_loop3A_1346 = arith.constant 1.500000e+01 : f32
        %parallel_loop3A_1347 = vector.broadcast %parallel_loop3A_1346 : f32 to vector<16xf32>
        %parallel_loop3A_1348 = arith.mulf %parallel_loop3A_959, %parallel_loop3A_1347 : vector<16xf32>
        %parallel_loop3A_1349 = arith.constant 5.000000e-01 : f32
        %parallel_loop3A_1350 = vector.broadcast %parallel_loop3A_1349 : f32 to vector<16xf32>
        %parallel_loop3A_1351 = arith.subf %parallel_loop3A_1348, %parallel_loop3A_1350 : vector<16xf32>
        %parallel_loop3A_1352 = vector.broadcast %scan3A : f32 to vector<16xf32>
        %parallel_loop3A_1353 = arith.addf %parallel_loop3A_1351, %parallel_loop3A_1352 : vector<16xf32>
        %parallel_loop3A_1354 = vector.bitcast %parallel_loop3A_1353 : vector<16xf32> to vector<16xi32>
        %parallel_loop3A_1355 = arith.constant 4 : i32
        %parallel_loop3A_1356 = vector.broadcast %parallel_loop3A_1355 : i32 to vector<16xi32>
        %parallel_loop3A_1357 = arith.shli %parallel_loop3A_1354, %parallel_loop3A_1356 : vector<16xi32>
        %parallel_loop3A_1358 = arith.constant 1275072256 : i32
        %parallel_loop3A_1359 = vector.broadcast %parallel_loop3A_1358 : i32 to vector<16xi32>
        %parallel_loop3A_1360 = arith.addi %iota3A, %parallel_loop3A_1359 : vector<16xi32>
        %parallel_loop3A_1361 = arith.addi %parallel_loop3A_1357, %parallel_loop3A_1360 : vector<16xi32>
        %parallel_loop3A_1362 = arith.constant 16 : i32
        %parallel_loop3A_1363 = vector.broadcast %parallel_loop3A_1362 : i32 to vector<16xi32>
        %parallel_loop3A_1364 = arith.cmpi eq, %parallel_loop3A_825, %parallel_loop3A_1363 : vector<16xi32>
        %parallel_loop3A_1365 = arith.constant 4.097000e+03 : f32
        %parallel_loop3A_1366 = arith.constant 1.000000e+00 : f32
        %parallel_loop3A_1367 = vector.broadcast %parallel_loop3A_1365 : f32 to vector<16xf32>
        %parallel_loop3A_1368 = vector.broadcast %parallel_loop3A_1366 : f32 to vector<16xf32>
        %parallel_loop3A_1369 = arith.select %parallel_loop3A_1364, %parallel_loop3A_1367, %parallel_loop3A_1368 : vector<16xi1>, vector<16xf32>
        tpu.vector_store_idx %arg10[%parallel_loop3A_1361], %parallel_loop3A_1369 {add = true} : memref<4608xf32, #tpu.memory_space<vmem>>[vector<16xi32>], vector<16xf32>,
        tpu.vector_store_idx %arg11[%parallel_loop3A_1361], %parallel_loop3A_959 {add = true} : memref<4608xf32, #tpu.memory_space<vmem>>[vector<16xi32>], vector<16xf32>,
        %parallel_loop3A_1370 = arith.constant 1.500000e+01 : f32
        %parallel_loop3A_1371 = vector.broadcast %parallel_loop3A_1370 : f32 to vector<16xf32>
        %parallel_loop3A_1372 = arith.mulf %parallel_loop3A_960, %parallel_loop3A_1371 : vector<16xf32>
        %parallel_loop3A_1373 = arith.constant 5.000000e-01 : f32
        %parallel_loop3A_1374 = vector.broadcast %parallel_loop3A_1373 : f32 to vector<16xf32>
        %parallel_loop3A_1375 = arith.subf %parallel_loop3A_1372, %parallel_loop3A_1374 : vector<16xf32>
        %parallel_loop3A_1376 = vector.broadcast %scan3A : f32 to vector<16xf32>
        %parallel_loop3A_1377 = arith.addf %parallel_loop3A_1375, %parallel_loop3A_1376 : vector<16xf32>
        %parallel_loop3A_1378 = vector.bitcast %parallel_loop3A_1377 : vector<16xf32> to vector<16xi32>
        %parallel_loop3A_1379 = arith.constant 4 : i32
        %parallel_loop3A_1380 = vector.broadcast %parallel_loop3A_1379 : i32 to vector<16xi32>
        %parallel_loop3A_1381 = arith.shli %parallel_loop3A_1378, %parallel_loop3A_1380 : vector<16xi32>
        %parallel_loop3A_1382 = arith.constant 1275072496 : i32
        %parallel_loop3A_1383 = vector.broadcast %parallel_loop3A_1382 : i32 to vector<16xi32>
        %parallel_loop3A_1384 = arith.addi %iota3A, %parallel_loop3A_1383 : vector<16xi32>
        %parallel_loop3A_1385 = arith.addi %parallel_loop3A_1381, %parallel_loop3A_1384 : vector<16xi32>
        %parallel_loop3A_1386 = arith.constant 17 : i32
        %parallel_loop3A_1387 = vector.broadcast %parallel_loop3A_1386 : i32 to vector<16xi32>
        %parallel_loop3A_1388 = arith.cmpi eq, %parallel_loop3A_825, %parallel_loop3A_1387 : vector<16xi32>
        %parallel_loop3A_1389 = arith.constant 4.097000e+03 : f32
        %parallel_loop3A_1390 = arith.constant 1.000000e+00 : f32
        %parallel_loop3A_1391 = vector.broadcast %parallel_loop3A_1389 : f32 to vector<16xf32>
        %parallel_loop3A_1392 = vector.broadcast %parallel_loop3A_1390 : f32 to vector<16xf32>
        %parallel_loop3A_1393 = arith.select %parallel_loop3A_1388, %parallel_loop3A_1391, %parallel_loop3A_1392 : vector<16xi1>, vector<16xf32>
        tpu.vector_store_idx %arg10[%parallel_loop3A_1385], %parallel_loop3A_1393 {add = true} : memref<4608xf32, #tpu.memory_space<vmem>>[vector<16xi32>], vector<16xf32>,
        tpu.vector_store_idx %arg11[%parallel_loop3A_1385], %parallel_loop3A_960 {add = true} : memref<4608xf32, #tpu.memory_space<vmem>>[vector<16xi32>], vector<16xf32>,
        %parallel_loop3A_1394 = arith.constant 1.500000e+01 : f32
        %parallel_loop3A_1395 = vector.broadcast %parallel_loop3A_1394 : f32 to vector<16xf32>
        %parallel_loop3A_1396 = arith.mulf %parallel_loop3A_961, %parallel_loop3A_1395 : vector<16xf32>
        %parallel_loop3A_1397 = arith.constant 5.000000e-01 : f32
        %parallel_loop3A_1398 = vector.broadcast %parallel_loop3A_1397 : f32 to vector<16xf32>
        %parallel_loop3A_1399 = arith.subf %parallel_loop3A_1396, %parallel_loop3A_1398 : vector<16xf32>
        %parallel_loop3A_1400 = vector.broadcast %scan3A : f32 to vector<16xf32>
        %parallel_loop3A_1401 = arith.addf %parallel_loop3A_1399, %parallel_loop3A_1400 : vector<16xf32>
        %parallel_loop3A_1402 = vector.bitcast %parallel_loop3A_1401 : vector<16xf32> to vector<16xi32>
        %parallel_loop3A_1403 = arith.constant 4 : i32
        %parallel_loop3A_1404 = vector.broadcast %parallel_loop3A_1403 : i32 to vector<16xi32>
        %parallel_loop3A_1405 = arith.shli %parallel_loop3A_1402, %parallel_loop3A_1404 : vector<16xi32>
        %parallel_loop3A_1406 = arith.constant 1275072736 : i32
        %parallel_loop3A_1407 = vector.broadcast %parallel_loop3A_1406 : i32 to vector<16xi32>
        %parallel_loop3A_1408 = arith.addi %iota3A, %parallel_loop3A_1407 : vector<16xi32>
        %parallel_loop3A_1409 = arith.addi %parallel_loop3A_1405, %parallel_loop3A_1408 : vector<16xi32>
        %parallel_loop3A_1410 = arith.constant 18 : i32
        %parallel_loop3A_1411 = vector.broadcast %parallel_loop3A_1410 : i32 to vector<16xi32>
        %parallel_loop3A_1412 = arith.cmpi eq, %parallel_loop3A_825, %parallel_loop3A_1411 : vector<16xi32>
        %parallel_loop3A_1413 = arith.constant 4.097000e+03 : f32
        %parallel_loop3A_1414 = arith.constant 1.000000e+00 : f32
        %parallel_loop3A_1415 = vector.broadcast %parallel_loop3A_1413 : f32 to vector<16xf32>
        %parallel_loop3A_1416 = vector.broadcast %parallel_loop3A_1414 : f32 to vector<16xf32>
        %parallel_loop3A_1417 = arith.select %parallel_loop3A_1412, %parallel_loop3A_1415, %parallel_loop3A_1416 : vector<16xi1>, vector<16xf32>
        tpu.vector_store_idx %arg10[%parallel_loop3A_1409], %parallel_loop3A_1417 {add = true} : memref<4608xf32, #tpu.memory_space<vmem>>[vector<16xi32>], vector<16xf32>,
        tpu.vector_store_idx %arg11[%parallel_loop3A_1409], %parallel_loop3A_961 {add = true} : memref<4608xf32, #tpu.memory_space<vmem>>[vector<16xi32>], vector<16xf32>,
      } {sc.loop_unroll_factor = 1 : i64, sc.parallel_access}
      %lt3A_750 = arith.constant 7 : i32
      %lt3A_751 = arith.cmpi slt, %scan3A_362, %lt3A_750 : i32
      %convert_element_type3A = arith.extui %lt3A_751 : i1 to i32
      %cond3A = arith.constant 0 : i32
      %cond3A_752 = arith.cmpi ne, %convert_element_type3A, %cond3A : i32
      scf.if %cond3A_752 {
        %add3A_780 = arith.constant 2 : i32
        %add3A_781 = arith.addi %mul3A_365, %add3A_780 : i32
        %jit3A_782 = arith.constant 4 : i32
        %div3A_783 = arith.divsi %add3A_781, %jit3A_782 : i32
        %sign3A_784 = arith.constant 0 : i32
        %sign3A_785 = arith.cmpi sgt, %add3A_781, %sign3A_784 : i32
        %sign3A_786 = arith.extui %sign3A_785 : i1 to i32
        %sign3A_787 = arith.constant 0 : i32
        %sign3A_788 = arith.cmpi slt, %add3A_781, %sign3A_787 : i32
        %sign3A_789 = arith.extui %sign3A_788 : i1 to i32
        %sign3A_790 = arith.subi %sign3A_786, %sign3A_789 : i32
        %sign3A_791 = arith.constant 0 : i32
        %sign3A_792 = arith.cmpi sgt, %jit3A_782, %sign3A_791 : i32
        %sign3A_793 = arith.extui %sign3A_792 : i1 to i32
        %sign3A_794 = arith.constant 0 : i32
        %sign3A_795 = arith.cmpi slt, %jit3A_782, %sign3A_794 : i32
        %sign3A_796 = arith.extui %sign3A_795 : i1 to i32
        %sign3A_797 = arith.subi %sign3A_793, %sign3A_796 : i32
        %ne3A_798 = arith.cmpi ne, %sign3A_790, %sign3A_797 : i32
        %rem3A_799 = arith.remsi %add3A_781, %jit3A_782 : i32
        %ne3A_800 = arith.constant 0 : i32
        %ne3A_801 = arith.cmpi ne, %rem3A_799, %ne3A_800 : i32
        %and3A_802 = arith.andi %ne3A_798, %ne3A_801 : i1
        %sub3A_803 = arith.constant 1 : i32
        %sub3A_804 = arith.subi %div3A_783, %sub3A_803 : i32
        %select_n3A_805 = arith.select %and3A_802, %sub3A_804, %div3A_783 : i32
        %jit3A_806 = arith.constant 4 : i32
        %eq3A_807 = arith.constant 0 : i32
        %eq3A_808 = arith.cmpi eq, %jit3A_806, %eq3A_807 : i32
        %jit3A_809 = arith.constant 1 : i32
        %select_n3A_810 = arith.select %eq3A_808, %jit3A_809, %jit3A_806 : i32
        %rem3A_811 = arith.remsi %add3A_781, %select_n3A_810 : i32
        %ne3A_812 = arith.constant 0 : i32
        %ne3A_813 = arith.cmpi ne, %rem3A_811, %ne3A_812 : i32
        %lt3A_814 = arith.constant 0 : i32
        %lt3A_815 = arith.cmpi slt, %rem3A_811, %lt3A_814 : i32
        %lt3A_816 = arith.constant 0 : i32
        %lt3A_817 = arith.cmpi slt, %select_n3A_810, %lt3A_816 : i32
        %ne3A_818 = arith.xori %lt3A_815, %lt3A_817 : i1
        %and3A_819 = arith.andi %ne3A_818, %ne3A_813 : i1
        %add3A_820 = arith.addi %rem3A_811, %select_n3A_810 : i32
        %select_n3A_821 = arith.select %and3A_819, %add3A_820, %rem3A_811 : i32
        %mul3A_822 = arith.constant 4 : i32
        %mul3A_823 = arith.muli %add3A, %mul3A_822 : i32
        %add3A_824 = arith.addi %mul3A_823, %select_n3A_821 : i32
        %jit3A_825 = arith.constant 2 : i32
        %div3A_826 = arith.divsi %add3A_824, %jit3A_825 : i32
        %sign3A_827 = arith.constant 0 : i32
        %sign3A_828 = arith.cmpi sgt, %add3A_824, %sign3A_827 : i32
        %sign3A_829 = arith.extui %sign3A_828 : i1 to i32
        %sign3A_830 = arith.constant 0 : i32
        %sign3A_831 = arith.cmpi slt, %add3A_824, %sign3A_830 : i32
        %sign3A_832 = arith.extui %sign3A_831 : i1 to i32
        %sign3A_833 = arith.subi %sign3A_829, %sign3A_832 : i32
        %sign3A_834 = arith.constant 0 : i32
        %sign3A_835 = arith.cmpi sgt, %jit3A_825, %sign3A_834 : i32
        %sign3A_836 = arith.extui %sign3A_835 : i1 to i32
        %sign3A_837 = arith.constant 0 : i32
        %sign3A_838 = arith.cmpi slt, %jit3A_825, %sign3A_837 : i32
        %sign3A_839 = arith.extui %sign3A_838 : i1 to i32
        %sign3A_840 = arith.subi %sign3A_836, %sign3A_839 : i32
        %ne3A_841 = arith.cmpi ne, %sign3A_833, %sign3A_840 : i32
        %rem3A_842 = arith.remsi %add3A_824, %jit3A_825 : i32
        %ne3A_843 = arith.constant 0 : i32
        %ne3A_844 = arith.cmpi ne, %rem3A_842, %ne3A_843 : i32
        %and3A_845 = arith.andi %ne3A_841, %ne3A_844 : i1
        %sub3A_846 = arith.constant 1 : i32
        %sub3A_847 = arith.subi %div3A_826, %sub3A_846 : i32
        %select_n3A_848 = arith.select %and3A_845, %sub3A_847, %div3A_826 : i32
        %mul3A_849 = arith.constant 8 : i32
        %mul3A_850 = arith.muli %select_n3A_848, %mul3A_849 : i32
        %jit3A_851 = arith.constant 2 : i32
        %eq3A_852 = arith.constant 0 : i32
        %eq3A_853 = arith.cmpi eq, %jit3A_851, %eq3A_852 : i32
        %jit3A_854 = arith.constant 1 : i32
        %select_n3A_855 = arith.select %eq3A_853, %jit3A_854, %jit3A_851 : i32
        %rem3A_856 = arith.remsi %add3A_824, %select_n3A_855 : i32
        %ne3A_857 = arith.constant 0 : i32
        %ne3A_858 = arith.cmpi ne, %rem3A_856, %ne3A_857 : i32
        %lt3A_859 = arith.constant 0 : i32
        %lt3A_860 = arith.cmpi slt, %rem3A_856, %lt3A_859 : i32
        %lt3A_861 = arith.constant 0 : i32
        %lt3A_862 = arith.cmpi slt, %select_n3A_855, %lt3A_861 : i32
        %ne3A_863 = arith.xori %lt3A_860, %lt3A_862 : i1
        %and3A_864 = arith.andi %ne3A_863, %ne3A_858 : i1
        %add3A_865 = arith.addi %rem3A_856, %select_n3A_855 : i32
        %select_n3A_866 = arith.select %and3A_864, %add3A_865, %rem3A_856 : i32
        %mul3A_867 = arith.constant 256 : i32
        %mul3A_868 = arith.muli %select_n3A_866, %mul3A_867 : i32
        %dma_start3A_869 = arith.constant 0 : i32
        %dma_start3A_870 = arith.constant 0 : i32
        %dma_start3A_871 = arith.constant 0 : i32
        %dma_start3A_872 = arith.constant 0 : i32
        %dma_start3A_873 = tpu.memref_slice %arg5[%dma_start3A_870, %dma_start3A_871, %dma_start3A_872] : memref<19x8x256xf32, #tpu.memory_space<vmem>> -> memref<1x8x256xf32, #tpu.memory_space<vmem>>
        %dma_start3A_874 = tpu.memref_squeeze %dma_start3A_873 : memref<1x8x256xf32, #tpu.memory_space<vmem>> -> memref<8x256xf32, #tpu.memory_space<vmem>>
        %dma_start3A_875 = tpu.memref_slice %arg2[%select_n3A_805, %dma_start3A_869, %mul3A_850, %mul3A_868] : memref<4x19x512x512xf32, #tpu.memory_space<hbm>> -> memref<1x1x8x256xf32, #tpu.memory_space<hbm>>
        %dma_start3A_876 = tpu.memref_squeeze %dma_start3A_875 : memref<1x1x8x256xf32, #tpu.memory_space<hbm>> -> memref<8x256xf32, #tpu.memory_space<hbm>>
        %dma_start3A_877 = arith.constant 0 : i32
        %dma_start3A_878 = arith.constant 0 : i32
        %dma_start3A_879 = tpu.memref_slice %arg5[%dma_start3A_870, %dma_start3A_877, %dma_start3A_878] : memref<19x8x256xf32, #tpu.memory_space<vmem>> -> memref<1x8x256xf32, #tpu.memory_space<vmem>>
        %dma_start3A_880 = tpu.memref_squeeze %dma_start3A_879 : memref<1x8x256xf32, #tpu.memory_space<vmem>> -> memref<8x256xf32, #tpu.memory_space<vmem>>
        %dma_start3A_881 = tpu.memref_slice %arg2[%select_n3A_805, %dma_start3A_869, %mul3A_850, %mul3A_868] : memref<4x19x512x512xf32, #tpu.memory_space<hbm>> -> memref<1x1x8x256xf32, #tpu.memory_space<hbm>>
        %dma_start3A_882 = tpu.memref_squeeze %dma_start3A_881 : memref<1x1x8x256xf32, #tpu.memory_space<hbm>> -> memref<8x256xf32, #tpu.memory_space<hbm>>
        tpu.enqueue_dma source(%dma_start3A_882 : memref<8x256xf32, #tpu.memory_space<hbm>>) target(%dma_start3A_880 : memref<8x256xf32, #tpu.memory_space<vmem>>) target_semaphore(%arg13 : memref<!tpu.dma_semaphore, #tpu.memory_space<semaphore_mem>>)
        %dma_start3A_883 = arith.constant 1 : i32
        %dma_start3A_884 = arith.constant 1 : i32
        %dma_start3A_885 = arith.constant 0 : i32
        %dma_start3A_886 = arith.constant 0 : i32
        %dma_start3A_887 = tpu.memref_slice %arg5[%dma_start3A_884, %dma_start3A_885, %dma_start3A_886] : memref<19x8x256xf32, #tpu.memory_space<vmem>> -> memref<1x8x256xf32, #tpu.memory_space<vmem>>
        %dma_start3A_888 = tpu.memref_squeeze %dma_start3A_887 : memref<1x8x256xf32, #tpu.memory_space<vmem>> -> memref<8x256xf32, #tpu.memory_space<vmem>>
        %dma_start3A_889 = tpu.memref_slice %arg2[%select_n3A_805, %dma_start3A_883, %mul3A_850, %mul3A_868] : memref<4x19x512x512xf32, #tpu.memory_space<hbm>> -> memref<1x1x8x256xf32, #tpu.memory_space<hbm>>
        %dma_start3A_890 = tpu.memref_squeeze %dma_start3A_889 : memref<1x1x8x256xf32, #tpu.memory_space<hbm>> -> memref<8x256xf32, #tpu.memory_space<hbm>>
        %dma_start3A_891 = arith.constant 0 : i32
        %dma_start3A_892 = arith.constant 0 : i32
        %dma_start3A_893 = tpu.memref_slice %arg5[%dma_start3A_884, %dma_start3A_891, %dma_start3A_892] : memref<19x8x256xf32, #tpu.memory_space<vmem>> -> memref<1x8x256xf32, #tpu.memory_space<vmem>>
        %dma_start3A_894 = tpu.memref_squeeze %dma_start3A_893 : memref<1x8x256xf32, #tpu.memory_space<vmem>> -> memref<8x256xf32, #tpu.memory_space<vmem>>
        %dma_start3A_895 = tpu.memref_slice %arg2[%select_n3A_805, %dma_start3A_883, %mul3A_850, %mul3A_868] : memref<4x19x512x512xf32, #tpu.memory_space<hbm>> -> memref<1x1x8x256xf32, #tpu.memory_space<hbm>>
        %dma_start3A_896 = tpu.memref_squeeze %dma_start3A_895 : memref<1x1x8x256xf32, #tpu.memory_space<hbm>> -> memref<8x256xf32, #tpu.memory_space<hbm>>
        tpu.enqueue_dma source(%dma_start3A_896 : memref<8x256xf32, #tpu.memory_space<hbm>>) target(%dma_start3A_894 : memref<8x256xf32, #tpu.memory_space<vmem>>) target_semaphore(%arg13 : memref<!tpu.dma_semaphore, #tpu.memory_space<semaphore_mem>>)
        %dma_start3A_897 = arith.constant 2 : i32
        %dma_start3A_898 = arith.constant 2 : i32
        %dma_start3A_899 = arith.constant 0 : i32
        %dma_start3A_900 = arith.constant 0 : i32
        %dma_start3A_901 = tpu.memref_slice %arg5[%dma_start3A_898, %dma_start3A_899, %dma_start3A_900] : memref<19x8x256xf32, #tpu.memory_space<vmem>> -> memref<1x8x256xf32, #tpu.memory_space<vmem>>
        %dma_start3A_902 = tpu.memref_squeeze %dma_start3A_901 : memref<1x8x256xf32, #tpu.memory_space<vmem>> -> memref<8x256xf32, #tpu.memory_space<vmem>>
        %dma_start3A_903 = tpu.memref_slice %arg2[%select_n3A_805, %dma_start3A_897, %mul3A_850, %mul3A_868] : memref<4x19x512x512xf32, #tpu.memory_space<hbm>> -> memref<1x1x8x256xf32, #tpu.memory_space<hbm>>
        %dma_start3A_904 = tpu.memref_squeeze %dma_start3A_903 : memref<1x1x8x256xf32, #tpu.memory_space<hbm>> -> memref<8x256xf32, #tpu.memory_space<hbm>>
        %dma_start3A_905 = arith.constant 0 : i32
        %dma_start3A_906 = arith.constant 0 : i32
        %dma_start3A_907 = tpu.memref_slice %arg5[%dma_start3A_898, %dma_start3A_905, %dma_start3A_906] : memref<19x8x256xf32, #tpu.memory_space<vmem>> -> memref<1x8x256xf32, #tpu.memory_space<vmem>>
        %dma_start3A_908 = tpu.memref_squeeze %dma_start3A_907 : memref<1x8x256xf32, #tpu.memory_space<vmem>> -> memref<8x256xf32, #tpu.memory_space<vmem>>
        %dma_start3A_909 = tpu.memref_slice %arg2[%select_n3A_805, %dma_start3A_897, %mul3A_850, %mul3A_868] : memref<4x19x512x512xf32, #tpu.memory_space<hbm>> -> memref<1x1x8x256xf32, #tpu.memory_space<hbm>>
        %dma_start3A_910 = tpu.memref_squeeze %dma_start3A_909 : memref<1x1x8x256xf32, #tpu.memory_space<hbm>> -> memref<8x256xf32, #tpu.memory_space<hbm>>
        tpu.enqueue_dma source(%dma_start3A_910 : memref<8x256xf32, #tpu.memory_space<hbm>>) target(%dma_start3A_908 : memref<8x256xf32, #tpu.memory_space<vmem>>) target_semaphore(%arg13 : memref<!tpu.dma_semaphore, #tpu.memory_space<semaphore_mem>>)
        %dma_start3A_911 = arith.constant 3 : i32
        %dma_start3A_912 = arith.constant 3 : i32
        %dma_start3A_913 = arith.constant 0 : i32
        %dma_start3A_914 = arith.constant 0 : i32
        %dma_start3A_915 = tpu.memref_slice %arg5[%dma_start3A_912, %dma_start3A_913, %dma_start3A_914] : memref<19x8x256xf32, #tpu.memory_space<vmem>> -> memref<1x8x256xf32, #tpu.memory_space<vmem>>
        %dma_start3A_916 = tpu.memref_squeeze %dma_start3A_915 : memref<1x8x256xf32, #tpu.memory_space<vmem>> -> memref<8x256xf32, #tpu.memory_space<vmem>>
        %dma_start3A_917 = tpu.memref_slice %arg2[%select_n3A_805, %dma_start3A_911, %mul3A_850, %mul3A_868] : memref<4x19x512x512xf32, #tpu.memory_space<hbm>> -> memref<1x1x8x256xf32, #tpu.memory_space<hbm>>
        %dma_start3A_918 = tpu.memref_squeeze %dma_start3A_917 : memref<1x1x8x256xf32, #tpu.memory_space<hbm>> -> memref<8x256xf32, #tpu.memory_space<hbm>>
        %dma_start3A_919 = arith.constant 0 : i32
        %dma_start3A_920 = arith.constant 0 : i32
        %dma_start3A_921 = tpu.memref_slice %arg5[%dma_start3A_912, %dma_start3A_919, %dma_start3A_920] : memref<19x8x256xf32, #tpu.memory_space<vmem>> -> memref<1x8x256xf32, #tpu.memory_space<vmem>>
        %dma_start3A_922 = tpu.memref_squeeze %dma_start3A_921 : memref<1x8x256xf32, #tpu.memory_space<vmem>> -> memref<8x256xf32, #tpu.memory_space<vmem>>
        %dma_start3A_923 = tpu.memref_slice %arg2[%select_n3A_805, %dma_start3A_911, %mul3A_850, %mul3A_868] : memref<4x19x512x512xf32, #tpu.memory_space<hbm>> -> memref<1x1x8x256xf32, #tpu.memory_space<hbm>>
        %dma_start3A_924 = tpu.memref_squeeze %dma_start3A_923 : memref<1x1x8x256xf32, #tpu.memory_space<hbm>> -> memref<8x256xf32, #tpu.memory_space<hbm>>
        tpu.enqueue_dma source(%dma_start3A_924 : memref<8x256xf32, #tpu.memory_space<hbm>>) target(%dma_start3A_922 : memref<8x256xf32, #tpu.memory_space<vmem>>) target_semaphore(%arg13 : memref<!tpu.dma_semaphore, #tpu.memory_space<semaphore_mem>>)
        %dma_start3A_925 = arith.constant 4 : i32
        %dma_start3A_926 = arith.constant 4 : i32
        %dma_start3A_927 = arith.constant 0 : i32
        %dma_start3A_928 = arith.constant 0 : i32
        %dma_start3A_929 = tpu.memref_slice %arg5[%dma_start3A_926, %dma_start3A_927, %dma_start3A_928] : memref<19x8x256xf32, #tpu.memory_space<vmem>> -> memref<1x8x256xf32, #tpu.memory_space<vmem>>
        %dma_start3A_930 = tpu.memref_squeeze %dma_start3A_929 : memref<1x8x256xf32, #tpu.memory_space<vmem>> -> memref<8x256xf32, #tpu.memory_space<vmem>>
        %dma_start3A_931 = tpu.memref_slice %arg2[%select_n3A_805, %dma_start3A_925, %mul3A_850, %mul3A_868] : memref<4x19x512x512xf32, #tpu.memory_space<hbm>> -> memref<1x1x8x256xf32, #tpu.memory_space<hbm>>
        %dma_start3A_932 = tpu.memref_squeeze %dma_start3A_931 : memref<1x1x8x256xf32, #tpu.memory_space<hbm>> -> memref<8x256xf32, #tpu.memory_space<hbm>>
        %dma_start3A_933 = arith.constant 0 : i32
        %dma_start3A_934 = arith.constant 0 : i32
        %dma_start3A_935 = tpu.memref_slice %arg5[%dma_start3A_926, %dma_start3A_933, %dma_start3A_934] : memref<19x8x256xf32, #tpu.memory_space<vmem>> -> memref<1x8x256xf32, #tpu.memory_space<vmem>>
        %dma_start3A_936 = tpu.memref_squeeze %dma_start3A_935 : memref<1x8x256xf32, #tpu.memory_space<vmem>> -> memref<8x256xf32, #tpu.memory_space<vmem>>
        %dma_start3A_937 = tpu.memref_slice %arg2[%select_n3A_805, %dma_start3A_925, %mul3A_850, %mul3A_868] : memref<4x19x512x512xf32, #tpu.memory_space<hbm>> -> memref<1x1x8x256xf32, #tpu.memory_space<hbm>>
        %dma_start3A_938 = tpu.memref_squeeze %dma_start3A_937 : memref<1x1x8x256xf32, #tpu.memory_space<hbm>> -> memref<8x256xf32, #tpu.memory_space<hbm>>
        tpu.enqueue_dma source(%dma_start3A_938 : memref<8x256xf32, #tpu.memory_space<hbm>>) target(%dma_start3A_936 : memref<8x256xf32, #tpu.memory_space<vmem>>) target_semaphore(%arg13 : memref<!tpu.dma_semaphore, #tpu.memory_space<semaphore_mem>>)
        %dma_start3A_939 = arith.constant 5 : i32
        %dma_start3A_940 = arith.constant 5 : i32
        %dma_start3A_941 = arith.constant 0 : i32
        %dma_start3A_942 = arith.constant 0 : i32
        %dma_start3A_943 = tpu.memref_slice %arg5[%dma_start3A_940, %dma_start3A_941, %dma_start3A_942] : memref<19x8x256xf32, #tpu.memory_space<vmem>> -> memref<1x8x256xf32, #tpu.memory_space<vmem>>
        %dma_start3A_944 = tpu.memref_squeeze %dma_start3A_943 : memref<1x8x256xf32, #tpu.memory_space<vmem>> -> memref<8x256xf32, #tpu.memory_space<vmem>>
        %dma_start3A_945 = tpu.memref_slice %arg2[%select_n3A_805, %dma_start3A_939, %mul3A_850, %mul3A_868] : memref<4x19x512x512xf32, #tpu.memory_space<hbm>> -> memref<1x1x8x256xf32, #tpu.memory_space<hbm>>
        %dma_start3A_946 = tpu.memref_squeeze %dma_start3A_945 : memref<1x1x8x256xf32, #tpu.memory_space<hbm>> -> memref<8x256xf32, #tpu.memory_space<hbm>>
        %dma_start3A_947 = arith.constant 0 : i32
        %dma_start3A_948 = arith.constant 0 : i32
        %dma_start3A_949 = tpu.memref_slice %arg5[%dma_start3A_940, %dma_start3A_947, %dma_start3A_948] : memref<19x8x256xf32, #tpu.memory_space<vmem>> -> memref<1x8x256xf32, #tpu.memory_space<vmem>>
        %dma_start3A_950 = tpu.memref_squeeze %dma_start3A_949 : memref<1x8x256xf32, #tpu.memory_space<vmem>> -> memref<8x256xf32, #tpu.memory_space<vmem>>
        %dma_start3A_951 = tpu.memref_slice %arg2[%select_n3A_805, %dma_start3A_939, %mul3A_850, %mul3A_868] : memref<4x19x512x512xf32, #tpu.memory_space<hbm>> -> memref<1x1x8x256xf32, #tpu.memory_space<hbm>>
        %dma_start3A_952 = tpu.memref_squeeze %dma_start3A_951 : memref<1x1x8x256xf32, #tpu.memory_space<hbm>> -> memref<8x256xf32, #tpu.memory_space<hbm>>
        tpu.enqueue_dma source(%dma_start3A_952 : memref<8x256xf32, #tpu.memory_space<hbm>>) target(%dma_start3A_950 : memref<8x256xf32, #tpu.memory_space<vmem>>) target_semaphore(%arg13 : memref<!tpu.dma_semaphore, #tpu.memory_space<semaphore_mem>>)
        %dma_start3A_953 = arith.constant 6 : i32
        %dma_start3A_954 = arith.constant 6 : i32
        %dma_start3A_955 = arith.constant 0 : i32
        %dma_start3A_956 = arith.constant 0 : i32
        %dma_start3A_957 = tpu.memref_slice %arg5[%dma_start3A_954, %dma_start3A_955, %dma_start3A_956] : memref<19x8x256xf32, #tpu.memory_space<vmem>> -> memref<1x8x256xf32, #tpu.memory_space<vmem>>
        %dma_start3A_958 = tpu.memref_squeeze %dma_start3A_957 : memref<1x8x256xf32, #tpu.memory_space<vmem>> -> memref<8x256xf32, #tpu.memory_space<vmem>>
        %dma_start3A_959 = tpu.memref_slice %arg2[%select_n3A_805, %dma_start3A_953, %mul3A_850, %mul3A_868] : memref<4x19x512x512xf32, #tpu.memory_space<hbm>> -> memref<1x1x8x256xf32, #tpu.memory_space<hbm>>
        %dma_start3A_960 = tpu.memref_squeeze %dma_start3A_959 : memref<1x1x8x256xf32, #tpu.memory_space<hbm>> -> memref<8x256xf32, #tpu.memory_space<hbm>>
        %dma_start3A_961 = arith.constant 0 : i32
        %dma_start3A_962 = arith.constant 0 : i32
        %dma_start3A_963 = tpu.memref_slice %arg5[%dma_start3A_954, %dma_start3A_961, %dma_start3A_962] : memref<19x8x256xf32, #tpu.memory_space<vmem>> -> memref<1x8x256xf32, #tpu.memory_space<vmem>>
        %dma_start3A_964 = tpu.memref_squeeze %dma_start3A_963 : memref<1x8x256xf32, #tpu.memory_space<vmem>> -> memref<8x256xf32, #tpu.memory_space<vmem>>
        %dma_start3A_965 = tpu.memref_slice %arg2[%select_n3A_805, %dma_start3A_953, %mul3A_850, %mul3A_868] : memref<4x19x512x512xf32, #tpu.memory_space<hbm>> -> memref<1x1x8x256xf32, #tpu.memory_space<hbm>>
        %dma_start3A_966 = tpu.memref_squeeze %dma_start3A_965 : memref<1x1x8x256xf32, #tpu.memory_space<hbm>> -> memref<8x256xf32, #tpu.memory_space<hbm>>
        tpu.enqueue_dma source(%dma_start3A_966 : memref<8x256xf32, #tpu.memory_space<hbm>>) target(%dma_start3A_964 : memref<8x256xf32, #tpu.memory_space<vmem>>) target_semaphore(%arg13 : memref<!tpu.dma_semaphore, #tpu.memory_space<semaphore_mem>>)
        %dma_start3A_967 = arith.constant 7 : i32
        %dma_start3A_968 = arith.constant 7 : i32
        %dma_start3A_969 = arith.constant 0 : i32
        %dma_start3A_970 = arith.constant 0 : i32
        %dma_start3A_971 = tpu.memref_slice %arg5[%dma_start3A_968, %dma_start3A_969, %dma_start3A_970] : memref<19x8x256xf32, #tpu.memory_space<vmem>> -> memref<1x8x256xf32, #tpu.memory_space<vmem>>
        %dma_start3A_972 = tpu.memref_squeeze %dma_start3A_971 : memref<1x8x256xf32, #tpu.memory_space<vmem>> -> memref<8x256xf32, #tpu.memory_space<vmem>>
        %dma_start3A_973 = tpu.memref_slice %arg2[%select_n3A_805, %dma_start3A_967, %mul3A_850, %mul3A_868] : memref<4x19x512x512xf32, #tpu.memory_space<hbm>> -> memref<1x1x8x256xf32, #tpu.memory_space<hbm>>
        %dma_start3A_974 = tpu.memref_squeeze %dma_start3A_973 : memref<1x1x8x256xf32, #tpu.memory_space<hbm>> -> memref<8x256xf32, #tpu.memory_space<hbm>>
        %dma_start3A_975 = arith.constant 0 : i32
        %dma_start3A_976 = arith.constant 0 : i32
        %dma_start3A_977 = tpu.memref_slice %arg5[%dma_start3A_968, %dma_start3A_975, %dma_start3A_976] : memref<19x8x256xf32, #tpu.memory_space<vmem>> -> memref<1x8x256xf32, #tpu.memory_space<vmem>>
        %dma_start3A_978 = tpu.memref_squeeze %dma_start3A_977 : memref<1x8x256xf32, #tpu.memory_space<vmem>> -> memref<8x256xf32, #tpu.memory_space<vmem>>
        %dma_start3A_979 = tpu.memref_slice %arg2[%select_n3A_805, %dma_start3A_967, %mul3A_850, %mul3A_868] : memref<4x19x512x512xf32, #tpu.memory_space<hbm>> -> memref<1x1x8x256xf32, #tpu.memory_space<hbm>>
        %dma_start3A_980 = tpu.memref_squeeze %dma_start3A_979 : memref<1x1x8x256xf32, #tpu.memory_space<hbm>> -> memref<8x256xf32, #tpu.memory_space<hbm>>
        tpu.enqueue_dma source(%dma_start3A_980 : memref<8x256xf32, #tpu.memory_space<hbm>>) target(%dma_start3A_978 : memref<8x256xf32, #tpu.memory_space<vmem>>) target_semaphore(%arg13 : memref<!tpu.dma_semaphore, #tpu.memory_space<semaphore_mem>>)
        %dma_start3A_981 = arith.constant 8 : i32
        %dma_start3A_982 = arith.constant 8 : i32
        %dma_start3A_983 = arith.constant 0 : i32
        %dma_start3A_984 = arith.constant 0 : i32
        %dma_start3A_985 = tpu.memref_slice %arg5[%dma_start3A_982, %dma_start3A_983, %dma_start3A_984] : memref<19x8x256xf32, #tpu.memory_space<vmem>> -> memref<1x8x256xf32, #tpu.memory_space<vmem>>
        %dma_start3A_986 = tpu.memref_squeeze %dma_start3A_985 : memref<1x8x256xf32, #tpu.memory_space<vmem>> -> memref<8x256xf32, #tpu.memory_space<vmem>>
        %dma_start3A_987 = tpu.memref_slice %arg2[%select_n3A_805, %dma_start3A_981, %mul3A_850, %mul3A_868] : memref<4x19x512x512xf32, #tpu.memory_space<hbm>> -> memref<1x1x8x256xf32, #tpu.memory_space<hbm>>
        %dma_start3A_988 = tpu.memref_squeeze %dma_start3A_987 : memref<1x1x8x256xf32, #tpu.memory_space<hbm>> -> memref<8x256xf32, #tpu.memory_space<hbm>>
        %dma_start3A_989 = arith.constant 0 : i32
        %dma_start3A_990 = arith.constant 0 : i32
        %dma_start3A_991 = tpu.memref_slice %arg5[%dma_start3A_982, %dma_start3A_989, %dma_start3A_990] : memref<19x8x256xf32, #tpu.memory_space<vmem>> -> memref<1x8x256xf32, #tpu.memory_space<vmem>>
        %dma_start3A_992 = tpu.memref_squeeze %dma_start3A_991 : memref<1x8x256xf32, #tpu.memory_space<vmem>> -> memref<8x256xf32, #tpu.memory_space<vmem>>
        %dma_start3A_993 = tpu.memref_slice %arg2[%select_n3A_805, %dma_start3A_981, %mul3A_850, %mul3A_868] : memref<4x19x512x512xf32, #tpu.memory_space<hbm>> -> memref<1x1x8x256xf32, #tpu.memory_space<hbm>>
        %dma_start3A_994 = tpu.memref_squeeze %dma_start3A_993 : memref<1x1x8x256xf32, #tpu.memory_space<hbm>> -> memref<8x256xf32, #tpu.memory_space<hbm>>
        tpu.enqueue_dma source(%dma_start3A_994 : memref<8x256xf32, #tpu.memory_space<hbm>>) target(%dma_start3A_992 : memref<8x256xf32, #tpu.memory_space<vmem>>) target_semaphore(%arg13 : memref<!tpu.dma_semaphore, #tpu.memory_space<semaphore_mem>>)
        %dma_start3A_995 = arith.constant 9 : i32
        %dma_start3A_996 = arith.constant 9 : i32
        %dma_start3A_997 = arith.constant 0 : i32
        %dma_start3A_998 = arith.constant 0 : i32
        %dma_start3A_999 = tpu.memref_slice %arg5[%dma_start3A_996, %dma_start3A_997, %dma_start3A_998] : memref<19x8x256xf32, #tpu.memory_space<vmem>> -> memref<1x8x256xf32, #tpu.memory_space<vmem>>
        %dma_start3A_1000 = tpu.memref_squeeze %dma_start3A_999 : memref<1x8x256xf32, #tpu.memory_space<vmem>> -> memref<8x256xf32, #tpu.memory_space<vmem>>
        %dma_start3A_1001 = tpu.memref_slice %arg2[%select_n3A_805, %dma_start3A_995, %mul3A_850, %mul3A_868] : memref<4x19x512x512xf32, #tpu.memory_space<hbm>> -> memref<1x1x8x256xf32, #tpu.memory_space<hbm>>
        %dma_start3A_1002 = tpu.memref_squeeze %dma_start3A_1001 : memref<1x1x8x256xf32, #tpu.memory_space<hbm>> -> memref<8x256xf32, #tpu.memory_space<hbm>>
        %dma_start3A_1003 = arith.constant 0 : i32
        %dma_start3A_1004 = arith.constant 0 : i32
        %dma_start3A_1005 = tpu.memref_slice %arg5[%dma_start3A_996, %dma_start3A_1003, %dma_start3A_1004] : memref<19x8x256xf32, #tpu.memory_space<vmem>> -> memref<1x8x256xf32, #tpu.memory_space<vmem>>
        %dma_start3A_1006 = tpu.memref_squeeze %dma_start3A_1005 : memref<1x8x256xf32, #tpu.memory_space<vmem>> -> memref<8x256xf32, #tpu.memory_space<vmem>>
        %dma_start3A_1007 = tpu.memref_slice %arg2[%select_n3A_805, %dma_start3A_995, %mul3A_850, %mul3A_868] : memref<4x19x512x512xf32, #tpu.memory_space<hbm>> -> memref<1x1x8x256xf32, #tpu.memory_space<hbm>>
        %dma_start3A_1008 = tpu.memref_squeeze %dma_start3A_1007 : memref<1x1x8x256xf32, #tpu.memory_space<hbm>> -> memref<8x256xf32, #tpu.memory_space<hbm>>
        tpu.enqueue_dma source(%dma_start3A_1008 : memref<8x256xf32, #tpu.memory_space<hbm>>) target(%dma_start3A_1006 : memref<8x256xf32, #tpu.memory_space<vmem>>) target_semaphore(%arg13 : memref<!tpu.dma_semaphore, #tpu.memory_space<semaphore_mem>>)
        %dma_start3A_1009 = arith.constant 10 : i32
        %dma_start3A_1010 = arith.constant 10 : i32
        %dma_start3A_1011 = arith.constant 0 : i32
        %dma_start3A_1012 = arith.constant 0 : i32
        %dma_start3A_1013 = tpu.memref_slice %arg5[%dma_start3A_1010, %dma_start3A_1011, %dma_start3A_1012] : memref<19x8x256xf32, #tpu.memory_space<vmem>> -> memref<1x8x256xf32, #tpu.memory_space<vmem>>
        %dma_start3A_1014 = tpu.memref_squeeze %dma_start3A_1013 : memref<1x8x256xf32, #tpu.memory_space<vmem>> -> memref<8x256xf32, #tpu.memory_space<vmem>>
        %dma_start3A_1015 = tpu.memref_slice %arg2[%select_n3A_805, %dma_start3A_1009, %mul3A_850, %mul3A_868] : memref<4x19x512x512xf32, #tpu.memory_space<hbm>> -> memref<1x1x8x256xf32, #tpu.memory_space<hbm>>
        %dma_start3A_1016 = tpu.memref_squeeze %dma_start3A_1015 : memref<1x1x8x256xf32, #tpu.memory_space<hbm>> -> memref<8x256xf32, #tpu.memory_space<hbm>>
        %dma_start3A_1017 = arith.constant 0 : i32
        %dma_start3A_1018 = arith.constant 0 : i32
        %dma_start3A_1019 = tpu.memref_slice %arg5[%dma_start3A_1010, %dma_start3A_1017, %dma_start3A_1018] : memref<19x8x256xf32, #tpu.memory_space<vmem>> -> memref<1x8x256xf32, #tpu.memory_space<vmem>>
        %dma_start3A_1020 = tpu.memref_squeeze %dma_start3A_1019 : memref<1x8x256xf32, #tpu.memory_space<vmem>> -> memref<8x256xf32, #tpu.memory_space<vmem>>
        %dma_start3A_1021 = tpu.memref_slice %arg2[%select_n3A_805, %dma_start3A_1009, %mul3A_850, %mul3A_868] : memref<4x19x512x512xf32, #tpu.memory_space<hbm>> -> memref<1x1x8x256xf32, #tpu.memory_space<hbm>>
        %dma_start3A_1022 = tpu.memref_squeeze %dma_start3A_1021 : memref<1x1x8x256xf32, #tpu.memory_space<hbm>> -> memref<8x256xf32, #tpu.memory_space<hbm>>
        tpu.enqueue_dma source(%dma_start3A_1022 : memref<8x256xf32, #tpu.memory_space<hbm>>) target(%dma_start3A_1020 : memref<8x256xf32, #tpu.memory_space<vmem>>) target_semaphore(%arg13 : memref<!tpu.dma_semaphore, #tpu.memory_space<semaphore_mem>>)
        %dma_start3A_1023 = arith.constant 11 : i32
        %dma_start3A_1024 = arith.constant 11 : i32
        %dma_start3A_1025 = arith.constant 0 : i32
        %dma_start3A_1026 = arith.constant 0 : i32
        %dma_start3A_1027 = tpu.memref_slice %arg5[%dma_start3A_1024, %dma_start3A_1025, %dma_start3A_1026] : memref<19x8x256xf32, #tpu.memory_space<vmem>> -> memref<1x8x256xf32, #tpu.memory_space<vmem>>
        %dma_start3A_1028 = tpu.memref_squeeze %dma_start3A_1027 : memref<1x8x256xf32, #tpu.memory_space<vmem>> -> memref<8x256xf32, #tpu.memory_space<vmem>>
        %dma_start3A_1029 = tpu.memref_slice %arg2[%select_n3A_805, %dma_start3A_1023, %mul3A_850, %mul3A_868] : memref<4x19x512x512xf32, #tpu.memory_space<hbm>> -> memref<1x1x8x256xf32, #tpu.memory_space<hbm>>
        %dma_start3A_1030 = tpu.memref_squeeze %dma_start3A_1029 : memref<1x1x8x256xf32, #tpu.memory_space<hbm>> -> memref<8x256xf32, #tpu.memory_space<hbm>>
        %dma_start3A_1031 = arith.constant 0 : i32
        %dma_start3A_1032 = arith.constant 0 : i32
        %dma_start3A_1033 = tpu.memref_slice %arg5[%dma_start3A_1024, %dma_start3A_1031, %dma_start3A_1032] : memref<19x8x256xf32, #tpu.memory_space<vmem>> -> memref<1x8x256xf32, #tpu.memory_space<vmem>>
        %dma_start3A_1034 = tpu.memref_squeeze %dma_start3A_1033 : memref<1x8x256xf32, #tpu.memory_space<vmem>> -> memref<8x256xf32, #tpu.memory_space<vmem>>
        %dma_start3A_1035 = tpu.memref_slice %arg2[%select_n3A_805, %dma_start3A_1023, %mul3A_850, %mul3A_868] : memref<4x19x512x512xf32, #tpu.memory_space<hbm>> -> memref<1x1x8x256xf32, #tpu.memory_space<hbm>>
        %dma_start3A_1036 = tpu.memref_squeeze %dma_start3A_1035 : memref<1x1x8x256xf32, #tpu.memory_space<hbm>> -> memref<8x256xf32, #tpu.memory_space<hbm>>
        tpu.enqueue_dma source(%dma_start3A_1036 : memref<8x256xf32, #tpu.memory_space<hbm>>) target(%dma_start3A_1034 : memref<8x256xf32, #tpu.memory_space<vmem>>) target_semaphore(%arg13 : memref<!tpu.dma_semaphore, #tpu.memory_space<semaphore_mem>>)
        %dma_start3A_1037 = arith.constant 12 : i32
        %dma_start3A_1038 = arith.constant 12 : i32
        %dma_start3A_1039 = arith.constant 0 : i32
        %dma_start3A_1040 = arith.constant 0 : i32
        %dma_start3A_1041 = tpu.memref_slice %arg5[%dma_start3A_1038, %dma_start3A_1039, %dma_start3A_1040] : memref<19x8x256xf32, #tpu.memory_space<vmem>> -> memref<1x8x256xf32, #tpu.memory_space<vmem>>
        %dma_start3A_1042 = tpu.memref_squeeze %dma_start3A_1041 : memref<1x8x256xf32, #tpu.memory_space<vmem>> -> memref<8x256xf32, #tpu.memory_space<vmem>>
        %dma_start3A_1043 = tpu.memref_slice %arg2[%select_n3A_805, %dma_start3A_1037, %mul3A_850, %mul3A_868] : memref<4x19x512x512xf32, #tpu.memory_space<hbm>> -> memref<1x1x8x256xf32, #tpu.memory_space<hbm>>
        %dma_start3A_1044 = tpu.memref_squeeze %dma_start3A_1043 : memref<1x1x8x256xf32, #tpu.memory_space<hbm>> -> memref<8x256xf32, #tpu.memory_space<hbm>>
        %dma_start3A_1045 = arith.constant 0 : i32
        %dma_start3A_1046 = arith.constant 0 : i32
        %dma_start3A_1047 = tpu.memref_slice %arg5[%dma_start3A_1038, %dma_start3A_1045, %dma_start3A_1046] : memref<19x8x256xf32, #tpu.memory_space<vmem>> -> memref<1x8x256xf32, #tpu.memory_space<vmem>>
        %dma_start3A_1048 = tpu.memref_squeeze %dma_start3A_1047 : memref<1x8x256xf32, #tpu.memory_space<vmem>> -> memref<8x256xf32, #tpu.memory_space<vmem>>
        %dma_start3A_1049 = tpu.memref_slice %arg2[%select_n3A_805, %dma_start3A_1037, %mul3A_850, %mul3A_868] : memref<4x19x512x512xf32, #tpu.memory_space<hbm>> -> memref<1x1x8x256xf32, #tpu.memory_space<hbm>>
        %dma_start3A_1050 = tpu.memref_squeeze %dma_start3A_1049 : memref<1x1x8x256xf32, #tpu.memory_space<hbm>> -> memref<8x256xf32, #tpu.memory_space<hbm>>
        tpu.enqueue_dma source(%dma_start3A_1050 : memref<8x256xf32, #tpu.memory_space<hbm>>) target(%dma_start3A_1048 : memref<8x256xf32, #tpu.memory_space<vmem>>) target_semaphore(%arg13 : memref<!tpu.dma_semaphore, #tpu.memory_space<semaphore_mem>>)
        %dma_start3A_1051 = arith.constant 13 : i32
        %dma_start3A_1052 = arith.constant 13 : i32
        %dma_start3A_1053 = arith.constant 0 : i32
        %dma_start3A_1054 = arith.constant 0 : i32
        %dma_start3A_1055 = tpu.memref_slice %arg5[%dma_start3A_1052, %dma_start3A_1053, %dma_start3A_1054] : memref<19x8x256xf32, #tpu.memory_space<vmem>> -> memref<1x8x256xf32, #tpu.memory_space<vmem>>
        %dma_start3A_1056 = tpu.memref_squeeze %dma_start3A_1055 : memref<1x8x256xf32, #tpu.memory_space<vmem>> -> memref<8x256xf32, #tpu.memory_space<vmem>>
        %dma_start3A_1057 = tpu.memref_slice %arg2[%select_n3A_805, %dma_start3A_1051, %mul3A_850, %mul3A_868] : memref<4x19x512x512xf32, #tpu.memory_space<hbm>> -> memref<1x1x8x256xf32, #tpu.memory_space<hbm>>
        %dma_start3A_1058 = tpu.memref_squeeze %dma_start3A_1057 : memref<1x1x8x256xf32, #tpu.memory_space<hbm>> -> memref<8x256xf32, #tpu.memory_space<hbm>>
        %dma_start3A_1059 = arith.constant 0 : i32
        %dma_start3A_1060 = arith.constant 0 : i32
        %dma_start3A_1061 = tpu.memref_slice %arg5[%dma_start3A_1052, %dma_start3A_1059, %dma_start3A_1060] : memref<19x8x256xf32, #tpu.memory_space<vmem>> -> memref<1x8x256xf32, #tpu.memory_space<vmem>>
        %dma_start3A_1062 = tpu.memref_squeeze %dma_start3A_1061 : memref<1x8x256xf32, #tpu.memory_space<vmem>> -> memref<8x256xf32, #tpu.memory_space<vmem>>
        %dma_start3A_1063 = tpu.memref_slice %arg2[%select_n3A_805, %dma_start3A_1051, %mul3A_850, %mul3A_868] : memref<4x19x512x512xf32, #tpu.memory_space<hbm>> -> memref<1x1x8x256xf32, #tpu.memory_space<hbm>>
        %dma_start3A_1064 = tpu.memref_squeeze %dma_start3A_1063 : memref<1x1x8x256xf32, #tpu.memory_space<hbm>> -> memref<8x256xf32, #tpu.memory_space<hbm>>
        tpu.enqueue_dma source(%dma_start3A_1064 : memref<8x256xf32, #tpu.memory_space<hbm>>) target(%dma_start3A_1062 : memref<8x256xf32, #tpu.memory_space<vmem>>) target_semaphore(%arg13 : memref<!tpu.dma_semaphore, #tpu.memory_space<semaphore_mem>>)
        %dma_start3A_1065 = arith.constant 14 : i32
        %dma_start3A_1066 = arith.constant 14 : i32
        %dma_start3A_1067 = arith.constant 0 : i32
        %dma_start3A_1068 = arith.constant 0 : i32
        %dma_start3A_1069 = tpu.memref_slice %arg5[%dma_start3A_1066, %dma_start3A_1067, %dma_start3A_1068] : memref<19x8x256xf32, #tpu.memory_space<vmem>> -> memref<1x8x256xf32, #tpu.memory_space<vmem>>
        %dma_start3A_1070 = tpu.memref_squeeze %dma_start3A_1069 : memref<1x8x256xf32, #tpu.memory_space<vmem>> -> memref<8x256xf32, #tpu.memory_space<vmem>>
        %dma_start3A_1071 = tpu.memref_slice %arg2[%select_n3A_805, %dma_start3A_1065, %mul3A_850, %mul3A_868] : memref<4x19x512x512xf32, #tpu.memory_space<hbm>> -> memref<1x1x8x256xf32, #tpu.memory_space<hbm>>
        %dma_start3A_1072 = tpu.memref_squeeze %dma_start3A_1071 : memref<1x1x8x256xf32, #tpu.memory_space<hbm>> -> memref<8x256xf32, #tpu.memory_space<hbm>>
        %dma_start3A_1073 = arith.constant 0 : i32
        %dma_start3A_1074 = arith.constant 0 : i32
        %dma_start3A_1075 = tpu.memref_slice %arg5[%dma_start3A_1066, %dma_start3A_1073, %dma_start3A_1074] : memref<19x8x256xf32, #tpu.memory_space<vmem>> -> memref<1x8x256xf32, #tpu.memory_space<vmem>>
        %dma_start3A_1076 = tpu.memref_squeeze %dma_start3A_1075 : memref<1x8x256xf32, #tpu.memory_space<vmem>> -> memref<8x256xf32, #tpu.memory_space<vmem>>
        %dma_start3A_1077 = tpu.memref_slice %arg2[%select_n3A_805, %dma_start3A_1065, %mul3A_850, %mul3A_868] : memref<4x19x512x512xf32, #tpu.memory_space<hbm>> -> memref<1x1x8x256xf32, #tpu.memory_space<hbm>>
        %dma_start3A_1078 = tpu.memref_squeeze %dma_start3A_1077 : memref<1x1x8x256xf32, #tpu.memory_space<hbm>> -> memref<8x256xf32, #tpu.memory_space<hbm>>
        tpu.enqueue_dma source(%dma_start3A_1078 : memref<8x256xf32, #tpu.memory_space<hbm>>) target(%dma_start3A_1076 : memref<8x256xf32, #tpu.memory_space<vmem>>) target_semaphore(%arg13 : memref<!tpu.dma_semaphore, #tpu.memory_space<semaphore_mem>>)
        %dma_start3A_1079 = arith.constant 15 : i32
        %dma_start3A_1080 = arith.constant 15 : i32
        %dma_start3A_1081 = arith.constant 0 : i32
        %dma_start3A_1082 = arith.constant 0 : i32
        %dma_start3A_1083 = tpu.memref_slice %arg5[%dma_start3A_1080, %dma_start3A_1081, %dma_start3A_1082] : memref<19x8x256xf32, #tpu.memory_space<vmem>> -> memref<1x8x256xf32, #tpu.memory_space<vmem>>
        %dma_start3A_1084 = tpu.memref_squeeze %dma_start3A_1083 : memref<1x8x256xf32, #tpu.memory_space<vmem>> -> memref<8x256xf32, #tpu.memory_space<vmem>>
        %dma_start3A_1085 = tpu.memref_slice %arg2[%select_n3A_805, %dma_start3A_1079, %mul3A_850, %mul3A_868] : memref<4x19x512x512xf32, #tpu.memory_space<hbm>> -> memref<1x1x8x256xf32, #tpu.memory_space<hbm>>
        %dma_start3A_1086 = tpu.memref_squeeze %dma_start3A_1085 : memref<1x1x8x256xf32, #tpu.memory_space<hbm>> -> memref<8x256xf32, #tpu.memory_space<hbm>>
        %dma_start3A_1087 = arith.constant 0 : i32
        %dma_start3A_1088 = arith.constant 0 : i32
        %dma_start3A_1089 = tpu.memref_slice %arg5[%dma_start3A_1080, %dma_start3A_1087, %dma_start3A_1088] : memref<19x8x256xf32, #tpu.memory_space<vmem>> -> memref<1x8x256xf32, #tpu.memory_space<vmem>>
        %dma_start3A_1090 = tpu.memref_squeeze %dma_start3A_1089 : memref<1x8x256xf32, #tpu.memory_space<vmem>> -> memref<8x256xf32, #tpu.memory_space<vmem>>
        %dma_start3A_1091 = tpu.memref_slice %arg2[%select_n3A_805, %dma_start3A_1079, %mul3A_850, %mul3A_868] : memref<4x19x512x512xf32, #tpu.memory_space<hbm>> -> memref<1x1x8x256xf32, #tpu.memory_space<hbm>>
        %dma_start3A_1092 = tpu.memref_squeeze %dma_start3A_1091 : memref<1x1x8x256xf32, #tpu.memory_space<hbm>> -> memref<8x256xf32, #tpu.memory_space<hbm>>
        tpu.enqueue_dma source(%dma_start3A_1092 : memref<8x256xf32, #tpu.memory_space<hbm>>) target(%dma_start3A_1090 : memref<8x256xf32, #tpu.memory_space<vmem>>) target_semaphore(%arg13 : memref<!tpu.dma_semaphore, #tpu.memory_space<semaphore_mem>>)
        %dma_start3A_1093 = arith.constant 16 : i32
        %dma_start3A_1094 = arith.constant 16 : i32
        %dma_start3A_1095 = arith.constant 0 : i32
        %dma_start3A_1096 = arith.constant 0 : i32
        %dma_start3A_1097 = tpu.memref_slice %arg5[%dma_start3A_1094, %dma_start3A_1095, %dma_start3A_1096] : memref<19x8x256xf32, #tpu.memory_space<vmem>> -> memref<1x8x256xf32, #tpu.memory_space<vmem>>
        %dma_start3A_1098 = tpu.memref_squeeze %dma_start3A_1097 : memref<1x8x256xf32, #tpu.memory_space<vmem>> -> memref<8x256xf32, #tpu.memory_space<vmem>>
        %dma_start3A_1099 = tpu.memref_slice %arg2[%select_n3A_805, %dma_start3A_1093, %mul3A_850, %mul3A_868] : memref<4x19x512x512xf32, #tpu.memory_space<hbm>> -> memref<1x1x8x256xf32, #tpu.memory_space<hbm>>
        %dma_start3A_1100 = tpu.memref_squeeze %dma_start3A_1099 : memref<1x1x8x256xf32, #tpu.memory_space<hbm>> -> memref<8x256xf32, #tpu.memory_space<hbm>>
        %dma_start3A_1101 = arith.constant 0 : i32
        %dma_start3A_1102 = arith.constant 0 : i32
        %dma_start3A_1103 = tpu.memref_slice %arg5[%dma_start3A_1094, %dma_start3A_1101, %dma_start3A_1102] : memref<19x8x256xf32, #tpu.memory_space<vmem>> -> memref<1x8x256xf32, #tpu.memory_space<vmem>>
        %dma_start3A_1104 = tpu.memref_squeeze %dma_start3A_1103 : memref<1x8x256xf32, #tpu.memory_space<vmem>> -> memref<8x256xf32, #tpu.memory_space<vmem>>
        %dma_start3A_1105 = tpu.memref_slice %arg2[%select_n3A_805, %dma_start3A_1093, %mul3A_850, %mul3A_868] : memref<4x19x512x512xf32, #tpu.memory_space<hbm>> -> memref<1x1x8x256xf32, #tpu.memory_space<hbm>>
        %dma_start3A_1106 = tpu.memref_squeeze %dma_start3A_1105 : memref<1x1x8x256xf32, #tpu.memory_space<hbm>> -> memref<8x256xf32, #tpu.memory_space<hbm>>
        tpu.enqueue_dma source(%dma_start3A_1106 : memref<8x256xf32, #tpu.memory_space<hbm>>) target(%dma_start3A_1104 : memref<8x256xf32, #tpu.memory_space<vmem>>) target_semaphore(%arg13 : memref<!tpu.dma_semaphore, #tpu.memory_space<semaphore_mem>>)
        %dma_start3A_1107 = arith.constant 17 : i32
        %dma_start3A_1108 = arith.constant 17 : i32
        %dma_start3A_1109 = arith.constant 0 : i32
        %dma_start3A_1110 = arith.constant 0 : i32
        %dma_start3A_1111 = tpu.memref_slice %arg5[%dma_start3A_1108, %dma_start3A_1109, %dma_start3A_1110] : memref<19x8x256xf32, #tpu.memory_space<vmem>> -> memref<1x8x256xf32, #tpu.memory_space<vmem>>
        %dma_start3A_1112 = tpu.memref_squeeze %dma_start3A_1111 : memref<1x8x256xf32, #tpu.memory_space<vmem>> -> memref<8x256xf32, #tpu.memory_space<vmem>>
        %dma_start3A_1113 = tpu.memref_slice %arg2[%select_n3A_805, %dma_start3A_1107, %mul3A_850, %mul3A_868] : memref<4x19x512x512xf32, #tpu.memory_space<hbm>> -> memref<1x1x8x256xf32, #tpu.memory_space<hbm>>
        %dma_start3A_1114 = tpu.memref_squeeze %dma_start3A_1113 : memref<1x1x8x256xf32, #tpu.memory_space<hbm>> -> memref<8x256xf32, #tpu.memory_space<hbm>>
        %dma_start3A_1115 = arith.constant 0 : i32
        %dma_start3A_1116 = arith.constant 0 : i32
        %dma_start3A_1117 = tpu.memref_slice %arg5[%dma_start3A_1108, %dma_start3A_1115, %dma_start3A_1116] : memref<19x8x256xf32, #tpu.memory_space<vmem>> -> memref<1x8x256xf32, #tpu.memory_space<vmem>>
        %dma_start3A_1118 = tpu.memref_squeeze %dma_start3A_1117 : memref<1x8x256xf32, #tpu.memory_space<vmem>> -> memref<8x256xf32, #tpu.memory_space<vmem>>
        %dma_start3A_1119 = tpu.memref_slice %arg2[%select_n3A_805, %dma_start3A_1107, %mul3A_850, %mul3A_868] : memref<4x19x512x512xf32, #tpu.memory_space<hbm>> -> memref<1x1x8x256xf32, #tpu.memory_space<hbm>>
        %dma_start3A_1120 = tpu.memref_squeeze %dma_start3A_1119 : memref<1x1x8x256xf32, #tpu.memory_space<hbm>> -> memref<8x256xf32, #tpu.memory_space<hbm>>
        tpu.enqueue_dma source(%dma_start3A_1120 : memref<8x256xf32, #tpu.memory_space<hbm>>) target(%dma_start3A_1118 : memref<8x256xf32, #tpu.memory_space<vmem>>) target_semaphore(%arg13 : memref<!tpu.dma_semaphore, #tpu.memory_space<semaphore_mem>>)
        %dma_start3A_1121 = arith.constant 18 : i32
        %dma_start3A_1122 = arith.constant 18 : i32
        %dma_start3A_1123 = arith.constant 0 : i32
        %dma_start3A_1124 = arith.constant 0 : i32
        %dma_start3A_1125 = tpu.memref_slice %arg5[%dma_start3A_1122, %dma_start3A_1123, %dma_start3A_1124] : memref<19x8x256xf32, #tpu.memory_space<vmem>> -> memref<1x8x256xf32, #tpu.memory_space<vmem>>
        %dma_start3A_1126 = tpu.memref_squeeze %dma_start3A_1125 : memref<1x8x256xf32, #tpu.memory_space<vmem>> -> memref<8x256xf32, #tpu.memory_space<vmem>>
        %dma_start3A_1127 = tpu.memref_slice %arg2[%select_n3A_805, %dma_start3A_1121, %mul3A_850, %mul3A_868] : memref<4x19x512x512xf32, #tpu.memory_space<hbm>> -> memref<1x1x8x256xf32, #tpu.memory_space<hbm>>
        %dma_start3A_1128 = tpu.memref_squeeze %dma_start3A_1127 : memref<1x1x8x256xf32, #tpu.memory_space<hbm>> -> memref<8x256xf32, #tpu.memory_space<hbm>>
        %dma_start3A_1129 = arith.constant 0 : i32
        %dma_start3A_1130 = arith.constant 0 : i32
        %dma_start3A_1131 = tpu.memref_slice %arg5[%dma_start3A_1122, %dma_start3A_1129, %dma_start3A_1130] : memref<19x8x256xf32, #tpu.memory_space<vmem>> -> memref<1x8x256xf32, #tpu.memory_space<vmem>>
        %dma_start3A_1132 = tpu.memref_squeeze %dma_start3A_1131 : memref<1x8x256xf32, #tpu.memory_space<vmem>> -> memref<8x256xf32, #tpu.memory_space<vmem>>
        %dma_start3A_1133 = tpu.memref_slice %arg2[%select_n3A_805, %dma_start3A_1121, %mul3A_850, %mul3A_868] : memref<4x19x512x512xf32, #tpu.memory_space<hbm>> -> memref<1x1x8x256xf32, #tpu.memory_space<hbm>>
        %dma_start3A_1134 = tpu.memref_squeeze %dma_start3A_1133 : memref<1x1x8x256xf32, #tpu.memory_space<hbm>> -> memref<8x256xf32, #tpu.memory_space<hbm>>
        tpu.enqueue_dma source(%dma_start3A_1134 : memref<8x256xf32, #tpu.memory_space<hbm>>) target(%dma_start3A_1132 : memref<8x256xf32, #tpu.memory_space<vmem>>) target_semaphore(%arg13 : memref<!tpu.dma_semaphore, #tpu.memory_space<semaphore_mem>>)
        %dma_start3A_1135 = tpu.memref_slice %arg3[%select_n3A_805, %mul3A_850, %mul3A_868] : memref<4x512x512xi32, #tpu.memory_space<hbm>> -> memref<1x8x256xi32, #tpu.memory_space<hbm>>
        %dma_start3A_1136 = tpu.memref_squeeze %dma_start3A_1135 : memref<1x8x256xi32, #tpu.memory_space<hbm>> -> memref<8x256xi32, #tpu.memory_space<hbm>>
        %dma_start3A_1137 = tpu.memref_slice %arg3[%select_n3A_805, %mul3A_850, %mul3A_868] : memref<4x512x512xi32, #tpu.memory_space<hbm>> -> memref<1x8x256xi32, #tpu.memory_space<hbm>>
        %dma_start3A_1138 = tpu.memref_squeeze %dma_start3A_1137 : memref<1x8x256xi32, #tpu.memory_space<hbm>> -> memref<8x256xi32, #tpu.memory_space<hbm>>
        tpu.enqueue_dma source(%dma_start3A_1138 : memref<8x256xi32, #tpu.memory_space<hbm>>) target(%arg6 : memref<8x256xi32, #tpu.memory_space<vmem>>) target_semaphore(%arg13 : memref<!tpu.dma_semaphore, #tpu.memory_space<semaphore_mem>>)
      } else {
      }
      %dma_wait3A_753 = arith.constant 0 : i32
      %dma_wait3A_754 = arith.constant 0 : i32
      %dma_wait3A_755 = arith.constant 0 : i32
      %dma_wait3A_756 = arith.constant 0 : i32
      %dma_wait3A_757 = tpu.memref_slice %arg2[%dma_wait3A_753, %dma_wait3A_754, %dma_wait3A_755, %dma_wait3A_756] : memref<4x19x512x512xf32, #tpu.memory_space<hbm>> -> memref<1x19x8x256xf32, #tpu.memory_space<hbm>>
      %dma_wait3A_758 = tpu.memref_squeeze %dma_wait3A_757 : memref<1x19x8x256xf32, #tpu.memory_space<hbm>> -> memref<19x8x256xf32, #tpu.memory_space<hbm>>
      %dma_wait3A_759 = arith.constant 0 : i32
      %dma_wait3A_760 = arith.constant 0 : i32
      %dma_wait3A_761 = arith.constant 0 : i32
      %dma_wait3A_762 = tpu.memref_slice %arg2[%dma_wait3A_753, %dma_wait3A_759, %dma_wait3A_760, %dma_wait3A_761] : memref<4x19x512x512xf32, #tpu.memory_space<hbm>> -> memref<1x19x8x256xf32, #tpu.memory_space<hbm>>
      %dma_wait3A_763 = tpu.memref_squeeze %dma_wait3A_762 : memref<1x19x8x256xf32, #tpu.memory_space<hbm>> -> memref<19x8x256xf32, #tpu.memory_space<hbm>>
      tpu.wait_dma2 semaphore(%arg14 : memref<!tpu.dma_semaphore, #tpu.memory_space<semaphore_mem>>) src(%dma_wait3A_763 : memref<19x8x256xf32, #tpu.memory_space<hbm>>) dst(%arg7 : memref<19x8x256xf32, #tpu.memory_space<vmem>>)
      %dma_wait3A_764 = arith.constant 0 : i32
      %dma_wait3A_765 = arith.constant 0 : i32
      %dma_wait3A_766 = arith.constant 0 : i32
      %dma_wait3A_767 = tpu.memref_slice %arg3[%dma_wait3A_764, %dma_wait3A_765, %dma_wait3A_766] : memref<4x512x512xi32, #tpu.memory_space<hbm>> -> memref<1x8x256xi32, #tpu.memory_space<hbm>>
      %dma_wait3A_768 = tpu.memref_squeeze %dma_wait3A_767 : memref<1x8x256xi32, #tpu.memory_space<hbm>> -> memref<8x256xi32, #tpu.memory_space<hbm>>
      %dma_wait3A_769 = arith.constant 0 : i32
      %dma_wait3A_770 = arith.constant 0 : i32
      %dma_wait3A_771 = tpu.memref_slice %arg3[%dma_wait3A_764, %dma_wait3A_769, %dma_wait3A_770] : memref<4x512x512xi32, #tpu.memory_space<hbm>> -> memref<1x8x256xi32, #tpu.memory_space<hbm>>
      %dma_wait3A_772 = tpu.memref_squeeze %dma_wait3A_771 : memref<1x8x256xi32, #tpu.memory_space<hbm>> -> memref<8x256xi32, #tpu.memory_space<hbm>>
      tpu.wait_dma2 semaphore(%arg14 : memref<!tpu.dma_semaphore, #tpu.memory_space<semaphore_mem>>) src(%dma_wait3A_772 : memref<8x256xi32, #tpu.memory_space<hbm>>) dst(%arg8 : memref<8x256xi32, #tpu.memory_space<vmem>>)
      %parallel_loop3A_773 = arith.constant 0 : i32
      %parallel_loop3A_774 = arith.constant 128 : i32
      %parallel_loop3A_775 = arith.constant 1 : i32
      scf.for %parallel_loop3A_780 = %parallel_loop3A_773 to %parallel_loop3A_774 step %parallel_loop3A_775  : i32 {
        %parallel_loop3A_781 = arith.constant 16 : i32
        %parallel_loop3A_782 = arith.divsi %parallel_loop3A_780, %parallel_loop3A_781 : i32
        %parallel_loop3A_783 = arith.constant 0 : i32
        %parallel_loop3A_784 = arith.cmpi sgt, %parallel_loop3A_780, %parallel_loop3A_783 : i32
        %parallel_loop3A_785 = arith.extui %parallel_loop3A_784 : i1 to i32
        %parallel_loop3A_786 = arith.constant 0 : i32
        %parallel_loop3A_787 = arith.cmpi slt, %parallel_loop3A_780, %parallel_loop3A_786 : i32
        %parallel_loop3A_788 = arith.extui %parallel_loop3A_787 : i1 to i32
        %parallel_loop3A_789 = arith.subi %parallel_loop3A_785, %parallel_loop3A_788 : i32
        %parallel_loop3A_790 = arith.constant 0 : i32
        %parallel_loop3A_791 = arith.cmpi sgt, %parallel_loop3A_781, %parallel_loop3A_790 : i32
        %parallel_loop3A_792 = arith.extui %parallel_loop3A_791 : i1 to i32
        %parallel_loop3A_793 = arith.constant 0 : i32
        %parallel_loop3A_794 = arith.cmpi slt, %parallel_loop3A_781, %parallel_loop3A_793 : i32
        %parallel_loop3A_795 = arith.extui %parallel_loop3A_794 : i1 to i32
        %parallel_loop3A_796 = arith.subi %parallel_loop3A_792, %parallel_loop3A_795 : i32
        %parallel_loop3A_797 = arith.cmpi ne, %parallel_loop3A_789, %parallel_loop3A_796 : i32
        %parallel_loop3A_798 = arith.remsi %parallel_loop3A_780, %parallel_loop3A_781 : i32
        %parallel_loop3A_799 = arith.constant 0 : i32
        %parallel_loop3A_800 = arith.cmpi ne, %parallel_loop3A_798, %parallel_loop3A_799 : i32
        %parallel_loop3A_801 = arith.andi %parallel_loop3A_797, %parallel_loop3A_800 : i1
        %parallel_loop3A_802 = arith.constant 1 : i32
        %parallel_loop3A_803 = arith.subi %parallel_loop3A_782, %parallel_loop3A_802 : i32
        %parallel_loop3A_804 = arith.select %parallel_loop3A_801, %parallel_loop3A_803, %parallel_loop3A_782 : i32
        %parallel_loop3A_805 = arith.constant 16 : i32
        %parallel_loop3A_806 = arith.constant 0 : i32
        %parallel_loop3A_807 = arith.cmpi eq, %parallel_loop3A_805, %parallel_loop3A_806 : i32
        %parallel_loop3A_808 = arith.constant 1 : i32
        %parallel_loop3A_809 = arith.select %parallel_loop3A_807, %parallel_loop3A_808, %parallel_loop3A_805 : i32
        %parallel_loop3A_810 = arith.remsi %parallel_loop3A_780, %parallel_loop3A_809 : i32
        %parallel_loop3A_811 = arith.constant 0 : i32
        %parallel_loop3A_812 = arith.cmpi ne, %parallel_loop3A_810, %parallel_loop3A_811 : i32
        %parallel_loop3A_813 = arith.constant 0 : i32
        %parallel_loop3A_814 = arith.cmpi slt, %parallel_loop3A_810, %parallel_loop3A_813 : i32
        %parallel_loop3A_815 = arith.constant 0 : i32
        %parallel_loop3A_816 = arith.cmpi slt, %parallel_loop3A_809, %parallel_loop3A_815 : i32
        %parallel_loop3A_817 = arith.xori %parallel_loop3A_814, %parallel_loop3A_816 : i1
        %parallel_loop3A_818 = arith.andi %parallel_loop3A_817, %parallel_loop3A_812 : i1
        %parallel_loop3A_819 = arith.addi %parallel_loop3A_810, %parallel_loop3A_809 : i32
        %parallel_loop3A_820 = arith.select %parallel_loop3A_818, %parallel_loop3A_819, %parallel_loop3A_810 : i32
        %parallel_loop3A_821 = arith.constant 16 : i32
        %parallel_loop3A_822 = arith.muli %parallel_loop3A_820, %parallel_loop3A_821 : i32
        %parallel_loop3A_823 = arith.constant 0 : i32
        %parallel_loop3A_824 = arith.index_cast %parallel_loop3A_823 : i32 to index
        %parallel_loop3A_825 = arith.index_cast %parallel_loop3A_804 : i32 to index
        %parallel_loop3A_826 = arith.index_cast %parallel_loop3A_822 : i32 to index
        %parallel_loop3A_827 = tpu.vector_load %arg7[%parallel_loop3A_824, %parallel_loop3A_825, %parallel_loop3A_826] {strides = array<i32>} : memref<19x8x256xf32, #tpu.memory_space<vmem>>, vector<16xf32>,
        %parallel_loop3A_828 = math.exp %parallel_loop3A_827 : vector<16xf32>
        %parallel_loop3A_829 = arith.constant 1 : i32
        %parallel_loop3A_830 = arith.index_cast %parallel_loop3A_829 : i32 to index
        %parallel_loop3A_831 = arith.index_cast %parallel_loop3A_804 : i32 to index
        %parallel_loop3A_832 = arith.index_cast %parallel_loop3A_822 : i32 to index
        %parallel_loop3A_833 = tpu.vector_load %arg7[%parallel_loop3A_830, %parallel_loop3A_831, %parallel_loop3A_832] {strides = array<i32>} : memref<19x8x256xf32, #tpu.memory_space<vmem>>, vector<16xf32>,
        %parallel_loop3A_834 = math.exp %parallel_loop3A_833 : vector<16xf32>
        %parallel_loop3A_835 = arith.constant 2 : i32
        %parallel_loop3A_836 = arith.index_cast %parallel_loop3A_835 : i32 to index
        %parallel_loop3A_837 = arith.index_cast %parallel_loop3A_804 : i32 to index
        %parallel_loop3A_838 = arith.index_cast %parallel_loop3A_822 : i32 to index
        %parallel_loop3A_839 = tpu.vector_load %arg7[%parallel_loop3A_836, %parallel_loop3A_837, %parallel_loop3A_838] {strides = array<i32>} : memref<19x8x256xf32, #tpu.memory_space<vmem>>, vector<16xf32>,
        %parallel_loop3A_840 = math.exp %parallel_loop3A_839 : vector<16xf32>
        %parallel_loop3A_841 = arith.constant 3 : i32
        %parallel_loop3A_842 = arith.index_cast %parallel_loop3A_841 : i32 to index
        %parallel_loop3A_843 = arith.index_cast %parallel_loop3A_804 : i32 to index
        %parallel_loop3A_844 = arith.index_cast %parallel_loop3A_822 : i32 to index
        %parallel_loop3A_845 = tpu.vector_load %arg7[%parallel_loop3A_842, %parallel_loop3A_843, %parallel_loop3A_844] {strides = array<i32>} : memref<19x8x256xf32, #tpu.memory_space<vmem>>, vector<16xf32>,
        %parallel_loop3A_846 = math.exp %parallel_loop3A_845 : vector<16xf32>
        %parallel_loop3A_847 = arith.constant 4 : i32
        %parallel_loop3A_848 = arith.index_cast %parallel_loop3A_847 : i32 to index
        %parallel_loop3A_849 = arith.index_cast %parallel_loop3A_804 : i32 to index
        %parallel_loop3A_850 = arith.index_cast %parallel_loop3A_822 : i32 to index
        %parallel_loop3A_851 = tpu.vector_load %arg7[%parallel_loop3A_848, %parallel_loop3A_849, %parallel_loop3A_850] {strides = array<i32>} : memref<19x8x256xf32, #tpu.memory_space<vmem>>, vector<16xf32>,
        %parallel_loop3A_852 = math.exp %parallel_loop3A_851 : vector<16xf32>
        %parallel_loop3A_853 = arith.constant 5 : i32
        %parallel_loop3A_854 = arith.index_cast %parallel_loop3A_853 : i32 to index
        %parallel_loop3A_855 = arith.index_cast %parallel_loop3A_804 : i32 to index
        %parallel_loop3A_856 = arith.index_cast %parallel_loop3A_822 : i32 to index
        %parallel_loop3A_857 = tpu.vector_load %arg7[%parallel_loop3A_854, %parallel_loop3A_855, %parallel_loop3A_856] {strides = array<i32>} : memref<19x8x256xf32, #tpu.memory_space<vmem>>, vector<16xf32>,
        %parallel_loop3A_858 = math.exp %parallel_loop3A_857 : vector<16xf32>
        %parallel_loop3A_859 = arith.constant 6 : i32
        %parallel_loop3A_860 = arith.index_cast %parallel_loop3A_859 : i32 to index
        %parallel_loop3A_861 = arith.index_cast %parallel_loop3A_804 : i32 to index
        %parallel_loop3A_862 = arith.index_cast %parallel_loop3A_822 : i32 to index
        %parallel_loop3A_863 = tpu.vector_load %arg7[%parallel_loop3A_860, %parallel_loop3A_861, %parallel_loop3A_862] {strides = array<i32>} : memref<19x8x256xf32, #tpu.memory_space<vmem>>, vector<16xf32>,
        %parallel_loop3A_864 = math.exp %parallel_loop3A_863 : vector<16xf32>
        %parallel_loop3A_865 = arith.constant 7 : i32
        %parallel_loop3A_866 = arith.index_cast %parallel_loop3A_865 : i32 to index
        %parallel_loop3A_867 = arith.index_cast %parallel_loop3A_804 : i32 to index
        %parallel_loop3A_868 = arith.index_cast %parallel_loop3A_822 : i32 to index
        %parallel_loop3A_869 = tpu.vector_load %arg7[%parallel_loop3A_866, %parallel_loop3A_867, %parallel_loop3A_868] {strides = array<i32>} : memref<19x8x256xf32, #tpu.memory_space<vmem>>, vector<16xf32>,
        %parallel_loop3A_870 = math.exp %parallel_loop3A_869 : vector<16xf32>
        %parallel_loop3A_871 = arith.constant 8 : i32
        %parallel_loop3A_872 = arith.index_cast %parallel_loop3A_871 : i32 to index
        %parallel_loop3A_873 = arith.index_cast %parallel_loop3A_804 : i32 to index
        %parallel_loop3A_874 = arith.index_cast %parallel_loop3A_822 : i32 to index
        %parallel_loop3A_875 = tpu.vector_load %arg7[%parallel_loop3A_872, %parallel_loop3A_873, %parallel_loop3A_874] {strides = array<i32>} : memref<19x8x256xf32, #tpu.memory_space<vmem>>, vector<16xf32>,
        %parallel_loop3A_876 = math.exp %parallel_loop3A_875 : vector<16xf32>
        %parallel_loop3A_877 = arith.constant 9 : i32
        %parallel_loop3A_878 = arith.index_cast %parallel_loop3A_877 : i32 to index
        %parallel_loop3A_879 = arith.index_cast %parallel_loop3A_804 : i32 to index
        %parallel_loop3A_880 = arith.index_cast %parallel_loop3A_822 : i32 to index
        %parallel_loop3A_881 = tpu.vector_load %arg7[%parallel_loop3A_878, %parallel_loop3A_879, %parallel_loop3A_880] {strides = array<i32>} : memref<19x8x256xf32, #tpu.memory_space<vmem>>, vector<16xf32>,
        %parallel_loop3A_882 = math.exp %parallel_loop3A_881 : vector<16xf32>
        %parallel_loop3A_883 = arith.constant 10 : i32
        %parallel_loop3A_884 = arith.index_cast %parallel_loop3A_883 : i32 to index
        %parallel_loop3A_885 = arith.index_cast %parallel_loop3A_804 : i32 to index
        %parallel_loop3A_886 = arith.index_cast %parallel_loop3A_822 : i32 to index
        %parallel_loop3A_887 = tpu.vector_load %arg7[%parallel_loop3A_884, %parallel_loop3A_885, %parallel_loop3A_886] {strides = array<i32>} : memref<19x8x256xf32, #tpu.memory_space<vmem>>, vector<16xf32>,
        %parallel_loop3A_888 = math.exp %parallel_loop3A_887 : vector<16xf32>
        %parallel_loop3A_889 = arith.constant 11 : i32
        %parallel_loop3A_890 = arith.index_cast %parallel_loop3A_889 : i32 to index
        %parallel_loop3A_891 = arith.index_cast %parallel_loop3A_804 : i32 to index
        %parallel_loop3A_892 = arith.index_cast %parallel_loop3A_822 : i32 to index
        %parallel_loop3A_893 = tpu.vector_load %arg7[%parallel_loop3A_890, %parallel_loop3A_891, %parallel_loop3A_892] {strides = array<i32>} : memref<19x8x256xf32, #tpu.memory_space<vmem>>, vector<16xf32>,
        %parallel_loop3A_894 = math.exp %parallel_loop3A_893 : vector<16xf32>
        %parallel_loop3A_895 = arith.constant 12 : i32
        %parallel_loop3A_896 = arith.index_cast %parallel_loop3A_895 : i32 to index
        %parallel_loop3A_897 = arith.index_cast %parallel_loop3A_804 : i32 to index
        %parallel_loop3A_898 = arith.index_cast %parallel_loop3A_822 : i32 to index
        %parallel_loop3A_899 = tpu.vector_load %arg7[%parallel_loop3A_896, %parallel_loop3A_897, %parallel_loop3A_898] {strides = array<i32>} : memref<19x8x256xf32, #tpu.memory_space<vmem>>, vector<16xf32>,
        %parallel_loop3A_900 = math.exp %parallel_loop3A_899 : vector<16xf32>
        %parallel_loop3A_901 = arith.constant 13 : i32
        %parallel_loop3A_902 = arith.index_cast %parallel_loop3A_901 : i32 to index
        %parallel_loop3A_903 = arith.index_cast %parallel_loop3A_804 : i32 to index
        %parallel_loop3A_904 = arith.index_cast %parallel_loop3A_822 : i32 to index
        %parallel_loop3A_905 = tpu.vector_load %arg7[%parallel_loop3A_902, %parallel_loop3A_903, %parallel_loop3A_904] {strides = array<i32>} : memref<19x8x256xf32, #tpu.memory_space<vmem>>, vector<16xf32>,
        %parallel_loop3A_906 = math.exp %parallel_loop3A_905 : vector<16xf32>
        %parallel_loop3A_907 = arith.constant 14 : i32
        %parallel_loop3A_908 = arith.index_cast %parallel_loop3A_907 : i32 to index
        %parallel_loop3A_909 = arith.index_cast %parallel_loop3A_804 : i32 to index
        %parallel_loop3A_910 = arith.index_cast %parallel_loop3A_822 : i32 to index
        %parallel_loop3A_911 = tpu.vector_load %arg7[%parallel_loop3A_908, %parallel_loop3A_909, %parallel_loop3A_910] {strides = array<i32>} : memref<19x8x256xf32, #tpu.memory_space<vmem>>, vector<16xf32>,
        %parallel_loop3A_912 = math.exp %parallel_loop3A_911 : vector<16xf32>
        %parallel_loop3A_913 = arith.constant 15 : i32
        %parallel_loop3A_914 = arith.index_cast %parallel_loop3A_913 : i32 to index
        %parallel_loop3A_915 = arith.index_cast %parallel_loop3A_804 : i32 to index
        %parallel_loop3A_916 = arith.index_cast %parallel_loop3A_822 : i32 to index
        %parallel_loop3A_917 = tpu.vector_load %arg7[%parallel_loop3A_914, %parallel_loop3A_915, %parallel_loop3A_916] {strides = array<i32>} : memref<19x8x256xf32, #tpu.memory_space<vmem>>, vector<16xf32>,
        %parallel_loop3A_918 = math.exp %parallel_loop3A_917 : vector<16xf32>
        %parallel_loop3A_919 = arith.constant 16 : i32
        %parallel_loop3A_920 = arith.index_cast %parallel_loop3A_919 : i32 to index
        %parallel_loop3A_921 = arith.index_cast %parallel_loop3A_804 : i32 to index
        %parallel_loop3A_922 = arith.index_cast %parallel_loop3A_822 : i32 to index
        %parallel_loop3A_923 = tpu.vector_load %arg7[%parallel_loop3A_920, %parallel_loop3A_921, %parallel_loop3A_922] {strides = array<i32>} : memref<19x8x256xf32, #tpu.memory_space<vmem>>, vector<16xf32>,
        %parallel_loop3A_924 = math.exp %parallel_loop3A_923 : vector<16xf32>
        %parallel_loop3A_925 = arith.constant 17 : i32
        %parallel_loop3A_926 = arith.index_cast %parallel_loop3A_925 : i32 to index
        %parallel_loop3A_927 = arith.index_cast %parallel_loop3A_804 : i32 to index
        %parallel_loop3A_928 = arith.index_cast %parallel_loop3A_822 : i32 to index
        %parallel_loop3A_929 = tpu.vector_load %arg7[%parallel_loop3A_926, %parallel_loop3A_927, %parallel_loop3A_928] {strides = array<i32>} : memref<19x8x256xf32, #tpu.memory_space<vmem>>, vector<16xf32>,
        %parallel_loop3A_930 = math.exp %parallel_loop3A_929 : vector<16xf32>
        %parallel_loop3A_931 = arith.constant 18 : i32
        %parallel_loop3A_932 = arith.index_cast %parallel_loop3A_931 : i32 to index
        %parallel_loop3A_933 = arith.index_cast %parallel_loop3A_804 : i32 to index
        %parallel_loop3A_934 = arith.index_cast %parallel_loop3A_822 : i32 to index
        %parallel_loop3A_935 = tpu.vector_load %arg7[%parallel_loop3A_932, %parallel_loop3A_933, %parallel_loop3A_934] {strides = array<i32>} : memref<19x8x256xf32, #tpu.memory_space<vmem>>, vector<16xf32>,
        %parallel_loop3A_936 = math.exp %parallel_loop3A_935 : vector<16xf32>
        %parallel_loop3A_937 = arith.addf %parallel_loop3A_828, %parallel_loop3A_834 : vector<16xf32>
        %parallel_loop3A_938 = arith.addf %parallel_loop3A_840, %parallel_loop3A_846 : vector<16xf32>
        %parallel_loop3A_939 = arith.addf %parallel_loop3A_852, %parallel_loop3A_858 : vector<16xf32>
        %parallel_loop3A_940 = arith.addf %parallel_loop3A_864, %parallel_loop3A_870 : vector<16xf32>
        %parallel_loop3A_941 = arith.addf %parallel_loop3A_876, %parallel_loop3A_882 : vector<16xf32>
        %parallel_loop3A_942 = arith.addf %parallel_loop3A_888, %parallel_loop3A_894 : vector<16xf32>
        %parallel_loop3A_943 = arith.addf %parallel_loop3A_900, %parallel_loop3A_906 : vector<16xf32>
        %parallel_loop3A_944 = arith.addf %parallel_loop3A_912, %parallel_loop3A_918 : vector<16xf32>
        %parallel_loop3A_945 = arith.addf %parallel_loop3A_924, %parallel_loop3A_930 : vector<16xf32>
        %parallel_loop3A_946 = arith.addf %parallel_loop3A_937, %parallel_loop3A_938 : vector<16xf32>
        %parallel_loop3A_947 = arith.addf %parallel_loop3A_939, %parallel_loop3A_940 : vector<16xf32>
        %parallel_loop3A_948 = arith.addf %parallel_loop3A_941, %parallel_loop3A_942 : vector<16xf32>
        %parallel_loop3A_949 = arith.addf %parallel_loop3A_943, %parallel_loop3A_944 : vector<16xf32>
        %parallel_loop3A_950 = arith.addf %parallel_loop3A_945, %parallel_loop3A_936 : vector<16xf32>
        %parallel_loop3A_951 = arith.addf %parallel_loop3A_946, %parallel_loop3A_947 : vector<16xf32>
        %parallel_loop3A_952 = arith.addf %parallel_loop3A_948, %parallel_loop3A_949 : vector<16xf32>
        %parallel_loop3A_953 = arith.addf %parallel_loop3A_951, %parallel_loop3A_952 : vector<16xf32>
        %parallel_loop3A_954 = arith.addf %parallel_loop3A_953, %parallel_loop3A_950 : vector<16xf32>
        %parallel_loop3A_955 = arith.constant 1.000000e+00 : f32
        %parallel_loop3A_956 = vector.broadcast %parallel_loop3A_955 : f32 to vector<16xf32>
        %parallel_loop3A_957 = arith.divf %parallel_loop3A_956, %parallel_loop3A_954 : vector<16xf32>
        %parallel_loop3A_958 = arith.index_cast %parallel_loop3A_804 : i32 to index
        %parallel_loop3A_959 = arith.index_cast %parallel_loop3A_822 : i32 to index
        %parallel_loop3A_960 = tpu.vector_load %arg9[%parallel_loop3A_958, %parallel_loop3A_959] {strides = array<i32>} : memref<8x256xf32, #tpu.memory_space<vmem>>, vector<16xf32>,
        tpu.vector_store %arg9[%parallel_loop3A_958, %parallel_loop3A_959], %parallel_loop3A_957 {strides = array<i32>} : memref<8x256xf32, #tpu.memory_space<vmem>>, vector<16xf32>,
      } {sc.loop_unroll_factor = 1 : i64, sc.parallel_access}
      %parallel_loop3A_776 = arith.constant 0 : i32
      %parallel_loop3A_777 = arith.constant 128 : i32
      %parallel_loop3A_778 = arith.constant 1 : i32
      scf.for %parallel_loop3A_780 = %parallel_loop3A_776 to %parallel_loop3A_777 step %parallel_loop3A_778  : i32 {
        %parallel_loop3A_781 = arith.constant 16 : i32
        %parallel_loop3A_782 = arith.divsi %parallel_loop3A_780, %parallel_loop3A_781 : i32
        %parallel_loop3A_783 = arith.constant 0 : i32
        %parallel_loop3A_784 = arith.cmpi sgt, %parallel_loop3A_780, %parallel_loop3A_783 : i32
        %parallel_loop3A_785 = arith.extui %parallel_loop3A_784 : i1 to i32
        %parallel_loop3A_786 = arith.constant 0 : i32
        %parallel_loop3A_787 = arith.cmpi slt, %parallel_loop3A_780, %parallel_loop3A_786 : i32
        %parallel_loop3A_788 = arith.extui %parallel_loop3A_787 : i1 to i32
        %parallel_loop3A_789 = arith.subi %parallel_loop3A_785, %parallel_loop3A_788 : i32
        %parallel_loop3A_790 = arith.constant 0 : i32
        %parallel_loop3A_791 = arith.cmpi sgt, %parallel_loop3A_781, %parallel_loop3A_790 : i32
        %parallel_loop3A_792 = arith.extui %parallel_loop3A_791 : i1 to i32
        %parallel_loop3A_793 = arith.constant 0 : i32
        %parallel_loop3A_794 = arith.cmpi slt, %parallel_loop3A_781, %parallel_loop3A_793 : i32
        %parallel_loop3A_795 = arith.extui %parallel_loop3A_794 : i1 to i32
        %parallel_loop3A_796 = arith.subi %parallel_loop3A_792, %parallel_loop3A_795 : i32
        %parallel_loop3A_797 = arith.cmpi ne, %parallel_loop3A_789, %parallel_loop3A_796 : i32
        %parallel_loop3A_798 = arith.remsi %parallel_loop3A_780, %parallel_loop3A_781 : i32
        %parallel_loop3A_799 = arith.constant 0 : i32
        %parallel_loop3A_800 = arith.cmpi ne, %parallel_loop3A_798, %parallel_loop3A_799 : i32
        %parallel_loop3A_801 = arith.andi %parallel_loop3A_797, %parallel_loop3A_800 : i1
        %parallel_loop3A_802 = arith.constant 1 : i32
        %parallel_loop3A_803 = arith.subi %parallel_loop3A_782, %parallel_loop3A_802 : i32
        %parallel_loop3A_804 = arith.select %parallel_loop3A_801, %parallel_loop3A_803, %parallel_loop3A_782 : i32
        %parallel_loop3A_805 = arith.constant 16 : i32
        %parallel_loop3A_806 = arith.constant 0 : i32
        %parallel_loop3A_807 = arith.cmpi eq, %parallel_loop3A_805, %parallel_loop3A_806 : i32
        %parallel_loop3A_808 = arith.constant 1 : i32
        %parallel_loop3A_809 = arith.select %parallel_loop3A_807, %parallel_loop3A_808, %parallel_loop3A_805 : i32
        %parallel_loop3A_810 = arith.remsi %parallel_loop3A_780, %parallel_loop3A_809 : i32
        %parallel_loop3A_811 = arith.constant 0 : i32
        %parallel_loop3A_812 = arith.cmpi ne, %parallel_loop3A_810, %parallel_loop3A_811 : i32
        %parallel_loop3A_813 = arith.constant 0 : i32
        %parallel_loop3A_814 = arith.cmpi slt, %parallel_loop3A_810, %parallel_loop3A_813 : i32
        %parallel_loop3A_815 = arith.constant 0 : i32
        %parallel_loop3A_816 = arith.cmpi slt, %parallel_loop3A_809, %parallel_loop3A_815 : i32
        %parallel_loop3A_817 = arith.xori %parallel_loop3A_814, %parallel_loop3A_816 : i1
        %parallel_loop3A_818 = arith.andi %parallel_loop3A_817, %parallel_loop3A_812 : i1
        %parallel_loop3A_819 = arith.addi %parallel_loop3A_810, %parallel_loop3A_809 : i32
        %parallel_loop3A_820 = arith.select %parallel_loop3A_818, %parallel_loop3A_819, %parallel_loop3A_810 : i32
        %parallel_loop3A_821 = arith.constant 16 : i32
        %parallel_loop3A_822 = arith.muli %parallel_loop3A_820, %parallel_loop3A_821 : i32
        %parallel_loop3A_823 = arith.index_cast %parallel_loop3A_804 : i32 to index
        %parallel_loop3A_824 = arith.index_cast %parallel_loop3A_822 : i32 to index
        %parallel_loop3A_825 = tpu.vector_load %arg8[%parallel_loop3A_823, %parallel_loop3A_824] {strides = array<i32>} : memref<8x256xi32, #tpu.memory_space<vmem>>, vector<16xi32>,
        %parallel_loop3A_826 = arith.index_cast %parallel_loop3A_804 : i32 to index
        %parallel_loop3A_827 = arith.index_cast %parallel_loop3A_822 : i32 to index
        %parallel_loop3A_828 = tpu.vector_load %arg9[%parallel_loop3A_826, %parallel_loop3A_827] {strides = array<i32>} : memref<8x256xf32, #tpu.memory_space<vmem>>, vector<16xf32>,
        %parallel_loop3A_829 = arith.constant 0 : i32
        %parallel_loop3A_830 = arith.index_cast %parallel_loop3A_829 : i32 to index
        %parallel_loop3A_831 = arith.index_cast %parallel_loop3A_804 : i32 to index
        %parallel_loop3A_832 = arith.index_cast %parallel_loop3A_822 : i32 to index
        %parallel_loop3A_833 = tpu.vector_load %arg7[%parallel_loop3A_830, %parallel_loop3A_831, %parallel_loop3A_832] {strides = array<i32>} : memref<19x8x256xf32, #tpu.memory_space<vmem>>, vector<16xf32>,
        %parallel_loop3A_834 = math.exp %parallel_loop3A_833 : vector<16xf32>
        %parallel_loop3A_835 = arith.constant 1 : i32
        %parallel_loop3A_836 = arith.index_cast %parallel_loop3A_835 : i32 to index
        %parallel_loop3A_837 = arith.index_cast %parallel_loop3A_804 : i32 to index
        %parallel_loop3A_838 = arith.index_cast %parallel_loop3A_822 : i32 to index
        %parallel_loop3A_839 = tpu.vector_load %arg7[%parallel_loop3A_836, %parallel_loop3A_837, %parallel_loop3A_838] {strides = array<i32>} : memref<19x8x256xf32, #tpu.memory_space<vmem>>, vector<16xf32>,
        %parallel_loop3A_840 = math.exp %parallel_loop3A_839 : vector<16xf32>
        %parallel_loop3A_841 = arith.constant 2 : i32
        %parallel_loop3A_842 = arith.index_cast %parallel_loop3A_841 : i32 to index
        %parallel_loop3A_843 = arith.index_cast %parallel_loop3A_804 : i32 to index
        %parallel_loop3A_844 = arith.index_cast %parallel_loop3A_822 : i32 to index
        %parallel_loop3A_845 = tpu.vector_load %arg7[%parallel_loop3A_842, %parallel_loop3A_843, %parallel_loop3A_844] {strides = array<i32>} : memref<19x8x256xf32, #tpu.memory_space<vmem>>, vector<16xf32>,
        %parallel_loop3A_846 = math.exp %parallel_loop3A_845 : vector<16xf32>
        %parallel_loop3A_847 = arith.constant 3 : i32
        %parallel_loop3A_848 = arith.index_cast %parallel_loop3A_847 : i32 to index
        %parallel_loop3A_849 = arith.index_cast %parallel_loop3A_804 : i32 to index
        %parallel_loop3A_850 = arith.index_cast %parallel_loop3A_822 : i32 to index
        %parallel_loop3A_851 = tpu.vector_load %arg7[%parallel_loop3A_848, %parallel_loop3A_849, %parallel_loop3A_850] {strides = array<i32>} : memref<19x8x256xf32, #tpu.memory_space<vmem>>, vector<16xf32>,
        %parallel_loop3A_852 = math.exp %parallel_loop3A_851 : vector<16xf32>
        %parallel_loop3A_853 = arith.constant 4 : i32
        %parallel_loop3A_854 = arith.index_cast %parallel_loop3A_853 : i32 to index
        %parallel_loop3A_855 = arith.index_cast %parallel_loop3A_804 : i32 to index
        %parallel_loop3A_856 = arith.index_cast %parallel_loop3A_822 : i32 to index
        %parallel_loop3A_857 = tpu.vector_load %arg7[%parallel_loop3A_854, %parallel_loop3A_855, %parallel_loop3A_856] {strides = array<i32>} : memref<19x8x256xf32, #tpu.memory_space<vmem>>, vector<16xf32>,
        %parallel_loop3A_858 = math.exp %parallel_loop3A_857 : vector<16xf32>
        %parallel_loop3A_859 = arith.constant 5 : i32
        %parallel_loop3A_860 = arith.index_cast %parallel_loop3A_859 : i32 to index
        %parallel_loop3A_861 = arith.index_cast %parallel_loop3A_804 : i32 to index
        %parallel_loop3A_862 = arith.index_cast %parallel_loop3A_822 : i32 to index
        %parallel_loop3A_863 = tpu.vector_load %arg7[%parallel_loop3A_860, %parallel_loop3A_861, %parallel_loop3A_862] {strides = array<i32>} : memref<19x8x256xf32, #tpu.memory_space<vmem>>, vector<16xf32>,
        %parallel_loop3A_864 = math.exp %parallel_loop3A_863 : vector<16xf32>
        %parallel_loop3A_865 = arith.constant 6 : i32
        %parallel_loop3A_866 = arith.index_cast %parallel_loop3A_865 : i32 to index
        %parallel_loop3A_867 = arith.index_cast %parallel_loop3A_804 : i32 to index
        %parallel_loop3A_868 = arith.index_cast %parallel_loop3A_822 : i32 to index
        %parallel_loop3A_869 = tpu.vector_load %arg7[%parallel_loop3A_866, %parallel_loop3A_867, %parallel_loop3A_868] {strides = array<i32>} : memref<19x8x256xf32, #tpu.memory_space<vmem>>, vector<16xf32>,
        %parallel_loop3A_870 = math.exp %parallel_loop3A_869 : vector<16xf32>
        %parallel_loop3A_871 = arith.constant 7 : i32
        %parallel_loop3A_872 = arith.index_cast %parallel_loop3A_871 : i32 to index
        %parallel_loop3A_873 = arith.index_cast %parallel_loop3A_804 : i32 to index
        %parallel_loop3A_874 = arith.index_cast %parallel_loop3A_822 : i32 to index
        %parallel_loop3A_875 = tpu.vector_load %arg7[%parallel_loop3A_872, %parallel_loop3A_873, %parallel_loop3A_874] {strides = array<i32>} : memref<19x8x256xf32, #tpu.memory_space<vmem>>, vector<16xf32>,
        %parallel_loop3A_876 = math.exp %parallel_loop3A_875 : vector<16xf32>
        %parallel_loop3A_877 = arith.constant 8 : i32
        %parallel_loop3A_878 = arith.index_cast %parallel_loop3A_877 : i32 to index
        %parallel_loop3A_879 = arith.index_cast %parallel_loop3A_804 : i32 to index
        %parallel_loop3A_880 = arith.index_cast %parallel_loop3A_822 : i32 to index
        %parallel_loop3A_881 = tpu.vector_load %arg7[%parallel_loop3A_878, %parallel_loop3A_879, %parallel_loop3A_880] {strides = array<i32>} : memref<19x8x256xf32, #tpu.memory_space<vmem>>, vector<16xf32>,
        %parallel_loop3A_882 = math.exp %parallel_loop3A_881 : vector<16xf32>
        %parallel_loop3A_883 = arith.constant 9 : i32
        %parallel_loop3A_884 = arith.index_cast %parallel_loop3A_883 : i32 to index
        %parallel_loop3A_885 = arith.index_cast %parallel_loop3A_804 : i32 to index
        %parallel_loop3A_886 = arith.index_cast %parallel_loop3A_822 : i32 to index
        %parallel_loop3A_887 = tpu.vector_load %arg7[%parallel_loop3A_884, %parallel_loop3A_885, %parallel_loop3A_886] {strides = array<i32>} : memref<19x8x256xf32, #tpu.memory_space<vmem>>, vector<16xf32>,
        %parallel_loop3A_888 = math.exp %parallel_loop3A_887 : vector<16xf32>
        %parallel_loop3A_889 = arith.constant 10 : i32
        %parallel_loop3A_890 = arith.index_cast %parallel_loop3A_889 : i32 to index
        %parallel_loop3A_891 = arith.index_cast %parallel_loop3A_804 : i32 to index
        %parallel_loop3A_892 = arith.index_cast %parallel_loop3A_822 : i32 to index
        %parallel_loop3A_893 = tpu.vector_load %arg7[%parallel_loop3A_890, %parallel_loop3A_891, %parallel_loop3A_892] {strides = array<i32>} : memref<19x8x256xf32, #tpu.memory_space<vmem>>, vector<16xf32>,
        %parallel_loop3A_894 = math.exp %parallel_loop3A_893 : vector<16xf32>
        %parallel_loop3A_895 = arith.constant 11 : i32
        %parallel_loop3A_896 = arith.index_cast %parallel_loop3A_895 : i32 to index
        %parallel_loop3A_897 = arith.index_cast %parallel_loop3A_804 : i32 to index
        %parallel_loop3A_898 = arith.index_cast %parallel_loop3A_822 : i32 to index
        %parallel_loop3A_899 = tpu.vector_load %arg7[%parallel_loop3A_896, %parallel_loop3A_897, %parallel_loop3A_898] {strides = array<i32>} : memref<19x8x256xf32, #tpu.memory_space<vmem>>, vector<16xf32>,
        %parallel_loop3A_900 = math.exp %parallel_loop3A_899 : vector<16xf32>
        %parallel_loop3A_901 = arith.constant 12 : i32
        %parallel_loop3A_902 = arith.index_cast %parallel_loop3A_901 : i32 to index
        %parallel_loop3A_903 = arith.index_cast %parallel_loop3A_804 : i32 to index
        %parallel_loop3A_904 = arith.index_cast %parallel_loop3A_822 : i32 to index
        %parallel_loop3A_905 = tpu.vector_load %arg7[%parallel_loop3A_902, %parallel_loop3A_903, %parallel_loop3A_904] {strides = array<i32>} : memref<19x8x256xf32, #tpu.memory_space<vmem>>, vector<16xf32>,
        %parallel_loop3A_906 = math.exp %parallel_loop3A_905 : vector<16xf32>
        %parallel_loop3A_907 = arith.constant 13 : i32
        %parallel_loop3A_908 = arith.index_cast %parallel_loop3A_907 : i32 to index
        %parallel_loop3A_909 = arith.index_cast %parallel_loop3A_804 : i32 to index
        %parallel_loop3A_910 = arith.index_cast %parallel_loop3A_822 : i32 to index
        %parallel_loop3A_911 = tpu.vector_load %arg7[%parallel_loop3A_908, %parallel_loop3A_909, %parallel_loop3A_910] {strides = array<i32>} : memref<19x8x256xf32, #tpu.memory_space<vmem>>, vector<16xf32>,
        %parallel_loop3A_912 = math.exp %parallel_loop3A_911 : vector<16xf32>
        %parallel_loop3A_913 = arith.constant 14 : i32
        %parallel_loop3A_914 = arith.index_cast %parallel_loop3A_913 : i32 to index
        %parallel_loop3A_915 = arith.index_cast %parallel_loop3A_804 : i32 to index
        %parallel_loop3A_916 = arith.index_cast %parallel_loop3A_822 : i32 to index
        %parallel_loop3A_917 = tpu.vector_load %arg7[%parallel_loop3A_914, %parallel_loop3A_915, %parallel_loop3A_916] {strides = array<i32>} : memref<19x8x256xf32, #tpu.memory_space<vmem>>, vector<16xf32>,
        %parallel_loop3A_918 = math.exp %parallel_loop3A_917 : vector<16xf32>
        %parallel_loop3A_919 = arith.constant 15 : i32
        %parallel_loop3A_920 = arith.index_cast %parallel_loop3A_919 : i32 to index
        %parallel_loop3A_921 = arith.index_cast %parallel_loop3A_804 : i32 to index
        %parallel_loop3A_922 = arith.index_cast %parallel_loop3A_822 : i32 to index
        %parallel_loop3A_923 = tpu.vector_load %arg7[%parallel_loop3A_920, %parallel_loop3A_921, %parallel_loop3A_922] {strides = array<i32>} : memref<19x8x256xf32, #tpu.memory_space<vmem>>, vector<16xf32>,
        %parallel_loop3A_924 = math.exp %parallel_loop3A_923 : vector<16xf32>
        %parallel_loop3A_925 = arith.constant 16 : i32
        %parallel_loop3A_926 = arith.index_cast %parallel_loop3A_925 : i32 to index
        %parallel_loop3A_927 = arith.index_cast %parallel_loop3A_804 : i32 to index
        %parallel_loop3A_928 = arith.index_cast %parallel_loop3A_822 : i32 to index
        %parallel_loop3A_929 = tpu.vector_load %arg7[%parallel_loop3A_926, %parallel_loop3A_927, %parallel_loop3A_928] {strides = array<i32>} : memref<19x8x256xf32, #tpu.memory_space<vmem>>, vector<16xf32>,
        %parallel_loop3A_930 = math.exp %parallel_loop3A_929 : vector<16xf32>
        %parallel_loop3A_931 = arith.constant 17 : i32
        %parallel_loop3A_932 = arith.index_cast %parallel_loop3A_931 : i32 to index
        %parallel_loop3A_933 = arith.index_cast %parallel_loop3A_804 : i32 to index
        %parallel_loop3A_934 = arith.index_cast %parallel_loop3A_822 : i32 to index
        %parallel_loop3A_935 = tpu.vector_load %arg7[%parallel_loop3A_932, %parallel_loop3A_933, %parallel_loop3A_934] {strides = array<i32>} : memref<19x8x256xf32, #tpu.memory_space<vmem>>, vector<16xf32>,
        %parallel_loop3A_936 = math.exp %parallel_loop3A_935 : vector<16xf32>
        %parallel_loop3A_937 = arith.constant 18 : i32
        %parallel_loop3A_938 = arith.index_cast %parallel_loop3A_937 : i32 to index
        %parallel_loop3A_939 = arith.index_cast %parallel_loop3A_804 : i32 to index
        %parallel_loop3A_940 = arith.index_cast %parallel_loop3A_822 : i32 to index
        %parallel_loop3A_941 = tpu.vector_load %arg7[%parallel_loop3A_938, %parallel_loop3A_939, %parallel_loop3A_940] {strides = array<i32>} : memref<19x8x256xf32, #tpu.memory_space<vmem>>, vector<16xf32>,
        %parallel_loop3A_942 = math.exp %parallel_loop3A_941 : vector<16xf32>
        %parallel_loop3A_943 = arith.mulf %parallel_loop3A_834, %parallel_loop3A_828 : vector<16xf32>
        %parallel_loop3A_944 = arith.mulf %parallel_loop3A_840, %parallel_loop3A_828 : vector<16xf32>
        %parallel_loop3A_945 = arith.mulf %parallel_loop3A_846, %parallel_loop3A_828 : vector<16xf32>
        %parallel_loop3A_946 = arith.mulf %parallel_loop3A_852, %parallel_loop3A_828 : vector<16xf32>
        %parallel_loop3A_947 = arith.mulf %parallel_loop3A_858, %parallel_loop3A_828 : vector<16xf32>
        %parallel_loop3A_948 = arith.mulf %parallel_loop3A_864, %parallel_loop3A_828 : vector<16xf32>
        %parallel_loop3A_949 = arith.mulf %parallel_loop3A_870, %parallel_loop3A_828 : vector<16xf32>
        %parallel_loop3A_950 = arith.mulf %parallel_loop3A_876, %parallel_loop3A_828 : vector<16xf32>
        %parallel_loop3A_951 = arith.mulf %parallel_loop3A_882, %parallel_loop3A_828 : vector<16xf32>
        %parallel_loop3A_952 = arith.mulf %parallel_loop3A_888, %parallel_loop3A_828 : vector<16xf32>
        %parallel_loop3A_953 = arith.mulf %parallel_loop3A_894, %parallel_loop3A_828 : vector<16xf32>
        %parallel_loop3A_954 = arith.mulf %parallel_loop3A_900, %parallel_loop3A_828 : vector<16xf32>
        %parallel_loop3A_955 = arith.mulf %parallel_loop3A_906, %parallel_loop3A_828 : vector<16xf32>
        %parallel_loop3A_956 = arith.mulf %parallel_loop3A_912, %parallel_loop3A_828 : vector<16xf32>
        %parallel_loop3A_957 = arith.mulf %parallel_loop3A_918, %parallel_loop3A_828 : vector<16xf32>
        %parallel_loop3A_958 = arith.mulf %parallel_loop3A_924, %parallel_loop3A_828 : vector<16xf32>
        %parallel_loop3A_959 = arith.mulf %parallel_loop3A_930, %parallel_loop3A_828 : vector<16xf32>
        %parallel_loop3A_960 = arith.mulf %parallel_loop3A_936, %parallel_loop3A_828 : vector<16xf32>
        %parallel_loop3A_961 = arith.mulf %parallel_loop3A_942, %parallel_loop3A_828 : vector<16xf32>
        %parallel_loop3A_962 = arith.constant 1.500000e+01 : f32
        %parallel_loop3A_963 = vector.broadcast %parallel_loop3A_962 : f32 to vector<16xf32>
        %parallel_loop3A_964 = arith.mulf %parallel_loop3A_943, %parallel_loop3A_963 : vector<16xf32>
        %parallel_loop3A_965 = arith.constant 5.000000e-01 : f32
        %parallel_loop3A_966 = vector.broadcast %parallel_loop3A_965 : f32 to vector<16xf32>
        %parallel_loop3A_967 = arith.subf %parallel_loop3A_964, %parallel_loop3A_966 : vector<16xf32>
        %parallel_loop3A_968 = vector.broadcast %scan3A : f32 to vector<16xf32>
        %parallel_loop3A_969 = arith.addf %parallel_loop3A_967, %parallel_loop3A_968 : vector<16xf32>
        %parallel_loop3A_970 = vector.bitcast %parallel_loop3A_969 : vector<16xf32> to vector<16xi32>
        %parallel_loop3A_971 = arith.constant 4 : i32
        %parallel_loop3A_972 = vector.broadcast %parallel_loop3A_971 : i32 to vector<16xi32>
        %parallel_loop3A_973 = arith.shli %parallel_loop3A_970, %parallel_loop3A_972 : vector<16xi32>
        %parallel_loop3A_974 = arith.constant 1275068416 : i32
        %parallel_loop3A_975 = vector.broadcast %parallel_loop3A_974 : i32 to vector<16xi32>
        %parallel_loop3A_976 = arith.addi %iota3A, %parallel_loop3A_975 : vector<16xi32>
        %parallel_loop3A_977 = arith.addi %parallel_loop3A_973, %parallel_loop3A_976 : vector<16xi32>
        %parallel_loop3A_978 = arith.constant 0 : i32
        %parallel_loop3A_979 = vector.broadcast %parallel_loop3A_978 : i32 to vector<16xi32>
        %parallel_loop3A_980 = arith.cmpi eq, %parallel_loop3A_825, %parallel_loop3A_979 : vector<16xi32>
        %parallel_loop3A_981 = arith.constant 4.097000e+03 : f32
        %parallel_loop3A_982 = arith.constant 1.000000e+00 : f32
        %parallel_loop3A_983 = vector.broadcast %parallel_loop3A_981 : f32 to vector<16xf32>
        %parallel_loop3A_984 = vector.broadcast %parallel_loop3A_982 : f32 to vector<16xf32>
        %parallel_loop3A_985 = arith.select %parallel_loop3A_980, %parallel_loop3A_983, %parallel_loop3A_984 : vector<16xi1>, vector<16xf32>
        tpu.vector_store_idx %arg10[%parallel_loop3A_977], %parallel_loop3A_985 {add = true} : memref<4608xf32, #tpu.memory_space<vmem>>[vector<16xi32>], vector<16xf32>,
        tpu.vector_store_idx %arg11[%parallel_loop3A_977], %parallel_loop3A_943 {add = true} : memref<4608xf32, #tpu.memory_space<vmem>>[vector<16xi32>], vector<16xf32>,
        %parallel_loop3A_986 = arith.constant 1.500000e+01 : f32
        %parallel_loop3A_987 = vector.broadcast %parallel_loop3A_986 : f32 to vector<16xf32>
        %parallel_loop3A_988 = arith.mulf %parallel_loop3A_944, %parallel_loop3A_987 : vector<16xf32>
        %parallel_loop3A_989 = arith.constant 5.000000e-01 : f32
        %parallel_loop3A_990 = vector.broadcast %parallel_loop3A_989 : f32 to vector<16xf32>
        %parallel_loop3A_991 = arith.subf %parallel_loop3A_988, %parallel_loop3A_990 : vector<16xf32>
        %parallel_loop3A_992 = vector.broadcast %scan3A : f32 to vector<16xf32>
        %parallel_loop3A_993 = arith.addf %parallel_loop3A_991, %parallel_loop3A_992 : vector<16xf32>
        %parallel_loop3A_994 = vector.bitcast %parallel_loop3A_993 : vector<16xf32> to vector<16xi32>
        %parallel_loop3A_995 = arith.constant 4 : i32
        %parallel_loop3A_996 = vector.broadcast %parallel_loop3A_995 : i32 to vector<16xi32>
        %parallel_loop3A_997 = arith.shli %parallel_loop3A_994, %parallel_loop3A_996 : vector<16xi32>
        %parallel_loop3A_998 = arith.constant 1275068656 : i32
        %parallel_loop3A_999 = vector.broadcast %parallel_loop3A_998 : i32 to vector<16xi32>
        %parallel_loop3A_1000 = arith.addi %iota3A, %parallel_loop3A_999 : vector<16xi32>
        %parallel_loop3A_1001 = arith.addi %parallel_loop3A_997, %parallel_loop3A_1000 : vector<16xi32>
        %parallel_loop3A_1002 = arith.constant 1 : i32
        %parallel_loop3A_1003 = vector.broadcast %parallel_loop3A_1002 : i32 to vector<16xi32>
        %parallel_loop3A_1004 = arith.cmpi eq, %parallel_loop3A_825, %parallel_loop3A_1003 : vector<16xi32>
        %parallel_loop3A_1005 = arith.constant 4.097000e+03 : f32
        %parallel_loop3A_1006 = arith.constant 1.000000e+00 : f32
        %parallel_loop3A_1007 = vector.broadcast %parallel_loop3A_1005 : f32 to vector<16xf32>
        %parallel_loop3A_1008 = vector.broadcast %parallel_loop3A_1006 : f32 to vector<16xf32>
        %parallel_loop3A_1009 = arith.select %parallel_loop3A_1004, %parallel_loop3A_1007, %parallel_loop3A_1008 : vector<16xi1>, vector<16xf32>
        tpu.vector_store_idx %arg10[%parallel_loop3A_1001], %parallel_loop3A_1009 {add = true} : memref<4608xf32, #tpu.memory_space<vmem>>[vector<16xi32>], vector<16xf32>,
        tpu.vector_store_idx %arg11[%parallel_loop3A_1001], %parallel_loop3A_944 {add = true} : memref<4608xf32, #tpu.memory_space<vmem>>[vector<16xi32>], vector<16xf32>,
        %parallel_loop3A_1010 = arith.constant 1.500000e+01 : f32
        %parallel_loop3A_1011 = vector.broadcast %parallel_loop3A_1010 : f32 to vector<16xf32>
        %parallel_loop3A_1012 = arith.mulf %parallel_loop3A_945, %parallel_loop3A_1011 : vector<16xf32>
        %parallel_loop3A_1013 = arith.constant 5.000000e-01 : f32
        %parallel_loop3A_1014 = vector.broadcast %parallel_loop3A_1013 : f32 to vector<16xf32>
        %parallel_loop3A_1015 = arith.subf %parallel_loop3A_1012, %parallel_loop3A_1014 : vector<16xf32>
        %parallel_loop3A_1016 = vector.broadcast %scan3A : f32 to vector<16xf32>
        %parallel_loop3A_1017 = arith.addf %parallel_loop3A_1015, %parallel_loop3A_1016 : vector<16xf32>
        %parallel_loop3A_1018 = vector.bitcast %parallel_loop3A_1017 : vector<16xf32> to vector<16xi32>
        %parallel_loop3A_1019 = arith.constant 4 : i32
        %parallel_loop3A_1020 = vector.broadcast %parallel_loop3A_1019 : i32 to vector<16xi32>
        %parallel_loop3A_1021 = arith.shli %parallel_loop3A_1018, %parallel_loop3A_1020 : vector<16xi32>
        %parallel_loop3A_1022 = arith.constant 1275068896 : i32
        %parallel_loop3A_1023 = vector.broadcast %parallel_loop3A_1022 : i32 to vector<16xi32>
        %parallel_loop3A_1024 = arith.addi %iota3A, %parallel_loop3A_1023 : vector<16xi32>
        %parallel_loop3A_1025 = arith.addi %parallel_loop3A_1021, %parallel_loop3A_1024 : vector<16xi32>
        %parallel_loop3A_1026 = arith.constant 2 : i32
        %parallel_loop3A_1027 = vector.broadcast %parallel_loop3A_1026 : i32 to vector<16xi32>
        %parallel_loop3A_1028 = arith.cmpi eq, %parallel_loop3A_825, %parallel_loop3A_1027 : vector<16xi32>
        %parallel_loop3A_1029 = arith.constant 4.097000e+03 : f32
        %parallel_loop3A_1030 = arith.constant 1.000000e+00 : f32
        %parallel_loop3A_1031 = vector.broadcast %parallel_loop3A_1029 : f32 to vector<16xf32>
        %parallel_loop3A_1032 = vector.broadcast %parallel_loop3A_1030 : f32 to vector<16xf32>
        %parallel_loop3A_1033 = arith.select %parallel_loop3A_1028, %parallel_loop3A_1031, %parallel_loop3A_1032 : vector<16xi1>, vector<16xf32>
        tpu.vector_store_idx %arg10[%parallel_loop3A_1025], %parallel_loop3A_1033 {add = true} : memref<4608xf32, #tpu.memory_space<vmem>>[vector<16xi32>], vector<16xf32>,
        tpu.vector_store_idx %arg11[%parallel_loop3A_1025], %parallel_loop3A_945 {add = true} : memref<4608xf32, #tpu.memory_space<vmem>>[vector<16xi32>], vector<16xf32>,
        %parallel_loop3A_1034 = arith.constant 1.500000e+01 : f32
        %parallel_loop3A_1035 = vector.broadcast %parallel_loop3A_1034 : f32 to vector<16xf32>
        %parallel_loop3A_1036 = arith.mulf %parallel_loop3A_946, %parallel_loop3A_1035 : vector<16xf32>
        %parallel_loop3A_1037 = arith.constant 5.000000e-01 : f32
        %parallel_loop3A_1038 = vector.broadcast %parallel_loop3A_1037 : f32 to vector<16xf32>
        %parallel_loop3A_1039 = arith.subf %parallel_loop3A_1036, %parallel_loop3A_1038 : vector<16xf32>
        %parallel_loop3A_1040 = vector.broadcast %scan3A : f32 to vector<16xf32>
        %parallel_loop3A_1041 = arith.addf %parallel_loop3A_1039, %parallel_loop3A_1040 : vector<16xf32>
        %parallel_loop3A_1042 = vector.bitcast %parallel_loop3A_1041 : vector<16xf32> to vector<16xi32>
        %parallel_loop3A_1043 = arith.constant 4 : i32
        %parallel_loop3A_1044 = vector.broadcast %parallel_loop3A_1043 : i32 to vector<16xi32>
        %parallel_loop3A_1045 = arith.shli %parallel_loop3A_1042, %parallel_loop3A_1044 : vector<16xi32>
        %parallel_loop3A_1046 = arith.constant 1275069136 : i32
        %parallel_loop3A_1047 = vector.broadcast %parallel_loop3A_1046 : i32 to vector<16xi32>
        %parallel_loop3A_1048 = arith.addi %iota3A, %parallel_loop3A_1047 : vector<16xi32>
        %parallel_loop3A_1049 = arith.addi %parallel_loop3A_1045, %parallel_loop3A_1048 : vector<16xi32>
        %parallel_loop3A_1050 = arith.constant 3 : i32
        %parallel_loop3A_1051 = vector.broadcast %parallel_loop3A_1050 : i32 to vector<16xi32>
        %parallel_loop3A_1052 = arith.cmpi eq, %parallel_loop3A_825, %parallel_loop3A_1051 : vector<16xi32>
        %parallel_loop3A_1053 = arith.constant 4.097000e+03 : f32
        %parallel_loop3A_1054 = arith.constant 1.000000e+00 : f32
        %parallel_loop3A_1055 = vector.broadcast %parallel_loop3A_1053 : f32 to vector<16xf32>
        %parallel_loop3A_1056 = vector.broadcast %parallel_loop3A_1054 : f32 to vector<16xf32>
        %parallel_loop3A_1057 = arith.select %parallel_loop3A_1052, %parallel_loop3A_1055, %parallel_loop3A_1056 : vector<16xi1>, vector<16xf32>
        tpu.vector_store_idx %arg10[%parallel_loop3A_1049], %parallel_loop3A_1057 {add = true} : memref<4608xf32, #tpu.memory_space<vmem>>[vector<16xi32>], vector<16xf32>,
        tpu.vector_store_idx %arg11[%parallel_loop3A_1049], %parallel_loop3A_946 {add = true} : memref<4608xf32, #tpu.memory_space<vmem>>[vector<16xi32>], vector<16xf32>,
        %parallel_loop3A_1058 = arith.constant 1.500000e+01 : f32
        %parallel_loop3A_1059 = vector.broadcast %parallel_loop3A_1058 : f32 to vector<16xf32>
        %parallel_loop3A_1060 = arith.mulf %parallel_loop3A_947, %parallel_loop3A_1059 : vector<16xf32>
        %parallel_loop3A_1061 = arith.constant 5.000000e-01 : f32
        %parallel_loop3A_1062 = vector.broadcast %parallel_loop3A_1061 : f32 to vector<16xf32>
        %parallel_loop3A_1063 = arith.subf %parallel_loop3A_1060, %parallel_loop3A_1062 : vector<16xf32>
        %parallel_loop3A_1064 = vector.broadcast %scan3A : f32 to vector<16xf32>
        %parallel_loop3A_1065 = arith.addf %parallel_loop3A_1063, %parallel_loop3A_1064 : vector<16xf32>
        %parallel_loop3A_1066 = vector.bitcast %parallel_loop3A_1065 : vector<16xf32> to vector<16xi32>
        %parallel_loop3A_1067 = arith.constant 4 : i32
        %parallel_loop3A_1068 = vector.broadcast %parallel_loop3A_1067 : i32 to vector<16xi32>
        %parallel_loop3A_1069 = arith.shli %parallel_loop3A_1066, %parallel_loop3A_1068 : vector<16xi32>
        %parallel_loop3A_1070 = arith.constant 1275069376 : i32
        %parallel_loop3A_1071 = vector.broadcast %parallel_loop3A_1070 : i32 to vector<16xi32>
        %parallel_loop3A_1072 = arith.addi %iota3A, %parallel_loop3A_1071 : vector<16xi32>
        %parallel_loop3A_1073 = arith.addi %parallel_loop3A_1069, %parallel_loop3A_1072 : vector<16xi32>
        %parallel_loop3A_1074 = arith.constant 4 : i32
        %parallel_loop3A_1075 = vector.broadcast %parallel_loop3A_1074 : i32 to vector<16xi32>
        %parallel_loop3A_1076 = arith.cmpi eq, %parallel_loop3A_825, %parallel_loop3A_1075 : vector<16xi32>
        %parallel_loop3A_1077 = arith.constant 4.097000e+03 : f32
        %parallel_loop3A_1078 = arith.constant 1.000000e+00 : f32
        %parallel_loop3A_1079 = vector.broadcast %parallel_loop3A_1077 : f32 to vector<16xf32>
        %parallel_loop3A_1080 = vector.broadcast %parallel_loop3A_1078 : f32 to vector<16xf32>
        %parallel_loop3A_1081 = arith.select %parallel_loop3A_1076, %parallel_loop3A_1079, %parallel_loop3A_1080 : vector<16xi1>, vector<16xf32>
        tpu.vector_store_idx %arg10[%parallel_loop3A_1073], %parallel_loop3A_1081 {add = true} : memref<4608xf32, #tpu.memory_space<vmem>>[vector<16xi32>], vector<16xf32>,
        tpu.vector_store_idx %arg11[%parallel_loop3A_1073], %parallel_loop3A_947 {add = true} : memref<4608xf32, #tpu.memory_space<vmem>>[vector<16xi32>], vector<16xf32>,
        %parallel_loop3A_1082 = arith.constant 1.500000e+01 : f32
        %parallel_loop3A_1083 = vector.broadcast %parallel_loop3A_1082 : f32 to vector<16xf32>
        %parallel_loop3A_1084 = arith.mulf %parallel_loop3A_948, %parallel_loop3A_1083 : vector<16xf32>
        %parallel_loop3A_1085 = arith.constant 5.000000e-01 : f32
        %parallel_loop3A_1086 = vector.broadcast %parallel_loop3A_1085 : f32 to vector<16xf32>
        %parallel_loop3A_1087 = arith.subf %parallel_loop3A_1084, %parallel_loop3A_1086 : vector<16xf32>
        %parallel_loop3A_1088 = vector.broadcast %scan3A : f32 to vector<16xf32>
        %parallel_loop3A_1089 = arith.addf %parallel_loop3A_1087, %parallel_loop3A_1088 : vector<16xf32>
        %parallel_loop3A_1090 = vector.bitcast %parallel_loop3A_1089 : vector<16xf32> to vector<16xi32>
        %parallel_loop3A_1091 = arith.constant 4 : i32
        %parallel_loop3A_1092 = vector.broadcast %parallel_loop3A_1091 : i32 to vector<16xi32>
        %parallel_loop3A_1093 = arith.shli %parallel_loop3A_1090, %parallel_loop3A_1092 : vector<16xi32>
        %parallel_loop3A_1094 = arith.constant 1275069616 : i32
        %parallel_loop3A_1095 = vector.broadcast %parallel_loop3A_1094 : i32 to vector<16xi32>
        %parallel_loop3A_1096 = arith.addi %iota3A, %parallel_loop3A_1095 : vector<16xi32>
        %parallel_loop3A_1097 = arith.addi %parallel_loop3A_1093, %parallel_loop3A_1096 : vector<16xi32>
        %parallel_loop3A_1098 = arith.constant 5 : i32
        %parallel_loop3A_1099 = vector.broadcast %parallel_loop3A_1098 : i32 to vector<16xi32>
        %parallel_loop3A_1100 = arith.cmpi eq, %parallel_loop3A_825, %parallel_loop3A_1099 : vector<16xi32>
        %parallel_loop3A_1101 = arith.constant 4.097000e+03 : f32
        %parallel_loop3A_1102 = arith.constant 1.000000e+00 : f32
        %parallel_loop3A_1103 = vector.broadcast %parallel_loop3A_1101 : f32 to vector<16xf32>
        %parallel_loop3A_1104 = vector.broadcast %parallel_loop3A_1102 : f32 to vector<16xf32>
        %parallel_loop3A_1105 = arith.select %parallel_loop3A_1100, %parallel_loop3A_1103, %parallel_loop3A_1104 : vector<16xi1>, vector<16xf32>
        tpu.vector_store_idx %arg10[%parallel_loop3A_1097], %parallel_loop3A_1105 {add = true} : memref<4608xf32, #tpu.memory_space<vmem>>[vector<16xi32>], vector<16xf32>,
        tpu.vector_store_idx %arg11[%parallel_loop3A_1097], %parallel_loop3A_948 {add = true} : memref<4608xf32, #tpu.memory_space<vmem>>[vector<16xi32>], vector<16xf32>,
        %parallel_loop3A_1106 = arith.constant 1.500000e+01 : f32
        %parallel_loop3A_1107 = vector.broadcast %parallel_loop3A_1106 : f32 to vector<16xf32>
        %parallel_loop3A_1108 = arith.mulf %parallel_loop3A_949, %parallel_loop3A_1107 : vector<16xf32>
        %parallel_loop3A_1109 = arith.constant 5.000000e-01 : f32
        %parallel_loop3A_1110 = vector.broadcast %parallel_loop3A_1109 : f32 to vector<16xf32>
        %parallel_loop3A_1111 = arith.subf %parallel_loop3A_1108, %parallel_loop3A_1110 : vector<16xf32>
        %parallel_loop3A_1112 = vector.broadcast %scan3A : f32 to vector<16xf32>
        %parallel_loop3A_1113 = arith.addf %parallel_loop3A_1111, %parallel_loop3A_1112 : vector<16xf32>
        %parallel_loop3A_1114 = vector.bitcast %parallel_loop3A_1113 : vector<16xf32> to vector<16xi32>
        %parallel_loop3A_1115 = arith.constant 4 : i32
        %parallel_loop3A_1116 = vector.broadcast %parallel_loop3A_1115 : i32 to vector<16xi32>
        %parallel_loop3A_1117 = arith.shli %parallel_loop3A_1114, %parallel_loop3A_1116 : vector<16xi32>
        %parallel_loop3A_1118 = arith.constant 1275069856 : i32
        %parallel_loop3A_1119 = vector.broadcast %parallel_loop3A_1118 : i32 to vector<16xi32>
        %parallel_loop3A_1120 = arith.addi %iota3A, %parallel_loop3A_1119 : vector<16xi32>
        %parallel_loop3A_1121 = arith.addi %parallel_loop3A_1117, %parallel_loop3A_1120 : vector<16xi32>
        %parallel_loop3A_1122 = arith.constant 6 : i32
        %parallel_loop3A_1123 = vector.broadcast %parallel_loop3A_1122 : i32 to vector<16xi32>
        %parallel_loop3A_1124 = arith.cmpi eq, %parallel_loop3A_825, %parallel_loop3A_1123 : vector<16xi32>
        %parallel_loop3A_1125 = arith.constant 4.097000e+03 : f32
        %parallel_loop3A_1126 = arith.constant 1.000000e+00 : f32
        %parallel_loop3A_1127 = vector.broadcast %parallel_loop3A_1125 : f32 to vector<16xf32>
        %parallel_loop3A_1128 = vector.broadcast %parallel_loop3A_1126 : f32 to vector<16xf32>
        %parallel_loop3A_1129 = arith.select %parallel_loop3A_1124, %parallel_loop3A_1127, %parallel_loop3A_1128 : vector<16xi1>, vector<16xf32>
        tpu.vector_store_idx %arg10[%parallel_loop3A_1121], %parallel_loop3A_1129 {add = true} : memref<4608xf32, #tpu.memory_space<vmem>>[vector<16xi32>], vector<16xf32>,
        tpu.vector_store_idx %arg11[%parallel_loop3A_1121], %parallel_loop3A_949 {add = true} : memref<4608xf32, #tpu.memory_space<vmem>>[vector<16xi32>], vector<16xf32>,
        %parallel_loop3A_1130 = arith.constant 1.500000e+01 : f32
        %parallel_loop3A_1131 = vector.broadcast %parallel_loop3A_1130 : f32 to vector<16xf32>
        %parallel_loop3A_1132 = arith.mulf %parallel_loop3A_950, %parallel_loop3A_1131 : vector<16xf32>
        %parallel_loop3A_1133 = arith.constant 5.000000e-01 : f32
        %parallel_loop3A_1134 = vector.broadcast %parallel_loop3A_1133 : f32 to vector<16xf32>
        %parallel_loop3A_1135 = arith.subf %parallel_loop3A_1132, %parallel_loop3A_1134 : vector<16xf32>
        %parallel_loop3A_1136 = vector.broadcast %scan3A : f32 to vector<16xf32>
        %parallel_loop3A_1137 = arith.addf %parallel_loop3A_1135, %parallel_loop3A_1136 : vector<16xf32>
        %parallel_loop3A_1138 = vector.bitcast %parallel_loop3A_1137 : vector<16xf32> to vector<16xi32>
        %parallel_loop3A_1139 = arith.constant 4 : i32
        %parallel_loop3A_1140 = vector.broadcast %parallel_loop3A_1139 : i32 to vector<16xi32>
        %parallel_loop3A_1141 = arith.shli %parallel_loop3A_1138, %parallel_loop3A_1140 : vector<16xi32>
        %parallel_loop3A_1142 = arith.constant 1275070096 : i32
        %parallel_loop3A_1143 = vector.broadcast %parallel_loop3A_1142 : i32 to vector<16xi32>
        %parallel_loop3A_1144 = arith.addi %iota3A, %parallel_loop3A_1143 : vector<16xi32>
        %parallel_loop3A_1145 = arith.addi %parallel_loop3A_1141, %parallel_loop3A_1144 : vector<16xi32>
        %parallel_loop3A_1146 = arith.constant 7 : i32
        %parallel_loop3A_1147 = vector.broadcast %parallel_loop3A_1146 : i32 to vector<16xi32>
        %parallel_loop3A_1148 = arith.cmpi eq, %parallel_loop3A_825, %parallel_loop3A_1147 : vector<16xi32>
        %parallel_loop3A_1149 = arith.constant 4.097000e+03 : f32
        %parallel_loop3A_1150 = arith.constant 1.000000e+00 : f32
        %parallel_loop3A_1151 = vector.broadcast %parallel_loop3A_1149 : f32 to vector<16xf32>
        %parallel_loop3A_1152 = vector.broadcast %parallel_loop3A_1150 : f32 to vector<16xf32>
        %parallel_loop3A_1153 = arith.select %parallel_loop3A_1148, %parallel_loop3A_1151, %parallel_loop3A_1152 : vector<16xi1>, vector<16xf32>
        tpu.vector_store_idx %arg10[%parallel_loop3A_1145], %parallel_loop3A_1153 {add = true} : memref<4608xf32, #tpu.memory_space<vmem>>[vector<16xi32>], vector<16xf32>,
        tpu.vector_store_idx %arg11[%parallel_loop3A_1145], %parallel_loop3A_950 {add = true} : memref<4608xf32, #tpu.memory_space<vmem>>[vector<16xi32>], vector<16xf32>,
        %parallel_loop3A_1154 = arith.constant 1.500000e+01 : f32
        %parallel_loop3A_1155 = vector.broadcast %parallel_loop3A_1154 : f32 to vector<16xf32>
        %parallel_loop3A_1156 = arith.mulf %parallel_loop3A_951, %parallel_loop3A_1155 : vector<16xf32>
        %parallel_loop3A_1157 = arith.constant 5.000000e-01 : f32
        %parallel_loop3A_1158 = vector.broadcast %parallel_loop3A_1157 : f32 to vector<16xf32>
        %parallel_loop3A_1159 = arith.subf %parallel_loop3A_1156, %parallel_loop3A_1158 : vector<16xf32>
        %parallel_loop3A_1160 = vector.broadcast %scan3A : f32 to vector<16xf32>
        %parallel_loop3A_1161 = arith.addf %parallel_loop3A_1159, %parallel_loop3A_1160 : vector<16xf32>
        %parallel_loop3A_1162 = vector.bitcast %parallel_loop3A_1161 : vector<16xf32> to vector<16xi32>
        %parallel_loop3A_1163 = arith.constant 4 : i32
        %parallel_loop3A_1164 = vector.broadcast %parallel_loop3A_1163 : i32 to vector<16xi32>
        %parallel_loop3A_1165 = arith.shli %parallel_loop3A_1162, %parallel_loop3A_1164 : vector<16xi32>
        %parallel_loop3A_1166 = arith.constant 1275070336 : i32
        %parallel_loop3A_1167 = vector.broadcast %parallel_loop3A_1166 : i32 to vector<16xi32>
        %parallel_loop3A_1168 = arith.addi %iota3A, %parallel_loop3A_1167 : vector<16xi32>
        %parallel_loop3A_1169 = arith.addi %parallel_loop3A_1165, %parallel_loop3A_1168 : vector<16xi32>
        %parallel_loop3A_1170 = arith.constant 8 : i32
        %parallel_loop3A_1171 = vector.broadcast %parallel_loop3A_1170 : i32 to vector<16xi32>
        %parallel_loop3A_1172 = arith.cmpi eq, %parallel_loop3A_825, %parallel_loop3A_1171 : vector<16xi32>
        %parallel_loop3A_1173 = arith.constant 4.097000e+03 : f32
        %parallel_loop3A_1174 = arith.constant 1.000000e+00 : f32
        %parallel_loop3A_1175 = vector.broadcast %parallel_loop3A_1173 : f32 to vector<16xf32>
        %parallel_loop3A_1176 = vector.broadcast %parallel_loop3A_1174 : f32 to vector<16xf32>
        %parallel_loop3A_1177 = arith.select %parallel_loop3A_1172, %parallel_loop3A_1175, %parallel_loop3A_1176 : vector<16xi1>, vector<16xf32>
        tpu.vector_store_idx %arg10[%parallel_loop3A_1169], %parallel_loop3A_1177 {add = true} : memref<4608xf32, #tpu.memory_space<vmem>>[vector<16xi32>], vector<16xf32>,
        tpu.vector_store_idx %arg11[%parallel_loop3A_1169], %parallel_loop3A_951 {add = true} : memref<4608xf32, #tpu.memory_space<vmem>>[vector<16xi32>], vector<16xf32>,
        %parallel_loop3A_1178 = arith.constant 1.500000e+01 : f32
        %parallel_loop3A_1179 = vector.broadcast %parallel_loop3A_1178 : f32 to vector<16xf32>
        %parallel_loop3A_1180 = arith.mulf %parallel_loop3A_952, %parallel_loop3A_1179 : vector<16xf32>
        %parallel_loop3A_1181 = arith.constant 5.000000e-01 : f32
        %parallel_loop3A_1182 = vector.broadcast %parallel_loop3A_1181 : f32 to vector<16xf32>
        %parallel_loop3A_1183 = arith.subf %parallel_loop3A_1180, %parallel_loop3A_1182 : vector<16xf32>
        %parallel_loop3A_1184 = vector.broadcast %scan3A : f32 to vector<16xf32>
        %parallel_loop3A_1185 = arith.addf %parallel_loop3A_1183, %parallel_loop3A_1184 : vector<16xf32>
        %parallel_loop3A_1186 = vector.bitcast %parallel_loop3A_1185 : vector<16xf32> to vector<16xi32>
        %parallel_loop3A_1187 = arith.constant 4 : i32
        %parallel_loop3A_1188 = vector.broadcast %parallel_loop3A_1187 : i32 to vector<16xi32>
        %parallel_loop3A_1189 = arith.shli %parallel_loop3A_1186, %parallel_loop3A_1188 : vector<16xi32>
        %parallel_loop3A_1190 = arith.constant 1275070576 : i32
        %parallel_loop3A_1191 = vector.broadcast %parallel_loop3A_1190 : i32 to vector<16xi32>
        %parallel_loop3A_1192 = arith.addi %iota3A, %parallel_loop3A_1191 : vector<16xi32>
        %parallel_loop3A_1193 = arith.addi %parallel_loop3A_1189, %parallel_loop3A_1192 : vector<16xi32>
        %parallel_loop3A_1194 = arith.constant 9 : i32
        %parallel_loop3A_1195 = vector.broadcast %parallel_loop3A_1194 : i32 to vector<16xi32>
        %parallel_loop3A_1196 = arith.cmpi eq, %parallel_loop3A_825, %parallel_loop3A_1195 : vector<16xi32>
        %parallel_loop3A_1197 = arith.constant 4.097000e+03 : f32
        %parallel_loop3A_1198 = arith.constant 1.000000e+00 : f32
        %parallel_loop3A_1199 = vector.broadcast %parallel_loop3A_1197 : f32 to vector<16xf32>
        %parallel_loop3A_1200 = vector.broadcast %parallel_loop3A_1198 : f32 to vector<16xf32>
        %parallel_loop3A_1201 = arith.select %parallel_loop3A_1196, %parallel_loop3A_1199, %parallel_loop3A_1200 : vector<16xi1>, vector<16xf32>
        tpu.vector_store_idx %arg10[%parallel_loop3A_1193], %parallel_loop3A_1201 {add = true} : memref<4608xf32, #tpu.memory_space<vmem>>[vector<16xi32>], vector<16xf32>,
        tpu.vector_store_idx %arg11[%parallel_loop3A_1193], %parallel_loop3A_952 {add = true} : memref<4608xf32, #tpu.memory_space<vmem>>[vector<16xi32>], vector<16xf32>,
        %parallel_loop3A_1202 = arith.constant 1.500000e+01 : f32
        %parallel_loop3A_1203 = vector.broadcast %parallel_loop3A_1202 : f32 to vector<16xf32>
        %parallel_loop3A_1204 = arith.mulf %parallel_loop3A_953, %parallel_loop3A_1203 : vector<16xf32>
        %parallel_loop3A_1205 = arith.constant 5.000000e-01 : f32
        %parallel_loop3A_1206 = vector.broadcast %parallel_loop3A_1205 : f32 to vector<16xf32>
        %parallel_loop3A_1207 = arith.subf %parallel_loop3A_1204, %parallel_loop3A_1206 : vector<16xf32>
        %parallel_loop3A_1208 = vector.broadcast %scan3A : f32 to vector<16xf32>
        %parallel_loop3A_1209 = arith.addf %parallel_loop3A_1207, %parallel_loop3A_1208 : vector<16xf32>
        %parallel_loop3A_1210 = vector.bitcast %parallel_loop3A_1209 : vector<16xf32> to vector<16xi32>
        %parallel_loop3A_1211 = arith.constant 4 : i32
        %parallel_loop3A_1212 = vector.broadcast %parallel_loop3A_1211 : i32 to vector<16xi32>
        %parallel_loop3A_1213 = arith.shli %parallel_loop3A_1210, %parallel_loop3A_1212 : vector<16xi32>
        %parallel_loop3A_1214 = arith.constant 1275070816 : i32
        %parallel_loop3A_1215 = vector.broadcast %parallel_loop3A_1214 : i32 to vector<16xi32>
        %parallel_loop3A_1216 = arith.addi %iota3A, %parallel_loop3A_1215 : vector<16xi32>
        %parallel_loop3A_1217 = arith.addi %parallel_loop3A_1213, %parallel_loop3A_1216 : vector<16xi32>
        %parallel_loop3A_1218 = arith.constant 10 : i32
        %parallel_loop3A_1219 = vector.broadcast %parallel_loop3A_1218 : i32 to vector<16xi32>
        %parallel_loop3A_1220 = arith.cmpi eq, %parallel_loop3A_825, %parallel_loop3A_1219 : vector<16xi32>
        %parallel_loop3A_1221 = arith.constant 4.097000e+03 : f32
        %parallel_loop3A_1222 = arith.constant 1.000000e+00 : f32
        %parallel_loop3A_1223 = vector.broadcast %parallel_loop3A_1221 : f32 to vector<16xf32>
        %parallel_loop3A_1224 = vector.broadcast %parallel_loop3A_1222 : f32 to vector<16xf32>
        %parallel_loop3A_1225 = arith.select %parallel_loop3A_1220, %parallel_loop3A_1223, %parallel_loop3A_1224 : vector<16xi1>, vector<16xf32>
        tpu.vector_store_idx %arg10[%parallel_loop3A_1217], %parallel_loop3A_1225 {add = true} : memref<4608xf32, #tpu.memory_space<vmem>>[vector<16xi32>], vector<16xf32>,
        tpu.vector_store_idx %arg11[%parallel_loop3A_1217], %parallel_loop3A_953 {add = true} : memref<4608xf32, #tpu.memory_space<vmem>>[vector<16xi32>], vector<16xf32>,
        %parallel_loop3A_1226 = arith.constant 1.500000e+01 : f32
        %parallel_loop3A_1227 = vector.broadcast %parallel_loop3A_1226 : f32 to vector<16xf32>
        %parallel_loop3A_1228 = arith.mulf %parallel_loop3A_954, %parallel_loop3A_1227 : vector<16xf32>
        %parallel_loop3A_1229 = arith.constant 5.000000e-01 : f32
        %parallel_loop3A_1230 = vector.broadcast %parallel_loop3A_1229 : f32 to vector<16xf32>
        %parallel_loop3A_1231 = arith.subf %parallel_loop3A_1228, %parallel_loop3A_1230 : vector<16xf32>
        %parallel_loop3A_1232 = vector.broadcast %scan3A : f32 to vector<16xf32>
        %parallel_loop3A_1233 = arith.addf %parallel_loop3A_1231, %parallel_loop3A_1232 : vector<16xf32>
        %parallel_loop3A_1234 = vector.bitcast %parallel_loop3A_1233 : vector<16xf32> to vector<16xi32>
        %parallel_loop3A_1235 = arith.constant 4 : i32
        %parallel_loop3A_1236 = vector.broadcast %parallel_loop3A_1235 : i32 to vector<16xi32>
        %parallel_loop3A_1237 = arith.shli %parallel_loop3A_1234, %parallel_loop3A_1236 : vector<16xi32>
        %parallel_loop3A_1238 = arith.constant 1275071056 : i32
        %parallel_loop3A_1239 = vector.broadcast %parallel_loop3A_1238 : i32 to vector<16xi32>
        %parallel_loop3A_1240 = arith.addi %iota3A, %parallel_loop3A_1239 : vector<16xi32>
        %parallel_loop3A_1241 = arith.addi %parallel_loop3A_1237, %parallel_loop3A_1240 : vector<16xi32>
        %parallel_loop3A_1242 = arith.constant 11 : i32
        %parallel_loop3A_1243 = vector.broadcast %parallel_loop3A_1242 : i32 to vector<16xi32>
        %parallel_loop3A_1244 = arith.cmpi eq, %parallel_loop3A_825, %parallel_loop3A_1243 : vector<16xi32>
        %parallel_loop3A_1245 = arith.constant 4.097000e+03 : f32
        %parallel_loop3A_1246 = arith.constant 1.000000e+00 : f32
        %parallel_loop3A_1247 = vector.broadcast %parallel_loop3A_1245 : f32 to vector<16xf32>
        %parallel_loop3A_1248 = vector.broadcast %parallel_loop3A_1246 : f32 to vector<16xf32>
        %parallel_loop3A_1249 = arith.select %parallel_loop3A_1244, %parallel_loop3A_1247, %parallel_loop3A_1248 : vector<16xi1>, vector<16xf32>
        tpu.vector_store_idx %arg10[%parallel_loop3A_1241], %parallel_loop3A_1249 {add = true} : memref<4608xf32, #tpu.memory_space<vmem>>[vector<16xi32>], vector<16xf32>,
        tpu.vector_store_idx %arg11[%parallel_loop3A_1241], %parallel_loop3A_954 {add = true} : memref<4608xf32, #tpu.memory_space<vmem>>[vector<16xi32>], vector<16xf32>,
        %parallel_loop3A_1250 = arith.constant 1.500000e+01 : f32
        %parallel_loop3A_1251 = vector.broadcast %parallel_loop3A_1250 : f32 to vector<16xf32>
        %parallel_loop3A_1252 = arith.mulf %parallel_loop3A_955, %parallel_loop3A_1251 : vector<16xf32>
        %parallel_loop3A_1253 = arith.constant 5.000000e-01 : f32
        %parallel_loop3A_1254 = vector.broadcast %parallel_loop3A_1253 : f32 to vector<16xf32>
        %parallel_loop3A_1255 = arith.subf %parallel_loop3A_1252, %parallel_loop3A_1254 : vector<16xf32>
        %parallel_loop3A_1256 = vector.broadcast %scan3A : f32 to vector<16xf32>
        %parallel_loop3A_1257 = arith.addf %parallel_loop3A_1255, %parallel_loop3A_1256 : vector<16xf32>
        %parallel_loop3A_1258 = vector.bitcast %parallel_loop3A_1257 : vector<16xf32> to vector<16xi32>
        %parallel_loop3A_1259 = arith.constant 4 : i32
        %parallel_loop3A_1260 = vector.broadcast %parallel_loop3A_1259 : i32 to vector<16xi32>
        %parallel_loop3A_1261 = arith.shli %parallel_loop3A_1258, %parallel_loop3A_1260 : vector<16xi32>
        %parallel_loop3A_1262 = arith.constant 1275071296 : i32
        %parallel_loop3A_1263 = vector.broadcast %parallel_loop3A_1262 : i32 to vector<16xi32>
        %parallel_loop3A_1264 = arith.addi %iota3A, %parallel_loop3A_1263 : vector<16xi32>
        %parallel_loop3A_1265 = arith.addi %parallel_loop3A_1261, %parallel_loop3A_1264 : vector<16xi32>
        %parallel_loop3A_1266 = arith.constant 12 : i32
        %parallel_loop3A_1267 = vector.broadcast %parallel_loop3A_1266 : i32 to vector<16xi32>
        %parallel_loop3A_1268 = arith.cmpi eq, %parallel_loop3A_825, %parallel_loop3A_1267 : vector<16xi32>
        %parallel_loop3A_1269 = arith.constant 4.097000e+03 : f32
        %parallel_loop3A_1270 = arith.constant 1.000000e+00 : f32
        %parallel_loop3A_1271 = vector.broadcast %parallel_loop3A_1269 : f32 to vector<16xf32>
        %parallel_loop3A_1272 = vector.broadcast %parallel_loop3A_1270 : f32 to vector<16xf32>
        %parallel_loop3A_1273 = arith.select %parallel_loop3A_1268, %parallel_loop3A_1271, %parallel_loop3A_1272 : vector<16xi1>, vector<16xf32>
        tpu.vector_store_idx %arg10[%parallel_loop3A_1265], %parallel_loop3A_1273 {add = true} : memref<4608xf32, #tpu.memory_space<vmem>>[vector<16xi32>], vector<16xf32>,
        tpu.vector_store_idx %arg11[%parallel_loop3A_1265], %parallel_loop3A_955 {add = true} : memref<4608xf32, #tpu.memory_space<vmem>>[vector<16xi32>], vector<16xf32>,
        %parallel_loop3A_1274 = arith.constant 1.500000e+01 : f32
        %parallel_loop3A_1275 = vector.broadcast %parallel_loop3A_1274 : f32 to vector<16xf32>
        %parallel_loop3A_1276 = arith.mulf %parallel_loop3A_956, %parallel_loop3A_1275 : vector<16xf32>
        %parallel_loop3A_1277 = arith.constant 5.000000e-01 : f32
        %parallel_loop3A_1278 = vector.broadcast %parallel_loop3A_1277 : f32 to vector<16xf32>
        %parallel_loop3A_1279 = arith.subf %parallel_loop3A_1276, %parallel_loop3A_1278 : vector<16xf32>
        %parallel_loop3A_1280 = vector.broadcast %scan3A : f32 to vector<16xf32>
        %parallel_loop3A_1281 = arith.addf %parallel_loop3A_1279, %parallel_loop3A_1280 : vector<16xf32>
        %parallel_loop3A_1282 = vector.bitcast %parallel_loop3A_1281 : vector<16xf32> to vector<16xi32>
        %parallel_loop3A_1283 = arith.constant 4 : i32
        %parallel_loop3A_1284 = vector.broadcast %parallel_loop3A_1283 : i32 to vector<16xi32>
        %parallel_loop3A_1285 = arith.shli %parallel_loop3A_1282, %parallel_loop3A_1284 : vector<16xi32>
        %parallel_loop3A_1286 = arith.constant 1275071536 : i32
        %parallel_loop3A_1287 = vector.broadcast %parallel_loop3A_1286 : i32 to vector<16xi32>
        %parallel_loop3A_1288 = arith.addi %iota3A, %parallel_loop3A_1287 : vector<16xi32>
        %parallel_loop3A_1289 = arith.addi %parallel_loop3A_1285, %parallel_loop3A_1288 : vector<16xi32>
        %parallel_loop3A_1290 = arith.constant 13 : i32
        %parallel_loop3A_1291 = vector.broadcast %parallel_loop3A_1290 : i32 to vector<16xi32>
        %parallel_loop3A_1292 = arith.cmpi eq, %parallel_loop3A_825, %parallel_loop3A_1291 : vector<16xi32>
        %parallel_loop3A_1293 = arith.constant 4.097000e+03 : f32
        %parallel_loop3A_1294 = arith.constant 1.000000e+00 : f32
        %parallel_loop3A_1295 = vector.broadcast %parallel_loop3A_1293 : f32 to vector<16xf32>
        %parallel_loop3A_1296 = vector.broadcast %parallel_loop3A_1294 : f32 to vector<16xf32>
        %parallel_loop3A_1297 = arith.select %parallel_loop3A_1292, %parallel_loop3A_1295, %parallel_loop3A_1296 : vector<16xi1>, vector<16xf32>
        tpu.vector_store_idx %arg10[%parallel_loop3A_1289], %parallel_loop3A_1297 {add = true} : memref<4608xf32, #tpu.memory_space<vmem>>[vector<16xi32>], vector<16xf32>,
        tpu.vector_store_idx %arg11[%parallel_loop3A_1289], %parallel_loop3A_956 {add = true} : memref<4608xf32, #tpu.memory_space<vmem>>[vector<16xi32>], vector<16xf32>,
        %parallel_loop3A_1298 = arith.constant 1.500000e+01 : f32
        %parallel_loop3A_1299 = vector.broadcast %parallel_loop3A_1298 : f32 to vector<16xf32>
        %parallel_loop3A_1300 = arith.mulf %parallel_loop3A_957, %parallel_loop3A_1299 : vector<16xf32>
        %parallel_loop3A_1301 = arith.constant 5.000000e-01 : f32
        %parallel_loop3A_1302 = vector.broadcast %parallel_loop3A_1301 : f32 to vector<16xf32>
        %parallel_loop3A_1303 = arith.subf %parallel_loop3A_1300, %parallel_loop3A_1302 : vector<16xf32>
        %parallel_loop3A_1304 = vector.broadcast %scan3A : f32 to vector<16xf32>
        %parallel_loop3A_1305 = arith.addf %parallel_loop3A_1303, %parallel_loop3A_1304 : vector<16xf32>
        %parallel_loop3A_1306 = vector.bitcast %parallel_loop3A_1305 : vector<16xf32> to vector<16xi32>
        %parallel_loop3A_1307 = arith.constant 4 : i32
        %parallel_loop3A_1308 = vector.broadcast %parallel_loop3A_1307 : i32 to vector<16xi32>
        %parallel_loop3A_1309 = arith.shli %parallel_loop3A_1306, %parallel_loop3A_1308 : vector<16xi32>
        %parallel_loop3A_1310 = arith.constant 1275071776 : i32
        %parallel_loop3A_1311 = vector.broadcast %parallel_loop3A_1310 : i32 to vector<16xi32>
        %parallel_loop3A_1312 = arith.addi %iota3A, %parallel_loop3A_1311 : vector<16xi32>
        %parallel_loop3A_1313 = arith.addi %parallel_loop3A_1309, %parallel_loop3A_1312 : vector<16xi32>
        %parallel_loop3A_1314 = arith.constant 14 : i32
        %parallel_loop3A_1315 = vector.broadcast %parallel_loop3A_1314 : i32 to vector<16xi32>
        %parallel_loop3A_1316 = arith.cmpi eq, %parallel_loop3A_825, %parallel_loop3A_1315 : vector<16xi32>
        %parallel_loop3A_1317 = arith.constant 4.097000e+03 : f32
        %parallel_loop3A_1318 = arith.constant 1.000000e+00 : f32
        %parallel_loop3A_1319 = vector.broadcast %parallel_loop3A_1317 : f32 to vector<16xf32>
        %parallel_loop3A_1320 = vector.broadcast %parallel_loop3A_1318 : f32 to vector<16xf32>
        %parallel_loop3A_1321 = arith.select %parallel_loop3A_1316, %parallel_loop3A_1319, %parallel_loop3A_1320 : vector<16xi1>, vector<16xf32>
        tpu.vector_store_idx %arg10[%parallel_loop3A_1313], %parallel_loop3A_1321 {add = true} : memref<4608xf32, #tpu.memory_space<vmem>>[vector<16xi32>], vector<16xf32>,
        tpu.vector_store_idx %arg11[%parallel_loop3A_1313], %parallel_loop3A_957 {add = true} : memref<4608xf32, #tpu.memory_space<vmem>>[vector<16xi32>], vector<16xf32>,
        %parallel_loop3A_1322 = arith.constant 1.500000e+01 : f32
        %parallel_loop3A_1323 = vector.broadcast %parallel_loop3A_1322 : f32 to vector<16xf32>
        %parallel_loop3A_1324 = arith.mulf %parallel_loop3A_958, %parallel_loop3A_1323 : vector<16xf32>
        %parallel_loop3A_1325 = arith.constant 5.000000e-01 : f32
        %parallel_loop3A_1326 = vector.broadcast %parallel_loop3A_1325 : f32 to vector<16xf32>
        %parallel_loop3A_1327 = arith.subf %parallel_loop3A_1324, %parallel_loop3A_1326 : vector<16xf32>
        %parallel_loop3A_1328 = vector.broadcast %scan3A : f32 to vector<16xf32>
        %parallel_loop3A_1329 = arith.addf %parallel_loop3A_1327, %parallel_loop3A_1328 : vector<16xf32>
        %parallel_loop3A_1330 = vector.bitcast %parallel_loop3A_1329 : vector<16xf32> to vector<16xi32>
        %parallel_loop3A_1331 = arith.constant 4 : i32
        %parallel_loop3A_1332 = vector.broadcast %parallel_loop3A_1331 : i32 to vector<16xi32>
        %parallel_loop3A_1333 = arith.shli %parallel_loop3A_1330, %parallel_loop3A_1332 : vector<16xi32>
        %parallel_loop3A_1334 = arith.constant 1275072016 : i32
        %parallel_loop3A_1335 = vector.broadcast %parallel_loop3A_1334 : i32 to vector<16xi32>
        %parallel_loop3A_1336 = arith.addi %iota3A, %parallel_loop3A_1335 : vector<16xi32>
        %parallel_loop3A_1337 = arith.addi %parallel_loop3A_1333, %parallel_loop3A_1336 : vector<16xi32>
        %parallel_loop3A_1338 = arith.constant 15 : i32
        %parallel_loop3A_1339 = vector.broadcast %parallel_loop3A_1338 : i32 to vector<16xi32>
        %parallel_loop3A_1340 = arith.cmpi eq, %parallel_loop3A_825, %parallel_loop3A_1339 : vector<16xi32>
        %parallel_loop3A_1341 = arith.constant 4.097000e+03 : f32
        %parallel_loop3A_1342 = arith.constant 1.000000e+00 : f32
        %parallel_loop3A_1343 = vector.broadcast %parallel_loop3A_1341 : f32 to vector<16xf32>
        %parallel_loop3A_1344 = vector.broadcast %parallel_loop3A_1342 : f32 to vector<16xf32>
        %parallel_loop3A_1345 = arith.select %parallel_loop3A_1340, %parallel_loop3A_1343, %parallel_loop3A_1344 : vector<16xi1>, vector<16xf32>
        tpu.vector_store_idx %arg10[%parallel_loop3A_1337], %parallel_loop3A_1345 {add = true} : memref<4608xf32, #tpu.memory_space<vmem>>[vector<16xi32>], vector<16xf32>,
        tpu.vector_store_idx %arg11[%parallel_loop3A_1337], %parallel_loop3A_958 {add = true} : memref<4608xf32, #tpu.memory_space<vmem>>[vector<16xi32>], vector<16xf32>,
        %parallel_loop3A_1346 = arith.constant 1.500000e+01 : f32
        %parallel_loop3A_1347 = vector.broadcast %parallel_loop3A_1346 : f32 to vector<16xf32>
        %parallel_loop3A_1348 = arith.mulf %parallel_loop3A_959, %parallel_loop3A_1347 : vector<16xf32>
        %parallel_loop3A_1349 = arith.constant 5.000000e-01 : f32
        %parallel_loop3A_1350 = vector.broadcast %parallel_loop3A_1349 : f32 to vector<16xf32>
        %parallel_loop3A_1351 = arith.subf %parallel_loop3A_1348, %parallel_loop3A_1350 : vector<16xf32>
        %parallel_loop3A_1352 = vector.broadcast %scan3A : f32 to vector<16xf32>
        %parallel_loop3A_1353 = arith.addf %parallel_loop3A_1351, %parallel_loop3A_1352 : vector<16xf32>
        %parallel_loop3A_1354 = vector.bitcast %parallel_loop3A_1353 : vector<16xf32> to vector<16xi32>
        %parallel_loop3A_1355 = arith.constant 4 : i32
        %parallel_loop3A_1356 = vector.broadcast %parallel_loop3A_1355 : i32 to vector<16xi32>
        %parallel_loop3A_1357 = arith.shli %parallel_loop3A_1354, %parallel_loop3A_1356 : vector<16xi32>
        %parallel_loop3A_1358 = arith.constant 1275072256 : i32
        %parallel_loop3A_1359 = vector.broadcast %parallel_loop3A_1358 : i32 to vector<16xi32>
        %parallel_loop3A_1360 = arith.addi %iota3A, %parallel_loop3A_1359 : vector<16xi32>
        %parallel_loop3A_1361 = arith.addi %parallel_loop3A_1357, %parallel_loop3A_1360 : vector<16xi32>
        %parallel_loop3A_1362 = arith.constant 16 : i32
        %parallel_loop3A_1363 = vector.broadcast %parallel_loop3A_1362 : i32 to vector<16xi32>
        %parallel_loop3A_1364 = arith.cmpi eq, %parallel_loop3A_825, %parallel_loop3A_1363 : vector<16xi32>
        %parallel_loop3A_1365 = arith.constant 4.097000e+03 : f32
        %parallel_loop3A_1366 = arith.constant 1.000000e+00 : f32
        %parallel_loop3A_1367 = vector.broadcast %parallel_loop3A_1365 : f32 to vector<16xf32>
        %parallel_loop3A_1368 = vector.broadcast %parallel_loop3A_1366 : f32 to vector<16xf32>
        %parallel_loop3A_1369 = arith.select %parallel_loop3A_1364, %parallel_loop3A_1367, %parallel_loop3A_1368 : vector<16xi1>, vector<16xf32>
        tpu.vector_store_idx %arg10[%parallel_loop3A_1361], %parallel_loop3A_1369 {add = true} : memref<4608xf32, #tpu.memory_space<vmem>>[vector<16xi32>], vector<16xf32>,
        tpu.vector_store_idx %arg11[%parallel_loop3A_1361], %parallel_loop3A_959 {add = true} : memref<4608xf32, #tpu.memory_space<vmem>>[vector<16xi32>], vector<16xf32>,
        %parallel_loop3A_1370 = arith.constant 1.500000e+01 : f32
        %parallel_loop3A_1371 = vector.broadcast %parallel_loop3A_1370 : f32 to vector<16xf32>
        %parallel_loop3A_1372 = arith.mulf %parallel_loop3A_960, %parallel_loop3A_1371 : vector<16xf32>
        %parallel_loop3A_1373 = arith.constant 5.000000e-01 : f32
        %parallel_loop3A_1374 = vector.broadcast %parallel_loop3A_1373 : f32 to vector<16xf32>
        %parallel_loop3A_1375 = arith.subf %parallel_loop3A_1372, %parallel_loop3A_1374 : vector<16xf32>
        %parallel_loop3A_1376 = vector.broadcast %scan3A : f32 to vector<16xf32>
        %parallel_loop3A_1377 = arith.addf %parallel_loop3A_1375, %parallel_loop3A_1376 : vector<16xf32>
        %parallel_loop3A_1378 = vector.bitcast %parallel_loop3A_1377 : vector<16xf32> to vector<16xi32>
        %parallel_loop3A_1379 = arith.constant 4 : i32
        %parallel_loop3A_1380 = vector.broadcast %parallel_loop3A_1379 : i32 to vector<16xi32>
        %parallel_loop3A_1381 = arith.shli %parallel_loop3A_1378, %parallel_loop3A_1380 : vector<16xi32>
        %parallel_loop3A_1382 = arith.constant 1275072496 : i32
        %parallel_loop3A_1383 = vector.broadcast %parallel_loop3A_1382 : i32 to vector<16xi32>
        %parallel_loop3A_1384 = arith.addi %iota3A, %parallel_loop3A_1383 : vector<16xi32>
        %parallel_loop3A_1385 = arith.addi %parallel_loop3A_1381, %parallel_loop3A_1384 : vector<16xi32>
        %parallel_loop3A_1386 = arith.constant 17 : i32
        %parallel_loop3A_1387 = vector.broadcast %parallel_loop3A_1386 : i32 to vector<16xi32>
        %parallel_loop3A_1388 = arith.cmpi eq, %parallel_loop3A_825, %parallel_loop3A_1387 : vector<16xi32>
        %parallel_loop3A_1389 = arith.constant 4.097000e+03 : f32
        %parallel_loop3A_1390 = arith.constant 1.000000e+00 : f32
        %parallel_loop3A_1391 = vector.broadcast %parallel_loop3A_1389 : f32 to vector<16xf32>
        %parallel_loop3A_1392 = vector.broadcast %parallel_loop3A_1390 : f32 to vector<16xf32>
        %parallel_loop3A_1393 = arith.select %parallel_loop3A_1388, %parallel_loop3A_1391, %parallel_loop3A_1392 : vector<16xi1>, vector<16xf32>
        tpu.vector_store_idx %arg10[%parallel_loop3A_1385], %parallel_loop3A_1393 {add = true} : memref<4608xf32, #tpu.memory_space<vmem>>[vector<16xi32>], vector<16xf32>,
        tpu.vector_store_idx %arg11[%parallel_loop3A_1385], %parallel_loop3A_960 {add = true} : memref<4608xf32, #tpu.memory_space<vmem>>[vector<16xi32>], vector<16xf32>,
        %parallel_loop3A_1394 = arith.constant 1.500000e+01 : f32
        %parallel_loop3A_1395 = vector.broadcast %parallel_loop3A_1394 : f32 to vector<16xf32>
        %parallel_loop3A_1396 = arith.mulf %parallel_loop3A_961, %parallel_loop3A_1395 : vector<16xf32>
        %parallel_loop3A_1397 = arith.constant 5.000000e-01 : f32
        %parallel_loop3A_1398 = vector.broadcast %parallel_loop3A_1397 : f32 to vector<16xf32>
        %parallel_loop3A_1399 = arith.subf %parallel_loop3A_1396, %parallel_loop3A_1398 : vector<16xf32>
        %parallel_loop3A_1400 = vector.broadcast %scan3A : f32 to vector<16xf32>
        %parallel_loop3A_1401 = arith.addf %parallel_loop3A_1399, %parallel_loop3A_1400 : vector<16xf32>
        %parallel_loop3A_1402 = vector.bitcast %parallel_loop3A_1401 : vector<16xf32> to vector<16xi32>
        %parallel_loop3A_1403 = arith.constant 4 : i32
        %parallel_loop3A_1404 = vector.broadcast %parallel_loop3A_1403 : i32 to vector<16xi32>
        %parallel_loop3A_1405 = arith.shli %parallel_loop3A_1402, %parallel_loop3A_1404 : vector<16xi32>
        %parallel_loop3A_1406 = arith.constant 1275072736 : i32
        %parallel_loop3A_1407 = vector.broadcast %parallel_loop3A_1406 : i32 to vector<16xi32>
        %parallel_loop3A_1408 = arith.addi %iota3A, %parallel_loop3A_1407 : vector<16xi32>
        %parallel_loop3A_1409 = arith.addi %parallel_loop3A_1405, %parallel_loop3A_1408 : vector<16xi32>
        %parallel_loop3A_1410 = arith.constant 18 : i32
        %parallel_loop3A_1411 = vector.broadcast %parallel_loop3A_1410 : i32 to vector<16xi32>
        %parallel_loop3A_1412 = arith.cmpi eq, %parallel_loop3A_825, %parallel_loop3A_1411 : vector<16xi32>
        %parallel_loop3A_1413 = arith.constant 4.097000e+03 : f32
        %parallel_loop3A_1414 = arith.constant 1.000000e+00 : f32
        %parallel_loop3A_1415 = vector.broadcast %parallel_loop3A_1413 : f32 to vector<16xf32>
        %parallel_loop3A_1416 = vector.broadcast %parallel_loop3A_1414 : f32 to vector<16xf32>
        %parallel_loop3A_1417 = arith.select %parallel_loop3A_1412, %parallel_loop3A_1415, %parallel_loop3A_1416 : vector<16xi1>, vector<16xf32>
        tpu.vector_store_idx %arg10[%parallel_loop3A_1409], %parallel_loop3A_1417 {add = true} : memref<4608xf32, #tpu.memory_space<vmem>>[vector<16xi32>], vector<16xf32>,
        tpu.vector_store_idx %arg11[%parallel_loop3A_1409], %parallel_loop3A_961 {add = true} : memref<4608xf32, #tpu.memory_space<vmem>>[vector<16xi32>], vector<16xf32>,
      } {sc.loop_unroll_factor = 1 : i64, sc.parallel_access}
      %scan3A_779 = arith.constant 0 : i32
      scf.yield %scan3A_779 : i32
    }
    %scan3A_358 = arith.constant 8 : i32
    %parallel_loop3A_359 = arith.constant 0 : i32
    %parallel_loop3A_360 = arith.constant 18 : i32
    %parallel_loop3A_361 = arith.constant 1 : i32
    scf.for %parallel_loop3A_362 = %parallel_loop3A_359 to %parallel_loop3A_360 step %parallel_loop3A_361  : i32 {
      %parallel_loop3A_363 = arith.constant 16 : i32
      %parallel_loop3A_364 = arith.muli %parallel_loop3A_362, %parallel_loop3A_363 : i32
      %parallel_loop3A_365 = arith.constant 0 : i32
      %parallel_loop3A_366 = vector.broadcast %parallel_loop3A_365 : i32 to vector<16xi32>
      %parallel_loop3A_367 = arith.constant 0 : i32
      %parallel_loop3A_368 = vector.broadcast %parallel_loop3A_367 : i32 to vector<16xi32>
      %parallel_loop3A_369 = arith.constant 0.000000e+00 : f32
      %parallel_loop3A_370 = vector.broadcast %parallel_loop3A_369 : f32 to vector<16xf32>
      %parallel_loop3A_371 = vector.broadcast %parallel_loop3A_364 : i32 to vector<16xi32>
      %parallel_loop3A_372 = arith.addi %parallel_loop3A_371, %iota3A : vector<16xi32>
      %parallel_loop3A_373 = arith.constant 16 : i32
      %parallel_loop3A_374 = vector.broadcast %parallel_loop3A_373 : i32 to vector<16xi32>
      %parallel_loop3A_375 = arith.muli %parallel_loop3A_372, %parallel_loop3A_374 : vector<16xi32>
      %parallel_loop3A_376 = arith.constant 0 : i32
      %parallel_loop3A_377 = vector.broadcast %parallel_loop3A_376 : i32 to vector<16xi32>
      %parallel_loop3A_378 = arith.addi %parallel_loop3A_375, %parallel_loop3A_377 : vector<16xi32>
      %parallel_loop3A_379 = tpu.vector_load_idx %arg10[%parallel_loop3A_378] : memref<4608xf32, #tpu.memory_space<vmem>>[vector<16xi32>], vector<16xf32>,
      %parallel_loop3A_380 = arith.fptosi %parallel_loop3A_379 : vector<16xf32> to vector<16xi32>
      %parallel_loop3A_381 = arith.constant 4095 : i32
      %parallel_loop3A_382 = vector.broadcast %parallel_loop3A_381 : i32 to vector<16xi32>
      %parallel_loop3A_383 = arith.andi %parallel_loop3A_380, %parallel_loop3A_382 : vector<16xi32>
      %parallel_loop3A_384 = arith.addi %parallel_loop3A_366, %parallel_loop3A_383 : vector<16xi32>
      %parallel_loop3A_385 = arith.constant 12 : i32
      %parallel_loop3A_386 = vector.broadcast %parallel_loop3A_385 : i32 to vector<16xi32>
      %parallel_loop3A_387 = arith.shrsi %parallel_loop3A_380, %parallel_loop3A_386 : vector<16xi32>
      %parallel_loop3A_388 = arith.addi %parallel_loop3A_368, %parallel_loop3A_387 : vector<16xi32>
      %parallel_loop3A_389 = tpu.vector_load_idx %arg11[%parallel_loop3A_378] : memref<4608xf32, #tpu.memory_space<vmem>>[vector<16xi32>], vector<16xf32>,
      %parallel_loop3A_390 = arith.addf %parallel_loop3A_370, %parallel_loop3A_389 : vector<16xf32>
      %parallel_loop3A_391 = vector.broadcast %parallel_loop3A_364 : i32 to vector<16xi32>
      %parallel_loop3A_392 = arith.addi %parallel_loop3A_391, %iota3A : vector<16xi32>
      %parallel_loop3A_393 = arith.constant 16 : i32
      %parallel_loop3A_394 = vector.broadcast %parallel_loop3A_393 : i32 to vector<16xi32>
      %parallel_loop3A_395 = arith.muli %parallel_loop3A_392, %parallel_loop3A_394 : vector<16xi32>
      %parallel_loop3A_396 = arith.constant 1 : i32
      %parallel_loop3A_397 = vector.broadcast %parallel_loop3A_396 : i32 to vector<16xi32>
      %parallel_loop3A_398 = arith.addi %parallel_loop3A_395, %parallel_loop3A_397 : vector<16xi32>
      %parallel_loop3A_399 = tpu.vector_load_idx %arg10[%parallel_loop3A_398] : memref<4608xf32, #tpu.memory_space<vmem>>[vector<16xi32>], vector<16xf32>,
      %parallel_loop3A_400 = arith.fptosi %parallel_loop3A_399 : vector<16xf32> to vector<16xi32>
      %parallel_loop3A_401 = arith.constant 4095 : i32
      %parallel_loop3A_402 = vector.broadcast %parallel_loop3A_401 : i32 to vector<16xi32>
      %parallel_loop3A_403 = arith.andi %parallel_loop3A_400, %parallel_loop3A_402 : vector<16xi32>
      %parallel_loop3A_404 = arith.addi %parallel_loop3A_384, %parallel_loop3A_403 : vector<16xi32>
      %parallel_loop3A_405 = arith.constant 12 : i32
      %parallel_loop3A_406 = vector.broadcast %parallel_loop3A_405 : i32 to vector<16xi32>
      %parallel_loop3A_407 = arith.shrsi %parallel_loop3A_400, %parallel_loop3A_406 : vector<16xi32>
      %parallel_loop3A_408 = arith.addi %parallel_loop3A_388, %parallel_loop3A_407 : vector<16xi32>
      %parallel_loop3A_409 = tpu.vector_load_idx %arg11[%parallel_loop3A_398] : memref<4608xf32, #tpu.memory_space<vmem>>[vector<16xi32>], vector<16xf32>,
      %parallel_loop3A_410 = arith.addf %parallel_loop3A_390, %parallel_loop3A_409 : vector<16xf32>
      %parallel_loop3A_411 = vector.broadcast %parallel_loop3A_364 : i32 to vector<16xi32>
      %parallel_loop3A_412 = arith.addi %parallel_loop3A_411, %iota3A : vector<16xi32>
      %parallel_loop3A_413 = arith.constant 16 : i32
      %parallel_loop3A_414 = vector.broadcast %parallel_loop3A_413 : i32 to vector<16xi32>
      %parallel_loop3A_415 = arith.muli %parallel_loop3A_412, %parallel_loop3A_414 : vector<16xi32>
      %parallel_loop3A_416 = arith.constant 2 : i32
      %parallel_loop3A_417 = vector.broadcast %parallel_loop3A_416 : i32 to vector<16xi32>
      %parallel_loop3A_418 = arith.addi %parallel_loop3A_415, %parallel_loop3A_417 : vector<16xi32>
      %parallel_loop3A_419 = tpu.vector_load_idx %arg10[%parallel_loop3A_418] : memref<4608xf32, #tpu.memory_space<vmem>>[vector<16xi32>], vector<16xf32>,
      %parallel_loop3A_420 = arith.fptosi %parallel_loop3A_419 : vector<16xf32> to vector<16xi32>
      %parallel_loop3A_421 = arith.constant 4095 : i32
      %parallel_loop3A_422 = vector.broadcast %parallel_loop3A_421 : i32 to vector<16xi32>
      %parallel_loop3A_423 = arith.andi %parallel_loop3A_420, %parallel_loop3A_422 : vector<16xi32>
      %parallel_loop3A_424 = arith.addi %parallel_loop3A_404, %parallel_loop3A_423 : vector<16xi32>
      %parallel_loop3A_425 = arith.constant 12 : i32
      %parallel_loop3A_426 = vector.broadcast %parallel_loop3A_425 : i32 to vector<16xi32>
      %parallel_loop3A_427 = arith.shrsi %parallel_loop3A_420, %parallel_loop3A_426 : vector<16xi32>
      %parallel_loop3A_428 = arith.addi %parallel_loop3A_408, %parallel_loop3A_427 : vector<16xi32>
      %parallel_loop3A_429 = tpu.vector_load_idx %arg11[%parallel_loop3A_418] : memref<4608xf32, #tpu.memory_space<vmem>>[vector<16xi32>], vector<16xf32>,
      %parallel_loop3A_430 = arith.addf %parallel_loop3A_410, %parallel_loop3A_429 : vector<16xf32>
      %parallel_loop3A_431 = vector.broadcast %parallel_loop3A_364 : i32 to vector<16xi32>
      %parallel_loop3A_432 = arith.addi %parallel_loop3A_431, %iota3A : vector<16xi32>
      %parallel_loop3A_433 = arith.constant 16 : i32
      %parallel_loop3A_434 = vector.broadcast %parallel_loop3A_433 : i32 to vector<16xi32>
      %parallel_loop3A_435 = arith.muli %parallel_loop3A_432, %parallel_loop3A_434 : vector<16xi32>
      %parallel_loop3A_436 = arith.constant 3 : i32
      %parallel_loop3A_437 = vector.broadcast %parallel_loop3A_436 : i32 to vector<16xi32>
      %parallel_loop3A_438 = arith.addi %parallel_loop3A_435, %parallel_loop3A_437 : vector<16xi32>
      %parallel_loop3A_439 = tpu.vector_load_idx %arg10[%parallel_loop3A_438] : memref<4608xf32, #tpu.memory_space<vmem>>[vector<16xi32>], vector<16xf32>,
      %parallel_loop3A_440 = arith.fptosi %parallel_loop3A_439 : vector<16xf32> to vector<16xi32>
      %parallel_loop3A_441 = arith.constant 4095 : i32
      %parallel_loop3A_442 = vector.broadcast %parallel_loop3A_441 : i32 to vector<16xi32>
      %parallel_loop3A_443 = arith.andi %parallel_loop3A_440, %parallel_loop3A_442 : vector<16xi32>
      %parallel_loop3A_444 = arith.addi %parallel_loop3A_424, %parallel_loop3A_443 : vector<16xi32>
      %parallel_loop3A_445 = arith.constant 12 : i32
      %parallel_loop3A_446 = vector.broadcast %parallel_loop3A_445 : i32 to vector<16xi32>
      %parallel_loop3A_447 = arith.shrsi %parallel_loop3A_440, %parallel_loop3A_446 : vector<16xi32>
      %parallel_loop3A_448 = arith.addi %parallel_loop3A_428, %parallel_loop3A_447 : vector<16xi32>
      %parallel_loop3A_449 = tpu.vector_load_idx %arg11[%parallel_loop3A_438] : memref<4608xf32, #tpu.memory_space<vmem>>[vector<16xi32>], vector<16xf32>,
      %parallel_loop3A_450 = arith.addf %parallel_loop3A_430, %parallel_loop3A_449 : vector<16xf32>
      %parallel_loop3A_451 = vector.broadcast %parallel_loop3A_364 : i32 to vector<16xi32>
      %parallel_loop3A_452 = arith.addi %parallel_loop3A_451, %iota3A : vector<16xi32>
      %parallel_loop3A_453 = arith.constant 16 : i32
      %parallel_loop3A_454 = vector.broadcast %parallel_loop3A_453 : i32 to vector<16xi32>
      %parallel_loop3A_455 = arith.muli %parallel_loop3A_452, %parallel_loop3A_454 : vector<16xi32>
      %parallel_loop3A_456 = arith.constant 4 : i32
      %parallel_loop3A_457 = vector.broadcast %parallel_loop3A_456 : i32 to vector<16xi32>
      %parallel_loop3A_458 = arith.addi %parallel_loop3A_455, %parallel_loop3A_457 : vector<16xi32>
      %parallel_loop3A_459 = tpu.vector_load_idx %arg10[%parallel_loop3A_458] : memref<4608xf32, #tpu.memory_space<vmem>>[vector<16xi32>], vector<16xf32>,
      %parallel_loop3A_460 = arith.fptosi %parallel_loop3A_459 : vector<16xf32> to vector<16xi32>
      %parallel_loop3A_461 = arith.constant 4095 : i32
      %parallel_loop3A_462 = vector.broadcast %parallel_loop3A_461 : i32 to vector<16xi32>
      %parallel_loop3A_463 = arith.andi %parallel_loop3A_460, %parallel_loop3A_462 : vector<16xi32>
      %parallel_loop3A_464 = arith.addi %parallel_loop3A_444, %parallel_loop3A_463 : vector<16xi32>
      %parallel_loop3A_465 = arith.constant 12 : i32
      %parallel_loop3A_466 = vector.broadcast %parallel_loop3A_465 : i32 to vector<16xi32>
      %parallel_loop3A_467 = arith.shrsi %parallel_loop3A_460, %parallel_loop3A_466 : vector<16xi32>
      %parallel_loop3A_468 = arith.addi %parallel_loop3A_448, %parallel_loop3A_467 : vector<16xi32>
      %parallel_loop3A_469 = tpu.vector_load_idx %arg11[%parallel_loop3A_458] : memref<4608xf32, #tpu.memory_space<vmem>>[vector<16xi32>], vector<16xf32>,
      %parallel_loop3A_470 = arith.addf %parallel_loop3A_450, %parallel_loop3A_469 : vector<16xf32>
      %parallel_loop3A_471 = vector.broadcast %parallel_loop3A_364 : i32 to vector<16xi32>
      %parallel_loop3A_472 = arith.addi %parallel_loop3A_471, %iota3A : vector<16xi32>
      %parallel_loop3A_473 = arith.constant 16 : i32
      %parallel_loop3A_474 = vector.broadcast %parallel_loop3A_473 : i32 to vector<16xi32>
      %parallel_loop3A_475 = arith.muli %parallel_loop3A_472, %parallel_loop3A_474 : vector<16xi32>
      %parallel_loop3A_476 = arith.constant 5 : i32
      %parallel_loop3A_477 = vector.broadcast %parallel_loop3A_476 : i32 to vector<16xi32>
      %parallel_loop3A_478 = arith.addi %parallel_loop3A_475, %parallel_loop3A_477 : vector<16xi32>
      %parallel_loop3A_479 = tpu.vector_load_idx %arg10[%parallel_loop3A_478] : memref<4608xf32, #tpu.memory_space<vmem>>[vector<16xi32>], vector<16xf32>,
      %parallel_loop3A_480 = arith.fptosi %parallel_loop3A_479 : vector<16xf32> to vector<16xi32>
      %parallel_loop3A_481 = arith.constant 4095 : i32
      %parallel_loop3A_482 = vector.broadcast %parallel_loop3A_481 : i32 to vector<16xi32>
      %parallel_loop3A_483 = arith.andi %parallel_loop3A_480, %parallel_loop3A_482 : vector<16xi32>
      %parallel_loop3A_484 = arith.addi %parallel_loop3A_464, %parallel_loop3A_483 : vector<16xi32>
      %parallel_loop3A_485 = arith.constant 12 : i32
      %parallel_loop3A_486 = vector.broadcast %parallel_loop3A_485 : i32 to vector<16xi32>
      %parallel_loop3A_487 = arith.shrsi %parallel_loop3A_480, %parallel_loop3A_486 : vector<16xi32>
      %parallel_loop3A_488 = arith.addi %parallel_loop3A_468, %parallel_loop3A_487 : vector<16xi32>
      %parallel_loop3A_489 = tpu.vector_load_idx %arg11[%parallel_loop3A_478] : memref<4608xf32, #tpu.memory_space<vmem>>[vector<16xi32>], vector<16xf32>,
      %parallel_loop3A_490 = arith.addf %parallel_loop3A_470, %parallel_loop3A_489 : vector<16xf32>
      %parallel_loop3A_491 = vector.broadcast %parallel_loop3A_364 : i32 to vector<16xi32>
      %parallel_loop3A_492 = arith.addi %parallel_loop3A_491, %iota3A : vector<16xi32>
      %parallel_loop3A_493 = arith.constant 16 : i32
      %parallel_loop3A_494 = vector.broadcast %parallel_loop3A_493 : i32 to vector<16xi32>
      %parallel_loop3A_495 = arith.muli %parallel_loop3A_492, %parallel_loop3A_494 : vector<16xi32>
      %parallel_loop3A_496 = arith.constant 6 : i32
      %parallel_loop3A_497 = vector.broadcast %parallel_loop3A_496 : i32 to vector<16xi32>
      %parallel_loop3A_498 = arith.addi %parallel_loop3A_495, %parallel_loop3A_497 : vector<16xi32>
      %parallel_loop3A_499 = tpu.vector_load_idx %arg10[%parallel_loop3A_498] : memref<4608xf32, #tpu.memory_space<vmem>>[vector<16xi32>], vector<16xf32>,
      %parallel_loop3A_500 = arith.fptosi %parallel_loop3A_499 : vector<16xf32> to vector<16xi32>
      %parallel_loop3A_501 = arith.constant 4095 : i32
      %parallel_loop3A_502 = vector.broadcast %parallel_loop3A_501 : i32 to vector<16xi32>
      %parallel_loop3A_503 = arith.andi %parallel_loop3A_500, %parallel_loop3A_502 : vector<16xi32>
      %parallel_loop3A_504 = arith.addi %parallel_loop3A_484, %parallel_loop3A_503 : vector<16xi32>
      %parallel_loop3A_505 = arith.constant 12 : i32
      %parallel_loop3A_506 = vector.broadcast %parallel_loop3A_505 : i32 to vector<16xi32>
      %parallel_loop3A_507 = arith.shrsi %parallel_loop3A_500, %parallel_loop3A_506 : vector<16xi32>
      %parallel_loop3A_508 = arith.addi %parallel_loop3A_488, %parallel_loop3A_507 : vector<16xi32>
      %parallel_loop3A_509 = tpu.vector_load_idx %arg11[%parallel_loop3A_498] : memref<4608xf32, #tpu.memory_space<vmem>>[vector<16xi32>], vector<16xf32>,
      %parallel_loop3A_510 = arith.addf %parallel_loop3A_490, %parallel_loop3A_509 : vector<16xf32>
      %parallel_loop3A_511 = vector.broadcast %parallel_loop3A_364 : i32 to vector<16xi32>
      %parallel_loop3A_512 = arith.addi %parallel_loop3A_511, %iota3A : vector<16xi32>
      %parallel_loop3A_513 = arith.constant 16 : i32
      %parallel_loop3A_514 = vector.broadcast %parallel_loop3A_513 : i32 to vector<16xi32>
      %parallel_loop3A_515 = arith.muli %parallel_loop3A_512, %parallel_loop3A_514 : vector<16xi32>
      %parallel_loop3A_516 = arith.constant 7 : i32
      %parallel_loop3A_517 = vector.broadcast %parallel_loop3A_516 : i32 to vector<16xi32>
      %parallel_loop3A_518 = arith.addi %parallel_loop3A_515, %parallel_loop3A_517 : vector<16xi32>
      %parallel_loop3A_519 = tpu.vector_load_idx %arg10[%parallel_loop3A_518] : memref<4608xf32, #tpu.memory_space<vmem>>[vector<16xi32>], vector<16xf32>,
      %parallel_loop3A_520 = arith.fptosi %parallel_loop3A_519 : vector<16xf32> to vector<16xi32>
      %parallel_loop3A_521 = arith.constant 4095 : i32
      %parallel_loop3A_522 = vector.broadcast %parallel_loop3A_521 : i32 to vector<16xi32>
      %parallel_loop3A_523 = arith.andi %parallel_loop3A_520, %parallel_loop3A_522 : vector<16xi32>
      %parallel_loop3A_524 = arith.addi %parallel_loop3A_504, %parallel_loop3A_523 : vector<16xi32>
      %parallel_loop3A_525 = arith.constant 12 : i32
      %parallel_loop3A_526 = vector.broadcast %parallel_loop3A_525 : i32 to vector<16xi32>
      %parallel_loop3A_527 = arith.shrsi %parallel_loop3A_520, %parallel_loop3A_526 : vector<16xi32>
      %parallel_loop3A_528 = arith.addi %parallel_loop3A_508, %parallel_loop3A_527 : vector<16xi32>
      %parallel_loop3A_529 = tpu.vector_load_idx %arg11[%parallel_loop3A_518] : memref<4608xf32, #tpu.memory_space<vmem>>[vector<16xi32>], vector<16xf32>,
      %parallel_loop3A_530 = arith.addf %parallel_loop3A_510, %parallel_loop3A_529 : vector<16xf32>
      %parallel_loop3A_531 = vector.broadcast %parallel_loop3A_364 : i32 to vector<16xi32>
      %parallel_loop3A_532 = arith.addi %parallel_loop3A_531, %iota3A : vector<16xi32>
      %parallel_loop3A_533 = arith.constant 16 : i32
      %parallel_loop3A_534 = vector.broadcast %parallel_loop3A_533 : i32 to vector<16xi32>
      %parallel_loop3A_535 = arith.muli %parallel_loop3A_532, %parallel_loop3A_534 : vector<16xi32>
      %parallel_loop3A_536 = arith.constant 8 : i32
      %parallel_loop3A_537 = vector.broadcast %parallel_loop3A_536 : i32 to vector<16xi32>
      %parallel_loop3A_538 = arith.addi %parallel_loop3A_535, %parallel_loop3A_537 : vector<16xi32>
      %parallel_loop3A_539 = tpu.vector_load_idx %arg10[%parallel_loop3A_538] : memref<4608xf32, #tpu.memory_space<vmem>>[vector<16xi32>], vector<16xf32>,
      %parallel_loop3A_540 = arith.fptosi %parallel_loop3A_539 : vector<16xf32> to vector<16xi32>
      %parallel_loop3A_541 = arith.constant 4095 : i32
      %parallel_loop3A_542 = vector.broadcast %parallel_loop3A_541 : i32 to vector<16xi32>
      %parallel_loop3A_543 = arith.andi %parallel_loop3A_540, %parallel_loop3A_542 : vector<16xi32>
      %parallel_loop3A_544 = arith.addi %parallel_loop3A_524, %parallel_loop3A_543 : vector<16xi32>
      %parallel_loop3A_545 = arith.constant 12 : i32
      %parallel_loop3A_546 = vector.broadcast %parallel_loop3A_545 : i32 to vector<16xi32>
      %parallel_loop3A_547 = arith.shrsi %parallel_loop3A_540, %parallel_loop3A_546 : vector<16xi32>
      %parallel_loop3A_548 = arith.addi %parallel_loop3A_528, %parallel_loop3A_547 : vector<16xi32>
      %parallel_loop3A_549 = tpu.vector_load_idx %arg11[%parallel_loop3A_538] : memref<4608xf32, #tpu.memory_space<vmem>>[vector<16xi32>], vector<16xf32>,
      %parallel_loop3A_550 = arith.addf %parallel_loop3A_530, %parallel_loop3A_549 : vector<16xf32>
      %parallel_loop3A_551 = vector.broadcast %parallel_loop3A_364 : i32 to vector<16xi32>
      %parallel_loop3A_552 = arith.addi %parallel_loop3A_551, %iota3A : vector<16xi32>
      %parallel_loop3A_553 = arith.constant 16 : i32
      %parallel_loop3A_554 = vector.broadcast %parallel_loop3A_553 : i32 to vector<16xi32>
      %parallel_loop3A_555 = arith.muli %parallel_loop3A_552, %parallel_loop3A_554 : vector<16xi32>
      %parallel_loop3A_556 = arith.constant 9 : i32
      %parallel_loop3A_557 = vector.broadcast %parallel_loop3A_556 : i32 to vector<16xi32>
      %parallel_loop3A_558 = arith.addi %parallel_loop3A_555, %parallel_loop3A_557 : vector<16xi32>
      %parallel_loop3A_559 = tpu.vector_load_idx %arg10[%parallel_loop3A_558] : memref<4608xf32, #tpu.memory_space<vmem>>[vector<16xi32>], vector<16xf32>,
      %parallel_loop3A_560 = arith.fptosi %parallel_loop3A_559 : vector<16xf32> to vector<16xi32>
      %parallel_loop3A_561 = arith.constant 4095 : i32
      %parallel_loop3A_562 = vector.broadcast %parallel_loop3A_561 : i32 to vector<16xi32>
      %parallel_loop3A_563 = arith.andi %parallel_loop3A_560, %parallel_loop3A_562 : vector<16xi32>
      %parallel_loop3A_564 = arith.addi %parallel_loop3A_544, %parallel_loop3A_563 : vector<16xi32>
      %parallel_loop3A_565 = arith.constant 12 : i32
      %parallel_loop3A_566 = vector.broadcast %parallel_loop3A_565 : i32 to vector<16xi32>
      %parallel_loop3A_567 = arith.shrsi %parallel_loop3A_560, %parallel_loop3A_566 : vector<16xi32>
      %parallel_loop3A_568 = arith.addi %parallel_loop3A_548, %parallel_loop3A_567 : vector<16xi32>
      %parallel_loop3A_569 = tpu.vector_load_idx %arg11[%parallel_loop3A_558] : memref<4608xf32, #tpu.memory_space<vmem>>[vector<16xi32>], vector<16xf32>,
      %parallel_loop3A_570 = arith.addf %parallel_loop3A_550, %parallel_loop3A_569 : vector<16xf32>
      %parallel_loop3A_571 = vector.broadcast %parallel_loop3A_364 : i32 to vector<16xi32>
      %parallel_loop3A_572 = arith.addi %parallel_loop3A_571, %iota3A : vector<16xi32>
      %parallel_loop3A_573 = arith.constant 16 : i32
      %parallel_loop3A_574 = vector.broadcast %parallel_loop3A_573 : i32 to vector<16xi32>
      %parallel_loop3A_575 = arith.muli %parallel_loop3A_572, %parallel_loop3A_574 : vector<16xi32>
      %parallel_loop3A_576 = arith.constant 10 : i32
      %parallel_loop3A_577 = vector.broadcast %parallel_loop3A_576 : i32 to vector<16xi32>
      %parallel_loop3A_578 = arith.addi %parallel_loop3A_575, %parallel_loop3A_577 : vector<16xi32>
      %parallel_loop3A_579 = tpu.vector_load_idx %arg10[%parallel_loop3A_578] : memref<4608xf32, #tpu.memory_space<vmem>>[vector<16xi32>], vector<16xf32>,
      %parallel_loop3A_580 = arith.fptosi %parallel_loop3A_579 : vector<16xf32> to vector<16xi32>
      %parallel_loop3A_581 = arith.constant 4095 : i32
      %parallel_loop3A_582 = vector.broadcast %parallel_loop3A_581 : i32 to vector<16xi32>
      %parallel_loop3A_583 = arith.andi %parallel_loop3A_580, %parallel_loop3A_582 : vector<16xi32>
      %parallel_loop3A_584 = arith.addi %parallel_loop3A_564, %parallel_loop3A_583 : vector<16xi32>
      %parallel_loop3A_585 = arith.constant 12 : i32
      %parallel_loop3A_586 = vector.broadcast %parallel_loop3A_585 : i32 to vector<16xi32>
      %parallel_loop3A_587 = arith.shrsi %parallel_loop3A_580, %parallel_loop3A_586 : vector<16xi32>
      %parallel_loop3A_588 = arith.addi %parallel_loop3A_568, %parallel_loop3A_587 : vector<16xi32>
      %parallel_loop3A_589 = tpu.vector_load_idx %arg11[%parallel_loop3A_578] : memref<4608xf32, #tpu.memory_space<vmem>>[vector<16xi32>], vector<16xf32>,
      %parallel_loop3A_590 = arith.addf %parallel_loop3A_570, %parallel_loop3A_589 : vector<16xf32>
      %parallel_loop3A_591 = vector.broadcast %parallel_loop3A_364 : i32 to vector<16xi32>
      %parallel_loop3A_592 = arith.addi %parallel_loop3A_591, %iota3A : vector<16xi32>
      %parallel_loop3A_593 = arith.constant 16 : i32
      %parallel_loop3A_594 = vector.broadcast %parallel_loop3A_593 : i32 to vector<16xi32>
      %parallel_loop3A_595 = arith.muli %parallel_loop3A_592, %parallel_loop3A_594 : vector<16xi32>
      %parallel_loop3A_596 = arith.constant 11 : i32
      %parallel_loop3A_597 = vector.broadcast %parallel_loop3A_596 : i32 to vector<16xi32>
      %parallel_loop3A_598 = arith.addi %parallel_loop3A_595, %parallel_loop3A_597 : vector<16xi32>
      %parallel_loop3A_599 = tpu.vector_load_idx %arg10[%parallel_loop3A_598] : memref<4608xf32, #tpu.memory_space<vmem>>[vector<16xi32>], vector<16xf32>,
      %parallel_loop3A_600 = arith.fptosi %parallel_loop3A_599 : vector<16xf32> to vector<16xi32>
      %parallel_loop3A_601 = arith.constant 4095 : i32
      %parallel_loop3A_602 = vector.broadcast %parallel_loop3A_601 : i32 to vector<16xi32>
      %parallel_loop3A_603 = arith.andi %parallel_loop3A_600, %parallel_loop3A_602 : vector<16xi32>
      %parallel_loop3A_604 = arith.addi %parallel_loop3A_584, %parallel_loop3A_603 : vector<16xi32>
      %parallel_loop3A_605 = arith.constant 12 : i32
      %parallel_loop3A_606 = vector.broadcast %parallel_loop3A_605 : i32 to vector<16xi32>
      %parallel_loop3A_607 = arith.shrsi %parallel_loop3A_600, %parallel_loop3A_606 : vector<16xi32>
      %parallel_loop3A_608 = arith.addi %parallel_loop3A_588, %parallel_loop3A_607 : vector<16xi32>
      %parallel_loop3A_609 = tpu.vector_load_idx %arg11[%parallel_loop3A_598] : memref<4608xf32, #tpu.memory_space<vmem>>[vector<16xi32>], vector<16xf32>,
      %parallel_loop3A_610 = arith.addf %parallel_loop3A_590, %parallel_loop3A_609 : vector<16xf32>
      %parallel_loop3A_611 = vector.broadcast %parallel_loop3A_364 : i32 to vector<16xi32>
      %parallel_loop3A_612 = arith.addi %parallel_loop3A_611, %iota3A : vector<16xi32>
      %parallel_loop3A_613 = arith.constant 16 : i32
      %parallel_loop3A_614 = vector.broadcast %parallel_loop3A_613 : i32 to vector<16xi32>
      %parallel_loop3A_615 = arith.muli %parallel_loop3A_612, %parallel_loop3A_614 : vector<16xi32>
      %parallel_loop3A_616 = arith.constant 12 : i32
      %parallel_loop3A_617 = vector.broadcast %parallel_loop3A_616 : i32 to vector<16xi32>
      %parallel_loop3A_618 = arith.addi %parallel_loop3A_615, %parallel_loop3A_617 : vector<16xi32>
      %parallel_loop3A_619 = tpu.vector_load_idx %arg10[%parallel_loop3A_618] : memref<4608xf32, #tpu.memory_space<vmem>>[vector<16xi32>], vector<16xf32>,
      %parallel_loop3A_620 = arith.fptosi %parallel_loop3A_619 : vector<16xf32> to vector<16xi32>
      %parallel_loop3A_621 = arith.constant 4095 : i32
      %parallel_loop3A_622 = vector.broadcast %parallel_loop3A_621 : i32 to vector<16xi32>
      %parallel_loop3A_623 = arith.andi %parallel_loop3A_620, %parallel_loop3A_622 : vector<16xi32>
      %parallel_loop3A_624 = arith.addi %parallel_loop3A_604, %parallel_loop3A_623 : vector<16xi32>
      %parallel_loop3A_625 = arith.constant 12 : i32
      %parallel_loop3A_626 = vector.broadcast %parallel_loop3A_625 : i32 to vector<16xi32>
      %parallel_loop3A_627 = arith.shrsi %parallel_loop3A_620, %parallel_loop3A_626 : vector<16xi32>
      %parallel_loop3A_628 = arith.addi %parallel_loop3A_608, %parallel_loop3A_627 : vector<16xi32>
      %parallel_loop3A_629 = tpu.vector_load_idx %arg11[%parallel_loop3A_618] : memref<4608xf32, #tpu.memory_space<vmem>>[vector<16xi32>], vector<16xf32>,
      %parallel_loop3A_630 = arith.addf %parallel_loop3A_610, %parallel_loop3A_629 : vector<16xf32>
      %parallel_loop3A_631 = vector.broadcast %parallel_loop3A_364 : i32 to vector<16xi32>
      %parallel_loop3A_632 = arith.addi %parallel_loop3A_631, %iota3A : vector<16xi32>
      %parallel_loop3A_633 = arith.constant 16 : i32
      %parallel_loop3A_634 = vector.broadcast %parallel_loop3A_633 : i32 to vector<16xi32>
      %parallel_loop3A_635 = arith.muli %parallel_loop3A_632, %parallel_loop3A_634 : vector<16xi32>
      %parallel_loop3A_636 = arith.constant 13 : i32
      %parallel_loop3A_637 = vector.broadcast %parallel_loop3A_636 : i32 to vector<16xi32>
      %parallel_loop3A_638 = arith.addi %parallel_loop3A_635, %parallel_loop3A_637 : vector<16xi32>
      %parallel_loop3A_639 = tpu.vector_load_idx %arg10[%parallel_loop3A_638] : memref<4608xf32, #tpu.memory_space<vmem>>[vector<16xi32>], vector<16xf32>,
      %parallel_loop3A_640 = arith.fptosi %parallel_loop3A_639 : vector<16xf32> to vector<16xi32>
      %parallel_loop3A_641 = arith.constant 4095 : i32
      %parallel_loop3A_642 = vector.broadcast %parallel_loop3A_641 : i32 to vector<16xi32>
      %parallel_loop3A_643 = arith.andi %parallel_loop3A_640, %parallel_loop3A_642 : vector<16xi32>
      %parallel_loop3A_644 = arith.addi %parallel_loop3A_624, %parallel_loop3A_643 : vector<16xi32>
      %parallel_loop3A_645 = arith.constant 12 : i32
      %parallel_loop3A_646 = vector.broadcast %parallel_loop3A_645 : i32 to vector<16xi32>
      %parallel_loop3A_647 = arith.shrsi %parallel_loop3A_640, %parallel_loop3A_646 : vector<16xi32>
      %parallel_loop3A_648 = arith.addi %parallel_loop3A_628, %parallel_loop3A_647 : vector<16xi32>
      %parallel_loop3A_649 = tpu.vector_load_idx %arg11[%parallel_loop3A_638] : memref<4608xf32, #tpu.memory_space<vmem>>[vector<16xi32>], vector<16xf32>,
      %parallel_loop3A_650 = arith.addf %parallel_loop3A_630, %parallel_loop3A_649 : vector<16xf32>
      %parallel_loop3A_651 = vector.broadcast %parallel_loop3A_364 : i32 to vector<16xi32>
      %parallel_loop3A_652 = arith.addi %parallel_loop3A_651, %iota3A : vector<16xi32>
      %parallel_loop3A_653 = arith.constant 16 : i32
      %parallel_loop3A_654 = vector.broadcast %parallel_loop3A_653 : i32 to vector<16xi32>
      %parallel_loop3A_655 = arith.muli %parallel_loop3A_652, %parallel_loop3A_654 : vector<16xi32>
      %parallel_loop3A_656 = arith.constant 14 : i32
      %parallel_loop3A_657 = vector.broadcast %parallel_loop3A_656 : i32 to vector<16xi32>
      %parallel_loop3A_658 = arith.addi %parallel_loop3A_655, %parallel_loop3A_657 : vector<16xi32>
      %parallel_loop3A_659 = tpu.vector_load_idx %arg10[%parallel_loop3A_658] : memref<4608xf32, #tpu.memory_space<vmem>>[vector<16xi32>], vector<16xf32>,
      %parallel_loop3A_660 = arith.fptosi %parallel_loop3A_659 : vector<16xf32> to vector<16xi32>
      %parallel_loop3A_661 = arith.constant 4095 : i32
      %parallel_loop3A_662 = vector.broadcast %parallel_loop3A_661 : i32 to vector<16xi32>
      %parallel_loop3A_663 = arith.andi %parallel_loop3A_660, %parallel_loop3A_662 : vector<16xi32>
      %parallel_loop3A_664 = arith.addi %parallel_loop3A_644, %parallel_loop3A_663 : vector<16xi32>
      %parallel_loop3A_665 = arith.constant 12 : i32
      %parallel_loop3A_666 = vector.broadcast %parallel_loop3A_665 : i32 to vector<16xi32>
      %parallel_loop3A_667 = arith.shrsi %parallel_loop3A_660, %parallel_loop3A_666 : vector<16xi32>
      %parallel_loop3A_668 = arith.addi %parallel_loop3A_648, %parallel_loop3A_667 : vector<16xi32>
      %parallel_loop3A_669 = tpu.vector_load_idx %arg11[%parallel_loop3A_658] : memref<4608xf32, #tpu.memory_space<vmem>>[vector<16xi32>], vector<16xf32>,
      %parallel_loop3A_670 = arith.addf %parallel_loop3A_650, %parallel_loop3A_669 : vector<16xf32>
      %parallel_loop3A_671 = vector.broadcast %parallel_loop3A_364 : i32 to vector<16xi32>
      %parallel_loop3A_672 = arith.addi %parallel_loop3A_671, %iota3A : vector<16xi32>
      %parallel_loop3A_673 = arith.constant 16 : i32
      %parallel_loop3A_674 = vector.broadcast %parallel_loop3A_673 : i32 to vector<16xi32>
      %parallel_loop3A_675 = arith.muli %parallel_loop3A_672, %parallel_loop3A_674 : vector<16xi32>
      %parallel_loop3A_676 = arith.constant 15 : i32
      %parallel_loop3A_677 = vector.broadcast %parallel_loop3A_676 : i32 to vector<16xi32>
      %parallel_loop3A_678 = arith.addi %parallel_loop3A_675, %parallel_loop3A_677 : vector<16xi32>
      %parallel_loop3A_679 = tpu.vector_load_idx %arg10[%parallel_loop3A_678] : memref<4608xf32, #tpu.memory_space<vmem>>[vector<16xi32>], vector<16xf32>,
      %parallel_loop3A_680 = arith.fptosi %parallel_loop3A_679 : vector<16xf32> to vector<16xi32>
      %parallel_loop3A_681 = arith.constant 4095 : i32
      %parallel_loop3A_682 = vector.broadcast %parallel_loop3A_681 : i32 to vector<16xi32>
      %parallel_loop3A_683 = arith.andi %parallel_loop3A_680, %parallel_loop3A_682 : vector<16xi32>
      %parallel_loop3A_684 = arith.addi %parallel_loop3A_664, %parallel_loop3A_683 : vector<16xi32>
      %parallel_loop3A_685 = arith.constant 12 : i32
      %parallel_loop3A_686 = vector.broadcast %parallel_loop3A_685 : i32 to vector<16xi32>
      %parallel_loop3A_687 = arith.shrsi %parallel_loop3A_680, %parallel_loop3A_686 : vector<16xi32>
      %parallel_loop3A_688 = arith.addi %parallel_loop3A_668, %parallel_loop3A_687 : vector<16xi32>
      %parallel_loop3A_689 = tpu.vector_load_idx %arg11[%parallel_loop3A_678] : memref<4608xf32, #tpu.memory_space<vmem>>[vector<16xi32>], vector<16xf32>,
      %parallel_loop3A_690 = arith.addf %parallel_loop3A_670, %parallel_loop3A_689 : vector<16xf32>
      %parallel_loop3A_691 = arith.sitofp %parallel_loop3A_684 : vector<16xi32> to vector<16xf32>
      %parallel_loop3A_692 = arith.sitofp %parallel_loop3A_688 : vector<16xi32> to vector<16xf32>
      %parallel_loop3A_693 = arith.constant 0 : i32
      %parallel_loop3A_694 = arith.addi %parallel_loop3A_693, %parallel_loop3A_364 : i32
      %parallel_loop3A_695 = arith.constant 128 : i32
      %parallel_loop3A_696 = arith.divsi %parallel_loop3A_694, %parallel_loop3A_695 : i32
      %parallel_loop3A_697 = arith.constant 0 : i32
      %parallel_loop3A_698 = arith.cmpi sgt, %parallel_loop3A_694, %parallel_loop3A_697 : i32
      %parallel_loop3A_699 = arith.extui %parallel_loop3A_698 : i1 to i32
      %parallel_loop3A_700 = arith.constant 0 : i32
      %parallel_loop3A_701 = arith.cmpi slt, %parallel_loop3A_694, %parallel_loop3A_700 : i32
      %parallel_loop3A_702 = arith.extui %parallel_loop3A_701 : i1 to i32
      %parallel_loop3A_703 = arith.subi %parallel_loop3A_699, %parallel_loop3A_702 : i32
      %parallel_loop3A_704 = arith.constant 0 : i32
      %parallel_loop3A_705 = arith.cmpi sgt, %parallel_loop3A_695, %parallel_loop3A_704 : i32
      %parallel_loop3A_706 = arith.extui %parallel_loop3A_705 : i1 to i32
      %parallel_loop3A_707 = arith.constant 0 : i32
      %parallel_loop3A_708 = arith.cmpi slt, %parallel_loop3A_695, %parallel_loop3A_707 : i32
      %parallel_loop3A_709 = arith.extui %parallel_loop3A_708 : i1 to i32
      %parallel_loop3A_710 = arith.subi %parallel_loop3A_706, %parallel_loop3A_709 : i32
      %parallel_loop3A_711 = arith.cmpi ne, %parallel_loop3A_703, %parallel_loop3A_710 : i32
      %parallel_loop3A_712 = arith.remsi %parallel_loop3A_694, %parallel_loop3A_695 : i32
      %parallel_loop3A_713 = arith.constant 0 : i32
      %parallel_loop3A_714 = arith.cmpi ne, %parallel_loop3A_712, %parallel_loop3A_713 : i32
      %parallel_loop3A_715 = arith.andi %parallel_loop3A_711, %parallel_loop3A_714 : i1
      %parallel_loop3A_716 = arith.constant 1 : i32
      %parallel_loop3A_717 = arith.subi %parallel_loop3A_696, %parallel_loop3A_716 : i32
      %parallel_loop3A_718 = arith.select %parallel_loop3A_715, %parallel_loop3A_717, %parallel_loop3A_696 : i32
      %parallel_loop3A_719 = arith.constant 128 : i32
      %parallel_loop3A_720 = arith.constant 0 : i32
      %parallel_loop3A_721 = arith.cmpi eq, %parallel_loop3A_719, %parallel_loop3A_720 : i32
      %parallel_loop3A_722 = arith.constant 1 : i32
      %parallel_loop3A_723 = arith.select %parallel_loop3A_721, %parallel_loop3A_722, %parallel_loop3A_719 : i32
      %parallel_loop3A_724 = arith.remsi %parallel_loop3A_694, %parallel_loop3A_723 : i32
      %parallel_loop3A_725 = arith.constant 0 : i32
      %parallel_loop3A_726 = arith.cmpi ne, %parallel_loop3A_724, %parallel_loop3A_725 : i32
      %parallel_loop3A_727 = arith.constant 0 : i32
      %parallel_loop3A_728 = arith.cmpi slt, %parallel_loop3A_724, %parallel_loop3A_727 : i32
      %parallel_loop3A_729 = arith.constant 0 : i32
      %parallel_loop3A_730 = arith.cmpi slt, %parallel_loop3A_723, %parallel_loop3A_729 : i32
      %parallel_loop3A_731 = arith.xori %parallel_loop3A_728, %parallel_loop3A_730 : i1
      %parallel_loop3A_732 = arith.andi %parallel_loop3A_731, %parallel_loop3A_726 : i1
      %parallel_loop3A_733 = arith.addi %parallel_loop3A_724, %parallel_loop3A_723 : i32
      %parallel_loop3A_734 = arith.select %parallel_loop3A_732, %parallel_loop3A_733, %parallel_loop3A_724 : i32
      %parallel_loop3A_735 = arith.index_cast %parallel_loop3A_718 : i32 to index
      %parallel_loop3A_736 = arith.index_cast %parallel_loop3A_734 : i32 to index
      %parallel_loop3A_737 = tpu.vector_load %arg12[%parallel_loop3A_735, %parallel_loop3A_736] {strides = array<i32>} : memref<8x128xf32, #tpu.memory_space<vmem>>, vector<16xf32>,
      tpu.vector_store %arg12[%parallel_loop3A_735, %parallel_loop3A_736], %parallel_loop3A_691 {strides = array<i32>} : memref<8x128xf32, #tpu.memory_space<vmem>>, vector<16xf32>,
      %parallel_loop3A_738 = arith.constant 288 : i32
      %parallel_loop3A_739 = arith.addi %parallel_loop3A_738, %parallel_loop3A_364 : i32
      %parallel_loop3A_740 = arith.constant 128 : i32
      %parallel_loop3A_741 = arith.divsi %parallel_loop3A_739, %parallel_loop3A_740 : i32
      %parallel_loop3A_742 = arith.constant 0 : i32
      %parallel_loop3A_743 = arith.cmpi sgt, %parallel_loop3A_739, %parallel_loop3A_742 : i32
      %parallel_loop3A_744 = arith.extui %parallel_loop3A_743 : i1 to i32
      %parallel_loop3A_745 = arith.constant 0 : i32
      %parallel_loop3A_746 = arith.cmpi slt, %parallel_loop3A_739, %parallel_loop3A_745 : i32
      %parallel_loop3A_747 = arith.extui %parallel_loop3A_746 : i1 to i32
      %parallel_loop3A_748 = arith.subi %parallel_loop3A_744, %parallel_loop3A_747 : i32
      %parallel_loop3A_749 = arith.constant 0 : i32
      %parallel_loop3A_750 = arith.cmpi sgt, %parallel_loop3A_740, %parallel_loop3A_749 : i32
      %parallel_loop3A_751 = arith.extui %parallel_loop3A_750 : i1 to i32
      %parallel_loop3A_752 = arith.constant 0 : i32
      %parallel_loop3A_753 = arith.cmpi slt, %parallel_loop3A_740, %parallel_loop3A_752 : i32
      %parallel_loop3A_754 = arith.extui %parallel_loop3A_753 : i1 to i32
      %parallel_loop3A_755 = arith.subi %parallel_loop3A_751, %parallel_loop3A_754 : i32
      %parallel_loop3A_756 = arith.cmpi ne, %parallel_loop3A_748, %parallel_loop3A_755 : i32
      %parallel_loop3A_757 = arith.remsi %parallel_loop3A_739, %parallel_loop3A_740 : i32
      %parallel_loop3A_758 = arith.constant 0 : i32
      %parallel_loop3A_759 = arith.cmpi ne, %parallel_loop3A_757, %parallel_loop3A_758 : i32
      %parallel_loop3A_760 = arith.andi %parallel_loop3A_756, %parallel_loop3A_759 : i1
      %parallel_loop3A_761 = arith.constant 1 : i32
      %parallel_loop3A_762 = arith.subi %parallel_loop3A_741, %parallel_loop3A_761 : i32
      %parallel_loop3A_763 = arith.select %parallel_loop3A_760, %parallel_loop3A_762, %parallel_loop3A_741 : i32
      %parallel_loop3A_764 = arith.constant 128 : i32
      %parallel_loop3A_765 = arith.constant 0 : i32
      %parallel_loop3A_766 = arith.cmpi eq, %parallel_loop3A_764, %parallel_loop3A_765 : i32
      %parallel_loop3A_767 = arith.constant 1 : i32
      %parallel_loop3A_768 = arith.select %parallel_loop3A_766, %parallel_loop3A_767, %parallel_loop3A_764 : i32
      %parallel_loop3A_769 = arith.remsi %parallel_loop3A_739, %parallel_loop3A_768 : i32
      %parallel_loop3A_770 = arith.constant 0 : i32
      %parallel_loop3A_771 = arith.cmpi ne, %parallel_loop3A_769, %parallel_loop3A_770 : i32
      %parallel_loop3A_772 = arith.constant 0 : i32
      %parallel_loop3A_773 = arith.cmpi slt, %parallel_loop3A_769, %parallel_loop3A_772 : i32
      %parallel_loop3A_774 = arith.constant 0 : i32
      %parallel_loop3A_775 = arith.cmpi slt, %parallel_loop3A_768, %parallel_loop3A_774 : i32
      %parallel_loop3A_776 = arith.xori %parallel_loop3A_773, %parallel_loop3A_775 : i1
      %parallel_loop3A_777 = arith.andi %parallel_loop3A_776, %parallel_loop3A_771 : i1
      %parallel_loop3A_778 = arith.addi %parallel_loop3A_769, %parallel_loop3A_768 : i32
      %parallel_loop3A_779 = arith.select %parallel_loop3A_777, %parallel_loop3A_778, %parallel_loop3A_769 : i32
      %parallel_loop3A_780 = arith.index_cast %parallel_loop3A_763 : i32 to index
      %parallel_loop3A_781 = arith.index_cast %parallel_loop3A_779 : i32 to index
      %parallel_loop3A_782 = tpu.vector_load %arg12[%parallel_loop3A_780, %parallel_loop3A_781] {strides = array<i32>} : memref<8x128xf32, #tpu.memory_space<vmem>>, vector<16xf32>,
      tpu.vector_store %arg12[%parallel_loop3A_780, %parallel_loop3A_781], %parallel_loop3A_690 {strides = array<i32>} : memref<8x128xf32, #tpu.memory_space<vmem>>, vector<16xf32>,
      %parallel_loop3A_783 = arith.constant 576 : i32
      %parallel_loop3A_784 = arith.addi %parallel_loop3A_783, %parallel_loop3A_364 : i32
      %parallel_loop3A_785 = arith.constant 128 : i32
      %parallel_loop3A_786 = arith.divsi %parallel_loop3A_784, %parallel_loop3A_785 : i32
      %parallel_loop3A_787 = arith.constant 0 : i32
      %parallel_loop3A_788 = arith.cmpi sgt, %parallel_loop3A_784, %parallel_loop3A_787 : i32
      %parallel_loop3A_789 = arith.extui %parallel_loop3A_788 : i1 to i32
      %parallel_loop3A_790 = arith.constant 0 : i32
      %parallel_loop3A_791 = arith.cmpi slt, %parallel_loop3A_784, %parallel_loop3A_790 : i32
      %parallel_loop3A_792 = arith.extui %parallel_loop3A_791 : i1 to i32
      %parallel_loop3A_793 = arith.subi %parallel_loop3A_789, %parallel_loop3A_792 : i32
      %parallel_loop3A_794 = arith.constant 0 : i32
      %parallel_loop3A_795 = arith.cmpi sgt, %parallel_loop3A_785, %parallel_loop3A_794 : i32
      %parallel_loop3A_796 = arith.extui %parallel_loop3A_795 : i1 to i32
      %parallel_loop3A_797 = arith.constant 0 : i32
      %parallel_loop3A_798 = arith.cmpi slt, %parallel_loop3A_785, %parallel_loop3A_797 : i32
      %parallel_loop3A_799 = arith.extui %parallel_loop3A_798 : i1 to i32
      %parallel_loop3A_800 = arith.subi %parallel_loop3A_796, %parallel_loop3A_799 : i32
      %parallel_loop3A_801 = arith.cmpi ne, %parallel_loop3A_793, %parallel_loop3A_800 : i32
      %parallel_loop3A_802 = arith.remsi %parallel_loop3A_784, %parallel_loop3A_785 : i32
      %parallel_loop3A_803 = arith.constant 0 : i32
      %parallel_loop3A_804 = arith.cmpi ne, %parallel_loop3A_802, %parallel_loop3A_803 : i32
      %parallel_loop3A_805 = arith.andi %parallel_loop3A_801, %parallel_loop3A_804 : i1
      %parallel_loop3A_806 = arith.constant 1 : i32
      %parallel_loop3A_807 = arith.subi %parallel_loop3A_786, %parallel_loop3A_806 : i32
      %parallel_loop3A_808 = arith.select %parallel_loop3A_805, %parallel_loop3A_807, %parallel_loop3A_786 : i32
      %parallel_loop3A_809 = arith.constant 128 : i32
      %parallel_loop3A_810 = arith.constant 0 : i32
      %parallel_loop3A_811 = arith.cmpi eq, %parallel_loop3A_809, %parallel_loop3A_810 : i32
      %parallel_loop3A_812 = arith.constant 1 : i32
      %parallel_loop3A_813 = arith.select %parallel_loop3A_811, %parallel_loop3A_812, %parallel_loop3A_809 : i32
      %parallel_loop3A_814 = arith.remsi %parallel_loop3A_784, %parallel_loop3A_813 : i32
      %parallel_loop3A_815 = arith.constant 0 : i32
      %parallel_loop3A_816 = arith.cmpi ne, %parallel_loop3A_814, %parallel_loop3A_815 : i32
      %parallel_loop3A_817 = arith.constant 0 : i32
      %parallel_loop3A_818 = arith.cmpi slt, %parallel_loop3A_814, %parallel_loop3A_817 : i32
      %parallel_loop3A_819 = arith.constant 0 : i32
      %parallel_loop3A_820 = arith.cmpi slt, %parallel_loop3A_813, %parallel_loop3A_819 : i32
      %parallel_loop3A_821 = arith.xori %parallel_loop3A_818, %parallel_loop3A_820 : i1
      %parallel_loop3A_822 = arith.andi %parallel_loop3A_821, %parallel_loop3A_816 : i1
      %parallel_loop3A_823 = arith.addi %parallel_loop3A_814, %parallel_loop3A_813 : i32
      %parallel_loop3A_824 = arith.select %parallel_loop3A_822, %parallel_loop3A_823, %parallel_loop3A_814 : i32
      %parallel_loop3A_825 = arith.index_cast %parallel_loop3A_808 : i32 to index
      %parallel_loop3A_826 = arith.index_cast %parallel_loop3A_824 : i32 to index
      %parallel_loop3A_827 = tpu.vector_load %arg12[%parallel_loop3A_825, %parallel_loop3A_826] {strides = array<i32>} : memref<8x128xf32, #tpu.memory_space<vmem>>, vector<16xf32>,
      tpu.vector_store %arg12[%parallel_loop3A_825, %parallel_loop3A_826], %parallel_loop3A_692 {strides = array<i32>} : memref<8x128xf32, #tpu.memory_space<vmem>>, vector<16xf32>,
    } {sc.loop_unroll_factor = 1 : i64, sc.parallel_access}
    "tpu.region"() ({
      %run_scoped3A = tpu.sem_alloc : memref<!tpu.dma_semaphore, #tpu.memory_space<semaphore_mem>>
      %dma_start3A_362 = arith.constant 0 : i32
      %dma_start3A_363 = arith.constant 0 : i32
      %dma_start3A_364 = tpu.memref_slice %arg4[%add3A, %dma_start3A_362, %dma_start3A_363] : memref<32x8x128xf32, #tpu.memory_space<hbm>> -> memref<1x8x128xf32, #tpu.memory_space<hbm>>
      %dma_start3A_365 = tpu.memref_squeeze %dma_start3A_364 : memref<1x8x128xf32, #tpu.memory_space<hbm>> -> memref<8x128xf32, #tpu.memory_space<hbm>>
      %dma_start3A_366 = arith.constant 0 : i32
      %dma_start3A_367 = arith.constant 0 : i32
      %dma_start3A_368 = tpu.memref_slice %arg4[%add3A, %dma_start3A_366, %dma_start3A_367] : memref<32x8x128xf32, #tpu.memory_space<hbm>> -> memref<1x8x128xf32, #tpu.memory_space<hbm>>
      %dma_start3A_369 = tpu.memref_squeeze %dma_start3A_368 : memref<1x8x128xf32, #tpu.memory_space<hbm>> -> memref<8x128xf32, #tpu.memory_space<hbm>>
      tpu.enqueue_dma source(%arg12 : memref<8x128xf32, #tpu.memory_space<vmem>>) target(%dma_start3A_369 : memref<8x128xf32, #tpu.memory_space<hbm>>) target_semaphore(%run_scoped3A : memref<!tpu.dma_semaphore, #tpu.memory_space<semaphore_mem>>)
      %dma_wait3A = arith.constant 0 : i32
      %dma_wait3A_370 = arith.constant 0 : i32
      %dma_wait3A_371 = tpu.memref_slice %arg4[%add3A, %dma_wait3A, %dma_wait3A_370] : memref<32x8x128xf32, #tpu.memory_space<hbm>> -> memref<1x8x128xf32, #tpu.memory_space<hbm>>
      %dma_wait3A_372 = tpu.memref_squeeze %dma_wait3A_371 : memref<1x8x128xf32, #tpu.memory_space<hbm>> -> memref<8x128xf32, #tpu.memory_space<hbm>>
      %dma_wait3A_373 = arith.constant 0 : i32
      %dma_wait3A_374 = arith.constant 0 : i32
      %dma_wait3A_375 = tpu.memref_slice %arg4[%add3A, %dma_wait3A_373, %dma_wait3A_374] : memref<32x8x128xf32, #tpu.memory_space<hbm>> -> memref<1x8x128xf32, #tpu.memory_space<hbm>>
      %dma_wait3A_376 = tpu.memref_squeeze %dma_wait3A_375 : memref<1x8x128xf32, #tpu.memory_space<hbm>> -> memref<8x128xf32, #tpu.memory_space<hbm>>
      tpu.wait_dma2 semaphore(%run_scoped3A : memref<!tpu.dma_semaphore, #tpu.memory_space<semaphore_mem>>) src(%arg12 : memref<8x128xf32, #tpu.memory_space<vmem>>) dst(%dma_wait3A_376 : memref<8x128xf32, #tpu.memory_space<hbm>>)
      tpu.yield
    }) : () -> ()
    return
  }
}

</mosaic_0001>

<sc_bundles>
// kernel: _ece_hist.3.cloned.1.call-start
scs
__scs_entry_jumppad:
0x0: {  	(pc) =	sbr.rel $0x88, $3  }
0x1: {  	(tag) =	ssettag $0x0;
	lr =	simm.s32 $0x1  }
0x2: {  	[smem:$0x3F9F] =	sst lr;
	_ =	strace $0xD0000000  }
0x3: {  	_ = 	snop  }
0x4: {  	_ = 	snop  }
0x5: {  	_ = 	snop  }
0x6: {  	_ = 	snop  }
0x7: {  	_ = 	snop  }
__scs_overlays_trampoline_lowered:
0x8: {  	[smem:$0x3FAE] =	sst s0  }
0x9: {  	[smem:$0x3FAF] =	sst s1  }
0xa: {  	[smem:$0x3FB0] =	sst s2  }
0xb: {  	[smem:$0x3FB1] =	sst s3  }
0xc: {  	[smem:$0x3FB2] =	sst s4  }
0xd: {  	[smem:$0x3FB3] =	sst s5  }
0xe: {  	[smem:$0x3FB4] =	sst s6  }
0xf: {  	[smem:$0x3FB5] =	sst s7  }
0x10: {  	[smem:$0x3FB6] =	sst s8  }
0x11: {  	[smem:$0x3FB7] =	sst s9;
	s0 =	simm.s32 @!p0 $0x0  }
0x12: {  	s1 =	sld [smem:$0x3F9D];
	s0 =	simm.s32 @p0 $0x1  }
0x13: {  	[smem:$0x3FB8] =	sst s0;
	s0 =	simm.s32 @!p1 $0x0  }
0x14: {  	s2 =	sld [smem:$0x3F9C];
	s0 =	simm.s32 @p1 $0x1  }
0x15: {  	[smem:$0x3FB9] =	sst s0;
	s0 =	simm.s32 @!p2 $0x0  }
0x16: {  	s3 =	sld [smem:$0x3FDB];
	s0 =	simm.s32 @p2 $0x1  }
0x17: {  	s4 =	simm.s32 $0x1BF5;
	[smem:$0x3FBB] =	sst s0  }
0x18: {  	s0 =	sld [smem:$0x3F9E];
	_ =	swait.ge [sflag:s4], $0x0  }
0x19: {  	s7 =	sld [smem:$0x3F9F]  }
0x1a: {  	s8 =	sadd.s32 $0xFFFFE003, lr  }
0x1b: {  	s9 =	sadd.s32 $0xFFFFFEF7, lr;
	s5 =	simm.s32 $0xFFFFFFFF;
	p2 =	slt.u32 s8, $0xFFFFF086  }
0x1c: {  	p1 =	slt.u32 s9, $0xF7A;
	s5 =	simm.s32 @!p2 $0x0  }
0x1d: {  	s5 =	simm.s32 @p1 $0x1;
	p0 =	seq.s32 s7, s2  }
0x1e: {  	s7 =	smul.u32 @!p0 $0xF7A, s2;
	p2 =	seq.s32 @!p0 s5, $0x0  }
0x1f: {  	s9 =	smul.u32 $0xF7A, s1;
	s8 =	simm.s32 @!p0 $0x1BF5;
	p2 =	por !p2, p0  }
0x20: {  	[sflag:s8] =	ssyncset.s32 @!p0 $0xFFFFF086;
	s6 =	sadd.s32 @!p0 s3, s7;
	s7 =	simm.s32 @!p0 $0x108  }
0x21: {  	s3 =	sadd.s32 s3, s9;
	s6 =	sadd.s32 @!p0 $0x88, s6;
	s7 =	simm.s32 @p2 $0x1082  }
0x22: {  	[simem:s7], [sflag:s8] =	dma.local @!p0 [hbm:s6], $0xF7A  }
0x23: {  	s9 =	sor.u32 $0xD0000000, s2;
	s6 =	simm.s32 $0x108;
	_ =	swait.ge @!p0 [sflag:s8], $0x0  }
0x24: {  	s3 =	sadd.s32 $0x88, s3;
	s6 =	simm.s32 @!p1 $0x1082;
	[sflag:s4] =	ssyncset.s32 $0xFFFFF086  }
0x25: {  	[simem:s6], [sflag:s4] =	dma.local [hbm:s3], $0xF7A  }
0x26: {  	[smem:$0x3F9F] =	sst s1;
	(tag) =	ssettag s2;
	_ =	strace s9  }
0x27: {  	s1 =	sld [smem:$0x3FAF]  }
0x28: {  	s2 =	sld [smem:$0x3FB0]  }
0x29: {  	s4 =	sld [smem:$0x3FB2]  }
0x2a: {  	p0 =	seq.s32 s5, $0x0;
	s5 =	sld [smem:$0x3FB3]  }
0x2b: {  	s6 =	sld [smem:$0x3FB4]  }
0x2c: {  	s7 =	sld [smem:$0x3FB5]  }
0x2d: {  	s3 =	simm.s32 $0x108;
	s8 =	sld [smem:$0x3FB6]  }
0x2e: {  	s3 =	simm.s32 @!p0 $0x1082;
	s9 =	sld [smem:$0x3FB7]  }
0x2f: {  	lr =	sadd.s32 s0, s3;
	s0 =	sld [smem:$0x3FAE]  }
0x30: {  	s3 =	sld [smem:$0x3FB1]  }
0x31: {  	[smem:$0x3FBA] =	sst s10  }
0x32: {  	s10 =	sld [smem:$0x3FB8];
	_ =	sdelay $0x3  }
0x33: {  	p0 =	seq.s32 s10, $0x1;
	s10 =	sld [smem:$0x3FBA];
	_ =	sdelay $0x3  }
0x34: {  	[smem:$0x3FBA] =	sst s10  }
0x35: {  	s10 =	sld [smem:$0x3FB9];
	_ =	sdelay $0x3  }
0x36: {  	p1 =	seq.s32 s10, $0x1;
	s10 =	sld [smem:$0x3FBA];
	_ =	sdelay $0x3  }
0x37: {  	[smem:$0x3FBA] =	sst s10  }
0x38: {  	s10 =	sld [smem:$0x3FBB]  }
0x39: {  	_ = 	snop;
	(pc) =	sbr.ind lr, $3  }
0x3a: {  	_ = 	snop  }
0x3b: {  	_ = 	snop  }
0x3c: {  	p2 =	seq.s32 s10, $0x1;
	s10 =	sld [smem:$0x3FBA]  }
0x3d: {  	_ =	shalt  }
0x3e: {  	_ =	shalt  }
0x3f: {  	_ =	shalt  }
0x40: {  	_ =	shalt  }
0x41: {  	_ =	shalt  }
0x42: {  	_ =	shalt  }
0x43: {  	_ =	shalt  }
0x44: {  	_ =	shalt  }
0x45: {  	_ =	shalt  }
0x46: {  	_ =	shalt  }
0x47: {  	_ =	shalt  }
0x48: {  	_ =	shalt  }
0x49: {  	_ =	shalt  }
0x4a: {  	_ =	shalt  }
0x4b: {  	_ =	shalt  }
0x4c: {  	_ =	shalt  }
0x4d: {  	_ =	shalt  }
0x4e: {  	_ =	shalt  }
0x4f: {  	_ =	shalt  }
0x50: {  	_ =	shalt  }
0x51: {  	_ =	shalt  }
0x52: {  	_ =	shalt  }
0x53: {  	_ =	shalt  }
0x54: {  	_ =	shalt  }
0x55: {  	_ =	shalt  }
0x56: {  	_ =	shalt  }
0x57: {  	_ =	shalt  }
0x58: {  	_ =	shalt  }
0x59: {  	_ =	shalt  }
0x5a: {  	_ =	shalt  }
0x5b: {  	_ =	shalt  }
0x5c: {  	_ =	shalt  }
0x5d: {  	_ =	shalt  }
0x5e: {  	_ =	shalt  }
0x5f: {  	_ =	shalt  }
0x60: {  	_ =	shalt  }
0x61: {  	_ =	shalt  }
0x62: {  	_ =	shalt  }
0x63: {  	_ =	shalt  }
0x64: {  	_ =	shalt  }
0x65: {  	_ =	shalt  }
0x66: {  	_ =	shalt  }
0x67: {  	_ =	shalt  }
0x68: {  	_ =	shalt  }
0x69: {  	_ =	shalt  }
0x6a: {  	_ =	shalt  }
0x6b: {  	_ =	shalt  }
0x6c: {  	_ =	shalt  }
0x6d: {  	_ =	shalt  }
0x6e: {  	_ =	shalt  }
0x6f: {  	_ =	shalt  }
0x70: {  	_ =	shalt  }
0x71: {  	_ =	shalt  }
0x72: {  	_ =	shalt  }
0x73: {  	_ =	shalt  }
0x74: {  	_ =	shalt  }
0x75: {  	_ =	shalt  }
0x76: {  	_ =	shalt  }
0x77: {  	_ =	shalt  }
0x78: {  	_ =	shalt  }
0x79: {  	_ =	shalt  }
0x7a: {  	_ =	shalt  }
0x7b: {  	_ =	shalt  }
0x7c: {  	_ =	shalt  }
0x7d: {  	_ =	shalt  }
0x7e: {  	_ =	shalt  }
0x7f: {  	_ =	shalt  }
0x80: {  	_ =	shalt  }
0x81: {  	_ =	shalt  }
0x82: {  	_ =	shalt  }
0x83: {  	_ =	shalt  }
0x84: {  	_ =	shalt  }
0x85: {  	_ =	shalt  }
0x86: {  	_ =	shalt  }
0x87: {  	_ =	shalt  }
.Lfunc_end0:
.L_simem_size_0:
called_computation_lowered:
.L_overlay_start_0:
0x88: {  	s2 =	sld [smem:$0x3FD9]  }
0x89: {  	s3 =	sld [smem:$0x3FFE];
	_ =	sdelay $0x1  }
0x8a: {  	s1 =	srdreg.scid  }
0x8b: {  	s0 =	sand.u32 $0x1, s1  }
0x8c: {  	s18 =	sshll.u32 s0, $0xA;
	s2 =	sadd.s32 s3, s2  }
0x8d: {  	s2 =	sadd.s32 s2, s18  }
0x8e: {  	[smem:$0x3FC6] =	sst s2  }
0x8f: {  	_ = 	snop  }
0x90: {  	s2 =	sld [smem:$0x3FC9]  }
0x91: {  	s19 =	sld [smem:$0x3FC8]  }
0x92: {  	s4 =	sld [smem:$0x3FD0];
	(tm) =	ssettm $0x1  }
0x93: {  	s5 =	sld [smem:$0x3FFB];
	_ =	sdelay $0x3  }
0x94: {  	_ =	strace s5  }
0x95: {  	s5 =	sld [smem:$0x3FFC];
	_ =	sdelay $0x3  }
0x96: {  	_ =	strace s5  }
0x97: {  	s5 =	sld [smem:$0x3FFD];
	_ =	sdelay $0x3  }
0x98: {  	_ =	strace s5  }
0x99: {  	_ =	strace $0x8FFFFFFF  }
0x9a: {  	s20 =	sld [smem:$0x3FDB];
	_ =	sdelay $0x1  }
0x9b: {  	s6 =	simm.s32 $_scs_section_size  }
0x9c: {  	s7 =	simm.s32 $_size__tile_overlayer_lowered;
	s8 =	simm.s32 $_tile_overlayer_lowered  }
0x9d: {  	s23 =	simm.s32 $0x1BFF;
	s22 =	sshll.u32 s8, $0x1;
	s5 =	sadd.s32 s6, s20  }
0x9e: {  	s9 =	simm.s32 $0x0;
	s21 =	sshll.u32 s7, $0x1;
	s7 =	sadd.s32 s22, s5  }
0x9f: {  	[timem:s9], [sflag:s23] =	dma.local [hbm:s7], s21  }
0xa0: {  	_ =	swait.ge [sflag:s23], s21  }
0xa1: {  	s6 =	ssub.s32 $0x0, s21;
	[sflag:s23] =	ssyncset.done $0x0  }
0xa2: {  	[sflag:s23] =	ssyncadd.s32 s6;
	_ =	sdelay $0x1  }
0xa3: {  	s24 =	simm.s32 $0x1B8B  }
0xa4: {  	_ =	swait.ge [sflag:s24], $0x1  }
0xa5: {  	[sflag:s24] =	ssyncset.done $0x0  }
0xa6: {  	s25 =	simm.s32 $0x1B8E;
	[sflag:s24] =	ssyncadd.s32 $0xFFFFFFFF  }
0xa7: {  	s26 =	simm.s32 $execute0_lowered;
	[smem:$0x3FD2] =	sst s25  }
0xa8: {  	s6 =	sshll.u32 s26, $0x1;
	_ =	strace $0x80000046;
	[dreg:$0x1] =	wrdreg $0xFFFFFFFF  }
0xa9: {  	s28 =	simm.s32 $_size_execute0_lowered;
	s5 =	sadd.s32 s5, s6;
	[dreg:$0x0] =	wrdreg $0x0  }
0xaa: {  	s6 =	sshll.u32 s28, $0x1;
	[dreg:$0x2] =	wrdreg s5  }
0xab: {  	[dreg:$0x3] =	wrdreg s6  }
0xac: {  	[dreg:$0x4] =	wrdreg $0xC0  }
0xad: {  	_ =	task [dreg:s9], $0x5FFFF  }
0xae: {  	[dreg:$0x1] =	wrdreg $0xFFFFFFFF  }
0xaf: {  	[dreg:$0x0] =	wrdreg $0x60  }
0xb0: {  	[dreg:$0x2] =	wrdreg s2  }
0xb1: {  	[dreg:$0x3] =	wrdreg s19  }
0xb2: {  	[dreg:$0x4] =	wrdreg s4  }
0xb3: {  	[dreg:$0x5] =	wrdreg $0x9  }
0xb4: {  	_ =	task.clear_ibuf [dreg:s9], $0x6FFFF;
	_ =	strace $0x90000046  }
0xb5: {  	s29 =	simm.s32 $0x9;
	_ =	strace $0x80000048  }
0xb6: {  	_ =	swait.ge [sflag:s29], $0x1  }
0xb7: {  	[sflag:s29] =	ssyncadd.s32 $0xFFFFFFFF  }
0xb8: {  	_ =	strace $0x90000048  }
0xb9: {  	_ =	sfence  }
0xba: {  	s30 =	sld [smem:$0x0];
	_ =	sdelay $0x2  }
0xbb: {  	s31 =	sshll.u32 s1, $0xD;
	s1 =	sshrl.u32 s1, $0x2  }
0xbc: {  	s3 =	sand.u32 $0x4000, s31;
	s1 =	sadd.s32 s1, s30  }
0xbd: {  	s0 =	sor.u32 s3, s0;
	s1 =	sshll.u32 s1, $0x11  }
0xbe: {  	s0 =	sor.u32 s1, s0  }
0xbf: {  	s0 =	sadd.s32 $0x8F2B, s0  }
0xc0: {  	[sflag:s0] =	ssyncadd.remote.s32 $0x1  }
0xc1: {  	_ =	sfence.sel $0xFFFF  }
0xc2: {  	[dreg:$0x0] =	wrdreg $0xFFFFFFFF;
	(pc) =	sbr.abs _section_cstart, $3  }
0xc3: {  	[dreg:$0x1] =	wrdreg $0xFFFFFFFF  }
0xc4: {  	_ =	task.clear_ibuf [dreg:s9], $0x2FFFF;
	_ =	strace $0x9FFFFFFF  }
0xc5: {  	(tm) =	ssettm $0x7FFFFFFF  }
tec
execute0_lowered:
.L_overlay_start_1:
0x0: {  	(tag) =	ssettag $0x1  }
0x1: {  	s0 =	srdreg.scid;
	s3 =	stileid.u32  }
0x2: {  	s1 =	rddreg [dreg:$0x0];
	s0 =	sand.u32 $0x1, s0;
	s3 =	sshll.u32 s3, $0x1  }
0x3: {  	s7 =	rddreg [dreg:$0x1];
	s3 =	sor.u32 s0, s3  }
0x4: {  	s2 =	rddreg [dreg:$0x2];
	s4 =	simm.s32 $0x0;
	s5 =	sshll.u32 s3, $0xA  }
0x5: {  	[smem:$0x7FF] =	sst s4;
	s26 =	sadd.s32 s7, s5  }
0x6: {  	_ =	strace $0x80000047;
	s8 =	sadd.s32 s1, s5;
	[dreg:$0x16] =	wrdreg s26  }
0x7: {  	s9 =	sadd.s32 $0x8000, s8;
	[dreg:$0x4] =	wrdreg s8  }
0x8: {  	s11 =	sadd.s32 $0x10000, s8;
	[dreg:$0x5] =	wrdreg s9  }
0x9: {  	s12 =	sadd.s32 $0x18000, s8;
	[dreg:$0x6] =	wrdreg s11  }
0xa: {  	v0 =	vlaneseq.u32;
	s13 =	sadd.s32 $0x20000, s8;
	[dreg:$0x7] =	wrdreg s12  }
0xb: {  	v2 =	vor.u32 $0x4C0003C0, v0;
	s14 =	sadd.s32 $0x28000, s8;
	[dreg:$0x8] =	wrdreg s13  }
0xc: {  	v1 =	vor.u32 $0x4C0000F0, v0;
	[tilespmem:$0x1FED0] =	vst v2;
	s15 =	sadd.s32 $0x30000, s8;
	[dreg:$0x9] =	wrdreg s14  }
0xd: {  	v15 =	vor.u32 $0x4C000B40, v0;
	[tilespmem:$0x1FF30] =	vst v1;
	s16 =	sadd.s32 $0x38000, s8;
	[dreg:$0xa] =	wrdreg s15  }
0xe: {  	v17 =	vor.u32 $0x4C000C30, v0;
	[tilespmem:$0x1FF50] =	vst v15;
	s17 =	sadd.s32 $0x40000, s8;
	[dreg:$0xb] =	wrdreg s16  }
0xf: {  	v18 =	vor.u32 $0x4C000D20, v0;
	[tilespmem:$0x1FF60] =	vst v17;
	s18 =	sadd.s32 $0x48000, s8;
	[dreg:$0xc] =	wrdreg s17  }
0x10: {  	v20 =	vor.u32 $0x4C000E10, v0;
	[tilespmem:$0x1FF70] =	vst v18;
	s19 =	sadd.s32 $0x50000, s8;
	[dreg:$0xd] =	wrdreg s18  }
0x11: {  	v13 =	vor.u32 $0x4C000F00, v0;
	s0 =	ssub.s32 $0x2, s0;
	[tilespmem:$0x1FF80] =	vst v20;
	s20 =	sadd.s32 $0x58000, s8;
	[dreg:$0xe] =	wrdreg s19  }
0x12: {  	v14 =	vor.u32 $0x4C000FF0, v0;
	[tilespmem:$0x1FF90] =	vst v13;
	s6 =	sshrl.u32 s0, $0x1;
	s21 =	sadd.s32 $0x60000, s8;
	[dreg:$0xf] =	wrdreg s20  }
0x13: {  	v11 =	vor.u32 $0x4C0010E0, v0;
	[tilespmem:$0x1FFA0] =	vst v14;
	s0 =	ssub.s32 s0, s6;
	s22 =	sadd.s32 $0x68000, s8;
	[dreg:$0x10] =	wrdreg s21  }
0x14: {  	v21 =	vor.u32 $0x4C0002D0, v0;
	[tilespmem:$0x1FFB0] =	vst v11;
	s6 =	sshll.u32 s3, $0x2;
	s23 =	sadd.s32 $0x70000, s8;
	[dreg:$0x11] =	wrdreg s22  }
0x15: {  	v4 =	vor.u32 $0x4C0001E0, v0;
	[tilespmem:$0x1FFC0] =	vst v21;
	s3 =	sshll.u32 s3, $0x7;
	s24 =	sadd.s32 $0x78000, s8;
	[dreg:$0x12] =	wrdreg s23  }
0x16: {  	v5 =	vor.u32 $0x4C000780, v0;
	[tilespmem:$0x1FFD0] =	vst v4;
	s2 =	sadd.s32 s2, s3;
	[dreg:$0x13] =	wrdreg s24  }
0x17: {  	v10 =	vor.u32 $0x4C000000, v0;
	[tilespmem:$0x1FFE0] =	vst v5;
	s25 =	sadd.s32 $0x80000, s8;
	[dreg:$0x14] =	wrdreg s2  }
0x18: {  	v2 =	vor.u32 $0x4C0004B0, v0;
	[tilespmem:$0x1FFF0] =	vst v10;
	s0 =	smax.u32 s0, $0x1;
	[dreg:$0x15] =	wrdreg s25  }
0x19: {  	[tilespmem:$0x1FEE0] =	vst v2;
	v2 =	vor.u32 $0x4C0005A0, v0;
	s28 =	sadd.s32 $0x88000, s8;
	[dreg:$0x17] =	wrdreg s0  }
0x1a: {  	s29 =	sadd.s32 $0x100, s1;
	[tilespmem:$0x1FEF0] =	vst v2;
	v2 =	vor.u32 $0x4C000690, v0;
	s31 =	sadd.s32 $0x90000, s8;
	[dreg:$0x18] =	wrdreg s28  }
0x1b: {  	s30 =	sadd.s32 $0x100, s7;
	[tilespmem:$0x1FF00] =	vst v2;
	v2 =	vor.u32 $0x4C000870, v0;
	s3 =	simm.s32 $0x0;
	[dreg:$0x19] =	wrdreg s31  }
0x1c: {  	[tilespmem:$0x1FF10] =	vst v2;
	v2 =	vor.u32 $0x4C000960, v0;
	s12 =	simm.s32 $0x11800;
	s13 =	simm.s32 $0x12000;
	s14 =	simm.s32 $0x12800  }
0x1d: {  	s15 =	simm.s32 $0x13000;
	s16 =	simm.s32 $0x13800;
	s17 =	simm.s32 $0x1;
	[tilespmem:$0x1FF20] =	vst v2;
	v2 =	vor.u32 $0x4C000A50, v0  }
0x1e: {  	v3 =	vimm.f32 $0.0e+00;
	v19 =	vimm.f32 $1.000000000e+00;
	s18 =	simm.s32 $0x14800;
	s19 =	simm.s32 $0x15A00;
	s20 =	simm.s32 $0x2;
	[tilespmem:$0x1FF40] =	vst v2  }
.LBB2_1:
0x1f: {  	[dreg:$0x1a] =	wrdreg s3;
	s2 =	simm.s32 $0x14820  }
0x20: {  	[tilespmem:s2+$0xFFFFFFF0] =	vst v3  }
0x21: {  	[tilespmem:s2+$0x0] =	vst v3  }
0x22: {  	[tilespmem:s2+$0x10] =	vst v3  }
0x23: {  	s0 =	simm.s32 $0x15A20;
	[tilespmem:s2+$0xFFFFFFE0] =	vst v3  }
0x24: {  	[tilespmem:s0+$0xFFFFFFF0] =	vst v3  }
0x25: {  	[tilespmem:s0+$0x0] =	vst v3  }
0x26: {  	[tilespmem:s0+$0x10] =	vst v3  }
0x27: {  	s3 =	simm.s32 $0x14860;
	s2 =	simm.s32 $0x0;
	[tilespmem:s0+$0xFFFFFFE0] =	vst v3  }
.LBB2_2:
0x28: {  	[tilespmem:s3+$0xFFFFFFF0] =	vst v3;
	s0 =	sadd.s32 $0x40, s0  }
0x29: {  	s2 =	sadd.s32 $0x4, s2;
	[tilespmem:s0+$0xFFFFFFF0] =	vst v3  }
0x2a: {  	p0 =	slt.u32 s2, $0x11C;
	[tilespmem:s3+$0x0] =	vst v3  }
.Ltmp0:
0x2b: {  	[tilespmem:s0+$0x0] =	vst v3;
	(pc) =	sbr.rel @p0 .LBB2_2-.Ltmp0, $4  }
0x2c: {  	[tilespmem:s3+$0x10] =	vst v3  }
0x2d: {  	[tilespmem:s0+$0x10] =	vst v3  }
0x2e: {  	[tilespmem:s3+$0xFFFFFFE0] =	vst v3  }
0x2f: {  	s3 =	sadd.s32 $0x40, s3;
	[tilespmem:s0+$0xFFFFFFE0] =	vst v3  }
0x30: {  	s21 =	simm.s32 $0x0;
	s0 =	rddreg [dreg:$0x4]  }
0x31: {  	[tilespmem:s21], [sflag:$0x1] =	stream.linear.gather [hbm4b:s0+s21], $0x800, $0x38;
	[tilespmem:$0x17000] =	vst v63  }
0x32: {  	s10 =	rddreg [dreg:$0x5];
	s2 =	simm.s32 $0x800  }
0x33: {  	[tilespmem:s2], [sflag:$0x1] =	stream.linear.gather [hbm4b:s10+s21], $0x800, $0x38;
	[tilespmem:$0x17000] =	vst v63  }
0x34: {  	s11 =	rddreg [dreg:$0x6];
	s22 =	simm.s32 $0x1000  }
0x35: {  	[tilespmem:s22], [sflag:$0x1] =	stream.linear.gather [hbm4b:s11+s21], $0x800, $0x38;
	[tilespmem:$0x17000] =	vst v63  }
0x36: {  	s23 =	rddreg [dreg:$0x7];
	s24 =	simm.s32 $0x1800  }
0x37: {  	[tilespmem:s24], [sflag:$0x1] =	stream.linear.gather [hbm4b:s23+s21], $0x800, $0x38;
	[tilespmem:$0x17000] =	vst v63  }
0x38: {  	s25 =	rddreg [dreg:$0x8];
	s26 =	simm.s32 $0x2000  }
0x39: {  	[tilespmem:s26], [sflag:$0x1] =	stream.linear.gather [hbm4b:s25+s21], $0x800, $0x38;
	[tilespmem:$0x17000] =	vst v63  }
0x3a: {  	s28 =	rddreg [dreg:$0x9];
	s31 =	simm.s32 $0x2800  }
0x3b: {  	[tilespmem:s31], [sflag:$0x1] =	stream.linear.gather [hbm4b:s28+s21], $0x800, $0x38;
	[tilespmem:$0x17000] =	vst v63  }
0x3c: {  	s3 =	rddreg [dreg:$0xa];
	s5 =	simm.s32 $0x3000  }
0x3d: {  	[tilespmem:s5], [sflag:$0x1] =	stream.linear.gather [hbm4b:s3+s21], $0x800, $0x38;
	[tilespmem:$0x17000] =	vst v63  }
0x3e: {  	s7 =	rddreg [dreg:$0xb];
	s8 =	simm.s32 $0x3800  }
0x3f: {  	[tilespmem:s8], [sflag:$0x1] =	stream.linear.gather [hbm4b:s7+s21], $0x800, $0x38;
	[tilespmem:$0x17000] =	vst v63  }
0x40: {  	s9 =	rddreg [dreg:$0xc];
	s10 =	simm.s32 $0x4000  }
0x41: {  	[tilespmem:s10], [sflag:$0x1] =	stream.linear.gather [hbm4b:s9+s21], $0x800, $0x38;
	[tilespmem:$0x17000] =	vst v63  }
0x42: {  	s11 =	rddreg [dreg:$0xd];
	s22 =	simm.s32 $0x4800  }
0x43: {  	[tilespmem:s22], [sflag:$0x1] =	stream.linear.gather [hbm4b:s11+s21], $0x800, $0x38;
	[tilespmem:$0x17000] =	vst v63  }
0x44: {  	s23 =	rddreg [dreg:$0xe];
	s24 =	simm.s32 $0x5000  }
0x45: {  	[tilespmem:s24], [sflag:$0x1] =	stream.linear.gather [hbm4b:s23+s21], $0x800, $0x38;
	[tilespmem:$0x17000] =	vst v63  }
0x46: {  	s25 =	rddreg [dreg:$0xf];
	s26 =	simm.s32 $0x5800  }
0x47: {  	[tilespmem:s26], [sflag:$0x1] =	stream.linear.gather [hbm4b:s25+s21], $0x800, $0x38;
	[tilespmem:$0x17000] =	vst v63  }
0x48: {  	s28 =	rddreg [dreg:$0x10];
	s31 =	simm.s32 $0x6000  }
0x49: {  	[tilespmem:s31], [sflag:$0x1] =	stream.linear.gather [hbm4b:s28+s21], $0x800, $0x38;
	[tilespmem:$0x17000] =	vst v63  }
0x4a: {  	s3 =	rddreg [dreg:$0x11];
	s5 =	simm.s32 $0x6800  }
0x4b: {  	[tilespmem:s5], [sflag:$0x1] =	stream.linear.gather [hbm4b:s3+s21], $0x800, $0x38;
	[tilespmem:$0x17000] =	vst v63  }
0x4c: {  	s7 =	rddreg [dreg:$0x12];
	s8 =	simm.s32 $0x7000  }
0x4d: {  	[tilespmem:s8], [sflag:$0x1] =	stream.linear.gather [hbm4b:s7+s21], $0x800, $0x38;
	[tilespmem:$0x17000] =	vst v63  }
0x4e: {  	s9 =	rddreg [dreg:$0x13];
	s10 =	simm.s32 $0x7800  }
0x4f: {  	[tilespmem:s10], [sflag:$0x1] =	stream.linear.gather [hbm4b:s9+s21], $0x800, $0x38;
	[tilespmem:$0x17000] =	vst v63  }
0x50: {  	s11 =	rddreg [dreg:$0x15];
	s22 =	simm.s32 $0x8000  }
0x51: {  	[tilespmem:s22], [sflag:$0x1] =	stream.linear.gather [hbm4b:s11+s21], $0x800, $0x38;
	[tilespmem:$0x17000] =	vst v63  }
0x52: {  	s23 =	rddreg [dreg:$0x18];
	s24 =	simm.s32 $0x8800  }
0x53: {  	[tilespmem:s24], [sflag:$0x1] =	stream.linear.gather [hbm4b:s23+s21], $0x800, $0x38;
	[tilespmem:$0x17000] =	vst v63  }
0x54: {  	s25 =	rddreg [dreg:$0x19];
	s26 =	simm.s32 $0x9000  }
0x55: {  	[tilespmem:s26], [sflag:$0x1] =	stream.linear.gather [hbm4b:s25+s21], $0x800, $0x38;
	[tilespmem:$0x17000] =	vst v63  }
0x56: {  	s28 =	rddreg [dreg:$0x16];
	s31 =	simm.s32 $0x9800;
	s22 =	simm.s32 $0x0  }
0x57: {  	[tilespmem:s31], [sflag:$0x1] =	stream.linear.gather [hbm4b:s28+s21], $0x800, $0x38;
	[tilespmem:$0x17000] =	vst v63  }
.LBB2_4:
0x58: {  	s23 =	sshll.u32 s22, $0x1  }
0x59: {  	s0 =	sshrl.u32 s22, $0x1;
	s2 =	sand.u32 $0x2, s23  }
0x5a: {  	s3 =	smul.u32 $0x4C0000, s0;
	s2 =	sor.u32 s6, s2  }
0x5b: {  	s2 =	sshll.u32 s2, $0xB  }
0x5c: {  	s3 =	sor.u32 s3, s2  }
0x5d: {  	s3 =	sshrl.u32 s3, $0x3  }
0x5e: {  	s7 =	simm.s32 $0xA000;
	s5 =	sadd.s32 s3, s29;
	s3 =	sadd.s32 s1, s3  }
0x5f: {  	[tilespmem:s7], [sflag:$0x2] =	stream.linear.gather [hbm4b:s5+s21], $0x800, $0x38;
	[tilespmem:$0x17000] =	vst v63  }
0x60: {  	s31 =	simm.s32 $0xA800;
	s28 =	sadd.s32 $0x8100, s3  }
0x61: {  	[tilespmem:s31], [sflag:$0x2] =	stream.linear.gather [hbm4b:s28+s21], $0x800, $0x38;
	[tilespmem:$0x17000] =	vst v63  }
0x62: {  	s8 =	simm.s32 $0xB000;
	s7 =	sadd.s32 $0x10100, s3  }
0x63: {  	[tilespmem:s8], [sflag:$0x2] =	stream.linear.gather [hbm4b:s7+s21], $0x800, $0x38;
	[tilespmem:$0x17000] =	vst v63  }
0x64: {  	s10 =	simm.s32 $0xB800;
	s9 =	sadd.s32 $0x18100, s3  }
0x65: {  	[tilespmem:s10], [sflag:$0x2] =	stream.linear.gather [hbm4b:s9+s21], $0x800, $0x38;
	[tilespmem:$0x17000] =	vst v63  }
0x66: {  	s24 =	simm.s32 $0xC000;
	s11 =	sadd.s32 $0x20100, s3  }
0x67: {  	[tilespmem:s24], [sflag:$0x2] =	stream.linear.gather [hbm4b:s11+s21], $0x800, $0x38;
	[tilespmem:$0x17000] =	vst v63  }
0x68: {  	s26 =	simm.s32 $0xC800;
	s25 =	sadd.s32 $0x28100, s3  }
0x69: {  	[tilespmem:s26], [sflag:$0x2] =	stream.linear.gather [hbm4b:s25+s21], $0x800, $0x38;
	[tilespmem:$0x17000] =	vst v63  }
0x6a: {  	s28 =	sadd.s32 $0x30100, s3;
	s31 =	simm.s32 $0xD000  }
0x6b: {  	[tilespmem:s31], [sflag:$0x2] =	stream.linear.gather [hbm4b:s28+s21], $0x800, $0x38;
	[tilespmem:$0x17000] =	vst v63  }
0x6c: {  	s7 =	sadd.s32 $0x38100, s3;
	s8 =	simm.s32 $0xD800  }
0x6d: {  	[tilespmem:s8], [sflag:$0x2] =	stream.linear.gather [hbm4b:s7+s21], $0x800, $0x38;
	[tilespmem:$0x17000] =	vst v63  }
0x6e: {  	s9 =	sadd.s32 $0x40100, s3;
	s10 =	simm.s32 $0xE000  }
0x6f: {  	[tilespmem:s10], [sflag:$0x2] =	stream.linear.gather [hbm4b:s9+s21], $0x800, $0x38;
	[tilespmem:$0x17000] =	vst v63  }
0x70: {  	s11 =	sadd.s32 $0x48100, s3;
	s24 =	simm.s32 $0xE800  }
0x71: {  	[tilespmem:s24], [sflag:$0x2] =	stream.linear.gather [hbm4b:s11+s21], $0x800, $0x38;
	[tilespmem:$0x17000] =	vst v63  }
0x72: {  	s25 =	sadd.s32 $0x50100, s3;
	s26 =	simm.s32 $0xF000  }
0x73: {  	[tilespmem:s26], [sflag:$0x2] =	stream.linear.gather [hbm4b:s25+s21], $0x800, $0x38;
	[tilespmem:$0x17000] =	vst v63  }
0x74: {  	s28 =	sadd.s32 $0x58100, s3;
	s31 =	simm.s32 $0xF800  }
0x75: {  	[tilespmem:s31], [sflag:$0x2] =	stream.linear.gather [hbm4b:s28+s21], $0x800, $0x38;
	[tilespmem:$0x17000] =	vst v63  }
0x76: {  	s8 =	sadd.s32 $0x60100, s3;
	s9 =	simm.s32 $0x10000  }
0x77: {  	[tilespmem:s9], [sflag:$0x2] =	stream.linear.gather [hbm4b:s8+s21], $0x800, $0x38;
	[tilespmem:$0x17000] =	vst v63  }
0x78: {  	s10 =	sadd.s32 $0x68100, s3;
	s11 =	simm.s32 $0x10800  }
0x79: {  	[tilespmem:s11], [sflag:$0x2] =	stream.linear.gather [hbm4b:s10+s21], $0x800, $0x38;
	[tilespmem:$0x17000] =	vst v63  }
0x7a: {  	s24 =	sadd.s32 $0x70100, s3;
	s25 =	simm.s32 $0x11000  }
0x7b: {  	[tilespmem:s25], [sflag:$0x2] =	stream.linear.gather [hbm4b:s24+s21], $0x800, $0x38;
	[tilespmem:$0x17000] =	vst v63  }
0x7c: {  	s26 =	sadd.s32 $0x78100, s3  }
0x7d: {  	[tilespmem:s12], [sflag:$0x2] =	stream.linear.gather [hbm4b:s26+s21], $0x800, $0x38;
	[tilespmem:$0x17000] =	vst v63  }
0x7e: {  	s0 =	sshll.u32 s0, $0x12;
	s28 =	sadd.s32 $0x80100, s3  }
0x7f: {  	[tilespmem:s13], [sflag:$0x2] =	stream.linear.gather [hbm4b:s28+s21], $0x800, $0x38;
	[tilespmem:$0x17000] =	vst v63  }
0x80: {  	s0 =	sor.u32 s0, s2;
	s31 =	sadd.s32 $0x88100, s3  }
0x81: {  	[tilespmem:s14], [sflag:$0x2] =	stream.linear.gather [hbm4b:s31+s21], $0x800, $0x38;
	[tilespmem:$0x17000] =	vst v63  }
0x82: {  	s0 =	sshrl.u32 s0, $0x3;
	s3 =	sadd.s32 $0x90100, s3  }
0x83: {  	[tilespmem:s15], [sflag:$0x2] =	stream.linear.gather [hbm4b:s3+s21], $0x800, $0x38;
	[tilespmem:$0x17000] =	vst v63  }
0x84: {  	s0 =	sadd.s32 s0, s30  }
0x85: {  	[tilespmem:s16], [sflag:$0x2] =	stream.linear.gather [hbm4b:s0+s21], $0x800, $0x38;
	[tilespmem:$0x17000] =	vst v63  }
0x86: {  	_ =	swait.ge [sflag:s17], $0x9800  }
0x87: {  	[sflag:s17] =	ssyncset.done $0x0  }
0x88: {  	[sflag:s17] =	ssyncadd.s32 $0xFFFF6800  }
0x89: {  	s7 =	sand.u32 $0x400, s21;
	s8 =	sand.u32 $0x380, s21;
	_ =	swait.ge [sflag:s17], $0x800  }
0x8a: {  	s9 =	sand.u32 $0x70, s21;
	s0 =	sor.u32 s8, s7;
	[sflag:s17] =	ssyncset.done $0x0  }
0x8b: {  	s24 =	sor.u32 s9, s0;
	[sflag:s17] =	ssyncadd.s32 $0xFFFFF800  }
0x8c: {  	v0 =	vld [tilespmem:s24+$0x3000]  }
0x8d: {  	v22 =	vld [tilespmem:s24+$0x2000]  }
0x8e: {  	v23 =	vld [tilespmem:s24+$0x1000]  }
0x8f: {  	v24 =	vld [tilespmem:s24+$0x800]  }
0x90: {  	v25 =	vld [tilespmem:s24+$0x1800]  }
0x91: {  	s10 =	simm.s32 $0x8;
	s11 =	simm.s32 $0x80;
	v26 =	vld [tilespmem:s24+$0x0]  }
0x92: {  	s2 =	sand.u32 $0x400, s11;
	s25 =	simm.s32 $0x10;
	s0 =	sand.u32 $0x380, s10;
	v27 =	vld [tilespmem:s24+$0x3800]  }
0x93: {  	s3 =	sand.u32 $0x70, s25;
	s0 =	sor.u32 s0, s2;
	v28 =	vld [tilespmem:s24+$0x2800]  }
0x94: {  	s25 =	sor.u32 s3, s0;
	v29 =	vld [tilespmem:s24+$0x4000]  }
0x95: {  	v36 =	vld [tilespmem:s25+$0x3800]  }
0x96: {  	v37 =	vld [tilespmem:s25+$0x2800]  }
0x97: {  	v38 =	vld [tilespmem:s25+$0x4000];
	v23 =	vmul.f32 $1.442695020e+00, v23;
	v24 =	vmul.f32 $1.442695020e+00, v24  }
0x98: {  	v35 =	vld [tilespmem:s25+$0x1800];
	v22 =	vmul.f32 $1.442695020e+00, v22;
	v0 =	vmul.f32 $1.442695020e+00, v0  }
0x99: {  	v39 =	vld [tilespmem:s25+$0x4800];
	v27 =	vmul.f32 $1.442695020e+00, v27;
	v28 =	vmul.f32 $1.442695020e+00, v28  }
0x9a: {  	v40 =	vld [tilespmem:s25+$0x5000];
	v25 =	vmul.f32 $1.442695020e+00, v25;
	v29 =	vmul.f32 $1.442695020e+00, v29  }
0x9b: {  	v31 =	vld [tilespmem:s24+$0x5000];
	v26 =	vmul.f32 $1.442695020e+00, v26;
	v36 =	vmul.f32 $1.442695020e+00, v36  }
0x9c: {  	v41 =	vld [tilespmem:s25+$0x5800];
	v37 =	vmul.f32 $1.442695020e+00, v37;
	v38 =	vmul.f32 $1.442695020e+00, v38  }
0x9d: {  	v30 =	vld [tilespmem:s24+$0x4800];
	v35 =	vmul.f32 $1.442695020e+00, v35;
	(erf) = vpow2.f32 v24  }
0x9e: {  	v32 =	vld [tilespmem:s24+$0x5800];
	v39 =	vmul.f32 $1.442695020e+00, v39;
	(erf) = vpow2.f32 v25  }
0x9f: {  	v33 =	vld [tilespmem:s24+$0x6000];
	v40 =	vmul.f32 $1.442695020e+00, v40;
	(erf) = vpow2.f32 v23  }
0xa0: {  	v25 =	vmul.f32 $1.442695020e+00, v31;
	v31 =	vld [tilespmem:s24+$0x7800];
	(erf) = vpow2.f32 v27  }
0xa1: {  	v42 =	vld [tilespmem:s25+$0x6000];
	v41 =	vmul.f32 $1.442695020e+00, v41;
	(erf) = vpow2.f32 v28  }
0xa2: {  	v24 =	vmul.f32 $1.442695020e+00, v30;
	v28 =	vld [tilespmem:s24+$0x9000];
	(erf) = vpow2.f32 v22  }
0xa3: {  	v50 =	vld [tilespmem:s24+$0x8800];
	v23 =	vmul.f32 $1.442695020e+00, v32;
	(erf) = vpow2.f32 v0  }
0xa4: {  	v34 =	vld [tilespmem:s24+$0x6800];
	v27 =	vmul.f32 $1.442695020e+00, v33;
	(erf) = vpow2.f32 v26  }
0xa5: {  	v30 =	vld [tilespmem:s24+$0x7000];
	v26 =	vmul.f32 $1.442695020e+00, v31;
	(erf) = vpow2.f32 v25  }
0xa6: {  	v49 =	vld [tilespmem:s24+$0x8000];
	v55 =	vmul.f32 $1.442695020e+00, v42;
	(erf) = vpow2.f32 v29;
	v29 =	vpop (erf)  }
0xa7: {  	v44 =	vld [tilespmem:s25+$0x7000];
	v28 =	vmul.f32 $1.442695020e+00, v28;
	(erf) = vpow2.f32 v26;
	v52 =	vpop (erf)  }
0xa8: {  	s26 =	simm.s32 $0x10;
	s28 =	simm.s32 $0x100;
	v45 =	vld [tilespmem:s25+$0x0];
	v33 =	vmul.f32 $1.442695020e+00, v50;
	(erf) = vpow2.f32 v23;
	v23 =	vpop (erf)  }
0xa9: {  	s31 =	simm.s32 $0x20;
	s2 =	sand.u32 $0x400, s28;
	s0 =	sand.u32 $0x380, s26;
	v22 =	vmul.f32 $1.442695020e+00, v34;
	v31 =	vld [tilespmem:s25+$0x800];
	(erf) = vpow2.f32 v27;
	v27 =	vpop (erf)  }
0xaa: {  	s3 =	sand.u32 $0x70, s31;
	s0 =	sor.u32 s0, s2;
	v56 =	vld [tilespmem:s25+$0x8800];
	v0 =	vmul.f32 $1.442695020e+00, v30;
	(erf) = vpow2.f32 v33;
	v53 =	vpop (erf)  }
0xab: {  	s26 =	sor.u32 s3, s0;
	v30 =	vld [tilespmem:s25+$0x1000];
	v26 =	vmul.f32 $1.442695020e+00, v49;
	(erf) = vpow2.f32 v28;
	v28 =	vpop (erf)  }
0xac: {  	v15 =	vld [tilespmem:s26+$0x1800];
	v44 =	vmul.f32 $1.442695020e+00, v44;
	(erf) = vpow2.f32 v24;
	v24 =	vpop (erf)  }
0xad: {  	v45 =	vmul.f32 $1.442695020e+00, v45;
	v25 =	vld [tilespmem:s25+$0x2000];
	(erf) = vpow2.f32 v22;
	v22 =	vpop (erf)  }
0xae: {  	v31 =	vmul.f32 $1.442695020e+00, v31;
	(erf) = vpow2.f32 v0;
	v0 =	vpop (erf)  }
0xaf: {  	v51 =	vld [tilespmem:s25+$0x3000];
	v62 =	vmul.f32 $1.442695020e+00, v56;
	(erf) = vpow2.f32 v26;
	v26 =	vpop (erf)  }
0xb0: {  	v63 =	vld [tilespmem:s26+$0x1000];
	v30 =	vmul.f32 $1.442695020e+00, v30;
	v46 =	vpop (erf);
	(erf) = vpow2.f32 v31  }
0xb1: {  	v50 =	vmul.f32 $1.442695020e+00, v15;
	v31 =	vld [tilespmem:s25+$0x7800];
	v47 =	vpop (erf);
	(erf) = vpow2.f32 v35  }
0xb2: {  	v43 =	vld [tilespmem:s25+$0x6800];
	v25 =	vmul.f32 $1.442695020e+00, v25;
	v28 =	vadd.f32 v53, v28;
	v54 =	vpop (erf);
	(erf) = vpow2.f32 v30  }
0xb3: {  	v57 =	vld [tilespmem:s25+$0x9000];
	v24 =	vadd.f32 v27, v24;
	v22 =	vadd.f32 v29, v22;
	v27 =	vpop (erf);
	(erf) = vpow2.f32 v36  }
0xb4: {  	v34 =	vmul.f32 $1.442695020e+00, v51;
	v23 =	vadd.f32 v52, v23;
	v58 =	vpop (erf);
	(erf) = vpow2.f32 v37  }
0xb5: {  	v29 =	vld [tilespmem:s25+$0x8000];
	v24 =	vadd.f32 v24, v28;
	v28 =	vmul.f32 $1.442695020e+00, v63;
	v59 =	vpop (erf);
	(erf) = vpow2.f32 v25  }
0xb6: {  	v1 =	vld [tilespmem:$0x1FF30];
	v23 =	vadd.f32 v23, v22;
	v25 =	vmul.f32 $1.442695020e+00, v31;
	v31 =	vpop (erf);
	(erf) = vpow2.f32 v34  }
0xb7: {  	v60 =	vld [tilespmem:s26+$0x3000];
	v30 =	vmul.f32 $1.442695020e+00, v43;
	v0 =	vadd.f32 v47, v0;
	v22 =	vpop (erf);
	(erf) = vpow2.f32 v45  }
0xb8: {  	v13 =	vld [tilespmem:s26+$0x800];
	v43 =	vmul.f32 $1.442695020e+00, v57;
	v26 =	vadd.f32 v59, v26;
	v12 =	vpop (erf);
	(erf) = vpow2.f32 v40  }
0xb9: {  	v61 =	vld [tilespmem:s26+$0x2000];
	v31 =	vadd.f32 v31, v54;
	v40 =	vadd.f32 v46, v22;
	v14 =	vpop (erf);
	(erf) = vpow2.f32 v38  }
0xba: {  	v52 =	vpop (erf);
	(erf) = vpow2.f32 v25;
	v25 =	vmul.f32 $1.442695020e+00, v29;
	v29 =	vld [tilespmem:s26+$0x3800]  }
0xbb: {  	v0 =	vadd.f32 v0, v26;
	v26 =	vadd.f32 v40, v31;
	v31 =	vld [tilespmem:s26+$0x2800];
	v48 =	vpop (erf);
	(erf) = vpow2.f32 v41  }
0xbc: {  	v23 =	vadd.f32 v24, v23;
	v24 =	vld [tilespmem:s26+$0x4000];
	v27 =	vadd.f32 v27, v12;
	v53 =	vpop (erf);
	(erf) = vpow2.f32 v55  }
0xbd: {  	v56 =	vld [tilespmem:s26+$0x4800];
	v54 =	vmul.f32 $1.442695020e+00, v13;
	v0 =	vadd.f32 v26, v0;
	v55 =	vpop (erf);
	(erf) = vpow2.f32 v62  }
0xbe: {  	v36 =	vadd.f32 v58, v27;
	v27 =	vmul.f32 $1.442695020e+00, v60;
	v58 =	vld [tilespmem:s26+$0x5000];
	v57 =	vpop (erf);
	(erf) = vpow2.f32 v43  }
0xbf: {  	v60 =	vld [tilespmem:s26+$0x5800];
	v26 =	vmul.f32 $1.442695020e+00, v61;
	v0 =	vadd.f32 v0, v23;
	v59 =	vpop (erf);
	(erf) = vpow2.f32 v39  }
0xc0: {  	v42 =	vld [tilespmem:s26+$0x6800];
	v38 =	vmul.f32 $1.442695020e+00, v29;
	v39 =	vmul.f32 $1.442695020e+00, v31;
	v61 =	vpop (erf)  }
0xc1: {  	v62 =	vld [tilespmem:s26+$0x6000];
	(erf) = vpow2.f32 v30;
	v49 =	vadd.f32 v36, v0;
	v0 =	vmul.f32 $1.442695020e+00, v24;
	v31 =	vpop (erf)  }
0xc2: {  	v32 =	vld [tilespmem:s26+$0x8000];
	v24 =	vmul.f32 $1.442695020e+00, v56;
	(erf) = vpow2.f32 v44;
	v30 =	vpop (erf)  }
0xc3: {  	v45 =	vld [tilespmem:s26+$0x8800];
	v37 =	vadd.f32 v52, v48;
	v40 =	vmul.f32 $1.442695020e+00, v58;
	(erf) = vpow2.f32 v25;
	v29 =	vpop (erf)  }
0xc4: {  	v43 =	vld [tilespmem:s26+$0x7000];
	v23 =	vadd.f32 v55, v57;
	v34 =	vmul.f32 $1.442695020e+00, v60;
	(erf) = vpow2.f32 v54;
	v63 =	vpop (erf)  }
0xc5: {  	v33 =	vadd.f32 v14, v61;
	v44 =	vld [tilespmem:s26+$0x7800];
	v25 =	vadd.f32 v53, v59;
	(erf) = vrcp.f32 v49;
	v36 =	vpop (erf)  }
0xc6: {  	s5 =	simm.s32 $0x18;
	s2 =	simm.s32 $0x180;
	s0 =	simm.s32 $0x30;
	v22 =	vld [tilespmem:s26+$0x0];
	v35 =	vmul.f32 $1.442695020e+00, v62;
	v31 =	vadd.f32 v63, v31;
	(erf) = vpow2.f32 v50;
	v41 =	vpop (erf)  }
.LBB2_5:
0xc7: {  	s3 =	smov.u32 s5  }
0xc8: {  	s7 =	sand.u32 $0x400, s2;
	s8 =	sand.u32 $0x380, s5;
	v42 =	vmul.f32 $1.442695020e+00, v42;
	v46 =	vld [tilespmem:s26+$0x9000];
	(erf) = vpow2.f32 v28;
	v47 =	vpop (erf);
	s3 =	sadd.s32 $0x8, s5  }
0xc9: {  	s28 =	sand.u32 $0x70, s0;
	p0 =	sne.s32 s5, $0x3F8;
	s7 =	sor.u32 s8, s7;
	v43 =	vmul.f32 $1.442695020e+00, v43;
	(erf) = vpow2.f32 v38;
	v28 =	vpop (erf)  }
0xca: {  	s5 =	sor.u32 s28, s7;
	v38 =	vmul.f32 $1.442695020e+00, v44;
	(erf) = vpow2.f32 v39;
	v39 =	vpop (erf)  }
0xcb: {  	v22 =	vmul.f32 $1.442695020e+00, v22;
	v44 =	vld [tilespmem:s5+$0x3000];
	(erf) = vpow2.f32 v26;
	v26 =	vadd.f32 v37, v33;
	v33 =	vpop (erf)  }
0xcc: {  	v45 =	vmul.f32 $1.442695020e+00, v45;
	v37 =	vld [tilespmem:s5+$0x2000];
	(erf) = vpow2.f32 v27;
	v27 =	vadd.f32 v28, v30;
	v28 =	vpop (erf)  }
0xcd: {  	v46 =	vmul.f32 $1.442695020e+00, v46;
	v30 =	vld [tilespmem:s5+$0x1000];
	(erf) = vpow2.f32 v22;
	v41 =	vadd.f32 v41, v28  }
0xce: {  	v2 =	vadd.f32 v29, v33;
	v28 =	vadd.f32 v39, v36;
	v48 =	vld [tilespmem:s5+$0x800];
	v49 =	vpop (erf);
	(erf) = vpow2.f32 v40  }
0xcf: {  	v36 =	vld [tilespmem:s5+$0x1800];
	(erf) = vpow2.f32 v0;
	v0 =	vadd.f32 v25, v23;
	v23 =	vadd.f32 v31, v27;
	v25 =	vpop (erf)  }
0xd0: {  	v31 =	vmul.f32 $1.442695020e+00, v32;
	v27 =	vadd.f32 v2, v28;
	v22 =	vld [tilespmem:s5+$0x0];
	v32 =	vpop (erf);
	(erf) = vpow2.f32 v38;
	[tilespmem:s24+$0x14000] =	vst v25;
	s24 =	smov.u32 s25;
	s25 =	smov.u32 s26;
	s26 =	smov.u32 s5  }
0xd1: {  	v25 =	vld [tilespmem:s26+$0x3800];
	v29 =	vpop (erf);
	(erf) = vpow2.f32 v34;
	v0 =	vadd.f32 v0, v26  }
0xd2: {  	v23 =	vadd.f32 v27, v23;
	v28 =	vmul.f32 $1.442695020e+00, v30;
	v30 =	vld [tilespmem:s26+$0x2800];
	v33 =	vpop (erf);
	(erf) = vpow2.f32 v35  }
0xd3: {  	v39 =	vadd.f32 v47, v41;
	v34 =	vmul.f32 $1.442695020e+00, v48;
	v35 =	vld [tilespmem:s26+$0x4000];
	v38 =	vpop (erf);
	(erf) = vpow2.f32 v45  }
0xd4: {  	v26 =	vmul.f32 $1.442695020e+00, v37;
	v0 =	vadd.f32 v23, v0;
	v37 =	vld [tilespmem:s26+$0x4800];
	v40 =	vpop (erf);
	(erf) = vpow2.f32 v46  }
0xd5: {  	v27 =	vmul.f32 $1.442695020e+00, v44;
	v41 =	vld [tilespmem:s26+$0x5000];
	v23 =	vadd.f32 v38, v40;
	v40 =	vpop (erf);
	(erf) = vpow2.f32 v24  }
0xd6: {  	v46 =	vadd.f32 v39, v0;
	v38 =	vmul.f32 $1.442695020e+00, v25;
	v45 =	vld [tilespmem:s26+$0x5800];
	v24 =	vpop (erf);
	(erf) = vpow2.f32 v42  }
0xd7: {  	v25 =	vadd.f32 v33, v40;
	v39 =	vmul.f32 $1.442695020e+00, v30;
	v47 =	vld [tilespmem:s26+$0x6000];
	v48 =	vpop (erf);
	(erf) = vpow2.f32 v43  }
.Ltmp1:
0xd8: {  	v33 =	vadd.f32 v49, v24;
	v0 =	vmul.f32 $1.442695020e+00, v35;
	v42 =	vld [tilespmem:s26+$0x6800];
	v30 =	vpop (erf);
	(erf) = vpow2.f32 v31;
	(pc) =	sbr.rel @p0 .LBB2_5-.Ltmp1, $4  }
0xd9: {  	v49 =	vmul.f32 $1.442695020e+00, v36;
	v24 =	vmul.f32 $1.442695020e+00, v37;
	v43 =	vld [tilespmem:s26+$0x7000];
	v37 =	vadd.f32 v32, v29;
	v29 =	vpop (erf)  }
0xda: {  	v40 =	vmul.f32 $1.442695020e+00, v41;
	v44 =	vld [tilespmem:s26+$0x7800];
	(erf) = vpow2.f32 v34;
	v31 =	vpop (erf)  }
0xdb: {  	v34 =	vmul.f32 $1.442695020e+00, v45;
	v32 =	vld [tilespmem:s26+$0x8000];
	v31 =	vadd.f32 v31, v48;
	v36 =	vpop (erf);
	(erf) = vrcp.f32 v46  }
0xdc: {  	s0 =	sadd.s32 $0x10, s0;
	s2 =	sadd.s32 $0x80, s2;
	s5 =	smov.u32 s3;
	v35 =	vmul.f32 $1.442695020e+00, v47;
	v45 =	vld [tilespmem:s26+$0x8800];
	(erf) = vpow2.f32 v49;
	v41 =	vpop (erf)  }
0xdd: {  	(erf) = vpow2.f32 v28  }
0xde: {  	v28 =	vpop (erf);
	(erf) = vpow2.f32 v38  }
0xdf: {  	v51 =	vpop (erf);
	(erf) = vpow2.f32 v39  }
0xe0: {  	v22 =	vmul.f32 $1.442695020e+00, v22;
	v52 =	vpop (erf);
	(erf) = vpow2.f32 v26  }
0xe1: {  	v26 =	vpop (erf);
	(erf) = vpow2.f32 v27  }
0xe2: {  	v27 =	vld [tilespmem:s26+$0x9000];
	v46 =	vpop (erf);
	(erf) = vpow2.f32 v22  }
0xe3: {  	v22 =	vmul.f32 $1.442695020e+00, v44;
	v53 =	vpop (erf);
	(erf) = vpow2.f32 v40  }
0xe4: {  	(erf) = vpow2.f32 v0;
	v0 =	vpop (erf)  }
0xe5: {  	v54 =	vpop (erf);
	(erf) = vpow2.f32 v22  }
0xe6: {  	v22 =	vmul.f32 $1.442695020e+00, v45;
	v55 =	vpop (erf);
	(erf) = vpow2.f32 v34  }
0xe7: {  	v27 =	vmul.f32 $1.442695020e+00, v27;
	v56 =	vpop (erf);
	(erf) = vpow2.f32 v35  }
0xe8: {  	v57 =	vpop (erf);
	(erf) = vpow2.f32 v22;
	v22 =	vmul.f32 $1.442695020e+00, v42  }
0xe9: {  	v58 =	vpop (erf);
	(erf) = vpow2.f32 v27  }
0xea: {  	v27 =	vmul.f32 $1.442695020e+00, v43;
	v59 =	vpop (erf);
	(erf) = vpow2.f32 v24  }
0xeb: {  	v24 =	vpop (erf);
	(erf) = vpow2.f32 v22  }
0xec: {  	v22 =	vpop (erf);
	(erf) = vpow2.f32 v27;
	v27 =	vmul.f32 $1.442695020e+00, v32;
	_ =	sdelay $0x1  }
0xed: {  	v60 =	vpop (erf)  }
0xee: {  	v33 =	vadd.f32 v37, v33;
	v61 =	vpop (erf)  }
0xef: {  	v23 =	vadd.f32 v25, v23;
	v30 =	vadd.f32 v51, v30;
	(erf) = vpow2.f32 v27;
	v27 =	vpop (erf)  }
0xf0: {  	v36 =	vadd.f32 v52, v36;
	v26 =	vadd.f32 v29, v26;
	v25 =	vpop (erf)  }
0xf1: {  	v23 =	vadd.f32 v23, v33;
	v30 =	vadd.f32 v31, v30;
	v31 =	vpop (erf)  }
0xf2: {  	v29 =	vadd.f32 v41, v46;
	v26 =	vadd.f32 v26, v36;
	v62 =	vpop (erf)  }
0xf3: {  	v6 =	vadd.f32 v54, v55;
	v35 =	vadd.f32 v57, v58;
	v63 =	vpop (erf)  }
0xf4: {  	v34 =	vadd.f32 v56, v59;
	v24 =	vadd.f32 v53, v24;
	v7 =	vpop (erf)  }
0xf5: {  	v22 =	vadd.f32 v27, v22;
	v32 =	vadd.f32 v63, v60;
	v27 =	vpop (erf)  }
0xf6: {  	v25 =	vadd.f32 v7, v25;
	v27 =	vadd.f32 v61, v27  }
0xf7: {  	v34 =	vadd.f32 v34, v35;
	v24 =	vadd.f32 v6, v24  }
0xf8: {  	v22 =	vadd.f32 v22, v32;
	v25 =	vadd.f32 v27, v25  }
0xf9: {  	v26 =	vadd.f32 v26, v30;
	v24 =	vadd.f32 v34, v24;
	v38 =	vpop (erf)  }
0xfa: {  	v27 =	vadd.f32 v31, v38;
	v22 =	vadd.f32 v25, v22  }
0xfb: {  	v23 =	vadd.f32 v26, v23;
	v25 =	vadd.f32 v28, v29  }
0xfc: {  	v26 =	vadd.f32 v62, v27;
	v22 =	vadd.f32 v22, v24  }
0xfd: {  	v23 =	vadd.f32 v25, v23  }
0xfe: {  	v22 =	vadd.f32 v26, v22  }
0xff: {  	(erf) = vrcp.f32 v23  }
0x100: {  	(erf) = vrcp.f32 v22;
	_ =	sdelay $0x6  }
0x101: {  	s0 =	simm.s32 $0x0  }
0x102: {  	s2 =	sand.u32 $0x400, s0;
	s3 =	sand.u32 $0x380, s0;
	[tilespmem:s24+$0x14000] =	vst v0;
	v0 =	vpop (erf)  }
0x103: {  	s0 =	sand.u32 $0x70, s0;
	s2 =	sor.u32 s3, s2;
	[tilespmem:s25+$0x14000] =	vst v0;
	v0 =	vpop (erf)  }
0x104: {  	s3 =	sor.u32 s0, s2;
	[tilespmem:s26+$0x14000] =	vst v0  }
0x105: {  	v0 =	vld [tilespmem:s3+$0x0];
	_ =	sdelay $0x1  }
0x106: {  	v22 =	vld [tilespmem:s3+$0x4000];
	_ =	sdelay $0x2  }
0x107: {  	v0 =	vmul.f32 $1.442695020e+00, v0;
	_ =	sdelay $0x1  }
0x108: {  	(erf) = vpow2.f32 v0;
	v0 =	vmul.f32 $1.442695020e+00, v22  }
0x109: {  	v22 =	vld [tilespmem:s3+$0x8800]  }
0x10a: {  	v23 =	vld [tilespmem:s3+$0x9000];
	(erf) = vpow2.f32 v0  }
0x10b: {  	v0 =	vld [tilespmem:s3+$0x8000]  }
0x10c: {  	v29 =	vld [tilespmem:s3+$0x14000]  }
0x10d: {  	v25 =	vld [tilespmem:s3+$0x1000]  }
0x10e: {  	v26 =	vld [tilespmem:s3+$0x800];
	v22 =	vmul.f32 $1.442695020e+00, v22  }
0x10f: {  	v23 =	vmul.f32 $1.442695020e+00, v23  }
0x110: {  	v24 =	vld [tilespmem:s3+$0x1800];
	(erf) = vpow2.f32 v22;
	v0 =	vmul.f32 $1.442695020e+00, v0  }
0x111: {  	(erf) = vpow2.f32 v23;
	v23 =	vld [tilespmem:s3+$0x2000]  }
0x112: {  	v25 =	vmul.f32 $1.442695020e+00, v25;
	v22 =	vpop (erf);
	(erf) = vpow2.f32 v0;
	v0 =	vld [tilespmem:s3+$0x7800]  }
0x113: {  	v26 =	vmul.f32 $1.442695020e+00, v26;
	v6 =	vmul.f32 v22, v29;
	v22 =	vld [tilespmem:s3+$0x7000];
	v31 =	vpop (erf)  }
0x114: {  	(erf) = vpow2.f32 v25;
	v2 =	vmul.f32 v31, v29;
	v31 =	vld [tilespmem:s3+$0x6800]  }
0x115: {  	v30 =	vmul.f32 $1.442695020e+00, v24;
	v25 =	vld [tilespmem:s3+$0x3000];
	(erf) = vpow2.f32 v26  }
0x116: {  	v28 =	vld [tilespmem:s3+$0x2800];
	v24 =	vmul.f32 $1.500000000e+01, v6;
	v23 =	vmul.f32 $1.442695020e+00, v23  }
0x117: {  	v26 =	vmul.f32 $1.500000000e+01, v2;
	v0 =	vmul.f32 $1.442695020e+00, v0  }
0x118: {  	(erf) = vpow2.f32 v23;
	v40 =	vmul.f32 $1.442695020e+00, v22  }
0x119: {  	s28 =	simm.s32 $0x8;
	s31 =	simm.s32 $0x80;
	(erf) = vpow2.f32 v0;
	v31 =	vmul.f32 $1.442695020e+00, v31  }
0x11a: {  	s5 =	simm.s32 $0x10;
	s2 =	sand.u32 $0x400, s31;
	s0 =	sand.u32 $0x380, s28;
	v39 =	vld [tilespmem:s3+$0x3800];
	v25 =	vmul.f32 $1.442695020e+00, v25;
	v22 =	vpop (erf);
	(erf) = vpow2.f32 v40  }
0x11b: {  	s5 =	sand.u32 $0x70, s5;
	s0 =	sor.u32 s0, s2;
	v33 =	vld [tilespmem:s3+$0x9800];
	v28 =	vmul.f32 $1.442695020e+00, v28;
	v24 =	vadd.f32 $-5.000000000e-01, v24;
	v41 =	vpop (erf);
	(erf) = vpow2.f32 v31  }
0x11c: {  	s24 =	sor.u32 s5, s0;
	v0 =	vadd.f32 $-5.000000000e-01, v26;
	v26 =	vpop (erf);
	(erf) = vpow2.f32 v25  }
0x11d: {  	v42 =	vadd.f32 $1.258291200e+07, v24;
	v24 =	vmul.f32 v26, v29;
	v26 =	vld [tilespmem:s24+$0x1800];
	v51 =	vpop (erf);
	(erf) = vpow2.f32 v28  }
0x11e: {  	v52 =	vpop (erf);
	v28 =	vld [tilespmem:s3+$0x4800]  }
0x11f: {  	v31 =	vmul.f32 $1.442695020e+00, v39;
	v46 =	vmul.f32 v52, v29  }
0x120: {  	v58 =	vld [tilespmem:s3+$0x5000];
	vm1 =	veq.s32 v33, $0x0;
	vm2 =	veq.s32 v33, $0x1;
	v23 =	vmul.f32 v22, v29  }
0x121: {  	vm3 =	veq.s32 v33, $0x2;
	(erf) = vpow2.f32 v31;
	v55 =	vmul.f32 $1.500000000e+01, v46;
	v53 =	vpop (erf)  }
0x122: {  	v22 =	vmul.f32 v41, v29;
	v0 =	vadd.f32 $1.258291200e+07, v0;
	v32 =	vmul.f32 $1.442695020e+00, v26;
	v26 =	vpop (erf)  }
0x123: {  	v25 =	vshll.u32 v42, $0x4;
	v36 =	vadd.f32 $-5.000000000e-01, v55;
	v57 =	vmul.f32 $1.442695020e+00, v28;
	v28 =	vpop (erf)  }
0x124: {  	v0 =	vshll.u32 v0, $0x4;
	v51 =	vmul.f32 v51, v29;
	(erf) = vpow2.f32 v30;
	v30 =	vpop (erf)  }
0x125: {  	v52 =	vmul.f32 $1.442695020e+00, v58;
	v31 =	vmul.f32 $1.500000000e+01, v22;
	v36 =	vadd.f32 $1.258291200e+07, v36;
	v59 =	vpop (erf)  }
0x126: {  	v47 =	vadd.s32 v10, v25;
	v54 =	vmul.f32 $1.500000000e+01, v51;
	v7 =	vmul.f32 v53, v29;
	v25 =	vpop (erf)  }
0x127: {  	v63 =	vld [tilespmem:s3+$0x5800];
	v8 =	vmul.f32 v59, v29;
	v9 =	vmul.f32 v25, v29;
	v25 =	vshll.u32 v36, $0x4  }
0x128: {  	v50 =	vld [tilespmem:s24+$0x0];
	v35 =	vadd.f32 $-5.000000000e-01, v31;
	v31 =	vadd.f32 $-5.000000000e-01, v54;
	v56 =	vmul.f32 $1.500000000e+01, v7  }
0x129: {  	v45 =	vld [tilespmem:s24+$0x8000];
	v3 =	vadd.s32 v5, v0;
	(erf) = vpow2.f32 v57;
	v61 =	vmul.f32 $1.500000000e+01, v8  }
0x12a: {  	v38 =	vld [tilespmem:s24+$0x4800];
	v31 =	vadd.f32 $1.258291200e+07, v31;
	v28 =	vmul.f32 v28, v29;
	v48 =	vadd.s32 v1, v25;
	v25 =	vpop (erf)  }
0x12b: {  	v37 =	vadd.f32 $-5.000000000e-01, v56;
	v1 =	vld [tilespmem:$0x1FEF0];
	v10 =	vmul.f32 v25, v29;
	v25 =	vadd.f32 $-5.000000000e-01, v61  }
0x12c: {  	v40 =	vld [tilespmem:s24+$0x3800];
	v58 =	vmul.f32 $1.442695020e+00, v63;
	v31 =	vshll.u32 v31, $0x4;
	v62 =	vmul.f32 $1.500000000e+01, v28  }
0x12d: {  	v0 =	vld [tilespmem:s24+$0x9000];
	(erf) = vpow2.f32 v52;
	v60 =	vadd.f32 $1.258291200e+07, v37;
	v55 =	vpop (erf);
	v25 =	vadd.f32 $1.258291200e+07, v25  }
0x12e: {  	v53 =	vsel vm1, $0x45800800, v19;
	v57 =	vld [tilespmem:s24+$0x4000];
	v54 =	vadd.s32 v4, v31;
	v63 =	vmul.f32 v55, v29  }
0x12f: {  	v44 =	vadd.f32 $-5.000000000e-01, v62;
	v62 =	vld [tilespmem:s3+$0x6000];
	v59 =	vshll.u32 v60, $0x4;
	v25 =	vshll.u32 v25, $0x4  }
0x130: {  	v60 =	vmul.f32 $1.500000000e+01, v9;
	v4 =	vmul.f32 $1.500000000e+01, v63;
	v49 =	vadd.s32 v1, v25;
	v1 =	vld [tilespmem:$0x1FED0]  }
0x131: {  	v27 =	vsel vm3, $0x45800800, v19;
	v43 =	vmul.f32 $1.500000000e+01, v24;
	v61 =	vmul.f32 $1.442695020e+00, v50;
	[tilespmem:v47+s18+$0x0] =	vst.idx.add.f32.msk $0xffff, v53  }
0x132: {  	v31 =	vsel vm2, $0x45800800, v19;
	v42 =	vadd.f32 $-5.000000000e-01, v60;
	v56 =	vpop (erf);
	v52 =	vadd.f32 $-5.000000000e-01, v4;
	[tilespmem:v47+s19+$0x0] =	vst.idx.add.f32.msk $0xffff, v6  }
0x133: {  	v34 =	vadd.f32 $-5.000000000e-01, v43;
	(erf) = vpow2.f32 v61;
	v43 =	vmul.f32 v56, v29;
	[tilespmem:v48+s18+$0x0] =	vst.idx.add.f32.msk $0xffff, v31  }
0x134: {  	v11 =	vmul.f32 $1.442695020e+00, v0;
	v57 =	vmul.f32 $1.442695020e+00, v57;
	v52 =	vadd.f32 $1.258291200e+07, v52;
	[tilespmem:v48+s19+$0x0] =	vst.idx.add.f32.msk $0xffff, v46  }
0x135: {  	(erf) = vpow2.f32 v58;
	v0 =	vmul.f32 $1.500000000e+01, v43;
	[tilespmem:v54+s18+$0x0] =	vst.idx.add.f32.msk $0xffff, v27  }
0x136: {  	(erf) = vpow2.f32 v57;
	v6 =	vadd.f32 $1.258291200e+07, v42;
	v42 =	vpop (erf);
	v31 =	vshll.u32 v52, $0x4;
	[tilespmem:v54+s19+$0x0] =	vst.idx.add.f32.msk $0xffff, v51  }
0x137: {  	v47 =	vmul.f32 v42, v29;
	v42 =	vadd.f32 $-5.000000000e-01, v0;
	v48 =	vadd.s32 v21, v31;
	v0 =	vld [tilespmem:$0x1FEE0]  }
0x138: {  	v62 =	vmul.f32 $1.442695020e+00, v62;
	v25 =	vld [tilespmem:s24+$0x14000]  }
0x139: {  	v39 =	vld [tilespmem:s24+$0x3000]  }
0x13a: {  	vm1 =	veq.s32 v33, $0x3;
	v37 =	vld [tilespmem:s24+$0x800];
	v59 =	vadd.s32 v1, v59  }
0x13b: {  	v50 =	vld [tilespmem:s24+$0x2800];
	v61 =	vsel vm1, $0x45800800, v19;
	v27 =	vshll.u32 v6, $0x4  }
0x13c: {  	(erf) = vpow2.f32 v62;
	v62 =	vpop (erf);
	[tilespmem:v48+s18+$0x0] =	vst.idx.add.f32.msk $0xffff, v61;
	v0 =	vadd.s32 v0, v27  }
0x13d: {  	vm4 =	veq.s32 v33, $0x4;
	v31 =	vmul.f32 v62, v25;
	[tilespmem:v48+s19+$0x0] =	vst.idx.add.f32.msk $0xffff, v63  }
0x13e: {  	v16 =	vmul.f32 $1.500000000e+01, v10;
	v58 =	vsel vm4, $0x45800800, v19;
	v1 =	vld [tilespmem:$0x1FF00]  }
0x13f: {  	vm1 =	veq.s32 v33, $0x5;
	v51 =	vpop (erf);
	v46 =	vmul.f32 $1.500000000e+01, v31;
	[tilespmem:v59+s18+$0x0] =	vst.idx.add.f32.msk $0xffff, v58  }
0x140: {  	v56 =	vsel vm1, $0x45800800, v19;
	v16 =	vadd.f32 $-5.000000000e-01, v16;
	v6 =	vpop (erf);
	[tilespmem:v59+s19+$0x0] =	vst.idx.add.f32.msk $0xffff, v7  }
0x141: {  	vm1 =	veq.s32 v33, $0x6;
	v27 =	vmul.f32 v6, v25;
	v6 =	vadd.f32 $-5.000000000e-01, v46;
	[tilespmem:v0+s18+$0x0] =	vst.idx.add.f32.msk $0xffff, v56  }
0x142: {  	v60 =	vsel vm1, $0x45800800, v19;
	v16 =	vadd.f32 $1.258291200e+07, v16;
	[tilespmem:v0+s19+$0x0] =	vst.idx.add.f32.msk $0xffff, v9  }
0x143: {  	[tilespmem:v49+s18+$0x0] =	vst.idx.add.f32.msk $0xffff, v60  }
0x144: {  	v16 =	vshll.u32 v16, $0x4;
	[tilespmem:v49+s19+$0x0] =	vst.idx.add.f32.msk $0xffff, v8  }
0x145: {  	v46 =	vmul.f32 $1.442695020e+00, v50;
	v50 =	vadd.f32 $1.258291200e+07, v42;
	v42 =	vadd.f32 $1.258291200e+07, v6;
	v6 =	vpop (erf);
	v0 =	vld [tilespmem:$0x1FF10]  }
0x146: {  	v36 =	vld [tilespmem:s24+$0x1000];
	v48 =	vmul.f32 v6, v29;
	v16 =	vadd.s32 v1, v16  }
0x147: {  	v4 =	vld [tilespmem:s24+$0x7000]  }
0x148: {  	v52 =	vld [tilespmem:s24+$0x8800];
	v59 =	vmul.f32 $1.500000000e+01, v48  }
0x149: {  	vm0 =	veq.s32 v33, $0x7;
	v54 =	vld [tilespmem:s24+$0x7800];
	v50 =	vshll.u32 v50, $0x4  }
0x14a: {  	v57 =	vsel vm0, $0x45800800, v19;
	v60 =	vadd.f32 $-5.000000000e-01, v59;
	v59 =	vld [tilespmem:s24+$0x2000];
	v0 =	vadd.s32 v0, v50  }
0x14b: {  	vm5 =	veq.s32 v33, $0x9;
	vm12 =	veq.s32 v33, $0xE;
	vm0 =	veq.s32 v33, $0x8;
	[tilespmem:v16+s18+$0x0] =	vst.idx.add.f32.msk $0xffff, v57  }
0x14c: {  	vm13 =	veq.s32 v33, $0xC;
	v26 =	vmul.f32 v26, v29;
	v62 =	vsel vm0, $0x45800800, v19;
	[tilespmem:v16+s19+$0x0] =	vst.idx.add.f32.msk $0xffff, v10  }
0x14d: {  	vm14 =	veq.s32 v33, $0xD;
	vm15 =	veq.s32 v33, $0xB;
	vm3 =	veq.s32 v33, $0xF;
	[tilespmem:v3+s18+$0x0] =	vst.idx.add.f32.msk $0xffff, v62  }
0x14e: {  	v41 =	vmul.f32 $1.500000000e+01, v26;
	v30 =	vmul.f32 v30, v29;
	v55 =	vsel vm5, $0x45800800, v19;
	[tilespmem:v3+s19+$0x0] =	vst.idx.add.f32.msk $0xffff, v2  }
0x14f: {  	vm2 =	veq.s32 v33, $0xA;
	vm1 =	veq.s32 v33, $0x10;
	v61 =	vmul.f32 $1.500000000e+01, v27;
	[tilespmem:v0+s18+$0x0] =	vst.idx.add.f32.msk $0xffff, v55  }
0x150: {  	vm0 =	veq.s32 v33, $0x11;
	v53 =	vmul.f32 v51, v29;
	v7 =	vmul.f32 $1.442695020e+00, v52;
	v1 =	vld [tilespmem:$0x1FF20]  }
0x151: {  	v51 =	vsel vm14, $0x45800800, v19;
	v63 =	vmul.f32 $1.500000000e+01, v47;
	v29 =	vadd.f32 $-5.000000000e-01, v61;
	v9 =	vld [tilespmem:$0x1FF40]  }
0x152: {  	v52 =	vsel vm13, $0x45800800, v19;
	v42 =	vshll.u32 v42, $0x4;
	(erf) = vpow2.f32 v7;
	v15 =	vld [tilespmem:$0x1FF50]  }
0x153: {  	v61 =	vadd.f32 $-5.000000000e-01, v63;
	v63 =	vmul.f32 $1.500000000e+01, v53;
	v29 =	vadd.f32 $1.258291200e+07, v29;
	v13 =	vld [tilespmem:$0x1FF60]  }
0x154: {  	v7 =	vmul.f32 $1.500000000e+01, v30;
	v56 =	vsel vm15, $0x45800800, v19;
	(erf) = vpow2.f32 v11;
	v11 =	vld [tilespmem:$0x1FF70]  }
0x155: {  	v6 =	vadd.f32 $-5.000000000e-01, v63;
	v29 =	vshll.u32 v29, $0x4;
	v16 =	vadd.f32 $1.258291200e+07, v61;
	v17 =	vld [tilespmem:$0x1FF80]  }
0x156: {  	v49 =	vsel vm3, $0x45800800, v19;
	v29 =	vadd.s32 v5, v29;
	v57 =	vsel vm2, $0x45800800, v19;
	v14 =	vld [tilespmem:$0x1FF90]  }
0x157: {  	v61 =	vadd.f32 $1.258291200e+07, v6;
	v62 =	vadd.f32 $-5.000000000e-01, v7;
	v16 =	vshll.u32 v16, $0x4;
	v18 =	vld [tilespmem:$0x1FFA0]  }
0x158: {  	v12 =	vmovc v5;
	s0 =	simm.s32 $0x10;
	s25 =	simm.s32 $0x20;
	s26 =	simm.s32 $0x100;
	v50 =	vsel vm12, $0x45800800, v19;
	v55 =	vmul.f32 $1.442695020e+00, v4;
	v10 =	vld [tilespmem:$0x1FFB0];
	v20 =	vmovc v1;
	v58 =	vadd.s32 v1, v16  }
.LBB2_7:
0x159: {  	s2 =	sand.u32 $0x400, s26;
	s3 =	sand.u32 $0x380, s0;
	[tilespmem:v0+s19+$0x0] =	vst.idx.add.f32.msk $0xffff, v43;
	s5 =	smov.u32 s0  }
0x15a: {  	v3 =	vld [tilespmem:$0x1FEF0];
	s5 =	sand.u32 $0x70, s25;
	s2 =	sor.u32 s3, s2;
	v61 =	vshll.u32 v61, $0x4  }
0x15b: {  	v43 =	vld [tilespmem:s24+$0x6800];
	s3 =	sor.u32 s5, s2;
	v61 =	vadd.s32 v9, v61  }
0x15c: {  	v63 =	vld [tilespmem:s3+$0x800]  }
0x15d: {  	v6 =	vmul.f32 $1.442695020e+00, v45;
	v45 =	vadd.f32 $1.258291200e+07, v60;
	[tilespmem:v58+s18+$0x0] =	vst.idx.add.f32.msk $0xffff, v57  }
0x15e: {  	v0 =	vadd.f32 $1.258291200e+07, v44;
	v1 =	vmul.f32 $1.442695020e+00, v37;
	v5 =	vmul.f32 $1.442695020e+00, v36;
	[tilespmem:v58+s19+$0x0] =	vst.idx.add.f32.msk $0xffff, v47  }
0x15f: {  	v16 =	vadd.f32 $-5.000000000e-01, v41;
	v7 =	vadd.f32 $1.258291200e+07, v62;
	v45 =	vshll.u32 v45, $0x4;
	v36 =	vld [tilespmem:s3+$0x1000]  }
0x160: {  	v41 =	vmul.f32 $1.500000000e+01, v23;
	v45 =	vadd.s32 v15, v45;
	v62 =	vpop (erf);
	(erf) = vpow2.f32 v6;
	[tilespmem:v61+s18+$0x0] =	vst.idx.add.f32.msk $0xffff, v56  }
0x161: {  	v0 =	vshll.u32 v0, $0x4;
	v16 =	vadd.f32 $1.258291200e+07, v16;
	v4 =	vshll.u32 v7, $0x4;
	[tilespmem:v61+s19+$0x0] =	vst.idx.add.f32.msk $0xffff, v53  }
0x162: {  	v0 =	vadd.s32 v11, v0;
	v57 =	vsel vm1, $0x45800800, v19;
	v61 =	vadd.s32 v13, v4;
	v47 =	vld [tilespmem:s24+$0x5000]  }
0x163: {  	v41 =	vadd.f32 $-5.000000000e-01, v41;
	(erf) = vpow2.f32 v5;
	v53 =	vmul.f32 v62, v25;
	v62 =	vld [tilespmem:s3+$0x1800]  }
0x164: {  	vm1 =	veq.s32 v33, $0x12;
	v6 =	vmul.f32 $1.442695020e+00, v59;
	v7 =	vpop (erf);
	(erf) = vpow2.f32 v1;
	v33 =	vld [tilespmem:s24+$0x9800]  }
0x165: {  	v54 =	vmul.f32 $1.442695020e+00, v54;
	v16 =	vshll.u32 v16, $0x4;
	v59 =	vadd.f32 $1.258291200e+07, v34;
	[tilespmem:v45+s18+$0x0] =	vst.idx.add.f32.msk $0xffff, v52  }
0x166: {  	v41 =	vadd.f32 $1.258291200e+07, v41;
	v16 =	vadd.s32 v17, v16;
	(erf) = vpow2.f32 v6;
	[tilespmem:v45+s19+$0x0] =	vst.idx.add.f32.msk $0xffff, v48  }
0x167: {  	v43 =	vmul.f32 $1.442695020e+00, v43;
	v37 =	vmovc v63;
	v63 =	vshll.u32 v59, $0x4;
	(erf) = vpow2.f32 v54;
	[tilespmem:v61+s18+$0x0] =	vst.idx.add.f32.msk $0xffff, v51  }
0x168: {  	v39 =	vmul.f32 $1.442695020e+00, v39;
	v4 =	vadd.s32 v14, v63;
	(erf) = vpow2.f32 v55;
	[tilespmem:v61+s19+$0x0] =	vst.idx.add.f32.msk $0xffff, v30  }
0x169: {  	v41 =	vshll.u32 v41, $0x4;
	[tilespmem:v0+s18+$0x0] =	vst.idx.add.f32.msk $0xffff, v50;
	v5 =	vpop (erf);
	(erf) = vpow2.f32 v43  }
0x16a: {  	v60 =	vadd.f32 $1.258291200e+07, v35;
	[tilespmem:v0+s19+$0x0] =	vst.idx.add.f32.msk $0xffff, v28;
	v0 =	vadd.s32 v18, v41;
	(erf) = vpow2.f32 v39  }
0x16b: {  	v58 =	vmul.f32 v7, v25;
	[tilespmem:v16+s18+$0x0] =	vst.idx.add.f32.msk $0xffff, v49  }
0x16c: {  	v34 =	vshll.u32 v60, $0x4;
	v1 =	vmul.f32 $1.442695020e+00, v40;
	v59 =	vmul.f32 $1.442695020e+00, v62;
	v51 =	vpop (erf);
	[tilespmem:v16+s19+$0x0] =	vst.idx.add.f32.msk $0xffff, v26  }
0x16d: {  	v43 =	vadd.s32 v10, v34;
	(erf) = vpow2.f32 v46;
	v46 =	vmul.f32 v51, v25;
	v30 =	vpop (erf);
	[tilespmem:v4+s18+$0x0] =	vst.idx.add.f32.msk $0xffff, v57  }
0x16e: {  	v6 =	vsel vm0, $0x45800800, v19;
	v48 =	vmul.f32 v30, v25;
	v30 =	vmul.f32 $1.500000000e+01, v58;
	[tilespmem:v4+s19+$0x0] =	vst.idx.add.f32.msk $0xffff, v24  }
0x16f: {  	v62 =	vmul.f32 $1.442695020e+00, v38;
	(erf) = vpow2.f32 v1;
	v55 =	vpop (erf);
	[tilespmem:v0+s18+$0x0] =	vst.idx.add.f32.msk $0xffff, v6  }
0x170: {  	v50 =	vmul.f32 v55, v25;
	v1 =	vmul.f32 $1.500000000e+01, v46;
	v26 =	vpop (erf);
	[tilespmem:v0+s19+$0x0] =	vst.idx.add.f32.msk $0xffff, v23  }
0x171: {  	v56 =	vsel vm1, $0x45800800, v19;
	(erf) = vpow2.f32 v32;
	v61 =	vmul.f32 $1.500000000e+01, v48;
	v28 =	vpop (erf);
	v0 =	vld [tilespmem:$0x1FFF0]  }
0x172: {  	v35 =	vadd.f32 $-5.000000000e-01, v30;
	v16 =	vadd.f32 $-5.000000000e-01, v1;
	v1 =	vmul.f32 $1.500000000e+01, v50;
	[tilespmem:v43+s18+$0x0] =	vst.idx.add.f32.msk $0xffff, v56;
	v30 =	vpop (erf)  }
0x173: {  	v63 =	vadd.f32 $-5.000000000e-01, v61;
	[tilespmem:v43+s19+$0x0] =	vst.idx.add.f32.msk $0xffff, v22;
	v4 =	vpop (erf);
	(erf) = vpow2.f32 v62  }
0x174: {  	v24 =	vadd.f32 $-5.000000000e-01, v1;
	v1 =	vld [tilespmem:$0x1FF30]  }
0x175: {  	v38 =	vadd.f32 $1.258291200e+07, v63;
	v63 =	vld [tilespmem:s24+$0x5800]  }
0x176: {  	v49 =	vmul.f32 v4, v25;
	v4 =	vld [tilespmem:s3+$0x0]  }
0x177: {  	v47 =	vmul.f32 $1.442695020e+00, v47;
	v52 =	vmul.f32 v5, v25;
	v39 =	vld [tilespmem:s3+$0x3000]  }
0x178: {  	v57 =	vld [tilespmem:s3+$0x4000];
	v5 =	vadd.f32 $1.258291200e+07, v24;
	v23 =	vpop (erf);
	v2 =	vshll.u32 v38, $0x4;
	v61 =	vmul.f32 $1.500000000e+01, v49  }
0x179: {  	v7 =	vmul.f32 $1.500000000e+01, v52;
	v32 =	vmovc v59;
	v51 =	vmul.f32 v23, v25;
	v23 =	vmovc v53;
	v53 =	vadd.s32 v1, v2;
	v1 =	vld [tilespmem:$0x1FFD0]  }
0x17a: {  	v28 =	vmul.f32 v28, v25;
	v0 =	vadd.s32 v0, v42;
	v60 =	vpop (erf);
	v42 =	vadd.f32 $-5.000000000e-01, v61;
	v61 =	vld [tilespmem:s24+$0x6000];
	s24 =	smov.u32 s3  }
0x17b: {  	v34 =	vadd.f32 $-5.000000000e-01, v7;
	v6 =	vpop (erf);
	v7 =	vmul.f32 $1.442695020e+00, v63;
	v40 =	vmul.f32 $1.442695020e+00, v4;
	v63 =	vld [tilespmem:s24+$0x9000]  }
0x17c: {  	v62 =	vmul.f32 $1.500000000e+01, v28;
	v59 =	vshll.u32 v5, $0x4;
	v45 =	vld [tilespmem:s24+$0x8000];
	v5 =	vpop (erf);
	(erf) = vpow2.f32 v47  }
0x17d: {  	v16 =	vadd.f32 $1.258291200e+07, v16;
	v2 =	vld [tilespmem:s24+$0x2800];
	(erf) = vpow2.f32 v40  }
0x17e: {  	v44 =	vadd.f32 $-5.000000000e-01, v62;
	v62 =	vmul.f32 v6, v25;
	v38 =	vld [tilespmem:s24+$0x4800];
	v42 =	vadd.f32 $1.258291200e+07, v42  }
0x17f: {  	vm1 =	veq.s32 v33, $0x0;
	vm3 =	veq.s32 v33, $0x1;
	v16 =	vshll.u32 v16, $0x4;
	v4 =	vld [tilespmem:$0x1FED0]  }
0x180: {  	v55 =	vmul.f32 v60, v25;
	v6 =	vshll.u32 v42, $0x4;
	v42 =	vmul.f32 $1.500000000e+01, v62;
	v40 =	vld [tilespmem:s24+$0x3800]  }
0x181: {  	v24 =	vmovc v52;
	v52 =	vsel vm1, $0x45800800, v19;
	v60 =	vmul.f32 $1.500000000e+01, v51;
	v43 =	vmul.f32 v5, v25;
	v5 =	vld [tilespmem:s24+$0x14000]  }
0x182: {  	v47 =	vmul.f32 $1.442695020e+00, v57;
	v3 =	vadd.s32 v3, v6;
	v6 =	vld [tilespmem:s24+$0x7000];
	v42 =	vadd.f32 $-5.000000000e-01, v42  }
0x183: {  	v56 =	vsel vm3, $0x45800800, v19;
	v16 =	vadd.s32 v1, v16;
	[tilespmem:v0+s18+$0x0] =	vst.idx.add.f32.msk $0xffff, v52;
	(erf) = vpow2.f32 v7  }
0x184: {  	[tilespmem:v0+s19+$0x0] =	vst.idx.add.f32.msk $0xffff, v31;
	(erf) = vpow2.f32 v47;
	v47 =	vadd.f32 $-5.000000000e-01, v60;
	v42 =	vadd.f32 $1.258291200e+07, v42  }
0x185: {  	vm0 =	veq.s32 v33, $0x7;
	vm4 =	veq.s32 v33, $0x2;
	[tilespmem:v53+s18+$0x0] =	vst.idx.add.f32.msk $0xffff, v56;
	v31 =	vpop (erf)  }
0x186: {  	v54 =	vsel vm4, $0x45800800, v19;
	[tilespmem:v53+s19+$0x0] =	vst.idx.add.f32.msk $0xffff, v48;
	v0 =	vshll.u32 v42, $0x4;
	v42 =	vadd.f32 $1.258291200e+07, v47;
	v7 =	vpop (erf)  }
0x187: {  	v0 =	vadd.s32 v21, v0;
	v47 =	vmul.f32 v31, v25;
	v31 =	vmul.f32 v7, v5;
	v7 =	vld [tilespmem:$0x1FEE0]  }
0x188: {  	vm2 =	veq.s32 v33, $0x4;
	vm5 =	veq.s32 v33, $0x9;
	vm12 =	veq.s32 v33, $0xE;
	[tilespmem:v16+s18+$0x0] =	vst.idx.add.f32.msk $0xffff, v54  }
0x189: {  	vm1 =	veq.s32 v33, $0x3;
	v61 =	vmul.f32 $1.442695020e+00, v61;
	v60 =	vmul.f32 $1.500000000e+01, v43;
	[tilespmem:v16+s19+$0x0] =	vst.idx.add.f32.msk $0xffff, v46  }
0x18a: {  	v26 =	vmul.f32 v26, v25;
	v1 =	vsel vm1, $0x45800800, v19;
	v59 =	vadd.s32 v4, v59;
	v54 =	vld [tilespmem:s24+$0x7800]  }
0x18b: {  	(erf) = vpow2.f32 v61;
	v16 =	vadd.f32 $-5.000000000e-01, v60;
	v60 =	vld [tilespmem:s24+$0x8800];
	v42 =	vshll.u32 v42, $0x4  }
0x18c: {  	vm13 =	veq.s32 v33, $0xC;
	v22 =	vmovc v58;
	v58 =	vmul.f32 $1.500000000e+01, v55;
	[tilespmem:v0+s18+$0x0] =	vst.idx.add.f32.msk $0xffff, v1;
	v7 =	vadd.s32 v7, v42  }
0x18d: {  	vm14 =	veq.s32 v33, $0xD;
	vm15 =	veq.s32 v33, $0xB;
	v8 =	vsel vm5, $0x45800800, v19;
	[tilespmem:v0+s19+$0x0] =	vst.idx.add.f32.msk $0xffff, v62  }
0x18e: {  	v41 =	vmul.f32 $1.500000000e+01, v26;
	v58 =	vadd.f32 $-5.000000000e-01, v58;
	v57 =	vsel vm2, $0x45800800, v19;
	v0 =	vld [tilespmem:$0x1FF00]  }
0x18f: {  	vm3 =	veq.s32 v33, $0xF;
	v30 =	vmul.f32 v30, v25;
	vm1 =	veq.s32 v33, $0x5;
	[tilespmem:v59+s18+$0x0] =	vst.idx.add.f32.msk $0xffff, v57  }
0x190: {  	v4 =	vsel vm1, $0x45800800, v19;
	vm1 =	veq.s32 v33, $0x6;
	v48 =	vadd.f32 $1.258291200e+07, v58;
	[tilespmem:v59+s19+$0x0] =	vst.idx.add.f32.msk $0xffff, v50  }
0x191: {  	vm2 =	veq.s32 v33, $0xA;
	v63 =	vmul.f32 $1.442695020e+00, v63;
	v52 =	vsel vm1, $0x45800800, v19;
	[tilespmem:v7+s18+$0x0] =	vst.idx.add.f32.msk $0xffff, v4  }
0x192: {  	v56 =	vsel vm0, $0x45800800, v19;
	vm0 =	veq.s32 v33, $0x8;
	vm1 =	veq.s32 v33, $0x10;
	v53 =	vpop (erf);
	[tilespmem:v7+s19+$0x0] =	vst.idx.add.f32.msk $0xffff, v51  }
0x193: {  	v58 =	vsel vm0, $0x45800800, v19;
	vm0 =	veq.s32 v33, $0x11;
	v61 =	vpop (erf);
	v46 =	vmul.f32 $1.500000000e+01, v31;
	[tilespmem:v3+s18+$0x0] =	vst.idx.add.f32.msk $0xffff, v52  }
0x194: {  	v1 =	vshll.u32 v48, $0x4;
	v53 =	vmul.f32 v53, v25;
	v61 =	vmul.f32 v61, v5;
	v48 =	vpop (erf);
	[tilespmem:v3+s19+$0x0] =	vst.idx.add.f32.msk $0xffff, v49  }
0x195: {  	v62 =	vmul.f32 $1.500000000e+01, v47;
	v48 =	vmul.f32 v48, v25;
	v42 =	vadd.f32 $-5.000000000e-01, v46;
	v3 =	vld [tilespmem:$0x1FF10]  }
0x196: {  	v57 =	vsel vm2, $0x45800800, v19;
	v46 =	vmul.f32 $1.442695020e+00, v2;
	v1 =	vadd.s32 v0, v1  }
0x197: {  	v0 =	vadd.f32 $1.258291200e+07, v16;
	v2 =	vadd.f32 $1.258291200e+07, v42;
	v16 =	vmul.f32 $1.500000000e+01, v61  }
0x198: {  	v59 =	vmul.f32 $1.442695020e+00, v60;
	v60 =	vadd.f32 $-5.000000000e-01, v62;
	v62 =	vmul.f32 $1.500000000e+01, v53  }
0x199: {  	v42 =	vshll.u32 v2, $0x4;
	v2 =	vadd.f32 $-5.000000000e-01, v16;
	v0 =	vshll.u32 v0, $0x4  }
0x19a: {  	v50 =	vsel vm12, $0x45800800, v19;
	(erf) = vpow2.f32 v59;
	v0 =	vadd.s32 v3, v0  }
0x19b: {  	p0 =	sne.s32 s0, $0x3F8;
	(erf) = vpow2.f32 v63;
	v16 =	vmul.f32 $1.500000000e+01, v48;
	v2 =	vadd.f32 $1.258291200e+07, v2;
	[tilespmem:v1+s18+$0x0] =	vst.idx.add.f32.msk $0xffff, v56  }
.Ltmp2:
0x19c: {  	v4 =	vmul.f32 $1.500000000e+01, v30;
	v51 =	vsel vm14, $0x45800800, v19;
	v52 =	vsel vm13, $0x45800800, v19;
	[tilespmem:v1+s19+$0x0] =	vst.idx.add.f32.msk $0xffff, v55;
	(pc) =	sbr.rel @p0 .LBB2_7-.Ltmp2, $4  }
0x19d: {  	v2 =	vshll.u32 v2, $0x4;
	v49 =	vsel vm3, $0x45800800, v19;
	v1 =	vadd.f32 $1.258291200e+07, v60;
	[tilespmem:v29+s18+$0x0] =	vst.idx.add.f32.msk $0xffff, v58  }
0x19e: {  	v2 =	vadd.s32 v12, v2;
	v56 =	vsel vm15, $0x45800800, v19;
	[tilespmem:v29+s19+$0x0] =	vst.idx.add.f32.msk $0xffff, v27;
	v3 =	vadd.f32 $-5.000000000e-01, v62  }
0x19f: {  	s28 =	sadd.s32 $0x8, s0;
	v25 =	vmovc v5;
	v60 =	vadd.f32 $-5.000000000e-01, v16;
	v55 =	vmul.f32 $1.442695020e+00, v6;
	v1 =	vshll.u32 v1, $0x4;
	[tilespmem:v0+s18+$0x0] =	vst.idx.add.f32.msk $0xffff, v8  }
0x1a0: {  	s26 =	sadd.s32 $0x80, s26;
	s25 =	sadd.s32 $0x10, s25;
	s0 =	smov.u32 s28;
	v27 =	vmovc v61;
	v29 =	vmovc v2;
	v58 =	vadd.s32 v20, v1;
	v62 =	vadd.f32 $-5.000000000e-01, v4;
	v61 =	vadd.f32 $1.258291200e+07, v3;
	v59 =	vld [tilespmem:s24+$0x2000]  }
0x1a1: {  	v1 =	vmul.f32 $1.442695020e+00, v45  }
0x1a2: {  	v4 =	vmul.f32 $1.500000000e+01, v23;
	v5 =	vadd.f32 $1.258291200e+07, v60;
	v8 =	vmul.f32 $1.442695020e+00, v54  }
0x1a3: {  	v16 =	vmul.f32 $1.442695020e+00, v36;
	v54 =	vmul.f32 $1.442695020e+00, v37;
	v7 =	vshll.u32 v61, $0x4  }
0x1a4: {  	v45 =	vld [tilespmem:s24+$0x6800];
	v6 =	vadd.f32 $1.258291200e+07, v62;
	(erf) = vpow2.f32 v1;
	v7 =	vadd.s32 v9, v7  }
0x1a5: {  	[tilespmem:v0+s19+$0x0] =	vst.idx.add.f32.msk $0xffff, v43;
	v5 =	vshll.u32 v5, $0x4;
	(erf) = vpow2.f32 v16;
	v59 =	vmul.f32 $1.442695020e+00, v59  }
0x1a6: {  	[tilespmem:v58+s18+$0x0] =	vst.idx.add.f32.msk $0xffff, v57;
	v4 =	vadd.f32 $-5.000000000e-01, v4;
	v5 =	vadd.s32 v15, v5;
	(erf) = vpow2.f32 v54  }
0x1a7: {  	v2 =	vadd.f32 $1.258291200e+07, v44;
	[tilespmem:v58+s19+$0x0] =	vst.idx.add.f32.msk $0xffff, v47;
	v6 =	vshll.u32 v6, $0x4;
	(erf) = vpow2.f32 v59  }
0x1a8: {  	v3 =	vadd.f32 $-5.000000000e-01, v41;
	v6 =	vadd.s32 v13, v6;
	v44 =	vadd.f32 $1.258291200e+07, v4;
	v4 =	vld [tilespmem:s24+$0x5000]  }
0x1a9: {  	v2 =	vshll.u32 v2, $0x4;
	[tilespmem:v7+s18+$0x0] =	vst.idx.add.f32.msk $0xffff, v56  }
0x1aa: {  	vm11 =	veq.s32 v33, $0x12;
	v3 =	vadd.f32 $1.258291200e+07, v3;
	v2 =	vadd.s32 v11, v2;
	[tilespmem:v7+s19+$0x0] =	vst.idx.add.f32.msk $0xffff, v53  }
0x1ab: {  	v34 =	vadd.f32 $1.258291200e+07, v34;
	v60 =	vpop (erf);
	v1 =	vmul.f32 $1.442695020e+00, v45;
	(erf) = vpow2.f32 v8;
	[tilespmem:v5+s18+$0x0] =	vst.idx.add.f32.msk $0xffff, v52  }
0x1ac: {  	v62 =	vmul.f32 $1.442695020e+00, v39;
	v61 =	vpop (erf);
	v3 =	vshll.u32 v3, $0x4;
	(erf) = vpow2.f32 v55;
	[tilespmem:v5+s19+$0x0] =	vst.idx.add.f32.msk $0xffff, v48  }
0x1ad: {  	v33 =	vmul.f32 v60, v25;
	v0 =	vadd.s32 v17, v3;
	v8 =	vpop (erf);
	(erf) = vpow2.f32 v1;
	[tilespmem:v6+s18+$0x0] =	vst.idx.add.f32.msk $0xffff, v51  }
0x1ae: {  	v35 =	vadd.f32 $1.258291200e+07, v35;
	v45 =	vmul.f32 $1.442695020e+00, v40;
	(erf) = vpow2.f32 v62;
	v54 =	vpop (erf);
	[tilespmem:v6+s19+$0x0] =	vst.idx.add.f32.msk $0xffff, v30  }
0x1af: {  	v43 =	vshll.u32 v34, $0x4;
	v34 =	vmul.f32 v8, v25;
	(erf) = vpow2.f32 v46;
	v55 =	vpop (erf);
	[tilespmem:v2+s18+$0x0] =	vst.idx.add.f32.msk $0xffff, v50  }
0x1b0: {  	v7 =	vadd.s32 v14, v43;
	(erf) = vpow2.f32 v45;
	v43 =	vmul.f32 v55, v25;
	[tilespmem:v2+s19+$0x0] =	vst.idx.add.f32.msk $0xffff, v28;
	v56 =	vpop (erf)  }
0x1b1: {  	(erf) = vpow2.f32 v32;
	v32 =	vld [tilespmem:s24+$0x9800];
	v45 =	vmul.f32 v56, v25  }
0x1b2: {  	v47 =	vshll.u32 v35, $0x4;
	v35 =	vmul.f32 v61, v25;
	v8 =	vmul.f32 $1.500000000e+01, v34;
	[tilespmem:v0+s18+$0x0] =	vst.idx.add.f32.msk $0xffff, v49  }
0x1b3: {  	v63 =	vmov v12;
	v58 =	vmul.f32 $1.500000000e+01, v43;
	v12 =	vld [tilespmem:$0x1FFF0];
	v60 =	vmul.f32 $1.500000000e+01, v45  }
0x1b4: {  	v61 =	vmul.f32 $1.442695020e+00, v38;
	v1 =	vshll.u32 v44, $0x4;
	v40 =	vmul.f32 v54, v25;
	[tilespmem:v0+s19+$0x0] =	vst.idx.add.f32.msk $0xffff, v26  }
0x1b5: {  	v1 =	vadd.s32 v18, v1;
	v5 =	vadd.f32 $-5.000000000e-01, v58;
	v58 =	vld [tilespmem:s24+$0x5800];
	v52 =	vadd.f32 $-5.000000000e-01, v60  }
0x1b6: {  	v57 =	vmul.f32 $1.500000000e+01, v40;
	v39 =	vadd.f32 $-5.000000000e-01, v8;
	v8 =	vpop (erf);
	(erf) = vpow2.f32 v61;
	v61 =	vld [tilespmem:s24+$0x6000]  }
0x1b7: {  	v16 =	vsel vm1, $0x45800800, v19;
	v62 =	vpop (erf);
	v46 =	vadd.f32 $1.258291200e+07, v52;
	v52 =	vld [tilespmem:$0x1FF30]  }
0x1b8: {  	v3 =	vadd.s32 v10, v47;
	v59 =	vadd.f32 $-5.000000000e-01, v57;
	v51 =	vpop (erf);
	[tilespmem:v7+s18+$0x0] =	vst.idx.add.f32.msk $0xffff, v16  }
0x1b9: {  	v54 =	vadd.f32 $1.258291200e+07, v5;
	v53 =	vpop (erf);
	v28 =	vadd.s32 v12, v42;
	[tilespmem:v7+s19+$0x0] =	vst.idx.add.f32.msk $0xffff, v24  }
0x1ba: {  	v41 =	vsel vm11, $0x45800800, v19;
	v44 =	vsel vm0, $0x45800800, v19;
	v55 =	vpop (erf);
	v47 =	vld [tilespmem:$0x1FFD0]  }
0x1bb: {  	v30 =	vmul.f32 v8, v25;
	v8 =	vadd.f32 $1.258291200e+07, v59;
	v2 =	vshll.u32 v54, $0x4;
	v56 =	vpop (erf);
	[tilespmem:v1+s18+$0x0] =	vst.idx.add.f32.msk $0xffff, v44  }
0x1bc: {  	vm12 =	veq.s32 v32, $0x0;
	v5 =	vmul.f32 v53, v25;
	v59 =	vpop (erf);
	[tilespmem:v1+s19+$0x0] =	vst.idx.add.f32.msk $0xffff, v23;
	v2 =	vadd.s32 v52, v2  }
0x1bd: {  	v4 =	vmul.f32 $1.442695020e+00, v4;
	v16 =	vsel vm12, $0x45800800, v19;
	v26 =	vmul.f32 v59, v25;
	[tilespmem:v3+s18+$0x0] =	vst.idx.add.f32.msk $0xffff, v41  }
0x1be: {  	v37 =	vmul.f32 v62, v25;
	v60 =	vshll.u32 v8, $0x4;
	v57 =	vmul.f32 $1.500000000e+01, v5;
	[tilespmem:v28+s18+$0x0] =	vst.idx.add.f32.msk $0xffff, v16  }
0x1bf: {  	vm2 =	veq.s32 v32, $0x1;
	v62 =	vmul.f32 $1.500000000e+01, v26;
	[tilespmem:v3+s19+$0x0] =	vst.idx.add.f32.msk $0xffff, v22;
	v0 =	vadd.s32 v47, v60  }
0x1c0: {  	v6 =	vmul.f32 v55, v25;
	v55 =	vadd.f32 $-5.000000000e-01, v57;
	v57 =	vsel vm2, $0x45800800, v19;
	[tilespmem:v28+s19+$0x0] =	vst.idx.add.f32.msk $0xffff, v31  }
0x1c1: {  	v54 =	vadd.f32 $-5.000000000e-01, v62;
	[tilespmem:v2+s18+$0x0] =	vst.idx.add.f32.msk $0xffff, v57  }
0x1c2: {  	(erf) = vpow2.f32 v4;
	vm3 =	veq.s32 v32, $0x2;
	v41 =	vld [tilespmem:$0x1FED0]  }
0x1c3: {  	v53 =	vmul.f32 $1.442695020e+00, v58;
	v58 =	vsel vm3, $0x45800800, v19;
	v4 =	vadd.f32 $1.258291200e+07, v54;
	[tilespmem:v2+s19+$0x0] =	vst.idx.add.f32.msk $0xffff, v43  }
0x1c4: {  	v23 =	vmul.f32 $1.500000000e+01, v6;
	[tilespmem:v0+s18+$0x0] =	vst.idx.add.f32.msk $0xffff, v58  }
0x1c5: {  	v4 =	vshll.u32 v4, $0x4;
	[tilespmem:v0+s19+$0x0] =	vst.idx.add.f32.msk $0xffff, v40  }
0x1c6: {  	v22 =	vadd.f32 $-5.000000000e-01, v23;
	v4 =	vadd.s32 v21, v4;
	v0 =	vld [tilespmem:$0x1FEE0]  }
0x1c7: {  	vm14 =	veq.s32 v32, $0x3;
	v7 =	vmul.f32 v56, v25;
	v16 =	vshll.u32 v46, $0x4  }
0x1c8: {  	v56 =	vmul.f32 $1.442695020e+00, v61;
	v60 =	vadd.f32 $1.258291200e+07, v22;
	v21 =	vld [tilespmem:$0x1FEF0];
	v16 =	vadd.s32 v41, v16  }
0x1c9: {  	v61 =	vsel vm14, $0x45800800, v19;
	(erf) = vpow2.f32 v53  }
0x1ca: {  	(erf) = vpow2.f32 v56;
	v1 =	vadd.f32 $1.258291200e+07, v55;
	v3 =	vshll.u32 v60, $0x4  }
0x1cb: {  	vm4 =	veq.s32 v32, $0x4;
	[tilespmem:v4+s18+$0x0] =	vst.idx.add.f32.msk $0xffff, v61;
	v0 =	vadd.s32 v0, v3  }
0x1cc: {  	v44 =	vsel vm4, $0x45800800, v19;
	v1 =	vshll.u32 v1, $0x4;
	[tilespmem:v4+s19+$0x0] =	vst.idx.add.f32.msk $0xffff, v26  }
0x1cd: {  	v59 =	vmul.f32 $1.500000000e+01, v7;
	v1 =	vadd.s32 v21, v1;
	[tilespmem:v16+s18+$0x0] =	vst.idx.add.f32.msk $0xffff, v44  }
0x1ce: {  	vm15 =	veq.s32 v32, $0x5;
	v23 =	vpop (erf);
	v31 =	vld [tilespmem:$0x1FF00]  }
0x1cf: {  	v46 =	vsel vm15, $0x45800800, v19;
	v22 =	vmul.f32 v23, v25;
	v23 =	vadd.f32 $-5.000000000e-01, v59;
	[tilespmem:v16+s19+$0x0] =	vst.idx.add.f32.msk $0xffff, v45  }
0x1d0: {  	v36 =	vmul.f32 $1.500000000e+01, v35;
	vm4 =	veq.s32 v32, $0x6;
	[tilespmem:v0+s18+$0x0] =	vst.idx.add.f32.msk $0xffff, v46  }
0x1d1: {  	v54 =	vsel vm4, $0x45800800, v19;
	v62 =	vmul.f32 $1.500000000e+01, v22;
	v23 =	vadd.f32 $1.258291200e+07, v23;
	v43 =	vpop (erf);
	[tilespmem:v0+s19+$0x0] =	vst.idx.add.f32.msk $0xffff, v6  }
0x1d2: {  	v38 =	vmul.f32 v51, v25;
	v48 =	vpop (erf);
	v3 =	vmul.f32 v43, v25;
	[tilespmem:v1+s18+$0x0] =	vst.idx.add.f32.msk $0xffff, v54  }
0x1d3: {  	v24 =	vadd.f32 $-5.000000000e-01, v62;
	v49 =	vshll.u32 v23, $0x4;
	v23 =	vmul.f32 v48, v25;
	v51 =	vpop (erf);
	[tilespmem:v1+s19+$0x0] =	vst.idx.add.f32.msk $0xffff, v5  }
0x1d4: {  	v50 =	vmul.f32 $1.500000000e+01, v3;
	v16 =	vmul.f32 v51, v25;
	v25 =	vld [tilespmem:$0x1FF10]  }
0x1d5: {  	vm13 =	veq.s32 v32, $0x7;
	v24 =	vadd.f32 $1.258291200e+07, v24;
	v4 =	vadd.s32 v31, v49  }
0x1d6: {  	vm5 =	veq.s32 v32, $0x8;
	v53 =	vmul.f32 $1.500000000e+01, v23;
	v2 =	vadd.f32 $-5.000000000e-01, v50  }
0x1d7: {  	vm6 =	veq.s32 v32, $0x9;
	vm7 =	veq.s32 v32, $0xA;
	v24 =	vshll.u32 v24, $0x4  }
0x1d8: {  	v57 =	vadd.f32 $-5.000000000e-01, v53;
	v56 =	vmul.f32 $1.500000000e+01, v16;
	v2 =	vadd.f32 $1.258291200e+07, v2  }
0x1d9: {  	v55 =	vsel vm13, $0x45800800, v19;
	v59 =	vmul.f32 $1.500000000e+01, v38;
	v58 =	vadd.s32 v25, v24  }
0x1da: {  	v6 =	vadd.f32 $1.258291200e+07, v57;
	v0 =	vadd.f32 $-5.000000000e-01, v56;
	v2 =	vshll.u32 v2, $0x4;
	[tilespmem:v4+s18+$0x0] =	vst.idx.add.f32.msk $0xffff, v55  }
0x1db: {  	v8 =	vmul.f32 $1.500000000e+01, v37;
	v60 =	vsel vm5, $0x45800800, v19;
	v2 =	vadd.s32 v20, v2;
	[tilespmem:v4+s19+$0x0] =	vst.idx.add.f32.msk $0xffff, v7  }
0x1dc: {  	v61 =	vadd.f32 $-5.000000000e-01, v59;
	v62 =	vshll.u32 v6, $0x4;
	v0 =	vadd.f32 $1.258291200e+07, v0;
	[tilespmem:v29+s18+$0x0] =	vst.idx.add.f32.msk $0xffff, v60  }
0x1dd: {  	v42 =	vmul.f32 $1.500000000e+01, v30;
	v28 =	vsel vm6, $0x45800800, v19;
	v5 =	vadd.s32 v9, v62;
	[tilespmem:v29+s19+$0x0] =	vst.idx.add.f32.msk $0xffff, v27  }
0x1de: {  	v0 =	vshll.u32 v0, $0x4;
	v24 =	vadd.f32 $-5.000000000e-01, v8;
	v4 =	vadd.f32 $1.258291200e+07, v61;
	[tilespmem:v58+s18+$0x0] =	vst.idx.add.f32.msk $0xffff, v28  }
0x1df: {  	vm8 =	veq.s32 v32, $0xB;
	v40 =	vsel vm7, $0x45800800, v19;
	v0 =	vadd.s32 v15, v0;
	[tilespmem:v58+s19+$0x0] =	vst.idx.add.f32.msk $0xffff, v22  }
0x1e0: {  	v44 =	vadd.f32 $-5.000000000e-01, v42;
	v43 =	vadd.f32 $1.258291200e+07, v24;
	v4 =	vshll.u32 v4, $0x4;
	[tilespmem:v2+s18+$0x0] =	vst.idx.add.f32.msk $0xffff, v40  }
0x1e1: {  	vm9 =	veq.s32 v32, $0xC;
	v45 =	vsel vm8, $0x45800800, v19;
	v46 =	vadd.s32 v13, v4;
	[tilespmem:v2+s19+$0x0] =	vst.idx.add.f32.msk $0xffff, v3  }
0x1e2: {  	v48 =	vmul.f32 $1.500000000e+01, v33;
	v49 =	vadd.f32 $1.258291200e+07, v44;
	v1 =	vshll.u32 v43, $0x4;
	[tilespmem:v5+s18+$0x0] =	vst.idx.add.f32.msk $0xffff, v45  }
0x1e3: {  	vm10 =	veq.s32 v32, $0xD;
	v50 =	vsel vm9, $0x45800800, v19;
	v1 =	vadd.s32 v11, v1;
	[tilespmem:v5+s19+$0x0] =	vst.idx.add.f32.msk $0xffff, v23  }
0x1e4: {  	v51 =	vadd.f32 $1.258291200e+07, v39;
	v4 =	vshll.u32 v49, $0x4;
	v3 =	vadd.f32 $-5.000000000e-01, v48;
	[tilespmem:v0+s18+$0x0] =	vst.idx.add.f32.msk $0xffff, v50  }
0x1e5: {  	vm11 =	veq.s32 v32, $0xE;
	v54 =	vsel vm10, $0x45800800, v19;
	v4 =	vadd.s32 v17, v4;
	[tilespmem:v0+s19+$0x0] =	vst.idx.add.f32.msk $0xffff, v16  }
0x1e6: {  	v53 =	vadd.f32 $-5.000000000e-01, v36;
	v55 =	vshll.u32 v51, $0x4;
	v3 =	vadd.f32 $1.258291200e+07, v3;
	[tilespmem:v46+s18+$0x0] =	vst.idx.add.f32.msk $0xffff, v54  }
0x1e7: {  	v56 =	vsel vm11, $0x45800800, v19;
	v0 =	vadd.s32 v14, v55;
	[tilespmem:v46+s19+$0x0] =	vst.idx.add.f32.msk $0xffff, v38  }
0x1e8: {  	vm12 =	veq.s32 v32, $0xF;
	v57 =	vadd.f32 $1.258291200e+07, v53;
	v3 =	vshll.u32 v3, $0x4;
	[tilespmem:v1+s18+$0x0] =	vst.idx.add.f32.msk $0xffff, v56  }
0x1e9: {  	v58 =	vsel vm12, $0x45800800, v19;
	v59 =	vadd.s32 v18, v3;
	[tilespmem:v1+s19+$0x0] =	vst.idx.add.f32.msk $0xffff, v37  }
0x1ea: {  	vm13 =	veq.s32 v32, $0x10;
	v2 =	vshll.u32 v57, $0x4;
	[tilespmem:v4+s18+$0x0] =	vst.idx.add.f32.msk $0xffff, v58  }
0x1eb: {  	v60 =	vsel vm13, $0x45800800, v19;
	v2 =	vadd.s32 v10, v2;
	[tilespmem:v4+s19+$0x0] =	vst.idx.add.f32.msk $0xffff, v30  }
0x1ec: {  	p0 =	seq.s32 s22, $0x7;
	vm14 =	veq.s32 v32, $0x11;
	[tilespmem:v0+s18+$0x0] =	vst.idx.add.f32.msk $0xffff, v60  }
.Ltmp3:
0x1ed: {  	v61 =	vsel vm14, $0x45800800, v19;
	[tilespmem:v0+s19+$0x0] =	vst.idx.add.f32.msk $0xffff, v34;
	(pc) =	sbr.rel @p0 .LBB2_10-.Ltmp3, $4  }
0x1ee: {  	vm15 =	veq.s32 v32, $0x12;
	[tilespmem:v59+s18+$0x0] =	vst.idx.add.f32.msk $0xffff, v61  }
0x1ef: {  	v26 =	vmov v20;
	v62 =	vsel vm15, $0x45800800, v19;
	[tilespmem:v59+s19+$0x0] =	vst.idx.add.f32.msk $0xffff, v33  }
0x1f0: {  	v9 =	vmov v52;
	v15 =	vmov v21;
	v21 =	vmov v26;
	[tilespmem:v2+s18+$0x0] =	vst.idx.add.f32.msk $0xffff, v62  }
0x1f1: {  	v20 =	vmovc v25;
	v17 =	vmovc v31;
	v11 =	vmov v12;
	v12 =	vmov v41;
	v14 =	vmov v47;
	[tilespmem:v2+s19+$0x0] =	vst.idx.add.f32.msk $0xffff, v35  }
0x1f2: {  	s0 =	sadd.s32 $0x2, s23  }
0x1f3: {  	s2 =	sshrl.u32 s0, $0x2;
	s0 =	sand.u32 $0x2, s0  }
0x1f4: {  	s0 =	sor.u32 s6, s0;
	s3 =	smul.u32 $0x4C0000, s2  }
0x1f5: {  	s0 =	sshll.u32 s0, $0xB  }
0x1f6: {  	s3 =	sor.u32 s3, s0  }
0x1f7: {  	s3 =	sshrl.u32 s3, $0x3  }
0x1f8: {  	s3 =	sadd.s32 s1, s3  }
0x1f9: {  	[tilespmem:s4], [sflag:$0x1] =	stream.linear.gather [hbm4b:s3+s4], $0x800, $0x38;
	[tilespmem:$0x17000] =	vst v63  }
0x1fa: {  	s7 =	simm.s32 $0x800;
	s5 =	sadd.s32 $0x8000, s3  }
0x1fb: {  	[tilespmem:s7], [sflag:$0x1] =	stream.linear.gather [hbm4b:s5+s4], $0x800, $0x38;
	[tilespmem:$0x17000] =	vst v63  }
0x1fc: {  	s26 =	simm.s32 $0x1000;
	s25 =	sadd.s32 $0x10000, s3  }
0x1fd: {  	[tilespmem:s26], [sflag:$0x1] =	stream.linear.gather [hbm4b:s25+s4], $0x800, $0x38;
	[tilespmem:$0x17000] =	vst v63  }
0x1fe: {  	s31 =	simm.s32 $0x1800;
	s28 =	sadd.s32 $0x18000, s3  }
0x1ff: {  	[tilespmem:s31], [sflag:$0x1] =	stream.linear.gather [hbm4b:s28+s4], $0x800, $0x38;
	[tilespmem:$0x17000] =	vst v63  }
0x200: {  	s9 =	simm.s32 $0x2000;
	s8 =	sadd.s32 $0x20000, s3  }
0x201: {  	[tilespmem:s9], [sflag:$0x1] =	stream.linear.gather [hbm4b:s8+s4], $0x800, $0x38;
	[tilespmem:$0x17000] =	vst v63  }
0x202: {  	s11 =	simm.s32 $0x2800;
	s10 =	sadd.s32 $0x28000, s3  }
0x203: {  	[tilespmem:s11], [sflag:$0x1] =	stream.linear.gather [hbm4b:s10+s4], $0x800, $0x38;
	[tilespmem:$0x17000] =	vst v63  }
0x204: {  	s24 =	simm.s32 $0x3000;
	s23 =	sadd.s32 $0x30000, s3  }
0x205: {  	[tilespmem:s24], [sflag:$0x1] =	stream.linear.gather [hbm4b:s23+s4], $0x800, $0x38;
	[tilespmem:$0x17000] =	vst v63  }
0x206: {  	s25 =	sadd.s32 $0x38000, s3;
	s26 =	simm.s32 $0x3800  }
0x207: {  	[tilespmem:s26], [sflag:$0x1] =	stream.linear.gather [hbm4b:s25+s4], $0x800, $0x38;
	[tilespmem:$0x17000] =	vst v63  }
0x208: {  	s28 =	sadd.s32 $0x40000, s3;
	s31 =	simm.s32 $0x4000  }
0x209: {  	[tilespmem:s31], [sflag:$0x1] =	stream.linear.gather [hbm4b:s28+s4], $0x800, $0x38;
	[tilespmem:$0x17000] =	vst v63  }
0x20a: {  	s8 =	sadd.s32 $0x48000, s3;
	s9 =	simm.s32 $0x4800  }
0x20b: {  	[tilespmem:s9], [sflag:$0x1] =	stream.linear.gather [hbm4b:s8+s4], $0x800, $0x38;
	[tilespmem:$0x17000] =	vst v63  }
0x20c: {  	s10 =	sadd.s32 $0x50000, s3;
	s11 =	simm.s32 $0x5000  }
0x20d: {  	[tilespmem:s11], [sflag:$0x1] =	stream.linear.gather [hbm4b:s10+s4], $0x800, $0x38;
	[tilespmem:$0x17000] =	vst v63  }
0x20e: {  	s23 =	sadd.s32 $0x58000, s3;
	s24 =	simm.s32 $0x5800  }
0x20f: {  	[tilespmem:s24], [sflag:$0x1] =	stream.linear.gather [hbm4b:s23+s4], $0x800, $0x38;
	[tilespmem:$0x17000] =	vst v63  }
0x210: {  	s25 =	sadd.s32 $0x60000, s3;
	s26 =	simm.s32 $0x6000  }
0x211: {  	[tilespmem:s26], [sflag:$0x1] =	stream.linear.gather [hbm4b:s25+s4], $0x800, $0x38;
	[tilespmem:$0x17000] =	vst v63  }
0x212: {  	s28 =	sadd.s32 $0x68000, s3;
	s31 =	simm.s32 $0x6800  }
0x213: {  	[tilespmem:s31], [sflag:$0x1] =	stream.linear.gather [hbm4b:s28+s4], $0x800, $0x38;
	[tilespmem:$0x17000] =	vst v63  }
0x214: {  	s7 =	sadd.s32 $0x70000, s3;
	s8 =	simm.s32 $0x7000  }
0x215: {  	[tilespmem:s8], [sflag:$0x1] =	stream.linear.gather [hbm4b:s7+s4], $0x800, $0x38;
	[tilespmem:$0x17000] =	vst v63  }
0x216: {  	s2 =	sshll.u32 s2, $0x12;
	s9 =	sadd.s32 $0x78000, s3;
	s10 =	simm.s32 $0x7800  }
0x217: {  	[tilespmem:s10], [sflag:$0x1] =	stream.linear.gather [hbm4b:s9+s4], $0x800, $0x38;
	[tilespmem:$0x17000] =	vst v63  }
0x218: {  	s0 =	sor.u32 s2, s0;
	s11 =	sadd.s32 $0x80000, s3;
	s23 =	simm.s32 $0x8000  }
0x219: {  	[tilespmem:s23], [sflag:$0x1] =	stream.linear.gather [hbm4b:s11+s4], $0x800, $0x38;
	[tilespmem:$0x17000] =	vst v63  }
0x21a: {  	s0 =	sshrl.u32 s0, $0x3;
	s24 =	sadd.s32 $0x88000, s3;
	s25 =	simm.s32 $0x8800  }
0x21b: {  	[tilespmem:s25], [sflag:$0x1] =	stream.linear.gather [hbm4b:s24+s4], $0x800, $0x38;
	[tilespmem:$0x17000] =	vst v63  }
0x21c: {  	s3 =	sadd.s32 $0x90000, s3;
	s26 =	simm.s32 $0x9000;
	s28 =	rddreg [dreg:$0x1]  }
0x21d: {  	[tilespmem:s26], [sflag:$0x1] =	stream.linear.gather [hbm4b:s3+s4], $0x800, $0x38;
	[tilespmem:$0x17000] =	vst v63  }
0x21e: {  	s31 =	simm.s32 $0x9800;
	s0 =	sadd.s32 s28, s0  }
0x21f: {  	[tilespmem:s31], [sflag:$0x1] =	stream.linear.gather [hbm4b:s0+s4], $0x800, $0x38;
	[tilespmem:$0x17000] =	vst v63  }
.LBB2_10:
0x220: {  	_ =	swait.ge [sflag:s20], $0x9800  }
0x221: {  	[sflag:s20] =	ssyncset.done $0x0  }
0x222: {  	s0 =	simm.s32 $0x0;
	[sflag:s20] =	ssyncadd.s32 $0xFFFF6800  }
0x223: {  	s2 =	sand.u32 $0x400, s0;
	s3 =	sand.u32 $0x380, s0;
	_ =	swait.ge [sflag:s20], $0x800  }
0x224: {  	s0 =	sand.u32 $0x70, s0;
	s2 =	sor.u32 s3, s2;
	[sflag:s20] =	ssyncset.done $0x0  }
0x225: {  	s31 =	sor.u32 s0, s2;
	[sflag:s20] =	ssyncadd.s32 $0xFFFFF800  }
0x226: {  	v0 =	vld [tilespmem:s31+$0xD000]  }
0x227: {  	v1 =	vld [tilespmem:s31+$0xC000]  }
0x228: {  	v2 =	vld [tilespmem:s31+$0xB000]  }
0x229: {  	v3 =	vld [tilespmem:s31+$0xA800]  }
0x22a: {  	v4 =	vld [tilespmem:s31+$0xB800]  }
0x22b: {  	v6 =	vld [tilespmem:s31+$0xD800]  }
0x22c: {  	v7 =	vld [tilespmem:s31+$0xC800]  }
0x22d: {  	s5 =	simm.s32 $0x8;
	s7 =	simm.s32 $0x80;
	v8 =	vld [tilespmem:s31+$0xE000]  }
0x22e: {  	s8 =	simm.s32 $0x10;
	s2 =	sand.u32 $0x400, s7;
	s0 =	sand.u32 $0x380, s5;
	v22 =	vld [tilespmem:s31+$0xF000]  }
0x22f: {  	s3 =	sand.u32 $0x70, s8;
	s0 =	sor.u32 s0, s2;
	v24 =	vld [tilespmem:s31+$0x10000];
	v2 =	vmul.f32 $1.442695020e+00, v2  }
0x230: {  	s23 =	sor.u32 s3, s0;
	v5 =	vld [tilespmem:s31+$0xA000];
	v3 =	vmul.f32 $1.442695020e+00, v3;
	v1 =	vmul.f32 $1.442695020e+00, v1  }
0x231: {  	v27 =	vld [tilespmem:s23+$0xD800];
	v0 =	vmul.f32 $1.442695020e+00, v0;
	v6 =	vmul.f32 $1.442695020e+00, v6  }
0x232: {  	v28 =	vld [tilespmem:s23+$0xC800];
	v7 =	vmul.f32 $1.442695020e+00, v7;
	v4 =	vmul.f32 $1.442695020e+00, v4  }
0x233: {  	v29 =	vld [tilespmem:s23+$0xE000];
	v8 =	vmul.f32 $1.442695020e+00, v8;
	v38 =	vmul.f32 $1.442695020e+00, v22  }
0x234: {  	v23 =	vld [tilespmem:s31+$0xF800];
	v39 =	vmul.f32 $1.442695020e+00, v24;
	(erf) = vpow2.f32 v3  }
0x235: {  	v26 =	vld [tilespmem:s23+$0xB800];
	v5 =	vmul.f32 $1.442695020e+00, v5;
	(erf) = vpow2.f32 v4  }
0x236: {  	v16 =	vld [tilespmem:s31+$0xE800];
	v27 =	vmul.f32 $1.442695020e+00, v27;
	(erf) = vpow2.f32 v2  }
0x237: {  	v22 =	vld [tilespmem:s31+$0x11800];
	v28 =	vmul.f32 $1.442695020e+00, v28;
	(erf) = vpow2.f32 v6  }
0x238: {  	v24 =	vld [tilespmem:s31+$0x12800];
	v29 =	vmul.f32 $1.442695020e+00, v29;
	(erf) = vpow2.f32 v7  }
0x239: {  	v2 =	vmul.f32 $1.442695020e+00, v23;
	v23 =	vld [tilespmem:s31+$0x12000];
	(erf) = vpow2.f32 v1  }
0x23a: {  	v40 =	vld [tilespmem:s31+$0x13000];
	v26 =	vmul.f32 $1.442695020e+00, v26;
	(erf) = vpow2.f32 v0  }
0x23b: {  	v25 =	vld [tilespmem:s31+$0x10800];
	v3 =	vmul.f32 $1.442695020e+00, v16;
	(erf) = vpow2.f32 v5  }
0x23c: {  	v16 =	vld [tilespmem:s31+$0x11000];
	v41 =	vmul.f32 $1.442695020e+00, v22;
	(erf) = vpow2.f32 v38  }
0x23d: {  	v30 =	vld [tilespmem:s23+$0xE800];
	v24 =	vmul.f32 $1.442695020e+00, v24;
	(erf) = vpow2.f32 v8;
	v8 =	vpop (erf)  }
0x23e: {  	v31 =	vld [tilespmem:s23+$0xF000];
	v43 =	vmul.f32 $1.442695020e+00, v23;
	(erf) = vpow2.f32 v41;
	v23 =	vpop (erf)  }
0x23f: {  	v32 =	vld [tilespmem:s23+$0xF800];
	v7 =	vmul.f32 $1.442695020e+00, v40;
	(erf) = vpow2.f32 v2;
	v2 =	vpop (erf)  }
0x240: {  	s26 =	simm.s32 $0x10;
	s24 =	simm.s32 $0x100;
	v22 =	vld [tilespmem:s23+$0xA800];
	v1 =	vmul.f32 $1.442695020e+00, v25;
	(erf) = vpow2.f32 v39;
	v44 =	vpop (erf)  }
0x241: {  	s25 =	simm.s32 $0x20;
	s9 =	sand.u32 $0x400, s24;
	s10 =	sand.u32 $0x380, s26;
	v35 =	vld [tilespmem:s23+$0x11000];
	v0 =	vmul.f32 $1.442695020e+00, v16;
	(erf) = vpow2.f32 v24;
	v24 =	vpop (erf)  }
0x242: {  	s11 =	sand.u32 $0x70, s25;
	s0 =	sor.u32 s10, s9;
	v30 =	vmul.f32 $1.442695020e+00, v30;
	v16 =	vld [tilespmem:s23+$0xB000];
	(erf) = vpow2.f32 v7;
	v45 =	vpop (erf)  }
0x243: {  	v42 =	vld [tilespmem:s23+$0xC000];
	s5 =	sor.u32 s11, s0;
	v31 =	vmul.f32 $1.442695020e+00, v31;
	(erf) = vpow2.f32 v3;
	v3 =	vpop (erf)  }
0x244: {  	v59 =	vld [tilespmem:s5+$0xF000];
	v32 =	vmul.f32 $1.442695020e+00, v32;
	(erf) = vpow2.f32 v1;
	v1 =	vpop (erf)  }
0x245: {  	v25 =	vld [tilespmem:s23+$0xD000];
	v22 =	vmul.f32 $1.442695020e+00, v22;
	(erf) = vpow2.f32 v0;
	v0 =	vpop (erf)  }
0x246: {  	v33 =	vld [tilespmem:s23+$0x10000];
	v35 =	vmul.f32 $1.442695020e+00, v35;
	(erf) = vpow2.f32 v43;
	v46 =	vpop (erf)  }
0x247: {  	v36 =	vld [tilespmem:s23+$0xA000];
	v16 =	vmul.f32 $1.442695020e+00, v16;
	v37 =	vpop (erf);
	(erf) = vpow2.f32 v22  }
0x248: {  	v4 =	vmul.f32 $1.442695020e+00, v42;
	v22 =	vld [tilespmem:s23+$0x11800];
	v38 =	vpop (erf);
	(erf) = vpow2.f32 v26  }
0x249: {  	v34 =	vld [tilespmem:s23+$0x10800];
	v40 =	vmul.f32 $1.442695020e+00, v59;
	v7 =	vadd.f32 v24, v45;
	v24 =	vpop (erf);
	(erf) = vpow2.f32 v16  }
0x24a: {  	v49 =	vld [tilespmem:s23+$0x13000];
	v25 =	vmul.f32 $1.442695020e+00, v25;
	v2 =	vadd.f32 v23, v2;
	v48 =	vpop (erf);
	(erf) = vpow2.f32 v27  }
0x24b: {  	v47 =	vld [tilespmem:s23+$0x12800];
	v1 =	vadd.f32 v8, v1;
	v26 =	vmul.f32 $1.442695020e+00, v33;
	v27 =	vpop (erf);
	(erf) = vpow2.f32 v28  }
0x24c: {  	v51 =	vld [tilespmem:s5+$0xC000];
	v3 =	vadd.f32 v44, v3;
	v28 =	vmul.f32 $1.442695020e+00, v36;
	v23 =	vpop (erf);
	(erf) = vpow2.f32 v4  }
0x24d: {  	v8 =	vld [tilespmem:s23+$0x12000];
	v1 =	vadd.f32 v2, v1;
	v50 =	vmul.f32 $1.442695020e+00, v22;
	v22 =	vpop (erf);
	(erf) = vpow2.f32 v25  }
0x24e: {  	v52 =	vld [tilespmem:s5+$0xB000];
	v16 =	vmul.f32 $1.442695020e+00, v34;
	v0 =	vadd.f32 v38, v0;
	v2 =	vpop (erf);
	(erf) = vpow2.f32 v28  }
0x24f: {  	v53 =	vld [tilespmem:s5+$0xA800];
	v34 =	vmul.f32 $1.442695020e+00, v49;
	v5 =	vadd.f32 v23, v46;
	v23 =	vpop (erf);
	(erf) = vpow2.f32 v31  }
0x250: {  	v56 =	vld [tilespmem:s5+$0xD800];
	v6 =	vadd.f32 v48, v23;
	v31 =	vpop (erf);
	v23 =	vadd.f32 v22, v24;
	(erf) = vpow2.f32 v29  }
0x251: {  	v39 =	vld [tilespmem:s5+$0xD000];
	v25 =	vmul.f32 $1.442695020e+00, v47;
	v2 =	vadd.f32 v37, v2;
	v54 =	vpop (erf);
	(erf) = vpow2.f32 v50  }
0x252: {  	v58 =	vld [tilespmem:s5+$0xE000];
	v3 =	vadd.f32 v3, v7;
	v55 =	vmul.f32 $1.442695020e+00, v8;
	v8 =	vpop (erf);
	(erf) = vpow2.f32 v32  }
0x253: {  	v0 =	vadd.f32 v0, v5;
	v29 =	vld [tilespmem:s5+$0xC800];
	v2 =	vadd.f32 v2, v23;
	v57 =	vpop (erf);
	(erf) = vpow2.f32 v26  }
0x254: {  	v1 =	vadd.f32 v3, v1;
	v3 =	vmul.f32 $1.442695020e+00, v53;
	v24 =	vld [tilespmem:s5+$0xB800];
	v23 =	vpop (erf);
	(erf) = vpow2.f32 v25  }
0x255: {  	v42 =	vld [tilespmem:s5+$0x10800];
	v38 =	vmul.f32 $1.442695020e+00, v56;
	v28 =	vmul.f32 $1.442695020e+00, v52;
	v0 =	vadd.f32 v2, v0;
	v25 =	vpop (erf)  }
0x256: {  	v6 =	vadd.f32 v27, v6;
	v27 =	vmul.f32 $1.442695020e+00, v39;
	v2 =	vld [tilespmem:s5+$0xE800];
	(erf) = vpow2.f32 v34;
	v60 =	vpop (erf)  }
0x257: {  	v26 =	vmul.f32 $1.442695020e+00, v51;
	(erf) = vpow2.f32 v30;
	v0 =	vadd.f32 v0, v1;
	v1 =	vld [tilespmem:s5+$0xF800];
	v61 =	vpop (erf)  }
0x258: {  	v37 =	vadd.f32 v54, v8;
	v39 =	vmul.f32 $1.442695020e+00, v29;
	(erf) = vpow2.f32 v16;
	v16 =	vld [tilespmem:s5+$0x10000];
	v41 =	vpop (erf)  }
0x259: {  	v45 =	vld [tilespmem:s5+$0x12800];
	v62 =	vmul.f32 $1.442695020e+00, v24;
	v23 =	vadd.f32 v23, v25;
	(erf) = vpow2.f32 v35;
	v30 =	vpop (erf)  }
0x25a: {  	v44 =	vld [tilespmem:s5+$0x11800];
	v6 =	vadd.f32 v6, v0;
	v0 =	vmul.f32 $1.442695020e+00, v58;
	(erf) = vpow2.f32 v55;
	v29 =	vpop (erf)  }
0x25b: {  	v43 =	vld [tilespmem:s5+$0x11000];
	v25 =	vadd.f32 v57, v60;
	v24 =	vmul.f32 $1.442695020e+00, v2;
	(erf) = vpow2.f32 v3;
	v2 =	vpop (erf)  }
0x25c: {  	s7 =	simm.s32 $0x18;
	s2 =	simm.s32 $0x30;
	v22 =	vld [tilespmem:s5+$0xA000];
	v33 =	vadd.f32 v31, v61;
	v34 =	vmul.f32 $1.442695020e+00, v1;
	(erf) = vrcp.f32 v6;
	v36 =	vpop (erf)  }
0x25d: {  	s28 =	smov.u32 s31;
	s0 =	simm.s32 $0x180;
	s3 =	smov.u32 s23;
	v32 =	vld [tilespmem:s5+$0x12000];
	v31 =	vadd.f32 v2, v41;
	v35 =	vmul.f32 $1.442695020e+00, v16;
	(erf) = vpow2.f32 v62;
	v41 =	vpop (erf)  }
.LBB2_11:
0x25e: {  	s8 =	smov.u32 s7  }
0x25f: {  	s9 =	sand.u32 $0x400, s0;
	s10 =	sand.u32 $0x380, s7;
	v1 =	vmul.f32 $1.442695020e+00, v42;
	v2 =	vld [tilespmem:s5+$0x13000];
	(erf) = vpow2.f32 v28;
	v3 =	vpop (erf);
	s8 =	sadd.s32 $0x8, s7  }
0x260: {  	s11 =	sand.u32 $0x70, s2;
	p0 =	sne.s32 s7, $0x3F8;
	s9 =	sor.u32 s10, s9;
	v4 =	vmul.f32 $1.442695020e+00, v43;
	(erf) = vpow2.f32 v38;
	v5 =	vpop (erf)  }
0x261: {  	s7 =	sor.u32 s11, s9;
	v6 =	vmul.f32 $1.442695020e+00, v44;
	(erf) = vpow2.f32 v39;
	v7 =	vpop (erf)  }
0x262: {  	v16 =	vmul.f32 $1.442695020e+00, v22;
	v8 =	vld [tilespmem:s7+$0xD000];
	(erf) = vpow2.f32 v26;
	v26 =	vadd.f32 v37, v33;
	v22 =	vpop (erf)  }
0x263: {  	v5 =	vadd.f32 v5, v30;
	v37 =	vmul.f32 $1.442695020e+00, v45;
	v33 =	vld [tilespmem:s7+$0xC000];
	(erf) = vpow2.f32 v27;
	v27 =	vpop (erf)  }
0x264: {  	v2 =	vmul.f32 $1.442695020e+00, v2;
	v28 =	vld [tilespmem:s7+$0xB000];
	(erf) = vpow2.f32 v16;
	v16 =	vadd.f32 v41, v27  }
0x265: {  	v7 =	vadd.f32 v7, v36;
	v10 =	vadd.f32 v29, v22;
	v27 =	vld [tilespmem:s7+$0xA800];
	v30 =	vpop (erf);
	(erf) = vpow2.f32 v40  }
0x266: {  	v5 =	vadd.f32 v31, v5;
	v36 =	vld [tilespmem:s7+$0xB800];
	(erf) = vpow2.f32 v0;
	v0 =	vadd.f32 v25, v23;
	v23 =	vpop (erf)  }
0x267: {  	v31 =	vmul.f32 $1.442695020e+00, v32;
	v22 =	vld [tilespmem:s7+$0xA000];
	v32 =	vpop (erf);
	(erf) = vpow2.f32 v6;
	v6 =	vadd.f32 v10, v7;
	[tilespmem:s28+$0x14000] =	vst v23;
	s28 =	smov.u32 s3;
	s3 =	smov.u32 s5;
	s5 =	smov.u32 s7  }
0x268: {  	v7 =	vld [tilespmem:s5+$0xD800];
	v29 =	vpop (erf);
	(erf) = vpow2.f32 v34;
	v0 =	vadd.f32 v0, v26  }
0x269: {  	v28 =	vmul.f32 $1.442695020e+00, v28;
	v25 =	vld [tilespmem:s5+$0xC800];
	v34 =	vpop (erf);
	(erf) = vpow2.f32 v35;
	v10 =	vadd.f32 v6, v5  }
0x26a: {  	v3 =	vadd.f32 v3, v16;
	v6 =	vmul.f32 $1.442695020e+00, v27;
	v35 =	vld [tilespmem:s5+$0xE000];
	v23 =	vpop (erf);
	(erf) = vpow2.f32 v37  }
0x26b: {  	v26 =	vmul.f32 $1.442695020e+00, v33;
	v16 =	vld [tilespmem:s5+$0xE800];
	v33 =	vpop (erf);
	(erf) = vpow2.f32 v2;
	v0 =	vadd.f32 v10, v0  }
0x26c: {  	v27 =	vmul.f32 $1.442695020e+00, v8;
	v2 =	vld [tilespmem:s5+$0xF000];
	v23 =	vadd.f32 v23, v33;
	v5 =	vpop (erf);
	(erf) = vpow2.f32 v24  }
0x26d: {  	v38 =	vmul.f32 $1.442695020e+00, v7;
	v7 =	vld [tilespmem:s5+$0xF800];
	v8 =	vpop (erf);
	(erf) = vpow2.f32 v1;
	v1 =	vadd.f32 v3, v0  }
0x26e: {  	v39 =	vmul.f32 $1.442695020e+00, v25;
	v3 =	vld [tilespmem:s5+$0x10000];
	v25 =	vadd.f32 v34, v5;
	v5 =	vpop (erf);
	(erf) = vpow2.f32 v4  }
.Ltmp4:
0x26f: {  	v33 =	vadd.f32 v30, v8;
	v0 =	vmul.f32 $1.442695020e+00, v35;
	v42 =	vld [tilespmem:s5+$0x10800];
	v30 =	vpop (erf);
	(erf) = vpow2.f32 v31;
	(pc) =	sbr.rel @p0 .LBB2_11-.Ltmp4, $4  }
0x270: {  	v37 =	vadd.f32 v32, v29;
	v4 =	vmul.f32 $1.442695020e+00, v36;
	v24 =	vmul.f32 $1.442695020e+00, v16;
	v43 =	vld [tilespmem:s5+$0x11000];
	v29 =	vpop (erf)  }
0x271: {  	v40 =	vmul.f32 $1.442695020e+00, v2;
	v44 =	vld [tilespmem:s5+$0x11800];
	(erf) = vpow2.f32 v6;
	v2 =	vpop (erf)  }
0x272: {  	v34 =	vmul.f32 $1.442695020e+00, v7;
	v32 =	vld [tilespmem:s5+$0x12000];
	v31 =	vadd.f32 v2, v5;
	v36 =	vpop (erf);
	(erf) = vrcp.f32 v1  }
0x273: {  	s2 =	sadd.s32 $0x10, s2;
	s0 =	sadd.s32 $0x80, s0;
	s7 =	smov.u32 s8;
	v35 =	vmul.f32 $1.442695020e+00, v3;
	v45 =	vld [tilespmem:s5+$0x12800];
	(erf) = vpow2.f32 v4;
	v41 =	vpop (erf)  }
0x274: {  	(erf) = vpow2.f32 v28  }
0x275: {  	v1 =	vpop (erf);
	(erf) = vpow2.f32 v38  }
0x276: {  	v2 =	vpop (erf);
	(erf) = vpow2.f32 v39  }
0x277: {  	v4 =	vmul.f32 $1.442695020e+00, v22;
	v3 =	vpop (erf);
	(erf) = vpow2.f32 v26  }
0x278: {  	v5 =	vpop (erf);
	(erf) = vpow2.f32 v27  }
0x279: {  	v6 =	vld [tilespmem:s5+$0x13000];
	v7 =	vpop (erf);
	(erf) = vpow2.f32 v4  }
0x27a: {  	v54 =	vmul.f32 $1.442695020e+00, v44;
	v8 =	vpop (erf);
	(erf) = vpow2.f32 v40  }
0x27b: {  	(erf) = vpow2.f32 v0;
	v0 =	vpop (erf)  }
0x27c: {  	v16 =	vpop (erf);
	(erf) = vpow2.f32 v54  }
0x27d: {  	v55 =	vmul.f32 $1.442695020e+00, v45;
	v22 =	vpop (erf);
	(erf) = vpow2.f32 v34  }
0x27e: {  	v6 =	vmul.f32 $1.442695020e+00, v6;
	v26 =	vpop (erf);
	(erf) = vpow2.f32 v35  }
0x27f: {  	v27 =	vpop (erf);
	(erf) = vpow2.f32 v55  }
0x280: {  	v56 =	vmul.f32 $1.442695020e+00, v42;
	v28 =	vpop (erf);
	(erf) = vpow2.f32 v6  }
0x281: {  	v57 =	vmul.f32 $1.442695020e+00, v43;
	v58 =	vpop (erf);
	(erf) = vpow2.f32 v24  }
0x282: {  	v24 =	vpop (erf);
	(erf) = vpow2.f32 v56  }
0x283: {  	v59 =	vpop (erf);
	(erf) = vpow2.f32 v57  }
0x284: {  	v61 =	vpop (erf)  }
0x285: {  	v23 =	vadd.f32 v25, v23;
	v60 =	vmul.f32 $1.442695020e+00, v32;
	v62 =	vpop (erf)  }
0x286: {  	v33 =	vadd.f32 v37, v33;
	v2 =	vadd.f32 v2, v30;
	v37 =	vpop (erf)  }
0x287: {  	v3 =	vadd.f32 v3, v36;
	v5 =	vadd.f32 v29, v5;
	(erf) = vpow2.f32 v60;
	v25 =	vpop (erf)  }
0x288: {  	v38 =	vadd.f32 v23, v33;
	v2 =	vadd.f32 v31, v2;
	v29 =	vpop (erf)  }
0x289: {  	v7 =	vadd.f32 v41, v7;
	v3 =	vadd.f32 v5, v3;
	v23 =	vpop (erf)  }
0x28a: {  	v16 =	vadd.f32 v16, v22;
	v27 =	vadd.f32 v27, v28;
	v28 =	vpop (erf)  }
0x28b: {  	v26 =	vadd.f32 v26, v58;
	v8 =	vadd.f32 v8, v24;
	v22 =	vpop (erf)  }
0x28c: {  	v4 =	vadd.f32 v37, v59;
	v24 =	vadd.f32 v28, v61;
	v39 =	vpop (erf)  }
0x28d: {  	v22 =	vadd.f32 v22, v25;
	v6 =	vadd.f32 v62, v39  }
0x28e: {  	v8 =	vadd.f32 v16, v8;
	v16 =	vadd.f32 v26, v27  }
0x28f: {  	v4 =	vadd.f32 v4, v24;
	v6 =	vadd.f32 v6, v22  }
0x290: {  	v2 =	vadd.f32 v3, v2;
	v8 =	vadd.f32 v16, v8;
	v25 =	vpop (erf)  }
0x291: {  	v3 =	vadd.f32 v29, v25;
	v4 =	vadd.f32 v6, v4  }
0x292: {  	v1 =	vadd.f32 v1, v7;
	v2 =	vadd.f32 v2, v38  }
0x293: {  	v3 =	vadd.f32 v23, v3;
	v4 =	vadd.f32 v4, v8  }
0x294: {  	v1 =	vadd.f32 v1, v2  }
0x295: {  	v2 =	vadd.f32 v3, v4  }
0x296: {  	(erf) = vrcp.f32 v1  }
0x297: {  	(erf) = vrcp.f32 v2;
	_ =	sdelay $0x7  }
0x298: {  	[tilespmem:s28+$0x14000] =	vst v0;
	v0 =	vpop (erf)  }
0x299: {  	[tilespmem:s3+$0x14000] =	vst v0;
	v0 =	vpop (erf)  }
0x29a: {  	[tilespmem:s5+$0x14000] =	vst v0  }
0x29b: {  	v0 =	vld [tilespmem:s31+$0xA000];
	_ =	sdelay $0x1  }
0x29c: {  	v1 =	vld [tilespmem:s31+$0xE000];
	_ =	sdelay $0x2  }
0x29d: {  	v0 =	vmul.f32 $1.442695020e+00, v0;
	_ =	sdelay $0x1  }
0x29e: {  	(erf) = vpow2.f32 v0;
	v0 =	vmul.f32 $1.442695020e+00, v1;
	v1 =	vld [tilespmem:s31+$0x12800]  }
0x29f: {  	v2 =	vld [tilespmem:s31+$0x13000]  }
0x2a0: {  	(erf) = vpow2.f32 v0;
	v0 =	vld [tilespmem:s31+$0x12000]  }
0x2a1: {  	v29 =	vld [tilespmem:s31+$0x14000]  }
0x2a2: {  	v40 =	vld [tilespmem:s31+$0xB000]  }
0x2a3: {  	v3 =	vld [tilespmem:s31+$0xB800];
	v1 =	vmul.f32 $1.442695020e+00, v1  }
0x2a4: {  	v41 =	vld [tilespmem:s31+$0xA800];
	v2 =	vmul.f32 $1.442695020e+00, v2  }
0x2a5: {  	(erf) = vpow2.f32 v1;
	v0 =	vmul.f32 $1.442695020e+00, v0  }
0x2a6: {  	(erf) = vpow2.f32 v2  }
0x2a7: {  	v4 =	vmul.f32 $1.442695020e+00, v40;
	v2 =	vld [tilespmem:s31+$0xC000];
	v1 =	vpop (erf);
	(erf) = vpow2.f32 v0  }
0x2a8: {  	v27 =	vmul.f32 v1, v29;
	v1 =	vmul.f32 $1.442695020e+00, v3;
	v3 =	vld [tilespmem:s31+$0x11000]  }
0x2a9: {  	v5 =	vmul.f32 $1.442695020e+00, v41;
	v0 =	vld [tilespmem:s31+$0x11800]  }
0x2aa: {  	(erf) = vpow2.f32 v4;
	v8 =	vpop (erf)  }
0x2ab: {  	(erf) = vpow2.f32 v5;
	v13 =	vmul.f32 v8, v29;
	v8 =	vld [tilespmem:s31+$0x10800];
	_ =	sdelay $0x1  }
0x2ac: {  	v42 =	vld [tilespmem:s31+$0xC800];
	v2 =	vmul.f32 $1.442695020e+00, v2;
	v3 =	vmul.f32 $1.442695020e+00, v3  }
0x2ad: {  	v44 =	vld [tilespmem:s31+$0xD000];
	v45 =	vmul.f32 $1.500000000e+01, v13;
	v0 =	vmul.f32 $1.442695020e+00, v0  }
0x2ae: {  	(erf) = vpow2.f32 v2;
	v16 =	vpop (erf)  }
0x2af: {  	v33 =	vld [tilespmem:s31+$0x13800];
	(erf) = vpow2.f32 v0;
	v0 =	vadd.f32 $-5.000000000e-01, v45;
	v8 =	vmul.f32 $1.442695020e+00, v8;
	v22 =	vpop (erf)  }
0x2b0: {  	v2 =	vld [tilespmem:s31+$0xD800];
	(erf) = vpow2.f32 v3;
	v3 =	vpop (erf)  }
0x2b1: {  	v0 =	vadd.f32 $1.258291200e+07, v0;
	v24 =	vmul.f32 v3, v29;
	v3 =	vld [tilespmem:s23+$0xB800]  }
0x2b2: {  	v6 =	vmul.f32 $1.442695020e+00, v42;
	v4 =	vmul.f32 $1.442695020e+00, v44;
	v56 =	vpop (erf)  }
0x2b3: {  	v43 =	vmul.f32 $1.500000000e+01, v27;
	(erf) = vpow2.f32 v8;
	v0 =	vshll.u32 v0, $0x4;
	v8 =	vpop (erf)  }
0x2b4: {  	(erf) = vpow2.f32 v4;
	v55 =	vadd.s32 v63, v0;
	v0 =	vmul.f32 v8, v29  }
0x2b5: {  	v2 =	vmul.f32 $1.442695020e+00, v2;
	(erf) = vpow2.f32 v6  }
0x2b6: {  	v57 =	vld [tilespmem:s31+$0xE800];
	vm1 =	veq.s32 v33, $0x0;
	v32 =	vmul.f32 $1.442695020e+00, v3;
	v3 =	vmul.f32 $1.500000000e+01, v0  }
0x2b7: {  	v25 =	vld [tilespmem:s31+$0xF800];
	v7 =	vadd.f32 $-5.000000000e-01, v43;
	v22 =	vmul.f32 v22, v29;
	(erf) = vpow2.f32 v2  }
0x2b8: {  	v37 =	vld [tilespmem:s23+$0xA800];
	vm0 =	veq.s32 v33, $0x7;
	vm2 =	veq.s32 v33, $0x1;
	v8 =	vpop (erf);
	(erf) = vpow2.f32 v1  }
0x2b9: {  	v36 =	vld [tilespmem:s23+$0xB000];
	v46 =	vadd.f32 $1.258291200e+07, v7;
	v7 =	vmul.f32 v56, v29;
	v2 =	vmul.f32 $1.500000000e+01, v22;
	v1 =	vpop (erf)  }
0x2ba: {  	v39 =	vld [tilespmem:s23+$0xD000];
	v42 =	vmul.f32 v8, v29;
	v26 =	vmul.f32 v1, v29;
	v1 =	vadd.f32 $-5.000000000e-01, v3;
	v3 =	vpop (erf)  }
0x2bb: {  	v53 =	vld [tilespmem:s23+$0x13000];
	v47 =	vshll.u32 v46, $0x4;
	v8 =	vmul.f32 $1.500000000e+01, v7;
	v28 =	vmul.f32 v3, v29  }
0x2bc: {  	v18 =	vmovc v63;
	v23 =	vmul.f32 v16, v29;
	v4 =	vadd.s32 v11, v47;
	v63 =	vld [tilespmem:s23+$0xA000];
	v1 =	vadd.f32 $1.258291200e+07, v1  }
0x2bd: {  	v35 =	vadd.f32 $-5.000000000e-01, v2;
	v2 =	vadd.f32 $-5.000000000e-01, v8;
	v8 =	vld [tilespmem:s31+$0xF000];
	v59 =	vpop (erf);
	v16 =	vmul.f32 $1.500000000e+01, v28  }
0x2be: {  	v40 =	vld [tilespmem:s23+$0xD800];
	v6 =	vmul.f32 $1.442695020e+00, v57;
	v51 =	vmul.f32 $1.500000000e+01, v24;
	v60 =	vpop (erf);
	v1 =	vshll.u32 v1, $0x4  }
0x2bf: {  	v25 =	vmul.f32 $1.442695020e+00, v25;
	v46 =	vsel vm1, $0x45800800, v19;
	v47 =	vld [tilespmem:s23+$0xE000];
	v61 =	vpop (erf);
	v1 =	vadd.s32 v9, v1  }
0x2c0: {  	v34 =	vadd.f32 $-5.000000000e-01, v51;
	v51 =	vld [tilespmem:s31+$0x10000];
	v58 =	vmul.f32 $1.500000000e+01, v42;
	(erf) = vpow2.f32 v6;
	v31 =	vpop (erf)  }
0x2c1: {  	v38 =	vmul.f32 $1.442695020e+00, v63;
	[tilespmem:v4+s18+$0x0] =	vst.idx.add.f32.msk $0xffff, v46;
	v2 =	vadd.f32 $1.258291200e+07, v2;
	v44 =	vadd.f32 $-5.000000000e-01, v16;
	v16 =	vpop (erf)  }
0x2c2: {  	[tilespmem:v4+s19+$0x0] =	vst.idx.add.f32.msk $0xffff, v27;
	v3 =	vadd.f32 $-5.000000000e-01, v58;
	v8 =	vmul.f32 $1.442695020e+00, v8;
	v16 =	vmul.f32 v16, v29  }
0x2c3: {  	v58 =	vld [tilespmem:s23+$0xC800];
	v2 =	vshll.u32 v2, $0x4;
	v56 =	vmul.f32 v31, v29;
	v31 =	vsel vm2, $0x45800800, v19  }
0x2c4: {  	v2 =	vadd.s32 v14, v2;
	(erf) = vpow2.f32 v8;
	[tilespmem:v1+s18+$0x0] =	vst.idx.add.f32.msk $0xffff, v31;
	v8 =	vmul.f32 $1.500000000e+01, v16  }
0x2c5: {  	vm3 =	veq.s32 v33, $0x2;
	v47 =	vmul.f32 $1.442695020e+00, v47;
	v50 =	vmul.f32 v60, v29;
	[tilespmem:v1+s19+$0x0] =	vst.idx.add.f32.msk $0xffff, v0  }
0x2c6: {  	v51 =	vmul.f32 $1.442695020e+00, v51;
	(erf) = vpow2.f32 v38;
	v0 =	vld [tilespmem:$0x1FFC0];
	v8 =	vadd.f32 $-5.000000000e-01, v8  }
0x2c7: {  	v52 =	vsel vm3, $0x45800800, v19;
	v49 =	vmul.f32 v61, v29;
	v62 =	vmul.f32 $1.500000000e+01, v50;
	v38 =	vld [tilespmem:s23+$0xE800]  }
0x2c8: {  	(erf) = vpow2.f32 v25;
	v54 =	vmul.f32 $1.500000000e+01, v56;
	v25 =	vld [tilespmem:s23+$0x14000];
	v8 =	vadd.f32 $1.258291200e+07, v8  }
0x2c9: {  	v3 =	vadd.f32 $1.258291200e+07, v3;
	v48 =	vmul.f32 $1.500000000e+01, v49;
	v45 =	vpop (erf);
	(erf) = vpow2.f32 v47;
	[tilespmem:v2+s18+$0x0] =	vst.idx.add.f32.msk $0xffff, v52  }
0x2ca: {  	v46 =	vadd.f32 $-5.000000000e-01, v54;
	(erf) = vpow2.f32 v51;
	[tilespmem:v2+s19+$0x0] =	vst.idx.add.f32.msk $0xffff, v7;
	v54 =	vshll.u32 v8, $0x4  }
0x2cb: {  	v6 =	vadd.f32 $-5.000000000e-01, v62;
	v47 =	vadd.f32 $-5.000000000e-01, v48;
	v11 =	vld [tilespmem:$0x1FEE0];
	v0 =	vadd.s32 v0, v54  }
0x2cc: {  	vm4 =	veq.s32 v33, $0x4;
	vm1 =	veq.s32 v33, $0x3;
	v3 =	vshll.u32 v3, $0x4;
	v62 =	vld [tilespmem:s23+$0x11000]  }
0x2cd: {  	v3 =	vadd.s32 v12, v3;
	v6 =	vadd.f32 $1.258291200e+07, v6;
	v52 =	vld [tilespmem:s23+$0x12800];
	v8 =	vadd.f32 $1.258291200e+07, v47  }
0x2ce: {  	v57 =	vsel vm1, $0x45800800, v19;
	v30 =	vmul.f32 v59, v29;
	v43 =	vmul.f32 v45, v29;
	v45 =	vld [tilespmem:s23+$0x12000];
	v27 =	vpop (erf)  }
0x2cf: {  	v59 =	vsel vm4, $0x45800800, v19;
	v6 =	vshll.u32 v6, $0x4;
	v31 =	vpop (erf);
	v54 =	vld [tilespmem:s23+$0x11800];
	v8 =	vshll.u32 v8, $0x4  }
0x2d0: {  	v48 =	vmul.f32 $1.500000000e+01, v43;
	v31 =	vmul.f32 v31, v25;
	v8 =	vadd.s32 v11, v8;
	[tilespmem:v0+s18+$0x0] =	vst.idx.add.f32.msk $0xffff, v57  }
0x2d1: {  	vm1 =	veq.s32 v33, $0x5;
	v1 =	vadd.f32 $1.258291200e+07, v46;
	v6 =	vadd.s32 v15, v6;
	v7 =	vpop (erf);
	[tilespmem:v0+s19+$0x0] =	vst.idx.add.f32.msk $0xffff, v16  }
0x2d2: {  	v2 =	vadd.f32 $-5.000000000e-01, v48;
	v47 =	vmul.f32 v27, v29;
	v48 =	vmul.f32 $1.500000000e+01, v31;
	v27 =	vpop (erf);
	[tilespmem:v3+s18+$0x0] =	vst.idx.add.f32.msk $0xffff, v59  }
0x2d3: {  	v60 =	vsel vm1, $0x45800800, v19;
	v61 =	vmul.f32 $1.442695020e+00, v53;
	v1 =	vshll.u32 v1, $0x4;
	v59 =	vpop (erf);
	[tilespmem:v3+s19+$0x0] =	vst.idx.add.f32.msk $0xffff, v42  }
0x2d4: {  	v1 =	vadd.s32 v17, v1;
	v53 =	vadd.f32 $-5.000000000e-01, v48;
	v48 =	vmul.f32 v59, v29;
	v59 =	vld [tilespmem:s23+$0xC000]  }
0x2d5: {  	vm5 =	veq.s32 v33, $0x9;
	vm1 =	veq.s32 v33, $0x6;
	v0 =	vadd.f32 $1.258291200e+07, v2;
	[tilespmem:v8+s18+$0x0] =	vst.idx.add.f32.msk $0xffff, v60  }
0x2d6: {  	vm12 =	veq.s32 v33, $0xE;
	vm13 =	veq.s32 v33, $0xC;
	v63 =	vsel vm1, $0x45800800, v19;
	[tilespmem:v8+s19+$0x0] =	vst.idx.add.f32.msk $0xffff, v49  }
0x2d7: {  	vm14 =	veq.s32 v33, $0xD;
	v27 =	vmul.f32 v27, v25;
	v0 =	vshll.u32 v0, $0x4;
	[tilespmem:v6+s18+$0x0] =	vst.idx.add.f32.msk $0xffff, v63  }
0x2d8: {  	vm15 =	veq.s32 v33, $0xB;
	v51 =	vsel vm0, $0x45800800, v19;
	v0 =	vadd.s32 v20, v0;
	[tilespmem:v6+s19+$0x0] =	vst.idx.add.f32.msk $0xffff, v50  }
0x2d9: {  	vm0 =	veq.s32 v33, $0x8;
	v2 =	vadd.f32 $1.258291200e+07, v53;
	v16 =	vmul.f32 $1.500000000e+01, v27;
	[tilespmem:v1+s18+$0x0] =	vst.idx.add.f32.msk $0xffff, v51  }
0x2da: {  	vm3 =	veq.s32 v33, $0xF;
	v41 =	vmul.f32 $1.500000000e+01, v26;
	v5 =	vsel vm0, $0x45800800, v19;
	[tilespmem:v1+s19+$0x0] =	vst.idx.add.f32.msk $0xffff, v56  }
0x2db: {  	v4 =	vsel vm5, $0x45800800, v19;
	v42 =	vshll.u32 v2, $0x4;
	v2 =	vadd.f32 $-5.000000000e-01, v16;
	[tilespmem:v55+s18+$0x0] =	vst.idx.add.f32.msk $0xffff, v5  }
0x2dc: {  	vm1 =	veq.s32 v33, $0x10;
	vm2 =	veq.s32 v33, $0xA;
	v46 =	vmul.f32 $1.442695020e+00, v58;
	[tilespmem:v55+s19+$0x0] =	vst.idx.add.f32.msk $0xffff, v13  }
0x2dd: {  	vm0 =	veq.s32 v33, $0x11;
	v57 =	vmul.f32 $1.500000000e+01, v47;
	v2 =	vadd.f32 $1.258291200e+07, v2;
	[tilespmem:v0+s18+$0x0] =	vst.idx.add.f32.msk $0xffff, v4  }
0x2de: {  	v53 =	vmul.f32 v7, v29;
	v3 =	vmul.f32 $1.442695020e+00, v52;
	v52 =	vsel vm13, $0x45800800, v19;
	v15 =	vld [tilespmem:$0x1FF40]  }
0x2df: {  	v60 =	vadd.f32 $-5.000000000e-01, v57;
	v57 =	vsel vm2, $0x45800800, v19;
	v2 =	vshll.u32 v2, $0x4;
	v13 =	vmovc v14;
	v14 =	vld [tilespmem:$0x1FF50]  }
0x2e0: {  	v8 =	vmul.f32 $1.500000000e+01, v53;
	v16 =	vmul.f32 $1.500000000e+01, v48;
	v29 =	vadd.s32 v18, v2;
	v18 =	vld [tilespmem:$0x1FF60]  }
0x2e1: {  	(erf) = vpow2.f32 v3;
	v49 =	vsel vm3, $0x45800800, v19;
	v1 =	vadd.f32 $1.258291200e+07, v60;
	v12 =	vld [tilespmem:$0x1FF70]  }
0x2e2: {  	(erf) = vpow2.f32 v61;
	v3 =	vadd.f32 $-5.000000000e-01, v8;
	v50 =	vsel vm12, $0x45800800, v19;
	v11 =	vld [tilespmem:$0x1FF80]  }
0x2e3: {  	v51 =	vsel vm14, $0x45800800, v19;
	v2 =	vmul.f32 $1.500000000e+01, v30;
	v1 =	vshll.u32 v1, $0x4;
	v10 =	vld [tilespmem:$0x1FF90]  }
0x2e4: {  	v56 =	vsel vm15, $0x45800800, v19;
	v60 =	vadd.f32 $-5.000000000e-01, v16;
	v58 =	vadd.s32 v21, v1;
	v21 =	vld [tilespmem:$0x1FFA0]  }
0x2e5: {  	v17 =	vmovc v9;
	v61 =	vadd.f32 $1.258291200e+07, v3;
	v55 =	vmul.f32 $1.442695020e+00, v62;
	v62 =	vadd.f32 $-5.000000000e-01, v2;
	v20 =	vld [tilespmem:$0x1FFB0]  }
.LBB2_13:
0x2e6: {  	s0 =	sand.u32 $0x400, s24;
	s2 =	sand.u32 $0x380, s26;
	s3 =	smov.u32 s26  }
0x2e7: {  	[tilespmem:v0+s19+$0x0] =	vst.idx.add.f32.msk $0xffff, v43;
	s3 =	sand.u32 $0x70, s25;
	s0 =	sor.u32 s2, s0;
	v8 =	vshll.u32 v61, $0x4  }
0x2e8: {  	v3 =	vld [tilespmem:s23+$0x10800];
	s3 =	sor.u32 s3, s0;
	v8 =	vadd.s32 v15, v8  }
0x2e9: {  	v16 =	vld [tilespmem:s3+$0xA800]  }
0x2ea: {  	v5 =	vadd.f32 $1.258291200e+07, v60;
	[tilespmem:v58+s18+$0x0] =	vst.idx.add.f32.msk $0xffff, v57  }
0x2eb: {  	v4 =	vmul.f32 $1.442695020e+00, v45;
	[tilespmem:v58+s19+$0x0] =	vst.idx.add.f32.msk $0xffff, v47  }
0x2ec: {  	v9 =	vmul.f32 $1.442695020e+00, v36;
	v6 =	vadd.f32 $1.258291200e+07, v62;
	v5 =	vshll.u32 v5, $0x4;
	v36 =	vld [tilespmem:s3+$0xB000]  }
0x2ed: {  	v0 =	vadd.f32 $1.258291200e+07, v44;
	v2 =	vmul.f32 $1.500000000e+01, v23;
	v5 =	vadd.s32 v14, v5;
	[tilespmem:v8+s18+$0x0] =	vst.idx.add.f32.msk $0xffff, v56  }
0x2ee: {  	v7 =	vpop (erf);
	v1 =	vadd.f32 $-5.000000000e-01, v41;
	(erf) = vpow2.f32 v4;
	v63 =	vshll.u32 v6, $0x4;
	[tilespmem:v8+s19+$0x0] =	vst.idx.add.f32.msk $0xffff, v53  }
0x2ef: {  	v0 =	vshll.u32 v0, $0x4;
	v2 =	vadd.f32 $-5.000000000e-01, v2;
	v4 =	vadd.s32 v18, v63;
	v44 =	vld [tilespmem:s23+$0xF000]  }
0x2f0: {  	v1 =	vadd.f32 $1.258291200e+07, v1;
	v0 =	vadd.s32 v12, v0;
	v6 =	vsel vm1, $0x45800800, v19;
	v62 =	vld [tilespmem:s3+$0xB800]  }
0x2f1: {  	v57 =	vmul.f32 $1.442695020e+00, v37;
	(erf) = vpow2.f32 v9;
	vm1 =	veq.s32 v33, $0x12;
	v33 =	vld [tilespmem:s23+$0x13800]  }
0x2f2: {  	v59 =	vmul.f32 $1.442695020e+00, v59;
	v1 =	vshll.u32 v1, $0x4;
	v8 =	vadd.f32 $1.258291200e+07, v34;
	[tilespmem:v5+s18+$0x0] =	vst.idx.add.f32.msk $0xffff, v52  }
0x2f3: {  	v41 =	vmul.f32 $1.442695020e+00, v54;
	v1 =	vadd.s32 v11, v1;
	v60 =	vpop (erf);
	(erf) = vpow2.f32 v57;
	[tilespmem:v5+s19+$0x0] =	vst.idx.add.f32.msk $0xffff, v48  }
0x2f4: {  	v2 =	vadd.f32 $1.258291200e+07, v2;
	(erf) = vpow2.f32 v59;
	v8 =	vshll.u32 v8, $0x4;
	[tilespmem:v4+s18+$0x0] =	vst.idx.add.f32.msk $0xffff, v51  }
0x2f5: {  	v3 =	vmul.f32 $1.442695020e+00, v3;
	(erf) = vpow2.f32 v41;
	v8 =	vadd.s32 v10, v8;
	[tilespmem:v4+s19+$0x0] =	vst.idx.add.f32.msk $0xffff, v30  }
0x2f6: {  	v63 =	vmul.f32 $1.442695020e+00, v39;
	v2 =	vshll.u32 v2, $0x4;
	v37 =	vmovc v16;
	(erf) = vpow2.f32 v55;
	[tilespmem:v0+s18+$0x0] =	vst.idx.add.f32.msk $0xffff, v50  }
0x2f7: {  	v16 =	vadd.f32 $1.258291200e+07, v35;
	v47 =	vpop (erf);
	(erf) = vpow2.f32 v3;
	[tilespmem:v0+s19+$0x0] =	vst.idx.add.f32.msk $0xffff, v28;
	v0 =	vadd.s32 v21, v2  }
0x2f8: {  	(erf) = vpow2.f32 v63;
	[tilespmem:v1+s18+$0x0] =	vst.idx.add.f32.msk $0xffff, v49  }
0x2f9: {  	v16 =	vshll.u32 v16, $0x4;
	[tilespmem:v1+s19+$0x0] =	vst.idx.add.f32.msk $0xffff, v26  }
0x2fa: {  	v9 =	vmul.f32 $1.442695020e+00, v40;
	v3 =	vadd.s32 v20, v16;
	[tilespmem:v8+s18+$0x0] =	vst.idx.add.f32.msk $0xffff, v6  }
0x2fb: {  	v43 =	vmul.f32 v60, v25;
	v16 =	vsel vm0, $0x45800800, v19;
	v53 =	vpop (erf);
	(erf) = vpow2.f32 v46;
	[tilespmem:v8+s19+$0x0] =	vst.idx.add.f32.msk $0xffff, v24  }
0x2fc: {  	v54 =	vpop (erf);
	(erf) = vpow2.f32 v9;
	[tilespmem:v0+s18+$0x0] =	vst.idx.add.f32.msk $0xffff, v16  }
0x2fd: {  	v9 =	vmul.f32 $1.500000000e+01, v43;
	v48 =	vmul.f32 v54, v25;
	v55 =	vpop (erf);
	[tilespmem:v0+s19+$0x0] =	vst.idx.add.f32.msk $0xffff, v23  }
0x2fe: {  	v61 =	vsel vm1, $0x45800800, v19;
	v57 =	vpop (erf);
	v0 =	vld [tilespmem:$0x1FFF0]  }
0x2ff: {  	v35 =	vadd.f32 $-5.000000000e-01, v9;
	v9 =	vmul.f32 $1.442695020e+00, v38;
	v30 =	vmul.f32 $1.500000000e+01, v48;
	v28 =	vpop (erf);
	[tilespmem:v3+s18+$0x0] =	vst.idx.add.f32.msk $0xffff, v61  }
0x300: {  	(erf) = vpow2.f32 v32;
	v8 =	vpop (erf);
	[tilespmem:v3+s19+$0x0] =	vst.idx.add.f32.msk $0xffff, v22  }
0x301: {  	v58 =	vadd.f32 $-5.000000000e-01, v30;
	v30 =	vmul.f32 v8, v25;
	v8 =	vpop (erf);
	(erf) = vpow2.f32 v9;
	v9 =	vld [tilespmem:$0x1FEF0]  }
0x302: {  	v39 =	vmul.f32 v47, v25;
	v61 =	vld [tilespmem:s23+$0xF800]  }
0x303: {  	v56 =	vmul.f32 $1.442695020e+00, v62;
	v62 =	vld [tilespmem:s3+$0xA000]  }
0x304: {  	v52 =	vmul.f32 $1.500000000e+01, v39;
	v24 =	vmov v39;
	v39 =	vld [tilespmem:s3+$0xD000]  }
0x305: {  	v46 =	vmul.f32 v53, v25;
	v49 =	vmul.f32 v8, v25;
	v53 =	vld [tilespmem:s23+$0x10000];
	s23 =	smov.u32 s3  }
0x306: {  	v32 =	vmov v56;
	v28 =	vmul.f32 v28, v25;
	v56 =	vld [tilespmem:s23+$0x13000]  }
0x307: {  	v26 =	vmul.f32 v57, v25;
	v57 =	vld [tilespmem:s23+$0xC800];
	v3 =	vmul.f32 $1.500000000e+01, v49  }
0x308: {  	v8 =	vmul.f32 $1.500000000e+01, v28;
	v40 =	vld [tilespmem:s23+$0xD800]  }
0x309: {  	v50 =	vmul.f32 v55, v25;
	v59 =	vpop (erf);
	v4 =	vadd.f32 $1.258291200e+07, v58;
	v38 =	vld [tilespmem:s23+$0xE800];
	v3 =	vadd.f32 $-5.000000000e-01, v3  }
0x30a: {  	v16 =	vmul.f32 $1.442695020e+00, v44;
	v0 =	vadd.s32 v0, v42;
	v44 =	vadd.f32 $-5.000000000e-01, v8;
	v8 =	vld [tilespmem:s3+$0xE000];
	v60 =	vpop (erf)  }
0x30b: {  	v4 =	vshll.u32 v4, $0x4;
	v55 =	vmul.f32 v60, v25;
	v63 =	vpop (erf);
	v60 =	vld [tilespmem:s23+$0x14000];
	v3 =	vadd.f32 $1.258291200e+07, v3  }
0x30c: {  	vm1 =	veq.s32 v33, $0x0;
	v4 =	vadd.s32 v17, v4;
	v5 =	vmul.f32 $1.442695020e+00, v62;
	v62 =	vld [tilespmem:s23+$0x11000];
	v45 =	vpop (erf)  }
0x30d: {  	v2 =	vmul.f32 $1.500000000e+01, v46;
	v22 =	vmovc v43;
	v3 =	vshll.u32 v3, $0x4;
	v43 =	vmul.f32 v45, v25;
	v45 =	vld [tilespmem:s23+$0x12000]  }
0x30e: {  	v7 =	vmul.f32 v7, v25;
	v42 =	vsel vm1, $0x45800800, v19;
	v3 =	vadd.s32 v9, v3;
	v9 =	vld [tilespmem:$0x1FED0]  }
0x30f: {  	vm3 =	veq.s32 v33, $0x1;
	v1 =	vadd.f32 $-5.000000000e-01, v2;
	v6 =	vmul.f32 v63, v25;
	[tilespmem:v0+s18+$0x0] =	vst.idx.add.f32.msk $0xffff, v42  }
0x310: {  	v47 =	vsel vm3, $0x45800800, v19;
	v2 =	vmul.f32 $1.500000000e+01, v50;
	(erf) = vpow2.f32 v16;
	[tilespmem:v0+s19+$0x0] =	vst.idx.add.f32.msk $0xffff, v31  }
0x311: {  	v1 =	vadd.f32 $1.258291200e+07, v1;
	(erf) = vpow2.f32 v5;
	v5 =	vmul.f32 $1.500000000e+01, v6;
	[tilespmem:v4+s18+$0x0] =	vst.idx.add.f32.msk $0xffff, v47  }
0x312: {  	vm4 =	veq.s32 v33, $0x2;
	v2 =	vadd.f32 $-5.000000000e-01, v2;
	[tilespmem:v4+s19+$0x0] =	vst.idx.add.f32.msk $0xffff, v48  }
0x313: {  	v23 =	vmovc v7;
	v1 =	vshll.u32 v1, $0x4;
	v7 =	vmul.f32 $1.442695020e+00, v61;
	v5 =	vadd.f32 $-5.000000000e-01, v5;
	v48 =	vld [tilespmem:$0x1FFC0]  }
0x314: {  	v1 =	vadd.s32 v13, v1;
	v51 =	vmul.f32 v59, v25;
	v2 =	vadd.f32 $1.258291200e+07, v2  }
0x315: {  	(erf) = vpow2.f32 v7;
	v7 =	vmul.f32 $1.442695020e+00, v8;
	v5 =	vadd.f32 $1.258291200e+07, v5  }
0x316: {  	v34 =	vadd.f32 $-5.000000000e-01, v52;
	v54 =	vsel vm4, $0x45800800, v19;
	v52 =	vmul.f32 $1.500000000e+01, v51  }
0x317: {  	v2 =	vshll.u32 v2, $0x4;
	(erf) = vpow2.f32 v7;
	v0 =	vshll.u32 v5, $0x4  }
0x318: {  	v7 =	vadd.f32 $-5.000000000e-01, v52;
	v2 =	vadd.s32 v9, v2;
	v9 =	vld [tilespmem:$0x1FEE0];
	v0 =	vadd.s32 v48, v0  }
0x319: {  	v53 =	vmul.f32 $1.442695020e+00, v53;
	[tilespmem:v1+s18+$0x0] =	vst.idx.add.f32.msk $0xffff, v54  }
0x31a: {  	vm0 =	veq.s32 v33, $0x7;
	v52 =	vmul.f32 $1.500000000e+01, v43;
	[tilespmem:v1+s19+$0x0] =	vst.idx.add.f32.msk $0xffff, v46;
	v5 =	vadd.f32 $1.258291200e+07, v7  }
0x31b: {  	vm1 =	veq.s32 v33, $0x3;
	v58 =	vmul.f32 $1.500000000e+01, v55;
	(erf) = vpow2.f32 v53;
	v54 =	vld [tilespmem:s23+$0x11800]  }
0x31c: {  	v16 =	vsel vm1, $0x45800800, v19;
	v1 =	vadd.f32 $-5.000000000e-01, v52;
	v52 =	vld [tilespmem:s23+$0x12800];
	v5 =	vshll.u32 v5, $0x4  }
0x31d: {  	vm2 =	veq.s32 v33, $0x4;
	vm5 =	veq.s32 v33, $0x9;
	v31 =	vpop (erf);
	v5 =	vadd.s32 v9, v5;
	[tilespmem:v0+s18+$0x0] =	vst.idx.add.f32.msk $0xffff, v16  }
0x31e: {  	vm12 =	veq.s32 v33, $0xE;
	vm1 =	veq.s32 v33, $0x5;
	v58 =	vadd.f32 $-5.000000000e-01, v58;
	v63 =	vpop (erf);
	[tilespmem:v0+s19+$0x0] =	vst.idx.add.f32.msk $0xffff, v6  }
0x31f: {  	v8 =	vsel vm2, $0x45800800, v19;
	v47 =	vmul.f32 v31, v25;
	v31 =	vmul.f32 v63, v60;
	v0 =	vld [tilespmem:$0x1FF00]  }
0x320: {  	vm13 =	veq.s32 v33, $0xC;
	vm14 =	veq.s32 v33, $0xD;
	v59 =	vsel vm1, $0x45800800, v19;
	[tilespmem:v2+s18+$0x0] =	vst.idx.add.f32.msk $0xffff, v8  }
0x321: {  	vm1 =	veq.s32 v33, $0x6;
	v4 =	vadd.f32 $1.258291200e+07, v58;
	v42 =	vpop (erf);
	v46 =	vmul.f32 $1.500000000e+01, v31;
	[tilespmem:v2+s19+$0x0] =	vst.idx.add.f32.msk $0xffff, v50  }
0x322: {  	v61 =	vmul.f32 $1.442695020e+00, v56;
	v56 =	vsel vm1, $0x45800800, v19;
	v53 =	vpop (erf);
	v2 =	vmul.f32 $1.442695020e+00, v52;
	[tilespmem:v5+s18+$0x0] =	vst.idx.add.f32.msk $0xffff, v59  }
0x323: {  	v4 =	vshll.u32 v4, $0x4;
	v9 =	vmul.f32 v53, v60;
	v53 =	vadd.f32 $-5.000000000e-01, v46;
	[tilespmem:v5+s19+$0x0] =	vst.idx.add.f32.msk $0xffff, v51  }
0x324: {  	v16 =	vpop (erf);
	v46 =	vmul.f32 $1.442695020e+00, v57;
	(erf) = vpow2.f32 v2;
	v2 =	vld [tilespmem:$0x1FF10];
	v4 =	vadd.s32 v0, v4  }
0x325: {  	v57 =	vmul.f32 $1.500000000e+01, v9;
	v0 =	vadd.f32 $1.258291200e+07, v1;
	v1 =	vadd.f32 $1.258291200e+07, v53;
	[tilespmem:v3+s18+$0x0] =	vst.idx.add.f32.msk $0xffff, v56  }
0x326: {  	vm15 =	veq.s32 v33, $0xB;
	vm3 =	veq.s32 v33, $0xF;
	v41 =	vmul.f32 $1.500000000e+01, v26;
	[tilespmem:v3+s19+$0x0] =	vst.idx.add.f32.msk $0xffff, v49  }
0x327: {  	v53 =	vmul.f32 v42, v25;
	v3 =	vld [tilespmem:$0x1FFE0];
	v42 =	vshll.u32 v1, $0x4;
	v1 =	vadd.f32 $-5.000000000e-01, v57  }
0x328: {  	vm2 =	veq.s32 v33, $0xA;
	v7 =	vsel vm0, $0x45800800, v19;
	vm0 =	veq.s32 v33, $0x8  }
0x329: {  	vm1 =	veq.s32 v33, $0x10;
	v58 =	vsel vm0, $0x45800800, v19;
	v1 =	vadd.f32 $1.258291200e+07, v1;
	[tilespmem:v4+s18+$0x0] =	vst.idx.add.f32.msk $0xffff, v7  }
0x32a: {  	vm0 =	veq.s32 v33, $0x11;
	v63 =	vsel vm5, $0x45800800, v19;
	v48 =	vmul.f32 v16, v25;
	[tilespmem:v4+s19+$0x0] =	vst.idx.add.f32.msk $0xffff, v55  }
0x32b: {  	v8 =	vmul.f32 $1.500000000e+01, v47;
	v0 =	vshll.u32 v0, $0x4;
	v1 =	vshll.u32 v1, $0x4;
	[tilespmem:v29+s18+$0x0] =	vst.idx.add.f32.msk $0xffff, v58  }
0x32c: {  	v52 =	vsel vm13, $0x45800800, v19;
	v0 =	vadd.s32 v2, v0;
	v1 =	vadd.s32 v3, v1;
	[tilespmem:v29+s19+$0x0] =	vst.idx.add.f32.msk $0xffff, v27  }
0x32d: {  	p0 =	sne.s32 s26, $0x3F8;
	v50 =	vsel vm12, $0x45800800, v19;
	v59 =	vadd.f32 $-5.000000000e-01, v8;
	v25 =	vmovc v60;
	v60 =	vmul.f32 $1.500000000e+01, v53;
	v29 =	vmovc v1;
	v1 =	vld [tilespmem:$0x1FF20]  }
.Ltmp5:
0x32e: {  	v8 =	vmul.f32 $1.500000000e+01, v48;
	v51 =	vsel vm14, $0x45800800, v19;
	v56 =	vsel vm15, $0x45800800, v19;
	(pc) =	sbr.rel @p0 .LBB2_13-.Ltmp5, $4  }
0x32f: {  	(erf) = vpow2.f32 v61;
	v2 =	vadd.f32 $-5.000000000e-01, v60;
	v3 =	vadd.f32 $1.258291200e+07, v59  }
0x330: {  	v49 =	vsel vm3, $0x45800800, v19;
	v57 =	vsel vm2, $0x45800800, v19;
	v4 =	vmul.f32 $1.500000000e+01, v30  }
0x331: {  	s28 =	sadd.s32 $0x8, s26;
	v60 =	vadd.f32 $-5.000000000e-01, v8;
	v61 =	vadd.f32 $1.258291200e+07, v2;
	v3 =	vshll.u32 v3, $0x4;
	[tilespmem:v0+s18+$0x0] =	vst.idx.add.f32.msk $0xffff, v63  }
0x332: {  	s24 =	sadd.s32 $0x80, s24;
	s25 =	sadd.s32 $0x10, s25;
	s26 =	smov.u32 s28;
	v55 =	vmul.f32 $1.442695020e+00, v62;
	v27 =	vmovc v9;
	v62 =	vadd.f32 $-5.000000000e-01, v4;
	v59 =	vld [tilespmem:s23+$0xC000];
	v58 =	vadd.s32 v1, v3  }
0x333: {  	_ = 	snop  }
0x334: {  	v1 =	vmul.f32 $1.442695020e+00, v45;
	v2 =	vadd.f32 $1.258291200e+07, v44  }
0x335: {  	v3 =	vadd.f32 $-5.000000000e-01, v41;
	v5 =	vadd.f32 $1.258291200e+07, v60;
	v9 =	vmul.f32 $1.442695020e+00, v36  }
0x336: {  	v7 =	vshll.u32 v61, $0x4;
	v16 =	vmul.f32 $1.442695020e+00, v37;
	(erf) = vpow2.f32 v1  }
0x337: {  	v7 =	vadd.s32 v15, v7;
	(erf) = vpow2.f32 v9;
	v41 =	vmul.f32 $1.442695020e+00, v59  }
0x338: {  	v45 =	vld [tilespmem:s23+$0x10800];
	v6 =	vadd.f32 $1.258291200e+07, v62;
	v5 =	vshll.u32 v5, $0x4;
	(erf) = vpow2.f32 v16  }
0x339: {  	v4 =	vmul.f32 $1.500000000e+01, v23;
	[tilespmem:v0+s19+$0x0] =	vst.idx.add.f32.msk $0xffff, v43;
	v5 =	vadd.s32 v14, v5;
	(erf) = vpow2.f32 v41  }
0x33a: {  	v8 =	vmul.f32 $1.442695020e+00, v54;
	v34 =	vadd.f32 $1.258291200e+07, v34;
	[tilespmem:v58+s18+$0x0] =	vst.idx.add.f32.msk $0xffff, v57;
	v6 =	vshll.u32 v6, $0x4  }
0x33b: {  	v2 =	vshll.u32 v2, $0x4;
	v3 =	vadd.f32 $1.258291200e+07, v3;
	[tilespmem:v58+s19+$0x0] =	vst.idx.add.f32.msk $0xffff, v47;
	v6 =	vadd.s32 v18, v6  }
0x33c: {  	vm11 =	veq.s32 v33, $0x12;
	v4 =	vadd.f32 $-5.000000000e-01, v4;
	v2 =	vadd.s32 v12, v2;
	v16 =	vpop (erf);
	[tilespmem:v7+s18+$0x0] =	vst.idx.add.f32.msk $0xffff, v56  }
0x33d: {  	v3 =	vshll.u32 v3, $0x4;
	v33 =	vmul.f32 v16, v25;
	v16 =	vshll.u32 v34, $0x4;
	[tilespmem:v7+s19+$0x0] =	vst.idx.add.f32.msk $0xffff, v53  }
0x33e: {  	v1 =	vmul.f32 $1.442695020e+00, v45;
	v45 =	vpop (erf);
	v0 =	vadd.s32 v11, v3;
	(erf) = vpow2.f32 v8;
	[tilespmem:v5+s18+$0x0] =	vst.idx.add.f32.msk $0xffff, v52  }
0x33f: {  	v3 =	vmul.f32 $1.442695020e+00, v39;
	v7 =	vadd.s32 v10, v16;
	(erf) = vpow2.f32 v55;
	[tilespmem:v5+s19+$0x0] =	vst.idx.add.f32.msk $0xffff, v48;
	v8 =	vpop (erf)  }
0x340: {  	v55 =	vadd.f32 $1.258291200e+07, v4;
	v4 =	vmul.f32 $1.442695020e+00, v40;
	[tilespmem:v6+s18+$0x0] =	vst.idx.add.f32.msk $0xffff, v51;
	(erf) = vpow2.f32 v1;
	v16 =	vpop (erf)  }
0x341: {  	v44 =	vadd.f32 $1.258291200e+07, v35;
	[tilespmem:v6+s19+$0x0] =	vst.idx.add.f32.msk $0xffff, v30;
	v35 =	vmul.f32 v8, v25;
	(erf) = vpow2.f32 v3;
	v57 =	vpop (erf)  }
0x342: {  	[tilespmem:v2+s18+$0x0] =	vst.idx.add.f32.msk $0xffff, v50;
	(erf) = vpow2.f32 v46;
	v16 =	vmul.f32 v16, v25;
	v58 =	vpop (erf)  }
0x343: {  	v3 =	vshll.u32 v44, $0x4;
	[tilespmem:v2+s19+$0x0] =	vst.idx.add.f32.msk $0xffff, v28;
	(erf) = vpow2.f32 v4;
	v44 =	vmul.f32 v58, v25  }
0x344: {  	v8 =	vmul.f32 $1.500000000e+01, v35;
	v4 =	vld [tilespmem:s23+$0xF000];
	(erf) = vpow2.f32 v32  }
0x345: {  	v60 =	vmov v12;
	[tilespmem:v0+s18+$0x0] =	vst.idx.add.f32.msk $0xffff, v49;
	v62 =	vmul.f32 $1.500000000e+01, v16;
	v12 =	vmul.f32 $1.500000000e+01, v44  }
0x346: {  	v40 =	vmul.f32 v57, v25;
	v57 =	vld [tilespmem:s23+$0xF800]  }
0x347: {  	v1 =	vshll.u32 v55, $0x4;
	v63 =	vadd.f32 $-5.000000000e-01, v62;
	v50 =	vadd.f32 $-5.000000000e-01, v12;
	v12 =	vld [tilespmem:$0x1FFF0]  }
0x348: {  	v1 =	vadd.s32 v21, v1;
	v32 =	vld [tilespmem:s23+$0x13800];
	v39 =	vadd.f32 $-5.000000000e-01, v8;
	v5 =	vmul.f32 $1.500000000e+01, v40;
	v8 =	vpop (erf)  }
0x349: {  	v61 =	vmov v15;
	v48 =	vpop (erf);
	v30 =	vmul.f32 v8, v25;
	v8 =	vadd.f32 $1.258291200e+07, v63;
	v63 =	vld [tilespmem:s23+$0x10000]  }
0x34a: {  	v9 =	vsel vm1, $0x45800800, v19;
	v3 =	vadd.s32 v20, v3;
	v5 =	vadd.f32 $-5.000000000e-01, v5;
	v6 =	vpop (erf);
	[tilespmem:v0+s19+$0x0] =	vst.idx.add.f32.msk $0xffff, v26  }
0x34b: {  	v43 =	vsel vm0, $0x45800800, v19;
	v15 =	vmul.f32 $1.442695020e+00, v38;
	v38 =	vmul.f32 v6, v25;
	v6 =	vpop (erf);
	[tilespmem:v7+s18+$0x0] =	vst.idx.add.f32.msk $0xffff, v9  }
0x34c: {  	v51 =	vadd.f32 $1.258291200e+07, v5;
	v5 =	vmul.f32 v6, v25;
	v6 =	vpop (erf);
	[tilespmem:v7+s19+$0x0] =	vst.idx.add.f32.msk $0xffff, v24;
	v28 =	vadd.s32 v12, v42  }
0x34d: {  	v55 =	vpop (erf);
	[tilespmem:v1+s18+$0x0] =	vst.idx.add.f32.msk $0xffff, v43  }
0x34e: {  	v41 =	vsel vm11, $0x45800800, v19;
	v2 =	vshll.u32 v51, $0x4;
	v58 =	vpop (erf);
	[tilespmem:v1+s19+$0x0] =	vst.idx.add.f32.msk $0xffff, v23  }
0x34f: {  	vm12 =	veq.s32 v32, $0x0;
	v2 =	vadd.s32 v17, v2;
	v26 =	vmul.f32 v58, v25;
	[tilespmem:v3+s18+$0x0] =	vst.idx.add.f32.msk $0xffff, v41  }
0x350: {  	(erf) = vpow2.f32 v15;
	v9 =	vsel vm12, $0x45800800, v19;
	[tilespmem:v3+s19+$0x0] =	vst.idx.add.f32.msk $0xffff, v22  }
0x351: {  	v4 =	vmul.f32 $1.442695020e+00, v4;
	v15 =	vmul.f32 $1.500000000e+01, v26;
	[tilespmem:v28+s18+$0x0] =	vst.idx.add.f32.msk $0xffff, v9  }
0x352: {  	vm2 =	veq.s32 v32, $0x1;
	v62 =	vshll.u32 v8, $0x4;
	[tilespmem:v28+s19+$0x0] =	vst.idx.add.f32.msk $0xffff, v31  }
0x353: {  	v52 =	vmovc v21;
	(erf) = vpow2.f32 v4;
	v3 =	vsel vm2, $0x45800800, v19;
	v4 =	vadd.f32 $-5.000000000e-01, v15;
	v21 =	vld [tilespmem:$0x1FFC0]  }
0x354: {  	v0 =	vadd.s32 v13, v62;
	[tilespmem:v2+s18+$0x0] =	vst.idx.add.f32.msk $0xffff, v3  }
0x355: {  	v54 =	vmov v14;
	v14 =	vmov v18;
	v4 =	vadd.f32 $1.258291200e+07, v4;
	v18 =	vld [tilespmem:$0x1FED0]  }
0x356: {  	v34 =	vmul.f32 v45, v25;
	vm3 =	veq.s32 v32, $0x2;
	v56 =	vmul.f32 $1.500000000e+01, v5  }
0x357: {  	v45 =	vadd.f32 $1.258291200e+07, v50;
	v6 =	vmul.f32 v6, v25;
	v4 =	vshll.u32 v4, $0x4  }
0x358: {  	v51 =	vadd.f32 $-5.000000000e-01, v56;
	v56 =	vsel vm3, $0x45800800, v19;
	[tilespmem:v2+s19+$0x0] =	vst.idx.add.f32.msk $0xffff, v40;
	v4 =	vadd.s32 v21, v4  }
0x359: {  	v23 =	vmul.f32 $1.500000000e+01, v6;
	v9 =	vshll.u32 v45, $0x4;
	[tilespmem:v0+s18+$0x0] =	vst.idx.add.f32.msk $0xffff, v56  }
0x35a: {  	[tilespmem:v0+s19+$0x0] =	vst.idx.add.f32.msk $0xffff, v16;
	v9 =	vadd.s32 v18, v9  }
0x35b: {  	v37 =	vmul.f32 v48, v25;
	vm14 =	veq.s32 v32, $0x3;
	v22 =	vadd.f32 $-5.000000000e-01, v23;
	v40 =	vld [tilespmem:$0x1FEE0]  }
0x35c: {  	v48 =	vmul.f32 $1.442695020e+00, v57;
	v7 =	vmul.f32 v55, v25;
	v58 =	vsel vm14, $0x45800800, v19;
	v43 =	vld [tilespmem:$0x1FEF0]  }
0x35d: {  	vm4 =	veq.s32 v32, $0x4;
	v3 =	vadd.f32 $1.258291200e+07, v22;
	[tilespmem:v4+s18+$0x0] =	vst.idx.add.f32.msk $0xffff, v58  }
0x35e: {  	(erf) = vpow2.f32 v48;
	v57 =	vmul.f32 $1.500000000e+01, v7;
	v45 =	vsel vm4, $0x45800800, v19;
	[tilespmem:v4+s19+$0x0] =	vst.idx.add.f32.msk $0xffff, v26  }
0x35f: {  	v55 =	vmul.f32 $1.442695020e+00, v63;
	v1 =	vadd.f32 $1.258291200e+07, v51;
	v23 =	vpop (erf);
	v3 =	vshll.u32 v3, $0x4;
	[tilespmem:v9+s18+$0x0] =	vst.idx.add.f32.msk $0xffff, v45  }
0x360: {  	v22 =	vmul.f32 v23, v25;
	v23 =	vadd.f32 $-5.000000000e-01, v57;
	v41 =	vadd.s32 v40, v3;
	v17 =	vld [tilespmem:$0x1FF00]  }
0x361: {  	v1 =	vshll.u32 v1, $0x4  }
0x362: {  	(erf) = vpow2.f32 v55;
	v16 =	vadd.f32 $1.258291200e+07, v23;
	v1 =	vadd.s32 v43, v1  }
0x363: {  	vm15 =	veq.s32 v32, $0x5  }
0x364: {  	v23 =	vsel vm15, $0x45800800, v19;
	v4 =	vshll.u32 v16, $0x4;
	[tilespmem:v9+s19+$0x0] =	vst.idx.add.f32.msk $0xffff, v44  }
0x365: {  	vm4 =	veq.s32 v32, $0x6;
	[tilespmem:v41+s18+$0x0] =	vst.idx.add.f32.msk $0xffff, v23;
	v4 =	vadd.s32 v17, v4  }
0x366: {  	v50 =	vsel vm4, $0x45800800, v19;
	[tilespmem:v41+s19+$0x0] =	vst.idx.add.f32.msk $0xffff, v6  }
0x367: {  	v63 =	vpop (erf);
	v62 =	vmul.f32 $1.500000000e+01, v22;
	[tilespmem:v1+s18+$0x0] =	vst.idx.add.f32.msk $0xffff, v50  }
0x368: {  	vm13 =	veq.s32 v32, $0x7;
	v3 =	vmul.f32 v63, v25;
	[tilespmem:v1+s19+$0x0] =	vst.idx.add.f32.msk $0xffff, v5  }
0x369: {  	v53 =	vmov v20;
	v51 =	vsel vm13, $0x45800800, v19;
	v47 =	vpop (erf);
	v24 =	vadd.f32 $-5.000000000e-01, v62;
	v20 =	vld [tilespmem:$0x1FF10]  }
0x36a: {  	v48 =	vmul.f32 $1.500000000e+01, v3;
	v16 =	vmul.f32 v47, v25;
	[tilespmem:v4+s18+$0x0] =	vst.idx.add.f32.msk $0xffff, v51  }
0x36b: {  	v36 =	vmul.f32 $1.500000000e+01, v34;
	v49 =	vpop (erf);
	v24 =	vadd.f32 $1.258291200e+07, v24;
	[tilespmem:v4+s19+$0x0] =	vst.idx.add.f32.msk $0xffff, v7  }
0x36c: {  	v59 =	vmovc v11;
	v11 =	vmovc v10;
	v9 =	vmul.f32 v49, v25;
	v2 =	vadd.f32 $-5.000000000e-01, v48;
	v23 =	vmul.f32 $1.500000000e+01, v16;
	v10 =	vld [tilespmem:$0x1FF20]  }
0x36d: {  	vm5 =	veq.s32 v32, $0x8;
	vm6 =	veq.s32 v32, $0x9;
	v24 =	vshll.u32 v24, $0x4  }
0x36e: {  	v55 =	vmul.f32 $1.500000000e+01, v9;
	v2 =	vadd.f32 $1.258291200e+07, v2;
	v6 =	vadd.f32 $-5.000000000e-01, v23  }
0x36f: {  	vm7 =	veq.s32 v32, $0xA;
	v5 =	vmul.f32 $1.500000000e+01, v38;
	v56 =	vadd.s32 v20, v24  }
0x370: {  	v2 =	vshll.u32 v2, $0x4;
	v0 =	vadd.f32 $-5.000000000e-01, v55;
	v6 =	vadd.f32 $1.258291200e+07, v6  }
0x371: {  	v8 =	vmul.f32 $1.500000000e+01, v37;
	v23 =	vsel vm5, $0x45800800, v19;
	v2 =	vadd.s32 v10, v2  }
0x372: {  	v0 =	vadd.f32 $1.258291200e+07, v0;
	v4 =	vadd.f32 $-5.000000000e-01, v5;
	v5 =	vshll.u32 v6, $0x4;
	[tilespmem:v29+s18+$0x0] =	vst.idx.add.f32.msk $0xffff, v23  }
0x373: {  	v42 =	vmul.f32 $1.500000000e+01, v30;
	v7 =	vsel vm6, $0x45800800, v19;
	v5 =	vadd.s32 v61, v5;
	[tilespmem:v29+s19+$0x0] =	vst.idx.add.f32.msk $0xffff, v27  }
0x374: {  	v0 =	vshll.u32 v0, $0x4;
	v6 =	vadd.f32 $-5.000000000e-01, v8;
	v4 =	vadd.f32 $1.258291200e+07, v4;
	[tilespmem:v56+s18+$0x0] =	vst.idx.add.f32.msk $0xffff, v7  }
0x375: {  	vm8 =	veq.s32 v32, $0xB;
	v0 =	vadd.s32 v54, v0;
	v7 =	vsel vm7, $0x45800800, v19;
	[tilespmem:v56+s19+$0x0] =	vst.idx.add.f32.msk $0xffff, v22  }
0x376: {  	v57 =	vadd.f32 $1.258291200e+07, v6;
	v6 =	vadd.f32 $-5.000000000e-01, v42;
	v4 =	vshll.u32 v4, $0x4;
	[tilespmem:v2+s18+$0x0] =	vst.idx.add.f32.msk $0xffff, v7  }
0x377: {  	vm9 =	veq.s32 v32, $0xC;
	v58 =	vadd.s32 v14, v4;
	v7 =	vsel vm8, $0x45800800, v19;
	[tilespmem:v2+s19+$0x0] =	vst.idx.add.f32.msk $0xffff, v3  }
0x378: {  	v1 =	vshll.u32 v57, $0x4;
	v4 =	vadd.f32 $1.258291200e+07, v6;
	v3 =	vmul.f32 $1.500000000e+01, v33;
	[tilespmem:v5+s18+$0x0] =	vst.idx.add.f32.msk $0xffff, v7  }
0x379: {  	vm10 =	veq.s32 v32, $0xD;
	v6 =	vsel vm9, $0x45800800, v19;
	v1 =	vadd.s32 v60, v1;
	[tilespmem:v5+s19+$0x0] =	vst.idx.add.f32.msk $0xffff, v16  }
0x37a: {  	v4 =	vshll.u32 v4, $0x4;
	v3 =	vadd.f32 $-5.000000000e-01, v3;
	v5 =	vadd.f32 $1.258291200e+07, v39;
	[tilespmem:v0+s18+$0x0] =	vst.idx.add.f32.msk $0xffff, v6  }
0x37b: {  	vm11 =	veq.s32 v32, $0xE;
	v4 =	vadd.s32 v59, v4;
	v7 =	vsel vm10, $0x45800800, v19;
	[tilespmem:v0+s19+$0x0] =	vst.idx.add.f32.msk $0xffff, v9  }
0x37c: {  	v6 =	vadd.f32 $-5.000000000e-01, v36;
	v60 =	vshll.u32 v5, $0x4;
	v3 =	vadd.f32 $1.258291200e+07, v3;
	[tilespmem:v58+s18+$0x0] =	vst.idx.add.f32.msk $0xffff, v7  }
0x37d: {  	v5 =	vsel vm11, $0x45800800, v19;
	v0 =	vadd.s32 v11, v60;
	[tilespmem:v58+s19+$0x0] =	vst.idx.add.f32.msk $0xffff, v38  }
0x37e: {  	vm12 =	veq.s32 v32, $0xF;
	v61 =	vadd.f32 $1.258291200e+07, v6;
	v3 =	vshll.u32 v3, $0x4;
	[tilespmem:v1+s18+$0x0] =	vst.idx.add.f32.msk $0xffff, v5  }
0x37f: {  	v5 =	vsel vm12, $0x45800800, v19;
	v62 =	vadd.s32 v52, v3;
	[tilespmem:v1+s19+$0x0] =	vst.idx.add.f32.msk $0xffff, v37  }
0x380: {  	vm13 =	veq.s32 v32, $0x10;
	v2 =	vshll.u32 v61, $0x4;
	[tilespmem:v4+s18+$0x0] =	vst.idx.add.f32.msk $0xffff, v5  }
0x381: {  	v3 =	vsel vm13, $0x45800800, v19;
	v2 =	vadd.s32 v53, v2;
	[tilespmem:v4+s19+$0x0] =	vst.idx.add.f32.msk $0xffff, v30  }
0x382: {  	s22 =	sadd.s32 $0x1, s22;
	vm14 =	veq.s32 v32, $0x11;
	[tilespmem:v0+s18+$0x0] =	vst.idx.add.f32.msk $0xffff, v3  }
0x383: {  	p0 =	sne.s32 s22, $0x8;
	v3 =	vsel vm14, $0x45800800, v19;
	[tilespmem:v0+s19+$0x0] =	vst.idx.add.f32.msk $0xffff, v35  }
.Ltmp6:
0x384: {  	vm15 =	veq.s32 v32, $0x12;
	[tilespmem:v62+s18+$0x0] =	vst.idx.add.f32.msk $0xffff, v3;
	(pc) =	sbr.rel @p0 .LBB2_4-.Ltmp6, $4  }
0x385: {  	v63 =	vsel vm15, $0x45800800, v19;
	[tilespmem:v62+s19+$0x0] =	vst.idx.add.f32.msk $0xffff, v33  }
0x386: {  	[tilespmem:v2+s18+$0x0] =	vst.idx.add.f32.msk $0xffff, v63  }
0x387: {  	v46 =	vmov v13;
	[tilespmem:v2+s19+$0x0] =	vst.idx.add.f32.msk $0xffff, v34  }
0x388: {  	v10 =	vmov v12;
	v4 =	vmov v46;
	v5 =	vld [tilespmem:$0x1FFE0]  }
0x389: {  	s5 =	simm.s32 $0x0;
	v1 =	vlaneseq.u32  }
0x38a: {  	v0 =	vmov s5;
	v11 =	vmul.u32 $0x10, v1  }
0x38b: {  	v0 =	vshll.u32 v0, $0x4  }
0x38c: {  	v0 =	vor.u32 v11, v0;
	_ =	sdelay $0x1  }
0x38d: {  	v1 =	vor.u32 $0x1, v0  }
0x38e: {  	v9 =	vor.u32 $0xB, v0  }
0x38f: {  	v2 =	vor.u32 $0x5, v0;
	[tilespmem:$0x1FEB0] =	vst v9  }
0x390: {  	v4 =	vor.u32 $0x4, v0;
	v5 =	vld.idx.msk [tilespmem:v0+s18+$0x0], $0xffff  }
0x391: {  	v6 =	vor.u32 $0x9, v0;
	v31 =	vld.idx.msk [tilespmem:v0+s19+$0x0], $0xffff  }
0x392: {  	v8 =	vor.u32 $0x7, v0;
	v7 =	vld.idx.msk [tilespmem:v1+s19+$0x0], $0xffff  }
0x393: {  	v16 =	vor.u32 $0x2, v0;
	v9 =	vld.idx.msk [tilespmem:v9+s18+$0x0], $0xffff  }
0x394: {  	v25 =	vor.u32 $0x6, v0;
	v23 =	vld.idx.msk [tilespmem:v2+s18+$0x0], $0xffff  }
0x395: {  	v3 =	vor.u32 $0x3, v0;
	v26 =	vld.idx.msk [tilespmem:v4+s18+$0x0], $0xffff  }
0x396: {  	v27 =	vld.idx.msk [tilespmem:v6+s18+$0x0], $0xffff  }
0x397: {  	v28 =	vld.idx.msk [tilespmem:v8+s18+$0x0], $0xffff  }
0x398: {  	v30 =	vld.idx.msk [tilespmem:v16+s18+$0x0], $0xffff  }
0x399: {  	v29 =	vor.u32 $0x8, v0;
	v33 =	vld.idx.msk [tilespmem:v25+s18+$0x0], $0xffff  }
0x39a: {  	v24 =	vld.idx.msk [tilespmem:v3+s18+$0x0], $0xffff;
	v5 =	vtrunc.f32 v5  }
0x39b: {  	v1 =	vld.idx.msk [tilespmem:v1+s18+$0x0], $0xffff;
	v5 =	vcvt.f32.s32 v5;
	v9 =	vtrunc.f32 v9  }
0x39c: {  	v17 =	vor.u32 $0xE, v0;
	v23 =	vtrunc.f32 v23;
	v26 =	vtrunc.f32 v26  }
0x39d: {  	v10 =	vor.u32 $0xF, v0;
	v59 =	vtrunc.f32 v28;
	v28 =	vtrunc.f32 v30  }
0x39e: {  	v61 =	vor.u32 $0xA, v0;
	v60 =	vld.idx.msk [tilespmem:v29+s18+$0x0], $0xffff;
	v27 =	vtrunc.f32 v27;
	v30 =	vtrunc.f32 v33  }
0x39f: {  	v12 =	vor.u32 $0xD, v0;
	v16 =	vld.idx.msk [tilespmem:v16+s19+$0x0], $0xffff;
	v34 =	vcvt.f32.s32 v23;
	v23 =	vtrunc.f32 v24  }
0x3a0: {  	v1 =	vtrunc.f32 v1;
	v40 =	vcvt.f32.s32 v23;
	v23 =	vadd.f32 $0.0e+00, v31  }
0x3a1: {  	v3 =	vld.idx.msk [tilespmem:v3+s19+$0x0], $0xffff;
	v54 =	vcvt.f32.s32 v9;
	v53 =	vcvt.f32.s32 v26;
	v9 =	vor.u32 $0xC, v0  }
0x3a2: {  	v0 =	vcvt.f32.s32 v59;
	v33 =	vcvt.f32.s32 v27;
	v7 =	vadd.f32 v7, v23  }
0x3a3: {  	v4 =	vld.idx.msk [tilespmem:v4+s19+$0x0], $0xffff;
	v1 =	vcvt.f32.s32 v1;
	v24 =	vtrunc.f32 v60  }
0x3a4: {  	v32 =	vand.u32 $0xFFF, v5;
	v24 =	vcvt.f32.s32 v24;
	v7 =	vadd.f32 v16, v7  }
0x3a5: {  	v2 =	vld.idx.msk [tilespmem:v2+s19+$0x0], $0xffff;
	v31 =	vcvt.f32.s32 v28;
	v62 =	vand.u32 $0xFFF, v34;
	v38 =	vand.u32 $0xFFF, v1  }
0x3a6: {  	v28 =	vand.u32 $0xFFF, v40;
	v42 =	vand.u32 $0xFFF, v24;
	v3 =	vadd.f32 v3, v7  }
0x3a7: {  	v36 =	vadd.s32 v32, v38;
	v16 =	vcvt.f32.s32 v30;
	v30 =	vand.u32 $0xFFF, v31  }
0x3a8: {  	s21 =	simm.s32 $0x10;
	v15 =	vshra.s32 v24, $0xC;
	v24 =	vadd.s32 v30, v36;
	v3 =	vadd.f32 v4, v3  }
0x3a9: {  	v23 =	vand.u32 $0xFFF, v53;
	v24 =	vadd.s32 v28, v24;
	v28 =	vmov s21  }
0x3aa: {  	v63 =	vld.idx.msk [tilespmem:v25+s19+$0x0], $0xffff;
	v23 =	vadd.s32 v23, v24;
	v2 =	vadd.f32 v2, v3;
	v3 =	vshll.u32 v28, $0x4  }
0x3ab: {  	v37 =	vld.idx.msk [tilespmem:v9+s18+$0x0], $0xffff;
	[tilespmem:$0x1FE90] =	vst v11;
	v41 =	vand.u32 $0xFFF, v16;
	v23 =	vadd.s32 v62, v23;
	v3 =	vor.u32 v11, v3  }
0x3ac: {  	v21 =	vshra.s32 v5, $0xC;
	v39 =	vand.u32 $0xFFF, v0;
	v43 =	vld.idx.msk [tilespmem:v61+s18+$0x0], $0xffff;
	v23 =	vadd.s32 v41, v23  }
0x3ad: {  	v25 =	vand.u32 $0xFFF, v33;
	v46 =	vshra.s32 v1, $0xC;
	v30 =	vld.idx.msk [tilespmem:v12+s18+$0x0], $0xffff;
	v28 =	vadd.s32 v39, v23  }
0x3ae: {  	v5 =	vshra.s32 v31, $0xC;
	v50 =	vld.idx.msk [tilespmem:v17+s18+$0x0], $0xffff;
	v28 =	vadd.s32 v42, v28;
	v1 =	vor.u32 $0xB, v3  }
0x3af: {  	v46 =	vadd.s32 v21, v46;
	v51 =	vld.idx.msk [tilespmem:v10+s18+$0x0], $0xffff;
	v52 =	vadd.f32 v63, v2;
	v63 =	vadd.s32 v25, v28  }
0x3b0: {  	v5 =	vadd.s32 v5, v46;
	v38 =	vtrunc.f32 v37;
	v55 =	vor.u32 $0x3, v3;
	v62 =	vld.idx.msk [tilespmem:v3+s18+$0x0], $0xffff;
	[tilespmem:$0x1FEC0] =	vst v63  }
0x3b1: {  	v4 =	vcvt.f32.s32 v38;
	v7 =	vtrunc.f32 v43;
	v59 =	vor.u32 $0x5, v3;
	v58 =	vld.idx.msk [tilespmem:v29+s19+$0x0], $0xffff  }
0x3b2: {  	v30 =	vtrunc.f32 v30;
	v38 =	vshra.s32 v34, $0xC;
	v56 =	vor.u32 $0x4, v3;
	v57 =	vld.idx.msk [tilespmem:v6+s19+$0x0], $0xffff;
	[tilespmem:$0x1FEA0] =	vst v1  }
0x3b3: {  	v2 =	vor.u32 $0x7, v3;
	v29 =	vcvt.f32.s32 v30;
	v30 =	vtrunc.f32 v50;
	v50 =	vld.idx.msk [tilespmem:v1+s18+$0x0], $0xffff  }
0x3b4: {  	v7 =	vcvt.f32.s32 v7;
	v11 =	vshra.s32 v54, $0xC;
	v22 =	vor.u32 $0xC, v3;
	v8 =	vld.idx.msk [tilespmem:v8+s19+$0x0], $0xffff  }
0x3b5: {  	v54 =	vand.u32 $0xFFF, v54;
	v37 =	vand.u32 $0xFFF, v4;
	v45 =	vor.u32 $0x1, v3;
	v43 =	vld.idx.msk [tilespmem:v55+s18+$0x0], $0xffff  }
0x3b6: {  	v48 =	vor.u32 $0x2, v3;
	v13 =	vor.u32 $0xE, v3;
	v25 =	vtrunc.f32 v62;
	v62 =	vld.idx.msk [tilespmem:v59+s18+$0x0], $0xffff  }
0x3b7: {  	v26 =	vmovc v12;
	v60 =	vor.u32 $0x9, v3;
	v12 =	vor.u32 $0xF, v3;
	v18 =	vor.u32 $0xA, v3;
	v34 =	vld.idx.msk [tilespmem:v56+s18+$0x0], $0xffff  }
0x3b8: {  	v27 =	vmovc v9;
	v14 =	vor.u32 $0xD, v3;
	v9 =	vor.u32 $0x8, v3;
	v42 =	vshra.s32 v7, $0xC;
	v35 =	vld.idx.msk [tilespmem:v2+s18+$0x0], $0xffff  }
0x3b9: {  	v44 =	vand.u32 $0xFFF, v7;
	v63 =	vor.u32 $0x6, v3;
	v6 =	vtrunc.f32 v51;
	v46 =	vld.idx.msk [tilespmem:v22+s18+$0x0], $0xffff  }
0x3ba: {  	v21 =	vmovc v22;
	v30 =	vcvt.f32.s32 v30;
	v32 =	vcvt.f32.s32 v6;
	v6 =	vshra.s32 v40, $0xC;
	v22 =	vld [tilespmem:$0x1FEC0]  }
0x3bb: {  	v39 =	vand.u32 $0xFFF, v29;
	v41 =	vshra.s32 v29, $0xC;
	v36 =	vtrunc.f32 v62;
	v62 =	vld.idx.msk [tilespmem:v3+s19+$0x0], $0xffff  }
0x3bc: {  	v24 =	vmovc v10;
	v1 =	vld.idx.msk [tilespmem:v45+s18+$0x0], $0xffff;
	v10 =	vshra.s32 v30, $0xC;
	v28 =	vand.u32 $0xFFF, v30;
	v23 =	vshra.s32 v32, $0xC  }
0x3bd: {  	v51 =	vand.u32 $0xFFF, v32;
	v30 =	vshra.s32 v0, $0xC;
	v0 =	vld.idx.msk [tilespmem:v48+s18+$0x0], $0xffff;
	v49 =	vcvt.f32.s32 v25  }
0x3be: {  	v29 =	vtrunc.f32 v50;
	v50 =	vshra.s32 v4, $0xC;
	v4 =	vld.idx.msk [tilespmem:v60+s18+$0x0], $0xffff;
	v31 =	vtrunc.f32 v34  }
0x3bf: {  	v35 =	vtrunc.f32 v35;
	v43 =	vtrunc.f32 v43;
	v8 =	vadd.f32 v8, v52;
	v25 =	vmovc v2;
	v2 =	vld.idx.msk [tilespmem:v63+s18+$0x0], $0xffff  }
0x3c0: {  	v44 =	vadd.s32 v44, v22;
	v46 =	vtrunc.f32 v46;
	v52 =	vadd.f32 $0.0e+00, v62;
	v62 =	vld.idx.msk [tilespmem:v55+s19+$0x0], $0xffff  }
0x3c1: {  	v47 =	vand.u32 $0xFFF, v49;
	v20 =	vshra.s32 v49, $0xC;
	v29 =	vcvt.f32.s32 v29;
	v55 =	vld [tilespmem:$0x1FEB0]  }
0x3c2: {  	v49 =	vshra.s32 v33, $0xC;
	v33 =	vcvt.f32.s32 v31;
	v34 =	vcvt.f32.s32 v43;
	v3 =	vld.idx.msk [tilespmem:v45+s19+$0x0], $0xffff  }
0x3c3: {  	v35 =	vcvt.f32.s32 v35;
	v44 =	vadd.s32 v54, v44;
	v0 =	vtrunc.f32 v0;
	v45 =	vld.idx.msk [tilespmem:v9+s18+$0x0], $0xffff  }
0x3c4: {  	v40 =	vcvt.f32.s32 v0;
	v7 =	vand.u32 $0xFFF, v33;
	v32 =	vcvt.f32.s32 v36  }
0x3c5: {  	v36 =	vshra.s32 v53, $0xC;
	v0 =	vtrunc.f32 v4;
	v4 =	vadd.f32 v58, v8;
	v8 =	vld.idx.msk [tilespmem:v61+s19+$0x0], $0xffff  }
0x3c6: {  	v48 =	vld.idx.msk [tilespmem:v48+s19+$0x0], $0xffff;
	v53 =	vshra.s32 v16, $0xC;
	v43 =	vcvt.f32.s32 v0;
	v0 =	vtrunc.f32 v1  }
0x3c7: {  	v61 =	vand.u32 $0xFFF, v34;
	v2 =	vtrunc.f32 v2;
	v1 =	vcvt.f32.s32 v0  }
0x3c8: {  	v4 =	vadd.f32 v57, v4;
	v58 =	vtrunc.f32 v45;
	v45 =	vcvt.f32.s32 v2  }
0x3c9: {  	v2 =	vcvt.f32.s32 v58;
	v0 =	vadd.f32 v3, v52;
	v3 =	vadd.s32 v6, v5;
	v5 =	vld.idx.msk [tilespmem:v55+s19+$0x0], $0xffff  }
0x3ca: {  	v16 =	vand.u32 $0xFFF, v32;
	v6 =	vand.u32 $0xFFF, v40;
	v52 =	vld.idx.msk [tilespmem:v56+s19+$0x0], $0xffff;
	v4 =	vadd.f32 v8, v4  }
0x3cb: {  	v8 =	vand.u32 $0xFFF, v45;
	v56 =	vand.u32 $0xFFF, v2;
	v48 =	vadd.f32 v48, v0  }
0x3cc: {  	v58 =	vshra.s32 v2, $0xC;
	v2 =	vld.idx.msk [tilespmem:v59+s19+$0x0], $0xffff;
	v3 =	vadd.s32 v36, v3;
	v55 =	vand.u32 $0xFFF, v1  }
0x3cd: {  	v57 =	vld.idx.msk [tilespmem:v27+s19+$0x0], $0xffff;
	v0 =	vand.u32 $0xFFF, v35;
	v59 =	vadd.f32 v62, v48;
	v47 =	vadd.s32 v47, v55  }
0x3ce: {  	v48 =	vcvt.f32.s32 v46;
	v6 =	vadd.s32 v6, v47;
	v4 =	vadd.f32 v5, v4;
	v5 =	vld.idx.msk [tilespmem:v63+s19+$0x0], $0xffff  }
0x3cf: {  	v26 =	vld.idx.msk [tilespmem:v26+s19+$0x0], $0xffff;
	v3 =	vadd.s32 v38, v3;
	v6 =	vadd.s32 v61, v6;
	v61 =	vadd.f32 v52, v59  }
0x3d0: {  	s23 =	simm.s32 $0x120;
	s26 =	simm.s32 $0x0;
	v46 =	vld.idx.msk [tilespmem:v9+s19+$0x0], $0xffff;
	v62 =	vadd.s32 v37, v44;
	v36 =	vand.u32 $0xFFF, v48;
	v55 =	vand.u32 $0xFFF, v43  }
0x3d1: {  	s22 =	simm.s32 $0x130;
	s0 =	simm.s32 $0x480;
	s2 =	simm.s32 $0x900;
	v44 =	vld.idx.msk [tilespmem:v60+s19+$0x0], $0xffff;
	v6 =	vadd.s32 v7, v6;
	v7 =	vadd.s32 v39, v62;
	v2 =	vadd.f32 v2, v61  }
0x3d2: {  	s31 =	simm.s32 $0x140;
	s0 =	sand.u32 $0xE00, s0;
	s2 =	sand.u32 $0x1E00, s2;
	v47 =	vld.idx.msk [tilespmem:v25+s19+$0x0], $0xffff;
	v6 =	vadd.s32 v16, v6;
	v61 =	vadd.s32 v28, v7;
	v4 =	vadd.f32 v57, v4  }
0x3d3: {  	s3 =	sand.u32 $0x600, s26;
	s25 =	sshrl.u32 s0, $0x2;
	s24 =	sshrl.u32 s2, $0x2;
	v59 =	vld.idx.msk [tilespmem:v17+s19+$0x0], $0xffff;
	v60 =	vadd.s32 v8, v6;
	v52 =	vadd.f32 v5, v2;
	v2 =	vadd.s32 v53, v3  }
0x3d4: {  	s2 =	sand.u32 $0x70, s5;
	s7 =	sshrl.u32 s3, $0x2;
	s0 =	sand.u32 $0x70, s23;
	v57 =	vld.idx.msk [tilespmem:v24+s19+$0x0], $0xffff;
	v54 =	vadd.f32 v26, v4;
	v53 =	vshra.s32 v1, $0xC;
	v62 =	vadd.s32 v30, v2  }
.LBB2_16:
0x3d5: {  	_ =	sdelay $0x1  }
0x3d6: {  	v0 =	vadd.s32 v0, v60;
	v3 =	vmov v58;
	s5 =	smov.u32 s21;
	s21 =	sadd.s32 $0xFFFFFEE0, s31;
	v5 =	vld [tilespmem:$0x1FE90]  }
0x3d7: {  	v2 =	vadd.s32 v51, v61;
	v25 =	vshra.s32 v35, $0xC;
	[tilespmem:$0x1FE80] =	vst v3;
	v3 =	vmov s21  }
0x3d8: {  	v7 =	vld.idx.msk [tilespmem:v18+s18+$0x0], $0xffff;
	v2 =	vcvt.s32.f32 v2;
	v0 =	vadd.s32 v56, v0;
	v1 =	vadd.s32 v15, v62  }
0x3d9: {  	v47 =	vadd.f32 v47, v52;
	v4 =	vadd.f32 v59, v54;
	v1 =	vadd.s32 v49, v1  }
0x3da: {  	v3 =	vshll.u32 v3, $0x4;
	v61 =	vadd.s32 v55, v0;
	v1 =	vadd.s32 v42, v1  }
0x3db: {  	s2 =	sor.u32 s2, s7;
	v3 =	vor.u32 v5, v3;
	v4 =	vadd.f32 v57, v4;
	v1 =	vadd.s32 v11, v1  }
0x3dc: {  	s0 =	sor.u32 s0, s25;
	[tilespmem:s2+$0x16C00] =	vst v2;
	v15 =	vshra.s32 v29, $0xC;
	v2 =	vor.u32 $0x3, v3;
	v1 =	vadd.s32 v50, v1  }
0x3dd: {  	v8 =	vld.idx.msk [tilespmem:v14+s18+$0x0], $0xffff;
	v7 =	vtrunc.f32 v7;
	v6 =	vor.u32 $0x2, v3;
	[tilespmem:s0+$0x16C00] =	vst v4;
	v1 =	vadd.s32 v41, v1  }
0x3de: {  	v49 =	vshra.s32 v43, $0xC;
	v5 =	vor.u32 $0x1, v3;
	v9 =	vld.idx.msk [tilespmem:v13+s18+$0x0], $0xffff;
	v1 =	vadd.s32 v10, v1  }
0x3df: {  	s11 =	sadd.s32 $0x120, s23;
	v58 =	vor.u32 $0x4, v3;
	v22 =	vor.u32 $0xB, v3;
	v26 =	vld.idx.msk [tilespmem:v12+s18+$0x0], $0xffff;
	v1 =	vadd.s32 v23, v1  }
0x3e0: {  	v57 =	vor.u32 $0xE, v3;
	v56 =	vor.u32 $0x5, v3;
	s0 =	sand.u32 $0x70, s11;
	v38 =	vld.idx.msk [tilespmem:v3+s18+$0x0], $0xffff;
	v0 =	vcvt.s32.f32 v1  }
0x3e1: {  	v16 =	vor.u32 $0x9, v3;
	v54 =	vor.u32 $0xF, v3;
	v59 =	vor.u32 $0xD, v3;
	s0 =	sor.u32 s0, s24;
	v60 =	vld.idx.msk [tilespmem:v2+s19+$0x0], $0xffff  }
0x3e2: {  	v7 =	vcvt.f32.s32 v7;
	v30 =	vor.u32 $0x6, v3;
	v43 =	vor.u32 $0x8, v3;
	v55 =	vld.idx.msk [tilespmem:v6+s19+$0x0], $0xffff;
	[tilespmem:s0+$0x16C00] =	vst v0  }
0x3e3: {  	v11 =	vmovc v36;
	v36 =	vand.u32 $0xFFF, v29;
	v4 =	vor.u32 $0x7, v3;
	v8 =	vtrunc.f32 v8;
	v0 =	vld.idx.msk [tilespmem:v5+s19+$0x0], $0xffff  }
0x3e4: {  	v42 =	vshra.s32 v7, $0xC;
	v7 =	vand.u32 $0xFFF, v7;
	v8 =	vcvt.f32.s32 v8;
	v50 =	vld.idx.msk [tilespmem:v22+s18+$0x0], $0xffff  }
0x3e5: {  	v7 =	vadd.s32 v7, v61;
	v23 =	vshra.s32 v32, $0xC;
	v39 =	vtrunc.f32 v26;
	v26 =	vld.idx.msk [tilespmem:v56+s18+$0x0], $0xffff  }
0x3e6: {  	v1 =	vor.u32 $0xA, v3;
	v62 =	vand.u32 $0xFFF, v8;
	v9 =	vtrunc.f32 v9;
	v2 =	vld.idx.msk [tilespmem:v2+s18+$0x0], $0xffff  }
0x3e7: {  	v41 =	vshra.s32 v8, $0xC;
	v9 =	vcvt.f32.s32 v9;
	v38 =	vtrunc.f32 v38;
	v31 =	vld.idx.msk [tilespmem:v16+s18+$0x0], $0xffff  }
0x3e8: {  	v37 =	vcvt.f32.s32 v39;
	v35 =	vld.idx.msk [tilespmem:v3+s19+$0x0], $0xffff;
	v39 =	vshra.s32 v45, $0xC;
	v45 =	vadd.s32 v20, v53  }
0x3e9: {  	v6 =	vld.idx.msk [tilespmem:v6+s18+$0x0], $0xffff;
	v3 =	vor.u32 $0xC, v3;
	v27 =	vcvt.f32.s32 v38;
	v38 =	vshra.s32 v34, $0xC  }
0x3ea: {  	v24 =	vld.idx.msk [tilespmem:v4+s18+$0x0], $0xffff;
	v17 =	vshra.s32 v37, $0xC;
	v51 =	vand.u32 $0xFFF, v37;
	v37 =	vshra.s32 v40, $0xC  }
0x3eb: {  	v5 =	vld.idx.msk [tilespmem:v5+s18+$0x0], $0xffff;
	v10 =	vshra.s32 v9, $0xC;
	v63 =	vand.u32 $0xFFF, v9;
	v37 =	vadd.s32 v37, v45  }
0x3ec: {  	v9 =	vld.idx.msk [tilespmem:v58+s18+$0x0], $0xffff;
	v8 =	vand.u32 $0xFFF, v27;
	v27 =	vshra.s32 v27, $0xC;
	v37 =	vadd.s32 v38, v37  }
0x3ed: {  	v20 =	vmovc v27;
	v27 =	vld.idx.msk [tilespmem:v43+s18+$0x0], $0xffff;
	v50 =	vtrunc.f32 v50;
	v26 =	vtrunc.f32 v26;
	v52 =	vadd.f32 $0.0e+00, v35  }
0x3ee: {  	v6 =	vtrunc.f32 v6;
	v29 =	vcvt.f32.s32 v50;
	v50 =	vshra.s32 v48, $0xC;
	v48 =	vld.idx.msk [tilespmem:v30+s18+$0x0], $0xffff  }
0x3ef: {  	v2 =	vtrunc.f32 v2;
	v53 =	vtrunc.f32 v31;
	v0 =	vadd.f32 v0, v52;
	v52 =	vld [tilespmem:$0x1FEA0]  }
0x3f0: {  	v32 =	vcvt.f32.s32 v26;
	v26 =	vshra.s32 v33, $0xC;
	v34 =	vcvt.f32.s32 v2;
	v2 =	vld.idx.msk [tilespmem:v16+s19+$0x0], $0xffff  }
0x3f1: {  	v40 =	vcvt.f32.s32 v6;
	v16 =	vld.idx.msk [tilespmem:v18+s19+$0x0], $0xffff;
	v9 =	vtrunc.f32 v9;
	v26 =	vadd.s32 v26, v37  }
0x3f2: {  	v6 =	vld.idx.msk [tilespmem:v3+s18+$0x0], $0xffff;
	v28 =	vand.u32 $0xFFF, v32;
	v33 =	vcvt.f32.s32 v9;
	v9 =	vtrunc.f32 v24  }
0x3f3: {  	v18 =	vmovc v1;
	v24 =	vld.idx.msk [tilespmem:v43+s19+$0x0], $0xffff;
	v1 =	vand.u32 $0xFFF, v34;
	v43 =	vcvt.f32.s32 v53;
	v35 =	vcvt.f32.s32 v9  }
0x3f4: {  	v9 =	vadd.f32 v46, v47;
	v31 =	vtrunc.f32 v48;
	v48 =	vtrunc.f32 v5  }
0x3f5: {  	v53 =	vmovc v22;
	v22 =	vand.u32 $0xFFF, v40;
	v47 =	vld.idx.msk [tilespmem:v4+s19+$0x0], $0xffff;
	v27 =	vtrunc.f32 v27;
	v4 =	vcvt.f32.s32 v48  }
0x3f6: {  	v30 =	vld.idx.msk [tilespmem:v30+s19+$0x0], $0xffff;
	v27 =	vcvt.f32.s32 v27;
	v5 =	vand.u32 $0xFFF, v33;
	v9 =	vadd.f32 v44, v9  }
0x3f7: {  	v44 =	vmovc v2;
	v6 =	vtrunc.f32 v6;
	v48 =	vadd.f32 v55, v0;
	v2 =	vand.u32 $0xFFF, v4;
	v38 =	vld.idx.msk [tilespmem:v52+s19+$0x0], $0xffff  }
0x3f8: {  	v45 =	vcvt.f32.s32 v31;
	v0 =	vand.u32 $0xFFF, v35;
	v52 =	vld.idx.msk [tilespmem:v58+s19+$0x0], $0xffff;
	v2 =	vadd.s32 v8, v2  }
0x3f9: {  	v55 =	vand.u32 $0xFFF, v43;
	v9 =	vadd.f32 v16, v9;
	v16 =	vld.idx.msk [tilespmem:v56+s19+$0x0], $0xffff;
	v2 =	vadd.s32 v22, v2  }
0x3fa: {  	v56 =	vand.u32 $0xFFF, v27;
	v31 =	vand.u32 $0xFFF, v45;
	v8 =	vld.idx.msk [tilespmem:v21+s19+$0x0], $0xffff;
	v1 =	vadd.s32 v1, v2  }
0x3fb: {  	s26 =	sadd.s32 $0x40, s26;
	s8 =	smov.u32 s31;
	[tilespmem:$0x1FEA0] =	vst v53;
	v53 =	vshra.s32 v4, $0xC;
	v21 =	vmovc v3;
	v3 =	vadd.f32 v60, v48;
	v1 =	vadd.s32 v5, v1  }
0x3fc: {  	s28 =	sadd.s32 $0x10, s31;
	p0 =	sne.s32 s31, $0x230;
	s23 =	smov.u32 s22;
	v46 =	vmovc v24;
	v58 =	vshra.s32 v27, $0xC;
	v48 =	vcvt.f32.s32 v6;
	v22 =	vld.idx.msk [tilespmem:v14+s19+$0x0], $0xffff;
	v14 =	vmovc v59;
	v1 =	vadd.s32 v28, v1  }
.Ltmp7:
0x3fd: {  	s3 =	sand.u32 $0x600, s26;
	s9 =	sadd.s32 $0x480, s26;
	v59 =	vld.idx.msk [tilespmem:v13+s19+$0x0], $0xffff;
	v9 =	vadd.f32 v38, v9;
	v2 =	vadd.f32 v52, v3;
	v3 =	vadd.s32 v36, v7;
	(pc) =	sbr.rel @p0 .LBB2_16-.Ltmp7, $4  }
0x3fe: {  	s10 =	sadd.s32 $0x900, s26;
	s22 =	smov.u32 s8;
	s31 =	smov.u32 s28;
	v13 =	vmovc v57;
	v60 =	vadd.s32 v31, v1;
	v1 =	vadd.s32 v23, v26;
	v3 =	vadd.s32 v11, v3  }
0x3ff: {  	s9 =	sand.u32 $0xE00, s9;
	s10 =	sand.u32 $0x1E00, s10;
	s7 =	sshrl.u32 s3, $0x2;
	v57 =	vld.idx.msk [tilespmem:v12+s19+$0x0], $0xffff;
	v1 =	vadd.s32 v39, v1;
	v2 =	vadd.f32 v16, v2;
	v38 =	vadd.f32 v8, v9  }
0x400: {  	s9 =	sshrl.u32 s9, $0x2;
	s10 =	sshrl.u32 s10, $0x2;
	s2 =	sand.u32 $0x70, s5;
	v12 =	vmovc v54;
	v36 =	vand.u32 $0xFFF, v48;
	v23 =	vmovc v17;
	v3 =	vadd.s32 v62, v3;
	v62 =	vadd.s32 v25, v1  }
0x401: {  	s25 =	smov.u32 s9;
	s24 =	smov.u32 s10;
	s0 =	sand.u32 $0x70, s23;
	v11 =	vmovc v15;
	v15 =	vld [tilespmem:$0x1FE80];
	v61 =	vadd.s32 v63, v3;
	v52 =	vadd.f32 v30, v2;
	v54 =	vadd.f32 v22, v38  }
0x402: {  	_ =	sdelay $0x3  }
0x403: {  	v1 =	vadd.s32 v15, v62  }
0x404: {  	v1 =	vadd.s32 v49, v1  }
0x405: {  	v1 =	vadd.s32 v42, v1  }
0x406: {  	v1 =	vadd.s32 v11, v1  }
0x407: {  	v1 =	vadd.s32 v50, v1  }
0x408: {  	v2 =	vld.idx.msk [tilespmem:v18+s18+$0x0], $0xffff;
	v5 =	vadd.s32 v51, v61;
	v0 =	vadd.s32 v0, v60;
	v1 =	vadd.s32 v41, v1  }
0x409: {  	v8 =	vshra.s32 v29, $0xC;
	v25 =	vshra.s32 v40, $0xC;
	v1 =	vadd.s32 v10, v1;
	v10 =	vld [tilespmem:$0x1FEA0]  }
0x40a: {  	v3 =	vld.idx.msk [tilespmem:v14+s18+$0x0], $0xffff;
	v26 =	vadd.s32 v20, v53;
	v27 =	vshra.s32 v34, $0xC;
	v28 =	vshra.s32 v33, $0xC  }
0x40b: {  	v4 =	vld.idx.msk [tilespmem:v13+s18+$0x0], $0xffff;
	v60 =	vshra.s32 v35, $0xC;
	v61 =	vand.u32 $0xFFF, v29;
	v6 =	vadd.f32 v59, v54  }
0x40c: {  	v7 =	vld.idx.msk [tilespmem:v12+s18+$0x0], $0xffff;
	v5 =	vcvt.s32.f32 v5;
	v0 =	vadd.s32 v56, v0;
	v16 =	vadd.f32 v47, v52  }
0x40d: {  	v25 =	vadd.s32 v25, v26;
	v56 =	vshra.s32 v45, $0xC;
	v59 =	vshra.s32 v43, $0xC  }
0x40e: {  	v24 =	vld.idx.msk [tilespmem:v18+s19+$0x0], $0xffff;
	v0 =	vadd.s32 v55, v0;
	v25 =	vadd.s32 v27, v25;
	v55 =	vshra.s32 v32, $0xC  }
0x40f: {  	v6 =	vadd.f32 v57, v6;
	v16 =	vadd.f32 v46, v16;
	v25 =	vadd.s32 v28, v25  }
0x410: {  	v57 =	vadd.s32 v55, v25;
	v2 =	vtrunc.f32 v2;
	v3 =	vtrunc.f32 v3  }
0x411: {  	v4 =	vtrunc.f32 v4;
	v7 =	vtrunc.f32 v7;
	v16 =	vadd.f32 v44, v16;
	v54 =	vld.idx.msk [tilespmem:v10+s19+$0x0], $0xffff  }
0x412: {  	v62 =	vshra.s32 v48, $0xC;
	v2 =	vcvt.f32.s32 v2;
	v3 =	vcvt.f32.s32 v3  }
0x413: {  	v30 =	vld.idx.msk [tilespmem:v21+s19+$0x0], $0xffff;
	v4 =	vcvt.f32.s32 v4;
	v7 =	vcvt.f32.s32 v7;
	v16 =	vadd.f32 v24, v16  }
0x414: {  	v24 =	vadd.s32 v56, v57;
	v9 =	vshra.s32 v2, $0xC;
	v22 =	vand.u32 $0xFFF, v3  }
0x415: {  	v31 =	vld.idx.msk [tilespmem:v14+s19+$0x0], $0xffff;
	v3 =	vshra.s32 v3, $0xC;
	v2 =	vand.u32 $0xFFF, v2;
	v24 =	vadd.s32 v60, v24  }
0x416: {  	v0 =	vadd.s32 v2, v0;
	v24 =	vadd.s32 v58, v24;
	v16 =	vadd.f32 v54, v16  }
0x417: {  	v2 =	vld.idx.msk [tilespmem:v13+s19+$0x0], $0xffff;
	v0 =	vadd.s32 v61, v0;
	v24 =	vadd.s32 v59, v24;
	v1 =	vadd.s32 v23, v1  }
0x418: {  	v23 =	vshra.s32 v4, $0xC;
	v4 =	vand.u32 $0xFFF, v4;
	v16 =	vadd.f32 v30, v16  }
0x419: {  	s3 =	sadd.s32 $0x40, s26;
	v63 =	vld.idx.msk [tilespmem:v12+s19+$0x0], $0xffff;
	s2 =	sor.u32 s2, s7;
	v0 =	vadd.s32 v36, v0;
	v9 =	vadd.s32 v9, v24;
	v1 =	vcvt.s32.f32 v1  }
0x41a: {  	s31 =	sadd.s32 $0x120, s23;
	s0 =	sor.u32 s0, s25;
	s10 =	sand.u32 $0x70, s21;
	v0 =	vadd.s32 v22, v0;
	v8 =	vadd.s32 v8, v9;
	v16 =	vadd.f32 v31, v16  }
0x41b: {  	s21 =	sand.u32 $0x70, s22;
	s22 =	sadd.s32 $0x120, s22;
	s5 =	sadd.s32 $0x480, s3;
	v9 =	vand.u32 $0xFFF, v7;
	v0 =	vadd.s32 v4, v0;
	v4 =	vadd.s32 v62, v8  }
0x41c: {  	s8 =	sand.u32 $0x600, s3;
	s3 =	sadd.s32 $0x900, s3;
	s7 =	sand.u32 $0x70, s31;
	[tilespmem:s2+$0x16C00] =	vst v5;
	v0 =	vadd.s32 v9, v0;
	v3 =	vadd.s32 v3, v4;
	v2 =	vadd.f32 v2, v16  }
0x41d: {  	s5 =	sand.u32 $0xE00, s5;
	s9 =	sor.u32 s7, s24;
	s11 =	sshrl.u32 s8, $0x2;
	[tilespmem:s0+$0x16C00] =	vst v6;
	v4 =	vshra.s32 v7, $0xC;
	v0 =	vcvt.s32.f32 v0;
	v3 =	vadd.s32 v23, v3  }
0x41e: {  	s3 =	sand.u32 $0x1E00, s3;
	s5 =	sshrl.u32 s5, $0x2;
	s2 =	sor.u32 s10, s11;
	[tilespmem:s9+$0x16C00] =	vst v1;
	v1 =	vadd.f32 v63, v2;
	v2 =	vadd.s32 v4, v3  }
0x41f: {  	s23 =	sand.u32 $0x70, s22;
	s3 =	sshrl.u32 s3, $0x2;
	s0 =	sor.u32 s21, s5;
	[tilespmem:s2+$0x16C00] =	vst v0;
	v0 =	vcvt.s32.f32 v2  }
0x420: {  	s24 =	sor.u32 s23, s3;
	[tilespmem:s0+$0x16C00] =	vst v1  }
0x421: {  	[tilespmem:s24+$0x16C00] =	vst v0  }
0x422: {  	s25 =	simm.s32 $0x16C00;
	s26 =	simm.s32 $0x3;
	s0 =	rddreg [dreg:$0x14]  }
0x423: {  	[hbm4b:s0+s4] =	stream.linear.scatter [tilespmem:s25], [sflag:$0x3], $0x400, $0x38;
	[tilespmem:$0x17000] =	vst v63  }
0x424: {  	_ =	swait.ge [sflag:s26], $0x400  }
0x425: {  	s28 =	rddreg [dreg:$0x1a]  }
0x426: {  	s31 =	rddreg [dreg:$0x17];
	s3 =	sadd.s32 $0x1, s28  }
0x427: {  	p0 =	sne.s32 s3, s31  }
.Ltmp8:
0x428: {  	_ = 	snop;
	(pc) =	sbr.rel @p0 .LBB2_1-.Ltmp8, $4  }
0x429: {  	v10 =	vld [tilespmem:$0x1FFF0]  }
0x42a: {  	v4 =	vld [tilespmem:$0x1FFD0]  }
0x42b: {  	[sflag:s26] =	ssyncset.done $0x0;
	v5 =	vld [tilespmem:$0x1FFE0]  }
0x42c: {  	v3 =	vimm.f32 $0.0e+00;
	v21 =	vld [tilespmem:$0x1FFC0];
	[sflag:s26] =	ssyncadd.s32 $0xFFFFFC00  }
0x42d: {  	_ =	sfence.sel $0x180000  }
0x42e: {  	[bflag:$0x0] =	sbarrier.arrive $0xFFFF  }
0x42f: {  	_ =	strace $0x90000047  }
0x430: {  	s0 =	stileid.u32;
	[bflag:$0x2] =	sbarrier.arrive $0xFFFF  }
0x431: {  	p0 =	sne.s32 s0, $0x0;
	s0 =	rddreg [dreg:$0x3]  }
0x432: {  	s0 =	sadd.s32 @!p0 $0x100000, s0  }
0x433: {  	[sflag:s0] =	ssyncadd.tile.s32 @!p0 $0x1;
	_ =	shalt  }
.Lfunc_end2:
_tile_overlayer_lowered:
.L_overlay_start_2:
0x434: {  	(tag) =	ssettag $0x2  }
0x435: {  	s0 =	rddreg [dreg:$0x0];
	s2 =	stileid.u32  }
0x436: {  	s1 =	rddreg [dreg:$0x1];
	p0 =	sne.s32 s2, $0x0  }
0x437: {  	s3 =	rddreg [dreg:$0x2];
	[bflag:$0x3] =	sbarrier.arrive $0xFFFF;
	s2 =	simm.s32 @!p0 $0x1C03  }
0x438: {  	[timem:s3], [sflag:s2] =	dma.local @!p0 [hbm:s0], s1  }
0x439: {  	s0 =	simm.s32 @!p0 $0x3  }
0x43a: {  	_ =	swait.ge @!p0 [sflag:s0], s1  }
0x43b: {  	s1 =	ssub.s32 @!p0 $0x0, s1;
	[sflag:s0] =	ssyncset.done @!p0 $0x0  }
0x43c: {  	[sflag:s0] =	ssyncadd.s32 @!p0 s1  }
0x43d: {  	[bflag:$0x3] =	sbarrier.arrive $0xFFFF  }
0x43e: {  	_ =	shalt  }

</sc_bundles>
